<compile_context>
chip_gen: v7x
topology: tpu7x:2x2x1
jax: 0.10.2.dev20260603
libtpu: 0.0.44.dev20260713+nightly
codegen_flags: <defaults>
</compile_context>

<pallas_src>
import functools

import jax
import jax.numpy as jnp
from jax import lax
from jax.experimental import pallas as pl
from jax.experimental.pallas import tpu as pltpu
from jax.experimental.pallas import tpu_sc as plsc


def _sc_reduce_zl(z_L):
    b_sz, s_seq, ld = z_L.shape
    info = plsc.get_sparse_core_info()
    nc, ns, lanes = info.num_cores, info.num_subcores, info.num_lanes
    nw = nc * ns
    cols = 128
    n_tiles = ld // cols
    splits = max(1, nw // n_tiles)
    rows_pw = s_seq // splits
    cg = cols // lanes
    rch = min(256, rows_pw)
    n_ch = rows_pw // rch
    chunks = [(b, j * rch) for b in range(b_sz) for j in range(n_ch)]

    @functools.partial(
        pl.kernel,
        mesh=plsc.VectorSubcoreMesh(core_axis_name="c", subcore_axis_name="s"),
        out_type=jax.ShapeDtypeStruct((splits, b_sz, ld), jnp.float32),
        scratch_types=[
            pltpu.VMEM((2, rch, cols), jnp.float32),
            pltpu.VMEM((b_sz, cols), jnp.float32),
            pltpu.SemaphoreType.DMA((2,)),
        ],
    )
    def k(zl_hbm, out_hbm, buf_ref, acc_ref, sems):
        wid = lax.axis_index("s") * nc + lax.axis_index("c")
        tile = wid // splits
        half = wid % splits
        c0 = tile * cols
        r0 = half * rows_pw

        def src(i):
            b, s0 = chunks[i]
            return zl_hbm.at[b, pl.ds(r0 + s0, rch), pl.ds(c0, cols)]

        pending = [pltpu.async_copy(src(0), buf_ref.at[0], sems.at[0])]
        for i in range(len(chunks)):
            p = i % 2
            if i + 1 < len(chunks):
                pending.append(pltpu.async_copy(
                    src(i + 1), buf_ref.at[(i + 1) % 2], sems.at[(i + 1) % 2]))
            pending[i].wait()
            b, s0 = chunks[i]

            def row_body(r, carry):
                return tuple(
                    carry[c] + buf_ref[p, r, pl.ds(c * lanes, lanes)]
                    for c in range(cg))

            zero = jnp.zeros((lanes,), jnp.float32)
            acc = lax.fori_loop(0, rch, row_body, (zero,) * cg)
            for c in range(cg):
                sl = pl.ds(c * lanes, lanes)
                if s0 == 0:
                    acc_ref[b, sl] = acc[c]
                else:
                    acc_ref[b, sl] += acc[c]
        for b in range(b_sz):
            pltpu.sync_copy(acc_ref.at[b],
                            out_hbm.at[half, b, pl.ds(c0, cols)])

    return k(z_L)


def _tc_reduce_body(zh1_ref, zh2_ref, sh_ref, *, n_c):
    t = pl.program_id(0)

    @pl.when(t % n_c == 0)
    def _():
        sh_ref[...] = jnp.zeros_like(sh_ref)

    sh_ref[...] += (jnp.sum(zh1_ref[...], axis=1, keepdims=True) +
                    jnp.sum(zh2_ref[...], axis=1, keepdims=True))


def _head_body(sh_ref, sl_ref, wh_ref, wl_ref, keys_ref,
               w1_ref, b1_ref, w2_ref, b2_ref, conf_ref, idx_ref, *, s_seq):
    f32 = jnp.float32
    hi = lax.Precision.HIGHEST
    b_sz = sh_ref.shape[0]
    zbar_h = sh_ref[...].reshape(b_sz, -1) * (1.0 / s_seq)
    zbar_l = jnp.sum(sl_ref[...], axis=0) * (1.0 / s_seq)
    dn = (((1,), (1,)), ((), ()))
    hp = lax.dot_general(zbar_h, wh_ref[...], dn, precision=hi,
                         preferred_element_type=f32)
    lp = lax.dot_general(zbar_l, wl_ref[...], dn, precision=hi,
                         preferred_element_type=f32)
    kn = jnp.sqrt(jnp.sum(hp * hp, axis=1) + jnp.sum(lp * lp, axis=1))
    keys = keys_ref[...]
    pd = hp.shape[1]
    cn = jnp.sqrt(jnp.sum(keys * keys, axis=1))
    dots = (lax.dot_general(hp, keys[:, :pd], dn, precision=hi,
                            preferred_element_type=f32) +
            lax.dot_general(lp, keys[:, pd:], dn, precision=hi,
                            preferred_element_type=f32))
    sim = dots / jnp.maximum(kn[:, None] * cn[None, :], 1e-8)
    max_sim = jnp.max(sim, axis=1)
    k = sim.shape[1]
    iota = lax.broadcasted_iota(jnp.int32, sim.shape, 1)
    idx = jnp.min(jnp.where(sim == max_sim[:, None], iota, k), axis=1)
    w1 = w1_ref[...]
    h = (lax.dot_general(hp, w1[:, :pd], dn, precision=hi,
                         preferred_element_type=f32) +
         lax.dot_general(lp, w1[:, pd:2 * pd], dn, precision=hi,
                         preferred_element_type=f32) +
         lax.dot_general(max_sim[:, None], w1[:, 2 * pd:], dn,
                         precision=hi, preferred_element_type=f32) +
         b1_ref[...][None, :])
    h = 0.5 * h * (1.0 + lax.erf(h * (2.0 ** -0.5)))
    logit = jnp.sum(h * w2_ref[...], axis=1) + b2_ref[0]
    conf_ref[...] = jax.nn.sigmoid(logit)
    idx_ref[...] = idx.astype(jnp.int32)


def _bcast_body(idx_ref, code_hbm, out_hbm, rows_ref, buf_ref, sem_rows,
                sem_w, *, rep, n_wr):
    b_sz = rows_ref.shape[0]
    ld = rows_ref.shape[2]
    for b in range(b_sz):
        pltpu.make_async_copy(
            code_hbm.at[pl.ds(idx_ref[b], 1), :],
            rows_ref.at[b], sem_rows.at[b]).start()
    for b in range(b_sz):
        pltpu.make_async_copy(
            code_hbm.at[pl.ds(idx_ref[b], 1), :],
            rows_ref.at[b], sem_rows.at[b]).wait()
    for b in range(b_sz):
        buf_ref[b, :, :] = jnp.broadcast_to(rows_ref[b], (rep, ld))
    for b in range(b_sz):
        for j in range(n_wr):
            pltpu.make_async_copy(
                buf_ref.at[b],
                out_hbm.at[b, pl.ds(j * rep, rep), :],
                sem_w.at[b * n_wr + j]).start()
    for b in range(b_sz):
        for j in range(n_wr):
            pltpu.make_async_copy(
                buf_ref.at[b],
                out_hbm.at[b, pl.ds(j * rep, rep), :],
                sem_w.at[b * n_wr + j]).wait()


def kernel(z_H, z_L, W_h, W_l, codebook, codebook_keys, W1, b1, W2, b2):
    b_sz, s_seq, hd = z_H.shape
    ld = z_L.shape[2]

    sums_l = _sc_reduce_zl(z_L)

    s_half = s_seq // 2
    red_ch = min(512, s_half)
    n_c = s_half // red_ch
    n_red = b_sz * n_c

    def idx_lo(t):
        return (t // n_c, t % n_c, 0)

    def idx_hi(t):
        return (t // n_c, n_c + t % n_c, 0)

    sums_h = pl.pallas_call(
        functools.partial(_tc_reduce_body, n_c=n_c),
        grid=(n_red,),
        in_specs=[
            pl.BlockSpec((1, red_ch, hd), idx_lo),
            pl.BlockSpec((1, red_ch, hd), idx_hi),
        ],
        out_specs=pl.BlockSpec((1, 1, hd), lambda t: (t // n_c, 0, 0)),
        out_shape=jax.ShapeDtypeStruct((b_sz, 1, hd), jnp.float32),
    )(z_H, z_H)

    conf, idx = pl.pallas_call(
        functools.partial(_head_body, s_seq=s_seq),
        out_shape=[
            jax.ShapeDtypeStruct((b_sz,), jnp.float32),
            jax.ShapeDtypeStruct((b_sz,), jnp.int32),
        ],
    )(sums_h, sums_l, W_h, W_l, codebook_keys, W1, b1, W2, b2)

    rep = min(256, s_seq)
    n_wr = s_seq // rep
    nearest_code = pl.pallas_call(
        functools.partial(_bcast_body, rep=rep, n_wr=n_wr),
        grid_spec=pltpu.PrefetchScalarGridSpec(
            num_scalar_prefetch=1,
            grid=(1,),
            in_specs=[pl.BlockSpec(memory_space=pl.ANY)],
            out_specs=pl.BlockSpec(memory_space=pl.ANY),
            scratch_shapes=[
                pltpu.VMEM((b_sz, 1, ld), jnp.float32),
                pltpu.VMEM((b_sz, rep, ld), jnp.float32),
                pltpu.SemaphoreType.DMA((b_sz,)),
                pltpu.SemaphoreType.DMA((b_sz * n_wr,)),
            ],
        ),
        out_shape=jax.ShapeDtypeStruct((b_sz, s_seq, ld), jnp.float32),
    )(idx, codebook)

    return conf, nearest_code, idx

# --- scband reference (transcript-rebuilt; emitter-appended) ---
"""Pipeline reference for scband-recognition-network-10204842295597 (READ-ONLY COPY).

The authoritative reference and input builder live on the scoring server;
editing this copy changes nothing except your own understanding.
"""

import jax, jax.numpy as jnp
import numpy as np

B, S, HD, LD, K, PD = 4, 2048, 2048, 2048, 8192, 256
KEY_DIM = 2 * PD


def setup_inputs(seed: int = 0) -> dict:
    key = jax.random.key(seed)
    ks = jax.random.split(key, 10)
    z_H = jax.random.normal(ks[0], (B, S, HD), dtype=jnp.float32)
    z_L = jax.random.normal(ks[1], (B, S, LD), dtype=jnp.float32)
    W_h = jax.random.normal(ks[2], (PD, HD), dtype=jnp.float32) * 0.02
    W_l = jax.random.normal(ks[3], (PD, LD), dtype=jnp.float32) * 0.02
    codebook = jax.random.normal(ks[4], (K, LD), dtype=jnp.float32) * 0.01
    codebook_keys = jax.random.normal(ks[5], (K, KEY_DIM), dtype=jnp.float32) * 0.01
    W1 = jax.random.normal(ks[6], (64, KEY_DIM + 1), dtype=jnp.float32) * 0.02
    b1 = jnp.zeros((64,), dtype=jnp.float32)
    W2 = jax.random.normal(ks[7], (1, 64), dtype=jnp.float32) * 0.02
    b2 = jnp.zeros((1,), dtype=jnp.float32)
    return {"z_H": z_H, "z_L": z_L, "W_h": W_h, "W_l": W_l, "codebook": codebook,
            "codebook_keys": codebook_keys, "W1": W1, "b1": b1, "W2": W2, "b2": b2}


def reference(z_H, z_L, W_h, W_l, codebook, codebook_keys, W1, b1, W2, b2):
    # compute_key: project and mean-pool over sequence dim
    h_proj = jnp.einsum('bsh,ph->bsp', z_H, W_h).mean(axis=1)  # [B, PD]
    l_proj = jnp.einsum('bsl,pl->bsp', z_L, W_l).mean(axis=1)  # [B, PD]
    key_vec = jnp.concatenate([h_proj, l_proj], axis=-1)  # [B, KEY_DIM]
    # cosine similarity against codebook keys (torch eps=1e-8 semantics)
    kn = jnp.linalg.norm(key_vec, axis=-1)  # [B]
    cn = jnp.linalg.norm(codebook_keys, axis=-1)  # [K]
    dots = key_vec @ codebook_keys.T  # [B, K]
    similarities = dots / jnp.maximum(kn[:, None] * cn[None, :], 1e-8)
    max_similarity = similarities.max(axis=-1)  # [B]
    nearest_idx = jnp.argmax(similarities, axis=-1)  # [B]
    nearest_code = jnp.take(codebook, nearest_idx, axis=0)  # [B, LD]
    nearest_code = jnp.broadcast_to(nearest_code[:, None, :], (z_L.shape[0], z_L.shape[1], nearest_code.shape[-1]))
    conf_input = jnp.concatenate([key_vec, max_similarity[:, None]], axis=-1)  # [B, KEY_DIM+1]
    h = jax.nn.gelu(conf_input @ W1.T + b1, approximate=False)
    logit = h @ W2.T + b2  # [B, 1]
    confidence = jax.nn.sigmoid(logit[:, 0])  # [B]
    return confidence, nearest_code, nearest_idx

if __name__ == "__main__":
    import jax
    _d = setup_inputs()
    print(jax.jit(kernel)(*tuple(_d.values())))

</pallas_src>

<mosaic_0001>
#map = affine_map<(d0, d1) -> (0, 0, 0)>
module attributes {stable_mosaic.version = 14 : i64} {
  func.func @k(%arg0: i32, %arg1: i32, %arg2: memref<4x2048x2048xf32, #tpu.memory_space<hbm>>, %arg3: memref<2x4x2048xf32, #tpu.memory_space<hbm>>, %arg4: memref<2x256x128xf32, #tpu.memory_space<vmem>>, %arg5: memref<4x128xf32, #tpu.memory_space<vmem>>, %arg6: memref<2x!tpu.dma_semaphore, #tpu.memory_space<semaphore_mem>>) attributes {dimension_semantics = [#tpu.dimension_semantics<core_parallel>, #tpu.dimension_semantics<subcore_parallel>], iteration_bounds = array<i64: 2, 16>, scalar_prefetch = 0 : i64, scratch_operands = 3 : i64, tpu.core_type = #tpu.core_type<sc_vector_subcore>, window_params = [{transform_indices = #map}, {transform_indices = #map}]} {
    %mul3A = arith.constant 2 : i32
    %mul3A_0 = arith.muli %arg1, %mul3A : i32
    %add3A = arith.addi %mul3A_0, %arg0 : i32
    %jit3A = arith.constant 2 : i32
    %div3A = arith.divsi %add3A, %jit3A : i32
    %sign3A = arith.constant 0 : i32
    %sign3A_1 = arith.cmpi sgt, %add3A, %sign3A : i32
    %sign3A_2 = arith.extui %sign3A_1 : i1 to i32
    %sign3A_3 = arith.constant 0 : i32
    %sign3A_4 = arith.cmpi slt, %add3A, %sign3A_3 : i32
    %sign3A_5 = arith.extui %sign3A_4 : i1 to i32
    %sign3A_6 = arith.subi %sign3A_2, %sign3A_5 : i32
    %sign3A_7 = arith.constant 0 : i32
    %sign3A_8 = arith.cmpi sgt, %jit3A, %sign3A_7 : i32
    %sign3A_9 = arith.extui %sign3A_8 : i1 to i32
    %sign3A_10 = arith.constant 0 : i32
    %sign3A_11 = arith.cmpi slt, %jit3A, %sign3A_10 : i32
    %sign3A_12 = arith.extui %sign3A_11 : i1 to i32
    %sign3A_13 = arith.subi %sign3A_9, %sign3A_12 : i32
    %ne3A = arith.cmpi ne, %sign3A_6, %sign3A_13 : i32
    %rem3A = arith.remsi %add3A, %jit3A : i32
    %ne3A_14 = arith.constant 0 : i32
    %ne3A_15 = arith.cmpi ne, %rem3A, %ne3A_14 : i32
    %and3A = arith.andi %ne3A, %ne3A_15 : i1
    %sub3A = arith.constant 1 : i32
    %sub3A_16 = arith.subi %div3A, %sub3A : i32
    %select_n3A = arith.select %and3A, %sub3A_16, %div3A : i32
    %jit3A_17 = arith.constant 2 : i32
    %eq3A = arith.constant 0 : i32
    %eq3A_18 = arith.cmpi eq, %jit3A_17, %eq3A : i32
    %jit3A_19 = arith.constant 1 : i32
    %select_n3A_20 = arith.select %eq3A_18, %jit3A_19, %jit3A_17 : i32
    %rem3A_21 = arith.remsi %add3A, %select_n3A_20 : i32
    %ne3A_22 = arith.constant 0 : i32
    %ne3A_23 = arith.cmpi ne, %rem3A_21, %ne3A_22 : i32
    %lt3A = arith.constant 0 : i32
    %lt3A_24 = arith.cmpi slt, %rem3A_21, %lt3A : i32
    %lt3A_25 = arith.constant 0 : i32
    %lt3A_26 = arith.cmpi slt, %select_n3A_20, %lt3A_25 : i32
    %ne3A_27 = arith.xori %lt3A_24, %lt3A_26 : i1
    %and3A_28 = arith.andi %ne3A_27, %ne3A_23 : i1
    %add3A_29 = arith.addi %rem3A_21, %select_n3A_20 : i32
    %select_n3A_30 = arith.select %and3A_28, %add3A_29, %rem3A_21 : i32
    %mul3A_31 = arith.constant 128 : i32
    %mul3A_32 = arith.muli %select_n3A, %mul3A_31 : i32
    %mul3A_33 = arith.constant 1024 : i32
    %mul3A_34 = arith.muli %select_n3A_30, %mul3A_33 : i32
    %add3A_35 = arith.constant 0 : i32
    %add3A_36 = arith.addi %mul3A_34, %add3A_35 : i32
    %dma_start3A = arith.constant 0 : i32
    %dma_start3A_37 = arith.constant 0 : i32
    %dma_start3A_38 = arith.constant 0 : i32
    %dma_start3A_39 = arith.constant 0 : i32
    %dma_start3A_40 = arith.constant 0 : i32
    %dma_start3A_41 = tpu.memref_slice %arg4[%dma_start3A_37, %dma_start3A_39, %dma_start3A_40] : memref<2x256x128xf32, #tpu.memory_space<vmem>> -> memref<1x256x128xf32, #tpu.memory_space<vmem>>
    %dma_start3A_42 = tpu.memref_squeeze %dma_start3A_41 : memref<1x256x128xf32, #tpu.memory_space<vmem>> -> memref<256x128xf32, #tpu.memory_space<vmem>>
    %dma_start3A_43 = tpu.memref_slice %arg2[%dma_start3A, %add3A_36, %mul3A_32] : memref<4x2048x2048xf32, #tpu.memory_space<hbm>> -> memref<1x256x128xf32, #tpu.memory_space<hbm>>
    %dma_start3A_44 = tpu.memref_squeeze %dma_start3A_43 : memref<1x256x128xf32, #tpu.memory_space<hbm>> -> memref<256x128xf32, #tpu.memory_space<hbm>>
    %dma_start3A_45 = tpu.memref_slice %arg6[%dma_start3A_38] : memref<2x!tpu.dma_semaphore, #tpu.memory_space<semaphore_mem>> -> memref<1x!tpu.dma_semaphore, #tpu.memory_space<semaphore_mem>>
    %dma_start3A_46 = tpu.memref_squeeze %dma_start3A_45 : memref<1x!tpu.dma_semaphore, #tpu.memory_space<semaphore_mem>> -> memref<!tpu.dma_semaphore, #tpu.memory_space<semaphore_mem>>
    %dma_start3A_47 = arith.constant 0 : i32
    %dma_start3A_48 = arith.constant 0 : i32
    %dma_start3A_49 = tpu.memref_slice %arg4[%dma_start3A_37, %dma_start3A_47, %dma_start3A_48] : memref<2x256x128xf32, #tpu.memory_space<vmem>> -> memref<1x256x128xf32, #tpu.memory_space<vmem>>
    %dma_start3A_50 = tpu.memref_squeeze %dma_start3A_49 : memref<1x256x128xf32, #tpu.memory_space<vmem>> -> memref<256x128xf32, #tpu.memory_space<vmem>>
    %dma_start3A_51 = tpu.memref_slice %arg2[%dma_start3A, %add3A_36, %mul3A_32] : memref<4x2048x2048xf32, #tpu.memory_space<hbm>> -> memref<1x256x128xf32, #tpu.memory_space<hbm>>
    %dma_start3A_52 = tpu.memref_squeeze %dma_start3A_51 : memref<1x256x128xf32, #tpu.memory_space<hbm>> -> memref<256x128xf32, #tpu.memory_space<hbm>>
    tpu.enqueue_dma source(%dma_start3A_52 : memref<256x128xf32, #tpu.memory_space<hbm>>) target(%dma_start3A_50 : memref<256x128xf32, #tpu.memory_space<vmem>>) target_semaphore(%dma_start3A_46 : memref<!tpu.dma_semaphore, #tpu.memory_space<semaphore_mem>>)
    %add3A_53 = arith.constant 256 : i32
    %add3A_54 = arith.addi %mul3A_34, %add3A_53 : i32
    %dma_start3A_55 = arith.constant 0 : i32
    %dma_start3A_56 = arith.constant 1 : i32
    %dma_start3A_57 = arith.constant 1 : i32
    %dma_start3A_58 = arith.constant 0 : i32
    %dma_start3A_59 = arith.constant 0 : i32
    %dma_start3A_60 = tpu.memref_slice %arg4[%dma_start3A_56, %dma_start3A_58, %dma_start3A_59] : memref<2x256x128xf32, #tpu.memory_space<vmem>> -> memref<1x256x128xf32, #tpu.memory_space<vmem>>
    %dma_start3A_61 = tpu.memref_squeeze %dma_start3A_60 : memref<1x256x128xf32, #tpu.memory_space<vmem>> -> memref<256x128xf32, #tpu.memory_space<vmem>>
    %dma_start3A_62 = tpu.memref_slice %arg2[%dma_start3A_55, %add3A_54, %mul3A_32] : memref<4x2048x2048xf32, #tpu.memory_space<hbm>> -> memref<1x256x128xf32, #tpu.memory_space<hbm>>
    %dma_start3A_63 = tpu.memref_squeeze %dma_start3A_62 : memref<1x256x128xf32, #tpu.memory_space<hbm>> -> memref<256x128xf32, #tpu.memory_space<hbm>>
    %dma_start3A_64 = tpu.memref_slice %arg6[%dma_start3A_57] : memref<2x!tpu.dma_semaphore, #tpu.memory_space<semaphore_mem>> -> memref<1x!tpu.dma_semaphore, #tpu.memory_space<semaphore_mem>>
    %dma_start3A_65 = tpu.memref_squeeze %dma_start3A_64 : memref<1x!tpu.dma_semaphore, #tpu.memory_space<semaphore_mem>> -> memref<!tpu.dma_semaphore, #tpu.memory_space<semaphore_mem>>
    %dma_start3A_66 = arith.constant 0 : i32
    %dma_start3A_67 = arith.constant 0 : i32
    %dma_start3A_68 = tpu.memref_slice %arg4[%dma_start3A_56, %dma_start3A_66, %dma_start3A_67] : memref<2x256x128xf32, #tpu.memory_space<vmem>> -> memref<1x256x128xf32, #tpu.memory_space<vmem>>
    %dma_start3A_69 = tpu.memref_squeeze %dma_start3A_68 : memref<1x256x128xf32, #tpu.memory_space<vmem>> -> memref<256x128xf32, #tpu.memory_space<vmem>>
    %dma_start3A_70 = tpu.memref_slice %arg2[%dma_start3A_55, %add3A_54, %mul3A_32] : memref<4x2048x2048xf32, #tpu.memory_space<hbm>> -> memref<1x256x128xf32, #tpu.memory_space<hbm>>
    %dma_start3A_71 = tpu.memref_squeeze %dma_start3A_70 : memref<1x256x128xf32, #tpu.memory_space<hbm>> -> memref<256x128xf32, #tpu.memory_space<hbm>>
    tpu.enqueue_dma source(%dma_start3A_71 : memref<256x128xf32, #tpu.memory_space<hbm>>) target(%dma_start3A_69 : memref<256x128xf32, #tpu.memory_space<vmem>>) target_semaphore(%dma_start3A_65 : memref<!tpu.dma_semaphore, #tpu.memory_space<semaphore_mem>>)
    %dma_wait3A = arith.constant 0 : i32
    %dma_wait3A_72 = arith.constant 0 : i32
    %dma_wait3A_73 = arith.constant 0 : i32
    %dma_wait3A_74 = arith.constant 0 : i32
    %dma_wait3A_75 = arith.constant 0 : i32
    %dma_wait3A_76 = tpu.memref_slice %arg4[%dma_wait3A_72, %dma_wait3A_74, %dma_wait3A_75] : memref<2x256x128xf32, #tpu.memory_space<vmem>> -> memref<1x256x128xf32, #tpu.memory_space<vmem>>
    %dma_wait3A_77 = tpu.memref_squeeze %dma_wait3A_76 : memref<1x256x128xf32, #tpu.memory_space<vmem>> -> memref<256x128xf32, #tpu.memory_space<vmem>>
    %dma_wait3A_78 = tpu.memref_slice %arg2[%dma_wait3A, %add3A_36, %mul3A_32] : memref<4x2048x2048xf32, #tpu.memory_space<hbm>> -> memref<1x256x128xf32, #tpu.memory_space<hbm>>
    %dma_wait3A_79 = tpu.memref_squeeze %dma_wait3A_78 : memref<1x256x128xf32, #tpu.memory_space<hbm>> -> memref<256x128xf32, #tpu.memory_space<hbm>>
    %dma_wait3A_80 = tpu.memref_slice %arg6[%dma_wait3A_73] : memref<2x!tpu.dma_semaphore, #tpu.memory_space<semaphore_mem>> -> memref<1x!tpu.dma_semaphore, #tpu.memory_space<semaphore_mem>>
    %dma_wait3A_81 = tpu.memref_squeeze %dma_wait3A_80 : memref<1x!tpu.dma_semaphore, #tpu.memory_space<semaphore_mem>> -> memref<!tpu.dma_semaphore, #tpu.memory_space<semaphore_mem>>
    %dma_wait3A_82 = arith.constant 0 : i32
    %dma_wait3A_83 = arith.constant 0 : i32
    %dma_wait3A_84 = tpu.memref_slice %arg4[%dma_wait3A_72, %dma_wait3A_82, %dma_wait3A_83] : memref<2x256x128xf32, #tpu.memory_space<vmem>> -> memref<1x256x128xf32, #tpu.memory_space<vmem>>
    %dma_wait3A_85 = tpu.memref_squeeze %dma_wait3A_84 : memref<1x256x128xf32, #tpu.memory_space<vmem>> -> memref<256x128xf32, #tpu.memory_space<vmem>>
    %dma_wait3A_86 = tpu.memref_slice %arg2[%dma_wait3A, %add3A_36, %mul3A_32] : memref<4x2048x2048xf32, #tpu.memory_space<hbm>> -> memref<1x256x128xf32, #tpu.memory_space<hbm>>
    %dma_wait3A_87 = tpu.memref_squeeze %dma_wait3A_86 : memref<1x256x128xf32, #tpu.memory_space<hbm>> -> memref<256x128xf32, #tpu.memory_space<hbm>>
    tpu.wait_dma2 semaphore(%dma_wait3A_81 : memref<!tpu.dma_semaphore, #tpu.memory_space<semaphore_mem>>) src(%dma_wait3A_87 : memref<256x128xf32, #tpu.memory_space<hbm>>) dst(%dma_wait3A_85 : memref<256x128xf32, #tpu.memory_space<vmem>>)
    %broadcast_in_dim3A = arith.constant 0.000000e+00 : f32
    %broadcast_in_dim3A_88 = vector.broadcast %broadcast_in_dim3A : f32 to vector<16xf32>
    %scan3A = arith.constant 0 : i32
    %scan3A_89 = arith.constant 256 : i32
    %scan3A_90 = arith.addi %scan3A, %scan3A_89 : i32
    %scan3A_91 = arith.constant 1 : i32
    %scan3A_92:8 = scf.for %scan3A_2084 = %scan3A to %scan3A_90 step %scan3A_91 iter_args(%scan3A_2085 = %broadcast_in_dim3A_88, %scan3A_2086 = %broadcast_in_dim3A_88, %scan3A_2087 = %broadcast_in_dim3A_88, %scan3A_2088 = %broadcast_in_dim3A_88, %scan3A_2089 = %broadcast_in_dim3A_88, %scan3A_2090 = %broadcast_in_dim3A_88, %scan3A_2091 = %broadcast_in_dim3A_88, %scan3A_2092 = %broadcast_in_dim3A_88) -> (vector<16xf32>, vector<16xf32>, vector<16xf32>, vector<16xf32>, vector<16xf32>, vector<16xf32>, vector<16xf32>, vector<16xf32>)  : i32 {
      %get3A_2093 = arith.constant 0 : i32
      %get3A_2094 = arith.index_cast %get3A_2093 : i32 to index
      %get3A_2095 = arith.index_cast %scan3A_2084 : i32 to index
      %get3A_2096 = arith.constant 0 : index
      %get3A_2097 = tpu.vector_load %arg4[%get3A_2094, %get3A_2095, %get3A_2096] {strides = array<i32>} : memref<2x256x128xf32, #tpu.memory_space<vmem>>, vector<1x1x16xf32>,
      %get3A_2098 = vector.shape_cast %get3A_2097 : vector<1x1x16xf32> to vector<16xf32>
      %add3A_2099 = arith.addf %scan3A_2085, %get3A_2098 : vector<16xf32>
      %get3A_2100 = arith.constant 0 : i32
      %get3A_2101 = arith.index_cast %get3A_2100 : i32 to index
      %get3A_2102 = arith.index_cast %scan3A_2084 : i32 to index
      %get3A_2103 = arith.constant 16 : index
      %get3A_2104 = tpu.vector_load %arg4[%get3A_2101, %get3A_2102, %get3A_2103] {strides = array<i32>} : memref<2x256x128xf32, #tpu.memory_space<vmem>>, vector<1x1x16xf32>,
      %get3A_2105 = vector.shape_cast %get3A_2104 : vector<1x1x16xf32> to vector<16xf32>
      %add3A_2106 = arith.addf %scan3A_2086, %get3A_2105 : vector<16xf32>
      %get3A_2107 = arith.constant 0 : i32
      %get3A_2108 = arith.index_cast %get3A_2107 : i32 to index
      %get3A_2109 = arith.index_cast %scan3A_2084 : i32 to index
      %get3A_2110 = arith.constant 32 : index
      %get3A_2111 = tpu.vector_load %arg4[%get3A_2108, %get3A_2109, %get3A_2110] {strides = array<i32>} : memref<2x256x128xf32, #tpu.memory_space<vmem>>, vector<1x1x16xf32>,
      %get3A_2112 = vector.shape_cast %get3A_2111 : vector<1x1x16xf32> to vector<16xf32>
      %add3A_2113 = arith.addf %scan3A_2087, %get3A_2112 : vector<16xf32>
      %get3A_2114 = arith.constant 0 : i32
      %get3A_2115 = arith.index_cast %get3A_2114 : i32 to index
      %get3A_2116 = arith.index_cast %scan3A_2084 : i32 to index
      %get3A_2117 = arith.constant 48 : index
      %get3A_2118 = tpu.vector_load %arg4[%get3A_2115, %get3A_2116, %get3A_2117] {strides = array<i32>} : memref<2x256x128xf32, #tpu.memory_space<vmem>>, vector<1x1x16xf32>,
      %get3A_2119 = vector.shape_cast %get3A_2118 : vector<1x1x16xf32> to vector<16xf32>
      %add3A_2120 = arith.addf %scan3A_2088, %get3A_2119 : vector<16xf32>
      %get3A_2121 = arith.constant 0 : i32
      %get3A_2122 = arith.index_cast %get3A_2121 : i32 to index
      %get3A_2123 = arith.index_cast %scan3A_2084 : i32 to index
      %get3A_2124 = arith.constant 64 : index
      %get3A_2125 = tpu.vector_load %arg4[%get3A_2122, %get3A_2123, %get3A_2124] {strides = array<i32>} : memref<2x256x128xf32, #tpu.memory_space<vmem>>, vector<1x1x16xf32>,
      %get3A_2126 = vector.shape_cast %get3A_2125 : vector<1x1x16xf32> to vector<16xf32>
      %add3A_2127 = arith.addf %scan3A_2089, %get3A_2126 : vector<16xf32>
      %get3A_2128 = arith.constant 0 : i32
      %get3A_2129 = arith.index_cast %get3A_2128 : i32 to index
      %get3A_2130 = arith.index_cast %scan3A_2084 : i32 to index
      %get3A_2131 = arith.constant 80 : index
      %get3A_2132 = tpu.vector_load %arg4[%get3A_2129, %get3A_2130, %get3A_2131] {strides = array<i32>} : memref<2x256x128xf32, #tpu.memory_space<vmem>>, vector<1x1x16xf32>,
      %get3A_2133 = vector.shape_cast %get3A_2132 : vector<1x1x16xf32> to vector<16xf32>
      %add3A_2134 = arith.addf %scan3A_2090, %get3A_2133 : vector<16xf32>
      %get3A_2135 = arith.constant 0 : i32
      %get3A_2136 = arith.index_cast %get3A_2135 : i32 to index
      %get3A_2137 = arith.index_cast %scan3A_2084 : i32 to index
      %get3A_2138 = arith.constant 96 : index
      %get3A_2139 = tpu.vector_load %arg4[%get3A_2136, %get3A_2137, %get3A_2138] {strides = array<i32>} : memref<2x256x128xf32, #tpu.memory_space<vmem>>, vector<1x1x16xf32>,
      %get3A_2140 = vector.shape_cast %get3A_2139 : vector<1x1x16xf32> to vector<16xf32>
      %add3A_2141 = arith.addf %scan3A_2091, %get3A_2140 : vector<16xf32>
      %get3A_2142 = arith.constant 0 : i32
      %get3A_2143 = arith.index_cast %get3A_2142 : i32 to index
      %get3A_2144 = arith.index_cast %scan3A_2084 : i32 to index
      %get3A_2145 = arith.constant 112 : index
      %get3A_2146 = tpu.vector_load %arg4[%get3A_2143, %get3A_2144, %get3A_2145] {strides = array<i32>} : memref<2x256x128xf32, #tpu.memory_space<vmem>>, vector<1x1x16xf32>,
      %get3A_2147 = vector.shape_cast %get3A_2146 : vector<1x1x16xf32> to vector<16xf32>
      %add3A_2148 = arith.addf %scan3A_2092, %get3A_2147 : vector<16xf32>
      scf.yield %add3A_2099, %add3A_2106, %add3A_2113, %add3A_2120, %add3A_2127, %add3A_2134, %add3A_2141, %add3A_2148 : vector<16xf32>, vector<16xf32>, vector<16xf32>, vector<16xf32>, vector<16xf32>, vector<16xf32>, vector<16xf32>, vector<16xf32>
    }
    %scan3A_93 = arith.constant 256 : i32
    %swap3A = arith.constant 0 : i32
    %swap3A_94 = arith.index_cast %swap3A : i32 to index
    %swap3A_95 = arith.constant 0 : index
    %swap3A_96 = tpu.vector_load %arg5[%swap3A_94, %swap3A_95] {strides = array<i32>} : memref<4x128xf32, #tpu.memory_space<vmem>>, vector<1x16xf32>,
    %swap3A_97 = vector.shape_cast %swap3A_96 : vector<1x16xf32> to vector<16xf32>
    %swap3A_98 = vector.shape_cast %scan3A_92#0 : vector<16xf32> to vector<1x16xf32>
    tpu.vector_store %arg5[%swap3A_94, %swap3A_95], %swap3A_98 {strides = array<i32>} : memref<4x128xf32, #tpu.memory_space<vmem>>, vector<1x16xf32>,
    %swap3A_99 = arith.constant 0 : i32
    %swap3A_100 = arith.index_cast %swap3A_99 : i32 to index
    %swap3A_101 = arith.constant 16 : index
    %swap3A_102 = tpu.vector_load %arg5[%swap3A_100, %swap3A_101] {strides = array<i32>} : memref<4x128xf32, #tpu.memory_space<vmem>>, vector<1x16xf32>,
    %swap3A_103 = vector.shape_cast %swap3A_102 : vector<1x16xf32> to vector<16xf32>
    %swap3A_104 = vector.shape_cast %scan3A_92#1 : vector<16xf32> to vector<1x16xf32>
    tpu.vector_store %arg5[%swap3A_100, %swap3A_101], %swap3A_104 {strides = array<i32>} : memref<4x128xf32, #tpu.memory_space<vmem>>, vector<1x16xf32>,
    %swap3A_105 = arith.constant 0 : i32
    %swap3A_106 = arith.index_cast %swap3A_105 : i32 to index
    %swap3A_107 = arith.constant 32 : index
    %swap3A_108 = tpu.vector_load %arg5[%swap3A_106, %swap3A_107] {strides = array<i32>} : memref<4x128xf32, #tpu.memory_space<vmem>>, vector<1x16xf32>,
    %swap3A_109 = vector.shape_cast %swap3A_108 : vector<1x16xf32> to vector<16xf32>
    %swap3A_110 = vector.shape_cast %scan3A_92#2 : vector<16xf32> to vector<1x16xf32>
    tpu.vector_store %arg5[%swap3A_106, %swap3A_107], %swap3A_110 {strides = array<i32>} : memref<4x128xf32, #tpu.memory_space<vmem>>, vector<1x16xf32>,
    %swap3A_111 = arith.constant 0 : i32
    %swap3A_112 = arith.index_cast %swap3A_111 : i32 to index
    %swap3A_113 = arith.constant 48 : index
    %swap3A_114 = tpu.vector_load %arg5[%swap3A_112, %swap3A_113] {strides = array<i32>} : memref<4x128xf32, #tpu.memory_space<vmem>>, vector<1x16xf32>,
    %swap3A_115 = vector.shape_cast %swap3A_114 : vector<1x16xf32> to vector<16xf32>
    %swap3A_116 = vector.shape_cast %scan3A_92#3 : vector<16xf32> to vector<1x16xf32>
    tpu.vector_store %arg5[%swap3A_112, %swap3A_113], %swap3A_116 {strides = array<i32>} : memref<4x128xf32, #tpu.memory_space<vmem>>, vector<1x16xf32>,
    %swap3A_117 = arith.constant 0 : i32
    %swap3A_118 = arith.index_cast %swap3A_117 : i32 to index
    %swap3A_119 = arith.constant 64 : index
    %swap3A_120 = tpu.vector_load %arg5[%swap3A_118, %swap3A_119] {strides = array<i32>} : memref<4x128xf32, #tpu.memory_space<vmem>>, vector<1x16xf32>,
    %swap3A_121 = vector.shape_cast %swap3A_120 : vector<1x16xf32> to vector<16xf32>
    %swap3A_122 = vector.shape_cast %scan3A_92#4 : vector<16xf32> to vector<1x16xf32>
    tpu.vector_store %arg5[%swap3A_118, %swap3A_119], %swap3A_122 {strides = array<i32>} : memref<4x128xf32, #tpu.memory_space<vmem>>, vector<1x16xf32>,
    %swap3A_123 = arith.constant 0 : i32
    %swap3A_124 = arith.index_cast %swap3A_123 : i32 to index
    %swap3A_125 = arith.constant 80 : index
    %swap3A_126 = tpu.vector_load %arg5[%swap3A_124, %swap3A_125] {strides = array<i32>} : memref<4x128xf32, #tpu.memory_space<vmem>>, vector<1x16xf32>,
    %swap3A_127 = vector.shape_cast %swap3A_126 : vector<1x16xf32> to vector<16xf32>
    %swap3A_128 = vector.shape_cast %scan3A_92#5 : vector<16xf32> to vector<1x16xf32>
    tpu.vector_store %arg5[%swap3A_124, %swap3A_125], %swap3A_128 {strides = array<i32>} : memref<4x128xf32, #tpu.memory_space<vmem>>, vector<1x16xf32>,
    %swap3A_129 = arith.constant 0 : i32
    %swap3A_130 = arith.index_cast %swap3A_129 : i32 to index
    %swap3A_131 = arith.constant 96 : index
    %swap3A_132 = tpu.vector_load %arg5[%swap3A_130, %swap3A_131] {strides = array<i32>} : memref<4x128xf32, #tpu.memory_space<vmem>>, vector<1x16xf32>,
    %swap3A_133 = vector.shape_cast %swap3A_132 : vector<1x16xf32> to vector<16xf32>
    %swap3A_134 = vector.shape_cast %scan3A_92#6 : vector<16xf32> to vector<1x16xf32>
    tpu.vector_store %arg5[%swap3A_130, %swap3A_131], %swap3A_134 {strides = array<i32>} : memref<4x128xf32, #tpu.memory_space<vmem>>, vector<1x16xf32>,
    %swap3A_135 = arith.constant 0 : i32
    %swap3A_136 = arith.index_cast %swap3A_135 : i32 to index
    %swap3A_137 = arith.constant 112 : index
    %swap3A_138 = tpu.vector_load %arg5[%swap3A_136, %swap3A_137] {strides = array<i32>} : memref<4x128xf32, #tpu.memory_space<vmem>>, vector<1x16xf32>,
    %swap3A_139 = vector.shape_cast %swap3A_138 : vector<1x16xf32> to vector<16xf32>
    %swap3A_140 = vector.shape_cast %scan3A_92#7 : vector<16xf32> to vector<1x16xf32>
    tpu.vector_store %arg5[%swap3A_136, %swap3A_137], %swap3A_140 {strides = array<i32>} : memref<4x128xf32, #tpu.memory_space<vmem>>, vector<1x16xf32>,
    %add3A_141 = arith.constant 512 : i32
    %add3A_142 = arith.addi %mul3A_34, %add3A_141 : i32
    %dma_start3A_143 = arith.constant 0 : i32
    %dma_start3A_144 = arith.constant 0 : i32
    %dma_start3A_145 = arith.constant 0 : i32
    %dma_start3A_146 = arith.constant 0 : i32
    %dma_start3A_147 = arith.constant 0 : i32
    %dma_start3A_148 = tpu.memref_slice %arg4[%dma_start3A_144, %dma_start3A_146, %dma_start3A_147] : memref<2x256x128xf32, #tpu.memory_space<vmem>> -> memref<1x256x128xf32, #tpu.memory_space<vmem>>
    %dma_start3A_149 = tpu.memref_squeeze %dma_start3A_148 : memref<1x256x128xf32, #tpu.memory_space<vmem>> -> memref<256x128xf32, #tpu.memory_space<vmem>>
    %dma_start3A_150 = tpu.memref_slice %arg2[%dma_start3A_143, %add3A_142, %mul3A_32] : memref<4x2048x2048xf32, #tpu.memory_space<hbm>> -> memref<1x256x128xf32, #tpu.memory_space<hbm>>
    %dma_start3A_151 = tpu.memref_squeeze %dma_start3A_150 : memref<1x256x128xf32, #tpu.memory_space<hbm>> -> memref<256x128xf32, #tpu.memory_space<hbm>>
    %dma_start3A_152 = tpu.memref_slice %arg6[%dma_start3A_145] : memref<2x!tpu.dma_semaphore, #tpu.memory_space<semaphore_mem>> -> memref<1x!tpu.dma_semaphore, #tpu.memory_space<semaphore_mem>>
    %dma_start3A_153 = tpu.memref_squeeze %dma_start3A_152 : memref<1x!tpu.dma_semaphore, #tpu.memory_space<semaphore_mem>> -> memref<!tpu.dma_semaphore, #tpu.memory_space<semaphore_mem>>
    %dma_start3A_154 = arith.constant 0 : i32
    %dma_start3A_155 = arith.constant 0 : i32
    %dma_start3A_156 = tpu.memref_slice %arg4[%dma_start3A_144, %dma_start3A_154, %dma_start3A_155] : memref<2x256x128xf32, #tpu.memory_space<vmem>> -> memref<1x256x128xf32, #tpu.memory_space<vmem>>
    %dma_start3A_157 = tpu.memref_squeeze %dma_start3A_156 : memref<1x256x128xf32, #tpu.memory_space<vmem>> -> memref<256x128xf32, #tpu.memory_space<vmem>>
    %dma_start3A_158 = tpu.memref_slice %arg2[%dma_start3A_143, %add3A_142, %mul3A_32] : memref<4x2048x2048xf32, #tpu.memory_space<hbm>> -> memref<1x256x128xf32, #tpu.memory_space<hbm>>
    %dma_start3A_159 = tpu.memref_squeeze %dma_start3A_158 : memref<1x256x128xf32, #tpu.memory_space<hbm>> -> memref<256x128xf32, #tpu.memory_space<hbm>>
    tpu.enqueue_dma source(%dma_start3A_159 : memref<256x128xf32, #tpu.memory_space<hbm>>) target(%dma_start3A_157 : memref<256x128xf32, #tpu.memory_space<vmem>>) target_semaphore(%dma_start3A_153 : memref<!tpu.dma_semaphore, #tpu.memory_space<semaphore_mem>>)
    %dma_wait3A_160 = arith.constant 0 : i32
    %dma_wait3A_161 = arith.constant 1 : i32
    %dma_wait3A_162 = arith.constant 1 : i32
    %dma_wait3A_163 = arith.constant 0 : i32
    %dma_wait3A_164 = arith.constant 0 : i32
    %dma_wait3A_165 = tpu.memref_slice %arg4[%dma_wait3A_161, %dma_wait3A_163, %dma_wait3A_164] : memref<2x256x128xf32, #tpu.memory_space<vmem>> -> memref<1x256x128xf32, #tpu.memory_space<vmem>>
    %dma_wait3A_166 = tpu.memref_squeeze %dma_wait3A_165 : memref<1x256x128xf32, #tpu.memory_space<vmem>> -> memref<256x128xf32, #tpu.memory_space<vmem>>
    %dma_wait3A_167 = tpu.memref_slice %arg2[%dma_wait3A_160, %add3A_54, %mul3A_32] : memref<4x2048x2048xf32, #tpu.memory_space<hbm>> -> memref<1x256x128xf32, #tpu.memory_space<hbm>>
    %dma_wait3A_168 = tpu.memref_squeeze %dma_wait3A_167 : memref<1x256x128xf32, #tpu.memory_space<hbm>> -> memref<256x128xf32, #tpu.memory_space<hbm>>
    %dma_wait3A_169 = tpu.memref_slice %arg6[%dma_wait3A_162] : memref<2x!tpu.dma_semaphore, #tpu.memory_space<semaphore_mem>> -> memref<1x!tpu.dma_semaphore, #tpu.memory_space<semaphore_mem>>
    %dma_wait3A_170 = tpu.memref_squeeze %dma_wait3A_169 : memref<1x!tpu.dma_semaphore, #tpu.memory_space<semaphore_mem>> -> memref<!tpu.dma_semaphore, #tpu.memory_space<semaphore_mem>>
    %dma_wait3A_171 = arith.constant 0 : i32
    %dma_wait3A_172 = arith.constant 0 : i32
    %dma_wait3A_173 = tpu.memref_slice %arg4[%dma_wait3A_161, %dma_wait3A_171, %dma_wait3A_172] : memref<2x256x128xf32, #tpu.memory_space<vmem>> -> memref<1x256x128xf32, #tpu.memory_space<vmem>>
    %dma_wait3A_174 = tpu.memref_squeeze %dma_wait3A_173 : memref<1x256x128xf32, #tpu.memory_space<vmem>> -> memref<256x128xf32, #tpu.memory_space<vmem>>
    %dma_wait3A_175 = tpu.memref_slice %arg2[%dma_wait3A_160, %add3A_54, %mul3A_32] : memref<4x2048x2048xf32, #tpu.memory_space<hbm>> -> memref<1x256x128xf32, #tpu.memory_space<hbm>>
    %dma_wait3A_176 = tpu.memref_squeeze %dma_wait3A_175 : memref<1x256x128xf32, #tpu.memory_space<hbm>> -> memref<256x128xf32, #tpu.memory_space<hbm>>
    tpu.wait_dma2 semaphore(%dma_wait3A_170 : memref<!tpu.dma_semaphore, #tpu.memory_space<semaphore_mem>>) src(%dma_wait3A_176 : memref<256x128xf32, #tpu.memory_space<hbm>>) dst(%dma_wait3A_174 : memref<256x128xf32, #tpu.memory_space<vmem>>)
    %broadcast_in_dim3A_177 = arith.constant 0.000000e+00 : f32
    %broadcast_in_dim3A_178 = vector.broadcast %broadcast_in_dim3A_177 : f32 to vector<16xf32>
    %scan3A_179 = arith.constant 0 : i32
    %scan3A_180 = arith.constant 256 : i32
    %scan3A_181 = arith.addi %scan3A_179, %scan3A_180 : i32
    %scan3A_182 = arith.constant 1 : i32
    %scan3A_183:8 = scf.for %scan3A_2084 = %scan3A_179 to %scan3A_181 step %scan3A_182 iter_args(%scan3A_2085 = %broadcast_in_dim3A_178, %scan3A_2086 = %broadcast_in_dim3A_178, %scan3A_2087 = %broadcast_in_dim3A_178, %scan3A_2088 = %broadcast_in_dim3A_178, %scan3A_2089 = %broadcast_in_dim3A_178, %scan3A_2090 = %broadcast_in_dim3A_178, %scan3A_2091 = %broadcast_in_dim3A_178, %scan3A_2092 = %broadcast_in_dim3A_178) -> (vector<16xf32>, vector<16xf32>, vector<16xf32>, vector<16xf32>, vector<16xf32>, vector<16xf32>, vector<16xf32>, vector<16xf32>)  : i32 {
      %get3A_2093 = arith.constant 1 : i32
      %get3A_2094 = arith.index_cast %get3A_2093 : i32 to index
      %get3A_2095 = arith.index_cast %scan3A_2084 : i32 to index
      %get3A_2096 = arith.constant 0 : index
      %get3A_2097 = tpu.vector_load %arg4[%get3A_2094, %get3A_2095, %get3A_2096] {strides = array<i32>} : memref<2x256x128xf32, #tpu.memory_space<vmem>>, vector<1x1x16xf32>,
      %get3A_2098 = vector.shape_cast %get3A_2097 : vector<1x1x16xf32> to vector<16xf32>
      %add3A_2099 = arith.addf %scan3A_2085, %get3A_2098 : vector<16xf32>
      %get3A_2100 = arith.constant 1 : i32
      %get3A_2101 = arith.index_cast %get3A_2100 : i32 to index
      %get3A_2102 = arith.index_cast %scan3A_2084 : i32 to index
      %get3A_2103 = arith.constant 16 : index
      %get3A_2104 = tpu.vector_load %arg4[%get3A_2101, %get3A_2102, %get3A_2103] {strides = array<i32>} : memref<2x256x128xf32, #tpu.memory_space<vmem>>, vector<1x1x16xf32>,
      %get3A_2105 = vector.shape_cast %get3A_2104 : vector<1x1x16xf32> to vector<16xf32>
      %add3A_2106 = arith.addf %scan3A_2086, %get3A_2105 : vector<16xf32>
      %get3A_2107 = arith.constant 1 : i32
      %get3A_2108 = arith.index_cast %get3A_2107 : i32 to index
      %get3A_2109 = arith.index_cast %scan3A_2084 : i32 to index
      %get3A_2110 = arith.constant 32 : index
      %get3A_2111 = tpu.vector_load %arg4[%get3A_2108, %get3A_2109, %get3A_2110] {strides = array<i32>} : memref<2x256x128xf32, #tpu.memory_space<vmem>>, vector<1x1x16xf32>,
      %get3A_2112 = vector.shape_cast %get3A_2111 : vector<1x1x16xf32> to vector<16xf32>
      %add3A_2113 = arith.addf %scan3A_2087, %get3A_2112 : vector<16xf32>
      %get3A_2114 = arith.constant 1 : i32
      %get3A_2115 = arith.index_cast %get3A_2114 : i32 to index
      %get3A_2116 = arith.index_cast %scan3A_2084 : i32 to index
      %get3A_2117 = arith.constant 48 : index
      %get3A_2118 = tpu.vector_load %arg4[%get3A_2115, %get3A_2116, %get3A_2117] {strides = array<i32>} : memref<2x256x128xf32, #tpu.memory_space<vmem>>, vector<1x1x16xf32>,
      %get3A_2119 = vector.shape_cast %get3A_2118 : vector<1x1x16xf32> to vector<16xf32>
      %add3A_2120 = arith.addf %scan3A_2088, %get3A_2119 : vector<16xf32>
      %get3A_2121 = arith.constant 1 : i32
      %get3A_2122 = arith.index_cast %get3A_2121 : i32 to index
      %get3A_2123 = arith.index_cast %scan3A_2084 : i32 to index
      %get3A_2124 = arith.constant 64 : index
      %get3A_2125 = tpu.vector_load %arg4[%get3A_2122, %get3A_2123, %get3A_2124] {strides = array<i32>} : memref<2x256x128xf32, #tpu.memory_space<vmem>>, vector<1x1x16xf32>,
      %get3A_2126 = vector.shape_cast %get3A_2125 : vector<1x1x16xf32> to vector<16xf32>
      %add3A_2127 = arith.addf %scan3A_2089, %get3A_2126 : vector<16xf32>
      %get3A_2128 = arith.constant 1 : i32
      %get3A_2129 = arith.index_cast %get3A_2128 : i32 to index
      %get3A_2130 = arith.index_cast %scan3A_2084 : i32 to index
      %get3A_2131 = arith.constant 80 : index
      %get3A_2132 = tpu.vector_load %arg4[%get3A_2129, %get3A_2130, %get3A_2131] {strides = array<i32>} : memref<2x256x128xf32, #tpu.memory_space<vmem>>, vector<1x1x16xf32>,
      %get3A_2133 = vector.shape_cast %get3A_2132 : vector<1x1x16xf32> to vector<16xf32>
      %add3A_2134 = arith.addf %scan3A_2090, %get3A_2133 : vector<16xf32>
      %get3A_2135 = arith.constant 1 : i32
      %get3A_2136 = arith.index_cast %get3A_2135 : i32 to index
      %get3A_2137 = arith.index_cast %scan3A_2084 : i32 to index
      %get3A_2138 = arith.constant 96 : index
      %get3A_2139 = tpu.vector_load %arg4[%get3A_2136, %get3A_2137, %get3A_2138] {strides = array<i32>} : memref<2x256x128xf32, #tpu.memory_space<vmem>>, vector<1x1x16xf32>,
      %get3A_2140 = vector.shape_cast %get3A_2139 : vector<1x1x16xf32> to vector<16xf32>
      %add3A_2141 = arith.addf %scan3A_2091, %get3A_2140 : vector<16xf32>
      %get3A_2142 = arith.constant 1 : i32
      %get3A_2143 = arith.index_cast %get3A_2142 : i32 to index
      %get3A_2144 = arith.index_cast %scan3A_2084 : i32 to index
      %get3A_2145 = arith.constant 112 : index
      %get3A_2146 = tpu.vector_load %arg4[%get3A_2143, %get3A_2144, %get3A_2145] {strides = array<i32>} : memref<2x256x128xf32, #tpu.memory_space<vmem>>, vector<1x1x16xf32>,
      %get3A_2147 = vector.shape_cast %get3A_2146 : vector<1x1x16xf32> to vector<16xf32>
      %add3A_2148 = arith.addf %scan3A_2092, %get3A_2147 : vector<16xf32>
      scf.yield %add3A_2099, %add3A_2106, %add3A_2113, %add3A_2120, %add3A_2127, %add3A_2134, %add3A_2141, %add3A_2148 : vector<16xf32>, vector<16xf32>, vector<16xf32>, vector<16xf32>, vector<16xf32>, vector<16xf32>, vector<16xf32>, vector<16xf32>
    }
    %scan3A_184 = arith.constant 256 : i32
    %get3A = arith.constant 0 : i32
    %get3A_185 = arith.index_cast %get3A : i32 to index
    %get3A_186 = arith.constant 0 : index
    %get3A_187 = tpu.vector_load %arg5[%get3A_185, %get3A_186] {strides = array<i32>} : memref<4x128xf32, #tpu.memory_space<vmem>>, vector<1x16xf32>,
    %get3A_188 = vector.shape_cast %get3A_187 : vector<1x16xf32> to vector<16xf32>
    %add3A_189 = arith.addf %get3A_188, %scan3A_183#0 : vector<16xf32>
    %swap3A_190 = arith.constant 0 : i32
    %swap3A_191 = arith.index_cast %swap3A_190 : i32 to index
    %swap3A_192 = arith.constant 0 : index
    %swap3A_193 = tpu.vector_load %arg5[%swap3A_191, %swap3A_192] {strides = array<i32>} : memref<4x128xf32, #tpu.memory_space<vmem>>, vector<1x16xf32>,
    %swap3A_194 = vector.shape_cast %swap3A_193 : vector<1x16xf32> to vector<16xf32>
    %swap3A_195 = vector.shape_cast %add3A_189 : vector<16xf32> to vector<1x16xf32>
    tpu.vector_store %arg5[%swap3A_191, %swap3A_192], %swap3A_195 {strides = array<i32>} : memref<4x128xf32, #tpu.memory_space<vmem>>, vector<1x16xf32>,
    %get3A_196 = arith.constant 0 : i32
    %get3A_197 = arith.index_cast %get3A_196 : i32 to index
    %get3A_198 = arith.constant 16 : index
    %get3A_199 = tpu.vector_load %arg5[%get3A_197, %get3A_198] {strides = array<i32>} : memref<4x128xf32, #tpu.memory_space<vmem>>, vector<1x16xf32>,
    %get3A_200 = vector.shape_cast %get3A_199 : vector<1x16xf32> to vector<16xf32>
    %add3A_201 = arith.addf %get3A_200, %scan3A_183#1 : vector<16xf32>
    %swap3A_202 = arith.constant 0 : i32
    %swap3A_203 = arith.index_cast %swap3A_202 : i32 to index
    %swap3A_204 = arith.constant 16 : index
    %swap3A_205 = tpu.vector_load %arg5[%swap3A_203, %swap3A_204] {strides = array<i32>} : memref<4x128xf32, #tpu.memory_space<vmem>>, vector<1x16xf32>,
    %swap3A_206 = vector.shape_cast %swap3A_205 : vector<1x16xf32> to vector<16xf32>
    %swap3A_207 = vector.shape_cast %add3A_201 : vector<16xf32> to vector<1x16xf32>
    tpu.vector_store %arg5[%swap3A_203, %swap3A_204], %swap3A_207 {strides = array<i32>} : memref<4x128xf32, #tpu.memory_space<vmem>>, vector<1x16xf32>,
    %get3A_208 = arith.constant 0 : i32
    %get3A_209 = arith.index_cast %get3A_208 : i32 to index
    %get3A_210 = arith.constant 32 : index
    %get3A_211 = tpu.vector_load %arg5[%get3A_209, %get3A_210] {strides = array<i32>} : memref<4x128xf32, #tpu.memory_space<vmem>>, vector<1x16xf32>,
    %get3A_212 = vector.shape_cast %get3A_211 : vector<1x16xf32> to vector<16xf32>
    %add3A_213 = arith.addf %get3A_212, %scan3A_183#2 : vector<16xf32>
    %swap3A_214 = arith.constant 0 : i32
    %swap3A_215 = arith.index_cast %swap3A_214 : i32 to index
    %swap3A_216 = arith.constant 32 : index
    %swap3A_217 = tpu.vector_load %arg5[%swap3A_215, %swap3A_216] {strides = array<i32>} : memref<4x128xf32, #tpu.memory_space<vmem>>, vector<1x16xf32>,
    %swap3A_218 = vector.shape_cast %swap3A_217 : vector<1x16xf32> to vector<16xf32>
    %swap3A_219 = vector.shape_cast %add3A_213 : vector<16xf32> to vector<1x16xf32>
    tpu.vector_store %arg5[%swap3A_215, %swap3A_216], %swap3A_219 {strides = array<i32>} : memref<4x128xf32, #tpu.memory_space<vmem>>, vector<1x16xf32>,
    %get3A_220 = arith.constant 0 : i32
    %get3A_221 = arith.index_cast %get3A_220 : i32 to index
    %get3A_222 = arith.constant 48 : index
    %get3A_223 = tpu.vector_load %arg5[%get3A_221, %get3A_222] {strides = array<i32>} : memref<4x128xf32, #tpu.memory_space<vmem>>, vector<1x16xf32>,
    %get3A_224 = vector.shape_cast %get3A_223 : vector<1x16xf32> to vector<16xf32>
    %add3A_225 = arith.addf %get3A_224, %scan3A_183#3 : vector<16xf32>
    %swap3A_226 = arith.constant 0 : i32
    %swap3A_227 = arith.index_cast %swap3A_226 : i32 to index
    %swap3A_228 = arith.constant 48 : index
    %swap3A_229 = tpu.vector_load %arg5[%swap3A_227, %swap3A_228] {strides = array<i32>} : memref<4x128xf32, #tpu.memory_space<vmem>>, vector<1x16xf32>,
    %swap3A_230 = vector.shape_cast %swap3A_229 : vector<1x16xf32> to vector<16xf32>
    %swap3A_231 = vector.shape_cast %add3A_225 : vector<16xf32> to vector<1x16xf32>
    tpu.vector_store %arg5[%swap3A_227, %swap3A_228], %swap3A_231 {strides = array<i32>} : memref<4x128xf32, #tpu.memory_space<vmem>>, vector<1x16xf32>,
    %get3A_232 = arith.constant 0 : i32
    %get3A_233 = arith.index_cast %get3A_232 : i32 to index
    %get3A_234 = arith.constant 64 : index
    %get3A_235 = tpu.vector_load %arg5[%get3A_233, %get3A_234] {strides = array<i32>} : memref<4x128xf32, #tpu.memory_space<vmem>>, vector<1x16xf32>,
    %get3A_236 = vector.shape_cast %get3A_235 : vector<1x16xf32> to vector<16xf32>
    %add3A_237 = arith.addf %get3A_236, %scan3A_183#4 : vector<16xf32>
    %swap3A_238 = arith.constant 0 : i32
    %swap3A_239 = arith.index_cast %swap3A_238 : i32 to index
    %swap3A_240 = arith.constant 64 : index
    %swap3A_241 = tpu.vector_load %arg5[%swap3A_239, %swap3A_240] {strides = array<i32>} : memref<4x128xf32, #tpu.memory_space<vmem>>, vector<1x16xf32>,
    %swap3A_242 = vector.shape_cast %swap3A_241 : vector<1x16xf32> to vector<16xf32>
    %swap3A_243 = vector.shape_cast %add3A_237 : vector<16xf32> to vector<1x16xf32>
    tpu.vector_store %arg5[%swap3A_239, %swap3A_240], %swap3A_243 {strides = array<i32>} : memref<4x128xf32, #tpu.memory_space<vmem>>, vector<1x16xf32>,
    %get3A_244 = arith.constant 0 : i32
    %get3A_245 = arith.index_cast %get3A_244 : i32 to index
    %get3A_246 = arith.constant 80 : index
    %get3A_247 = tpu.vector_load %arg5[%get3A_245, %get3A_246] {strides = array<i32>} : memref<4x128xf32, #tpu.memory_space<vmem>>, vector<1x16xf32>,
    %get3A_248 = vector.shape_cast %get3A_247 : vector<1x16xf32> to vector<16xf32>
    %add3A_249 = arith.addf %get3A_248, %scan3A_183#5 : vector<16xf32>
    %swap3A_250 = arith.constant 0 : i32
    %swap3A_251 = arith.index_cast %swap3A_250 : i32 to index
    %swap3A_252 = arith.constant 80 : index
    %swap3A_253 = tpu.vector_load %arg5[%swap3A_251, %swap3A_252] {strides = array<i32>} : memref<4x128xf32, #tpu.memory_space<vmem>>, vector<1x16xf32>,
    %swap3A_254 = vector.shape_cast %swap3A_253 : vector<1x16xf32> to vector<16xf32>
    %swap3A_255 = vector.shape_cast %add3A_249 : vector<16xf32> to vector<1x16xf32>
    tpu.vector_store %arg5[%swap3A_251, %swap3A_252], %swap3A_255 {strides = array<i32>} : memref<4x128xf32, #tpu.memory_space<vmem>>, vector<1x16xf32>,
    %get3A_256 = arith.constant 0 : i32
    %get3A_257 = arith.index_cast %get3A_256 : i32 to index
    %get3A_258 = arith.constant 96 : index
    %get3A_259 = tpu.vector_load %arg5[%get3A_257, %get3A_258] {strides = array<i32>} : memref<4x128xf32, #tpu.memory_space<vmem>>, vector<1x16xf32>,
    %get3A_260 = vector.shape_cast %get3A_259 : vector<1x16xf32> to vector<16xf32>
    %add3A_261 = arith.addf %get3A_260, %scan3A_183#6 : vector<16xf32>
    %swap3A_262 = arith.constant 0 : i32
    %swap3A_263 = arith.index_cast %swap3A_262 : i32 to index
    %swap3A_264 = arith.constant 96 : index
    %swap3A_265 = tpu.vector_load %arg5[%swap3A_263, %swap3A_264] {strides = array<i32>} : memref<4x128xf32, #tpu.memory_space<vmem>>, vector<1x16xf32>,
    %swap3A_266 = vector.shape_cast %swap3A_265 : vector<1x16xf32> to vector<16xf32>
    %swap3A_267 = vector.shape_cast %add3A_261 : vector<16xf32> to vector<1x16xf32>
    tpu.vector_store %arg5[%swap3A_263, %swap3A_264], %swap3A_267 {strides = array<i32>} : memref<4x128xf32, #tpu.memory_space<vmem>>, vector<1x16xf32>,
    %get3A_268 = arith.constant 0 : i32
    %get3A_269 = arith.index_cast %get3A_268 : i32 to index
    %get3A_270 = arith.constant 112 : index
    %get3A_271 = tpu.vector_load %arg5[%get3A_269, %get3A_270] {strides = array<i32>} : memref<4x128xf32, #tpu.memory_space<vmem>>, vector<1x16xf32>,
    %get3A_272 = vector.shape_cast %get3A_271 : vector<1x16xf32> to vector<16xf32>
    %add3A_273 = arith.addf %get3A_272, %scan3A_183#7 : vector<16xf32>
    %swap3A_274 = arith.constant 0 : i32
    %swap3A_275 = arith.index_cast %swap3A_274 : i32 to index
    %swap3A_276 = arith.constant 112 : index
    %swap3A_277 = tpu.vector_load %arg5[%swap3A_275, %swap3A_276] {strides = array<i32>} : memref<4x128xf32, #tpu.memory_space<vmem>>, vector<1x16xf32>,
    %swap3A_278 = vector.shape_cast %swap3A_277 : vector<1x16xf32> to vector<16xf32>
    %swap3A_279 = vector.shape_cast %add3A_273 : vector<16xf32> to vector<1x16xf32>
    tpu.vector_store %arg5[%swap3A_275, %swap3A_276], %swap3A_279 {strides = array<i32>} : memref<4x128xf32, #tpu.memory_space<vmem>>, vector<1x16xf32>,
    %add3A_280 = arith.constant 768 : i32
    %add3A_281 = arith.addi %mul3A_34, %add3A_280 : i32
    %dma_start3A_282 = arith.constant 0 : i32
    %dma_start3A_283 = arith.constant 1 : i32
    %dma_start3A_284 = arith.constant 1 : i32
    %dma_start3A_285 = arith.constant 0 : i32
    %dma_start3A_286 = arith.constant 0 : i32
    %dma_start3A_287 = tpu.memref_slice %arg4[%dma_start3A_283, %dma_start3A_285, %dma_start3A_286] : memref<2x256x128xf32, #tpu.memory_space<vmem>> -> memref<1x256x128xf32, #tpu.memory_space<vmem>>
    %dma_start3A_288 = tpu.memref_squeeze %dma_start3A_287 : memref<1x256x128xf32, #tpu.memory_space<vmem>> -> memref<256x128xf32, #tpu.memory_space<vmem>>
    %dma_start3A_289 = tpu.memref_slice %arg2[%dma_start3A_282, %add3A_281, %mul3A_32] : memref<4x2048x2048xf32, #tpu.memory_space<hbm>> -> memref<1x256x128xf32, #tpu.memory_space<hbm>>
    %dma_start3A_290 = tpu.memref_squeeze %dma_start3A_289 : memref<1x256x128xf32, #tpu.memory_space<hbm>> -> memref<256x128xf32, #tpu.memory_space<hbm>>
    %dma_start3A_291 = tpu.memref_slice %arg6[%dma_start3A_284] : memref<2x!tpu.dma_semaphore, #tpu.memory_space<semaphore_mem>> -> memref<1x!tpu.dma_semaphore, #tpu.memory_space<semaphore_mem>>
    %dma_start3A_292 = tpu.memref_squeeze %dma_start3A_291 : memref<1x!tpu.dma_semaphore, #tpu.memory_space<semaphore_mem>> -> memref<!tpu.dma_semaphore, #tpu.memory_space<semaphore_mem>>
    %dma_start3A_293 = arith.constant 0 : i32
    %dma_start3A_294 = arith.constant 0 : i32
    %dma_start3A_295 = tpu.memref_slice %arg4[%dma_start3A_283, %dma_start3A_293, %dma_start3A_294] : memref<2x256x128xf32, #tpu.memory_space<vmem>> -> memref<1x256x128xf32, #tpu.memory_space<vmem>>
    %dma_start3A_296 = tpu.memref_squeeze %dma_start3A_295 : memref<1x256x128xf32, #tpu.memory_space<vmem>> -> memref<256x128xf32, #tpu.memory_space<vmem>>
    %dma_start3A_297 = tpu.memref_slice %arg2[%dma_start3A_282, %add3A_281, %mul3A_32] : memref<4x2048x2048xf32, #tpu.memory_space<hbm>> -> memref<1x256x128xf32, #tpu.memory_space<hbm>>
    %dma_start3A_298 = tpu.memref_squeeze %dma_start3A_297 : memref<1x256x128xf32, #tpu.memory_space<hbm>> -> memref<256x128xf32, #tpu.memory_space<hbm>>
    tpu.enqueue_dma source(%dma_start3A_298 : memref<256x128xf32, #tpu.memory_space<hbm>>) target(%dma_start3A_296 : memref<256x128xf32, #tpu.memory_space<vmem>>) target_semaphore(%dma_start3A_292 : memref<!tpu.dma_semaphore, #tpu.memory_space<semaphore_mem>>)
    %dma_wait3A_299 = arith.constant 0 : i32
    %dma_wait3A_300 = arith.constant 0 : i32
    %dma_wait3A_301 = arith.constant 0 : i32
    %dma_wait3A_302 = arith.constant 0 : i32
    %dma_wait3A_303 = arith.constant 0 : i32
    %dma_wait3A_304 = tpu.memref_slice %arg4[%dma_wait3A_300, %dma_wait3A_302, %dma_wait3A_303] : memref<2x256x128xf32, #tpu.memory_space<vmem>> -> memref<1x256x128xf32, #tpu.memory_space<vmem>>
    %dma_wait3A_305 = tpu.memref_squeeze %dma_wait3A_304 : memref<1x256x128xf32, #tpu.memory_space<vmem>> -> memref<256x128xf32, #tpu.memory_space<vmem>>
    %dma_wait3A_306 = tpu.memref_slice %arg2[%dma_wait3A_299, %add3A_142, %mul3A_32] : memref<4x2048x2048xf32, #tpu.memory_space<hbm>> -> memref<1x256x128xf32, #tpu.memory_space<hbm>>
    %dma_wait3A_307 = tpu.memref_squeeze %dma_wait3A_306 : memref<1x256x128xf32, #tpu.memory_space<hbm>> -> memref<256x128xf32, #tpu.memory_space<hbm>>
    %dma_wait3A_308 = tpu.memref_slice %arg6[%dma_wait3A_301] : memref<2x!tpu.dma_semaphore, #tpu.memory_space<semaphore_mem>> -> memref<1x!tpu.dma_semaphore, #tpu.memory_space<semaphore_mem>>
    %dma_wait3A_309 = tpu.memref_squeeze %dma_wait3A_308 : memref<1x!tpu.dma_semaphore, #tpu.memory_space<semaphore_mem>> -> memref<!tpu.dma_semaphore, #tpu.memory_space<semaphore_mem>>
    %dma_wait3A_310 = arith.constant 0 : i32
    %dma_wait3A_311 = arith.constant 0 : i32
    %dma_wait3A_312 = tpu.memref_slice %arg4[%dma_wait3A_300, %dma_wait3A_310, %dma_wait3A_311] : memref<2x256x128xf32, #tpu.memory_space<vmem>> -> memref<1x256x128xf32, #tpu.memory_space<vmem>>
    %dma_wait3A_313 = tpu.memref_squeeze %dma_wait3A_312 : memref<1x256x128xf32, #tpu.memory_space<vmem>> -> memref<256x128xf32, #tpu.memory_space<vmem>>
    %dma_wait3A_314 = tpu.memref_slice %arg2[%dma_wait3A_299, %add3A_142, %mul3A_32] : memref<4x2048x2048xf32, #tpu.memory_space<hbm>> -> memref<1x256x128xf32, #tpu.memory_space<hbm>>
    %dma_wait3A_315 = tpu.memref_squeeze %dma_wait3A_314 : memref<1x256x128xf32, #tpu.memory_space<hbm>> -> memref<256x128xf32, #tpu.memory_space<hbm>>
    tpu.wait_dma2 semaphore(%dma_wait3A_309 : memref<!tpu.dma_semaphore, #tpu.memory_space<semaphore_mem>>) src(%dma_wait3A_315 : memref<256x128xf32, #tpu.memory_space<hbm>>) dst(%dma_wait3A_313 : memref<256x128xf32, #tpu.memory_space<vmem>>)
    %broadcast_in_dim3A_316 = arith.constant 0.000000e+00 : f32
    %broadcast_in_dim3A_317 = vector.broadcast %broadcast_in_dim3A_316 : f32 to vector<16xf32>
    %scan3A_318 = arith.constant 0 : i32
    %scan3A_319 = arith.constant 256 : i32
    %scan3A_320 = arith.addi %scan3A_318, %scan3A_319 : i32
    %scan3A_321 = arith.constant 1 : i32
    %scan3A_322:8 = scf.for %scan3A_2084 = %scan3A_318 to %scan3A_320 step %scan3A_321 iter_args(%scan3A_2085 = %broadcast_in_dim3A_317, %scan3A_2086 = %broadcast_in_dim3A_317, %scan3A_2087 = %broadcast_in_dim3A_317, %scan3A_2088 = %broadcast_in_dim3A_317, %scan3A_2089 = %broadcast_in_dim3A_317, %scan3A_2090 = %broadcast_in_dim3A_317, %scan3A_2091 = %broadcast_in_dim3A_317, %scan3A_2092 = %broadcast_in_dim3A_317) -> (vector<16xf32>, vector<16xf32>, vector<16xf32>, vector<16xf32>, vector<16xf32>, vector<16xf32>, vector<16xf32>, vector<16xf32>)  : i32 {
      %get3A_2093 = arith.constant 0 : i32
      %get3A_2094 = arith.index_cast %get3A_2093 : i32 to index
      %get3A_2095 = arith.index_cast %scan3A_2084 : i32 to index
      %get3A_2096 = arith.constant 0 : index
      %get3A_2097 = tpu.vector_load %arg4[%get3A_2094, %get3A_2095, %get3A_2096] {strides = array<i32>} : memref<2x256x128xf32, #tpu.memory_space<vmem>>, vector<1x1x16xf32>,
      %get3A_2098 = vector.shape_cast %get3A_2097 : vector<1x1x16xf32> to vector<16xf32>
      %add3A_2099 = arith.addf %scan3A_2085, %get3A_2098 : vector<16xf32>
      %get3A_2100 = arith.constant 0 : i32
      %get3A_2101 = arith.index_cast %get3A_2100 : i32 to index
      %get3A_2102 = arith.index_cast %scan3A_2084 : i32 to index
      %get3A_2103 = arith.constant 16 : index
      %get3A_2104 = tpu.vector_load %arg4[%get3A_2101, %get3A_2102, %get3A_2103] {strides = array<i32>} : memref<2x256x128xf32, #tpu.memory_space<vmem>>, vector<1x1x16xf32>,
      %get3A_2105 = vector.shape_cast %get3A_2104 : vector<1x1x16xf32> to vector<16xf32>
      %add3A_2106 = arith.addf %scan3A_2086, %get3A_2105 : vector<16xf32>
      %get3A_2107 = arith.constant 0 : i32
      %get3A_2108 = arith.index_cast %get3A_2107 : i32 to index
      %get3A_2109 = arith.index_cast %scan3A_2084 : i32 to index
      %get3A_2110 = arith.constant 32 : index
      %get3A_2111 = tpu.vector_load %arg4[%get3A_2108, %get3A_2109, %get3A_2110] {strides = array<i32>} : memref<2x256x128xf32, #tpu.memory_space<vmem>>, vector<1x1x16xf32>,
      %get3A_2112 = vector.shape_cast %get3A_2111 : vector<1x1x16xf32> to vector<16xf32>
      %add3A_2113 = arith.addf %scan3A_2087, %get3A_2112 : vector<16xf32>
      %get3A_2114 = arith.constant 0 : i32
      %get3A_2115 = arith.index_cast %get3A_2114 : i32 to index
      %get3A_2116 = arith.index_cast %scan3A_2084 : i32 to index
      %get3A_2117 = arith.constant 48 : index
      %get3A_2118 = tpu.vector_load %arg4[%get3A_2115, %get3A_2116, %get3A_2117] {strides = array<i32>} : memref<2x256x128xf32, #tpu.memory_space<vmem>>, vector<1x1x16xf32>,
      %get3A_2119 = vector.shape_cast %get3A_2118 : vector<1x1x16xf32> to vector<16xf32>
      %add3A_2120 = arith.addf %scan3A_2088, %get3A_2119 : vector<16xf32>
      %get3A_2121 = arith.constant 0 : i32
      %get3A_2122 = arith.index_cast %get3A_2121 : i32 to index
      %get3A_2123 = arith.index_cast %scan3A_2084 : i32 to index
      %get3A_2124 = arith.constant 64 : index
      %get3A_2125 = tpu.vector_load %arg4[%get3A_2122, %get3A_2123, %get3A_2124] {strides = array<i32>} : memref<2x256x128xf32, #tpu.memory_space<vmem>>, vector<1x1x16xf32>,
      %get3A_2126 = vector.shape_cast %get3A_2125 : vector<1x1x16xf32> to vector<16xf32>
      %add3A_2127 = arith.addf %scan3A_2089, %get3A_2126 : vector<16xf32>
      %get3A_2128 = arith.constant 0 : i32
      %get3A_2129 = arith.index_cast %get3A_2128 : i32 to index
      %get3A_2130 = arith.index_cast %scan3A_2084 : i32 to index
      %get3A_2131 = arith.constant 80 : index
      %get3A_2132 = tpu.vector_load %arg4[%get3A_2129, %get3A_2130, %get3A_2131] {strides = array<i32>} : memref<2x256x128xf32, #tpu.memory_space<vmem>>, vector<1x1x16xf32>,
      %get3A_2133 = vector.shape_cast %get3A_2132 : vector<1x1x16xf32> to vector<16xf32>
      %add3A_2134 = arith.addf %scan3A_2090, %get3A_2133 : vector<16xf32>
      %get3A_2135 = arith.constant 0 : i32
      %get3A_2136 = arith.index_cast %get3A_2135 : i32 to index
      %get3A_2137 = arith.index_cast %scan3A_2084 : i32 to index
      %get3A_2138 = arith.constant 96 : index
      %get3A_2139 = tpu.vector_load %arg4[%get3A_2136, %get3A_2137, %get3A_2138] {strides = array<i32>} : memref<2x256x128xf32, #tpu.memory_space<vmem>>, vector<1x1x16xf32>,
      %get3A_2140 = vector.shape_cast %get3A_2139 : vector<1x1x16xf32> to vector<16xf32>
      %add3A_2141 = arith.addf %scan3A_2091, %get3A_2140 : vector<16xf32>
      %get3A_2142 = arith.constant 0 : i32
      %get3A_2143 = arith.index_cast %get3A_2142 : i32 to index
      %get3A_2144 = arith.index_cast %scan3A_2084 : i32 to index
      %get3A_2145 = arith.constant 112 : index
      %get3A_2146 = tpu.vector_load %arg4[%get3A_2143, %get3A_2144, %get3A_2145] {strides = array<i32>} : memref<2x256x128xf32, #tpu.memory_space<vmem>>, vector<1x1x16xf32>,
      %get3A_2147 = vector.shape_cast %get3A_2146 : vector<1x1x16xf32> to vector<16xf32>
      %add3A_2148 = arith.addf %scan3A_2092, %get3A_2147 : vector<16xf32>
      scf.yield %add3A_2099, %add3A_2106, %add3A_2113, %add3A_2120, %add3A_2127, %add3A_2134, %add3A_2141, %add3A_2148 : vector<16xf32>, vector<16xf32>, vector<16xf32>, vector<16xf32>, vector<16xf32>, vector<16xf32>, vector<16xf32>, vector<16xf32>
    }
    %scan3A_323 = arith.constant 256 : i32
    %get3A_324 = arith.constant 0 : i32
    %get3A_325 = arith.index_cast %get3A_324 : i32 to index
    %get3A_326 = arith.constant 0 : index
    %get3A_327 = tpu.vector_load %arg5[%get3A_325, %get3A_326] {strides = array<i32>} : memref<4x128xf32, #tpu.memory_space<vmem>>, vector<1x16xf32>,
    %get3A_328 = vector.shape_cast %get3A_327 : vector<1x16xf32> to vector<16xf32>
    %add3A_329 = arith.addf %get3A_328, %scan3A_322#0 : vector<16xf32>
    %swap3A_330 = arith.constant 0 : i32
    %swap3A_331 = arith.index_cast %swap3A_330 : i32 to index
    %swap3A_332 = arith.constant 0 : index
    %swap3A_333 = tpu.vector_load %arg5[%swap3A_331, %swap3A_332] {strides = array<i32>} : memref<4x128xf32, #tpu.memory_space<vmem>>, vector<1x16xf32>,
    %swap3A_334 = vector.shape_cast %swap3A_333 : vector<1x16xf32> to vector<16xf32>
    %swap3A_335 = vector.shape_cast %add3A_329 : vector<16xf32> to vector<1x16xf32>
    tpu.vector_store %arg5[%swap3A_331, %swap3A_332], %swap3A_335 {strides = array<i32>} : memref<4x128xf32, #tpu.memory_space<vmem>>, vector<1x16xf32>,
    %get3A_336 = arith.constant 0 : i32
    %get3A_337 = arith.index_cast %get3A_336 : i32 to index
    %get3A_338 = arith.constant 16 : index
    %get3A_339 = tpu.vector_load %arg5[%get3A_337, %get3A_338] {strides = array<i32>} : memref<4x128xf32, #tpu.memory_space<vmem>>, vector<1x16xf32>,
    %get3A_340 = vector.shape_cast %get3A_339 : vector<1x16xf32> to vector<16xf32>
    %add3A_341 = arith.addf %get3A_340, %scan3A_322#1 : vector<16xf32>
    %swap3A_342 = arith.constant 0 : i32
    %swap3A_343 = arith.index_cast %swap3A_342 : i32 to index
    %swap3A_344 = arith.constant 16 : index
    %swap3A_345 = tpu.vector_load %arg5[%swap3A_343, %swap3A_344] {strides = array<i32>} : memref<4x128xf32, #tpu.memory_space<vmem>>, vector<1x16xf32>,
    %swap3A_346 = vector.shape_cast %swap3A_345 : vector<1x16xf32> to vector<16xf32>
    %swap3A_347 = vector.shape_cast %add3A_341 : vector<16xf32> to vector<1x16xf32>
    tpu.vector_store %arg5[%swap3A_343, %swap3A_344], %swap3A_347 {strides = array<i32>} : memref<4x128xf32, #tpu.memory_space<vmem>>, vector<1x16xf32>,
    %get3A_348 = arith.constant 0 : i32
    %get3A_349 = arith.index_cast %get3A_348 : i32 to index
    %get3A_350 = arith.constant 32 : index
    %get3A_351 = tpu.vector_load %arg5[%get3A_349, %get3A_350] {strides = array<i32>} : memref<4x128xf32, #tpu.memory_space<vmem>>, vector<1x16xf32>,
    %get3A_352 = vector.shape_cast %get3A_351 : vector<1x16xf32> to vector<16xf32>
    %add3A_353 = arith.addf %get3A_352, %scan3A_322#2 : vector<16xf32>
    %swap3A_354 = arith.constant 0 : i32
    %swap3A_355 = arith.index_cast %swap3A_354 : i32 to index
    %swap3A_356 = arith.constant 32 : index
    %swap3A_357 = tpu.vector_load %arg5[%swap3A_355, %swap3A_356] {strides = array<i32>} : memref<4x128xf32, #tpu.memory_space<vmem>>, vector<1x16xf32>,
    %swap3A_358 = vector.shape_cast %swap3A_357 : vector<1x16xf32> to vector<16xf32>
    %swap3A_359 = vector.shape_cast %add3A_353 : vector<16xf32> to vector<1x16xf32>
    tpu.vector_store %arg5[%swap3A_355, %swap3A_356], %swap3A_359 {strides = array<i32>} : memref<4x128xf32, #tpu.memory_space<vmem>>, vector<1x16xf32>,
    %get3A_360 = arith.constant 0 : i32
    %get3A_361 = arith.index_cast %get3A_360 : i32 to index
    %get3A_362 = arith.constant 48 : index
    %get3A_363 = tpu.vector_load %arg5[%get3A_361, %get3A_362] {strides = array<i32>} : memref<4x128xf32, #tpu.memory_space<vmem>>, vector<1x16xf32>,
    %get3A_364 = vector.shape_cast %get3A_363 : vector<1x16xf32> to vector<16xf32>
    %add3A_365 = arith.addf %get3A_364, %scan3A_322#3 : vector<16xf32>
    %swap3A_366 = arith.constant 0 : i32
    %swap3A_367 = arith.index_cast %swap3A_366 : i32 to index
    %swap3A_368 = arith.constant 48 : index
    %swap3A_369 = tpu.vector_load %arg5[%swap3A_367, %swap3A_368] {strides = array<i32>} : memref<4x128xf32, #tpu.memory_space<vmem>>, vector<1x16xf32>,
    %swap3A_370 = vector.shape_cast %swap3A_369 : vector<1x16xf32> to vector<16xf32>
    %swap3A_371 = vector.shape_cast %add3A_365 : vector<16xf32> to vector<1x16xf32>
    tpu.vector_store %arg5[%swap3A_367, %swap3A_368], %swap3A_371 {strides = array<i32>} : memref<4x128xf32, #tpu.memory_space<vmem>>, vector<1x16xf32>,
    %get3A_372 = arith.constant 0 : i32
    %get3A_373 = arith.index_cast %get3A_372 : i32 to index
    %get3A_374 = arith.constant 64 : index
    %get3A_375 = tpu.vector_load %arg5[%get3A_373, %get3A_374] {strides = array<i32>} : memref<4x128xf32, #tpu.memory_space<vmem>>, vector<1x16xf32>,
    %get3A_376 = vector.shape_cast %get3A_375 : vector<1x16xf32> to vector<16xf32>
    %add3A_377 = arith.addf %get3A_376, %scan3A_322#4 : vector<16xf32>
    %swap3A_378 = arith.constant 0 : i32
    %swap3A_379 = arith.index_cast %swap3A_378 : i32 to index
    %swap3A_380 = arith.constant 64 : index
    %swap3A_381 = tpu.vector_load %arg5[%swap3A_379, %swap3A_380] {strides = array<i32>} : memref<4x128xf32, #tpu.memory_space<vmem>>, vector<1x16xf32>,
    %swap3A_382 = vector.shape_cast %swap3A_381 : vector<1x16xf32> to vector<16xf32>
    %swap3A_383 = vector.shape_cast %add3A_377 : vector<16xf32> to vector<1x16xf32>
    tpu.vector_store %arg5[%swap3A_379, %swap3A_380], %swap3A_383 {strides = array<i32>} : memref<4x128xf32, #tpu.memory_space<vmem>>, vector<1x16xf32>,
    %get3A_384 = arith.constant 0 : i32
    %get3A_385 = arith.index_cast %get3A_384 : i32 to index
    %get3A_386 = arith.constant 80 : index
    %get3A_387 = tpu.vector_load %arg5[%get3A_385, %get3A_386] {strides = array<i32>} : memref<4x128xf32, #tpu.memory_space<vmem>>, vector<1x16xf32>,
    %get3A_388 = vector.shape_cast %get3A_387 : vector<1x16xf32> to vector<16xf32>
    %add3A_389 = arith.addf %get3A_388, %scan3A_322#5 : vector<16xf32>
    %swap3A_390 = arith.constant 0 : i32
    %swap3A_391 = arith.index_cast %swap3A_390 : i32 to index
    %swap3A_392 = arith.constant 80 : index
    %swap3A_393 = tpu.vector_load %arg5[%swap3A_391, %swap3A_392] {strides = array<i32>} : memref<4x128xf32, #tpu.memory_space<vmem>>, vector<1x16xf32>,
    %swap3A_394 = vector.shape_cast %swap3A_393 : vector<1x16xf32> to vector<16xf32>
    %swap3A_395 = vector.shape_cast %add3A_389 : vector<16xf32> to vector<1x16xf32>
    tpu.vector_store %arg5[%swap3A_391, %swap3A_392], %swap3A_395 {strides = array<i32>} : memref<4x128xf32, #tpu.memory_space<vmem>>, vector<1x16xf32>,
    %get3A_396 = arith.constant 0 : i32
    %get3A_397 = arith.index_cast %get3A_396 : i32 to index
    %get3A_398 = arith.constant 96 : index
    %get3A_399 = tpu.vector_load %arg5[%get3A_397, %get3A_398] {strides = array<i32>} : memref<4x128xf32, #tpu.memory_space<vmem>>, vector<1x16xf32>,
    %get3A_400 = vector.shape_cast %get3A_399 : vector<1x16xf32> to vector<16xf32>
    %add3A_401 = arith.addf %get3A_400, %scan3A_322#6 : vector<16xf32>
    %swap3A_402 = arith.constant 0 : i32
    %swap3A_403 = arith.index_cast %swap3A_402 : i32 to index
    %swap3A_404 = arith.constant 96 : index
    %swap3A_405 = tpu.vector_load %arg5[%swap3A_403, %swap3A_404] {strides = array<i32>} : memref<4x128xf32, #tpu.memory_space<vmem>>, vector<1x16xf32>,
    %swap3A_406 = vector.shape_cast %swap3A_405 : vector<1x16xf32> to vector<16xf32>
    %swap3A_407 = vector.shape_cast %add3A_401 : vector<16xf32> to vector<1x16xf32>
    tpu.vector_store %arg5[%swap3A_403, %swap3A_404], %swap3A_407 {strides = array<i32>} : memref<4x128xf32, #tpu.memory_space<vmem>>, vector<1x16xf32>,
    %get3A_408 = arith.constant 0 : i32
    %get3A_409 = arith.index_cast %get3A_408 : i32 to index
    %get3A_410 = arith.constant 112 : index
    %get3A_411 = tpu.vector_load %arg5[%get3A_409, %get3A_410] {strides = array<i32>} : memref<4x128xf32, #tpu.memory_space<vmem>>, vector<1x16xf32>,
    %get3A_412 = vector.shape_cast %get3A_411 : vector<1x16xf32> to vector<16xf32>
    %add3A_413 = arith.addf %get3A_412, %scan3A_322#7 : vector<16xf32>
    %swap3A_414 = arith.constant 0 : i32
    %swap3A_415 = arith.index_cast %swap3A_414 : i32 to index
    %swap3A_416 = arith.constant 112 : index
    %swap3A_417 = tpu.vector_load %arg5[%swap3A_415, %swap3A_416] {strides = array<i32>} : memref<4x128xf32, #tpu.memory_space<vmem>>, vector<1x16xf32>,
    %swap3A_418 = vector.shape_cast %swap3A_417 : vector<1x16xf32> to vector<16xf32>
    %swap3A_419 = vector.shape_cast %add3A_413 : vector<16xf32> to vector<1x16xf32>
    tpu.vector_store %arg5[%swap3A_415, %swap3A_416], %swap3A_419 {strides = array<i32>} : memref<4x128xf32, #tpu.memory_space<vmem>>, vector<1x16xf32>,
    %add3A_420 = arith.constant 0 : i32
    %add3A_421 = arith.addi %mul3A_34, %add3A_420 : i32
    %dma_start3A_422 = arith.constant 1 : i32
    %dma_start3A_423 = arith.constant 0 : i32
    %dma_start3A_424 = arith.constant 0 : i32
    %dma_start3A_425 = arith.constant 0 : i32
    %dma_start3A_426 = arith.constant 0 : i32
    %dma_start3A_427 = tpu.memref_slice %arg4[%dma_start3A_423, %dma_start3A_425, %dma_start3A_426] : memref<2x256x128xf32, #tpu.memory_space<vmem>> -> memref<1x256x128xf32, #tpu.memory_space<vmem>>
    %dma_start3A_428 = tpu.memref_squeeze %dma_start3A_427 : memref<1x256x128xf32, #tpu.memory_space<vmem>> -> memref<256x128xf32, #tpu.memory_space<vmem>>
    %dma_start3A_429 = tpu.memref_slice %arg2[%dma_start3A_422, %add3A_421, %mul3A_32] : memref<4x2048x2048xf32, #tpu.memory_space<hbm>> -> memref<1x256x128xf32, #tpu.memory_space<hbm>>
    %dma_start3A_430 = tpu.memref_squeeze %dma_start3A_429 : memref<1x256x128xf32, #tpu.memory_space<hbm>> -> memref<256x128xf32, #tpu.memory_space<hbm>>
    %dma_start3A_431 = tpu.memref_slice %arg6[%dma_start3A_424] : memref<2x!tpu.dma_semaphore, #tpu.memory_space<semaphore_mem>> -> memref<1x!tpu.dma_semaphore, #tpu.memory_space<semaphore_mem>>
    %dma_start3A_432 = tpu.memref_squeeze %dma_start3A_431 : memref<1x!tpu.dma_semaphore, #tpu.memory_space<semaphore_mem>> -> memref<!tpu.dma_semaphore, #tpu.memory_space<semaphore_mem>>
    %dma_start3A_433 = arith.constant 0 : i32
    %dma_start3A_434 = arith.constant 0 : i32
    %dma_start3A_435 = tpu.memref_slice %arg4[%dma_start3A_423, %dma_start3A_433, %dma_start3A_434] : memref<2x256x128xf32, #tpu.memory_space<vmem>> -> memref<1x256x128xf32, #tpu.memory_space<vmem>>
    %dma_start3A_436 = tpu.memref_squeeze %dma_start3A_435 : memref<1x256x128xf32, #tpu.memory_space<vmem>> -> memref<256x128xf32, #tpu.memory_space<vmem>>
    %dma_start3A_437 = tpu.memref_slice %arg2[%dma_start3A_422, %add3A_421, %mul3A_32] : memref<4x2048x2048xf32, #tpu.memory_space<hbm>> -> memref<1x256x128xf32, #tpu.memory_space<hbm>>
    %dma_start3A_438 = tpu.memref_squeeze %dma_start3A_437 : memref<1x256x128xf32, #tpu.memory_space<hbm>> -> memref<256x128xf32, #tpu.memory_space<hbm>>
    tpu.enqueue_dma source(%dma_start3A_438 : memref<256x128xf32, #tpu.memory_space<hbm>>) target(%dma_start3A_436 : memref<256x128xf32, #tpu.memory_space<vmem>>) target_semaphore(%dma_start3A_432 : memref<!tpu.dma_semaphore, #tpu.memory_space<semaphore_mem>>)
    %dma_wait3A_439 = arith.constant 0 : i32
    %dma_wait3A_440 = arith.constant 1 : i32
    %dma_wait3A_441 = arith.constant 1 : i32
    %dma_wait3A_442 = arith.constant 0 : i32
    %dma_wait3A_443 = arith.constant 0 : i32
    %dma_wait3A_444 = tpu.memref_slice %arg4[%dma_wait3A_440, %dma_wait3A_442, %dma_wait3A_443] : memref<2x256x128xf32, #tpu.memory_space<vmem>> -> memref<1x256x128xf32, #tpu.memory_space<vmem>>
    %dma_wait3A_445 = tpu.memref_squeeze %dma_wait3A_444 : memref<1x256x128xf32, #tpu.memory_space<vmem>> -> memref<256x128xf32, #tpu.memory_space<vmem>>
    %dma_wait3A_446 = tpu.memref_slice %arg2[%dma_wait3A_439, %add3A_281, %mul3A_32] : memref<4x2048x2048xf32, #tpu.memory_space<hbm>> -> memref<1x256x128xf32, #tpu.memory_space<hbm>>
    %dma_wait3A_447 = tpu.memref_squeeze %dma_wait3A_446 : memref<1x256x128xf32, #tpu.memory_space<hbm>> -> memref<256x128xf32, #tpu.memory_space<hbm>>
    %dma_wait3A_448 = tpu.memref_slice %arg6[%dma_wait3A_441] : memref<2x!tpu.dma_semaphore, #tpu.memory_space<semaphore_mem>> -> memref<1x!tpu.dma_semaphore, #tpu.memory_space<semaphore_mem>>
    %dma_wait3A_449 = tpu.memref_squeeze %dma_wait3A_448 : memref<1x!tpu.dma_semaphore, #tpu.memory_space<semaphore_mem>> -> memref<!tpu.dma_semaphore, #tpu.memory_space<semaphore_mem>>
    %dma_wait3A_450 = arith.constant 0 : i32
    %dma_wait3A_451 = arith.constant 0 : i32
    %dma_wait3A_452 = tpu.memref_slice %arg4[%dma_wait3A_440, %dma_wait3A_450, %dma_wait3A_451] : memref<2x256x128xf32, #tpu.memory_space<vmem>> -> memref<1x256x128xf32, #tpu.memory_space<vmem>>
    %dma_wait3A_453 = tpu.memref_squeeze %dma_wait3A_452 : memref<1x256x128xf32, #tpu.memory_space<vmem>> -> memref<256x128xf32, #tpu.memory_space<vmem>>
    %dma_wait3A_454 = tpu.memref_slice %arg2[%dma_wait3A_439, %add3A_281, %mul3A_32] : memref<4x2048x2048xf32, #tpu.memory_space<hbm>> -> memref<1x256x128xf32, #tpu.memory_space<hbm>>
    %dma_wait3A_455 = tpu.memref_squeeze %dma_wait3A_454 : memref<1x256x128xf32, #tpu.memory_space<hbm>> -> memref<256x128xf32, #tpu.memory_space<hbm>>
    tpu.wait_dma2 semaphore(%dma_wait3A_449 : memref<!tpu.dma_semaphore, #tpu.memory_space<semaphore_mem>>) src(%dma_wait3A_455 : memref<256x128xf32, #tpu.memory_space<hbm>>) dst(%dma_wait3A_453 : memref<256x128xf32, #tpu.memory_space<vmem>>)
    %broadcast_in_dim3A_456 = arith.constant 0.000000e+00 : f32
    %broadcast_in_dim3A_457 = vector.broadcast %broadcast_in_dim3A_456 : f32 to vector<16xf32>
    %scan3A_458 = arith.constant 0 : i32
    %scan3A_459 = arith.constant 256 : i32
    %scan3A_460 = arith.addi %scan3A_458, %scan3A_459 : i32
    %scan3A_461 = arith.constant 1 : i32
    %scan3A_462:8 = scf.for %scan3A_2084 = %scan3A_458 to %scan3A_460 step %scan3A_461 iter_args(%scan3A_2085 = %broadcast_in_dim3A_457, %scan3A_2086 = %broadcast_in_dim3A_457, %scan3A_2087 = %broadcast_in_dim3A_457, %scan3A_2088 = %broadcast_in_dim3A_457, %scan3A_2089 = %broadcast_in_dim3A_457, %scan3A_2090 = %broadcast_in_dim3A_457, %scan3A_2091 = %broadcast_in_dim3A_457, %scan3A_2092 = %broadcast_in_dim3A_457) -> (vector<16xf32>, vector<16xf32>, vector<16xf32>, vector<16xf32>, vector<16xf32>, vector<16xf32>, vector<16xf32>, vector<16xf32>)  : i32 {
      %get3A_2093 = arith.constant 1 : i32
      %get3A_2094 = arith.index_cast %get3A_2093 : i32 to index
      %get3A_2095 = arith.index_cast %scan3A_2084 : i32 to index
      %get3A_2096 = arith.constant 0 : index
      %get3A_2097 = tpu.vector_load %arg4[%get3A_2094, %get3A_2095, %get3A_2096] {strides = array<i32>} : memref<2x256x128xf32, #tpu.memory_space<vmem>>, vector<1x1x16xf32>,
      %get3A_2098 = vector.shape_cast %get3A_2097 : vector<1x1x16xf32> to vector<16xf32>
      %add3A_2099 = arith.addf %scan3A_2085, %get3A_2098 : vector<16xf32>
      %get3A_2100 = arith.constant 1 : i32
      %get3A_2101 = arith.index_cast %get3A_2100 : i32 to index
      %get3A_2102 = arith.index_cast %scan3A_2084 : i32 to index
      %get3A_2103 = arith.constant 16 : index
      %get3A_2104 = tpu.vector_load %arg4[%get3A_2101, %get3A_2102, %get3A_2103] {strides = array<i32>} : memref<2x256x128xf32, #tpu.memory_space<vmem>>, vector<1x1x16xf32>,
      %get3A_2105 = vector.shape_cast %get3A_2104 : vector<1x1x16xf32> to vector<16xf32>
      %add3A_2106 = arith.addf %scan3A_2086, %get3A_2105 : vector<16xf32>
      %get3A_2107 = arith.constant 1 : i32
      %get3A_2108 = arith.index_cast %get3A_2107 : i32 to index
      %get3A_2109 = arith.index_cast %scan3A_2084 : i32 to index
      %get3A_2110 = arith.constant 32 : index
      %get3A_2111 = tpu.vector_load %arg4[%get3A_2108, %get3A_2109, %get3A_2110] {strides = array<i32>} : memref<2x256x128xf32, #tpu.memory_space<vmem>>, vector<1x1x16xf32>,
      %get3A_2112 = vector.shape_cast %get3A_2111 : vector<1x1x16xf32> to vector<16xf32>
      %add3A_2113 = arith.addf %scan3A_2087, %get3A_2112 : vector<16xf32>
      %get3A_2114 = arith.constant 1 : i32
      %get3A_2115 = arith.index_cast %get3A_2114 : i32 to index
      %get3A_2116 = arith.index_cast %scan3A_2084 : i32 to index
      %get3A_2117 = arith.constant 48 : index
      %get3A_2118 = tpu.vector_load %arg4[%get3A_2115, %get3A_2116, %get3A_2117] {strides = array<i32>} : memref<2x256x128xf32, #tpu.memory_space<vmem>>, vector<1x1x16xf32>,
      %get3A_2119 = vector.shape_cast %get3A_2118 : vector<1x1x16xf32> to vector<16xf32>
      %add3A_2120 = arith.addf %scan3A_2088, %get3A_2119 : vector<16xf32>
      %get3A_2121 = arith.constant 1 : i32
      %get3A_2122 = arith.index_cast %get3A_2121 : i32 to index
      %get3A_2123 = arith.index_cast %scan3A_2084 : i32 to index
      %get3A_2124 = arith.constant 64 : index
      %get3A_2125 = tpu.vector_load %arg4[%get3A_2122, %get3A_2123, %get3A_2124] {strides = array<i32>} : memref<2x256x128xf32, #tpu.memory_space<vmem>>, vector<1x1x16xf32>,
      %get3A_2126 = vector.shape_cast %get3A_2125 : vector<1x1x16xf32> to vector<16xf32>
      %add3A_2127 = arith.addf %scan3A_2089, %get3A_2126 : vector<16xf32>
      %get3A_2128 = arith.constant 1 : i32
      %get3A_2129 = arith.index_cast %get3A_2128 : i32 to index
      %get3A_2130 = arith.index_cast %scan3A_2084 : i32 to index
      %get3A_2131 = arith.constant 80 : index
      %get3A_2132 = tpu.vector_load %arg4[%get3A_2129, %get3A_2130, %get3A_2131] {strides = array<i32>} : memref<2x256x128xf32, #tpu.memory_space<vmem>>, vector<1x1x16xf32>,
      %get3A_2133 = vector.shape_cast %get3A_2132 : vector<1x1x16xf32> to vector<16xf32>
      %add3A_2134 = arith.addf %scan3A_2090, %get3A_2133 : vector<16xf32>
      %get3A_2135 = arith.constant 1 : i32
      %get3A_2136 = arith.index_cast %get3A_2135 : i32 to index
      %get3A_2137 = arith.index_cast %scan3A_2084 : i32 to index
      %get3A_2138 = arith.constant 96 : index
      %get3A_2139 = tpu.vector_load %arg4[%get3A_2136, %get3A_2137, %get3A_2138] {strides = array<i32>} : memref<2x256x128xf32, #tpu.memory_space<vmem>>, vector<1x1x16xf32>,
      %get3A_2140 = vector.shape_cast %get3A_2139 : vector<1x1x16xf32> to vector<16xf32>
      %add3A_2141 = arith.addf %scan3A_2091, %get3A_2140 : vector<16xf32>
      %get3A_2142 = arith.constant 1 : i32
      %get3A_2143 = arith.index_cast %get3A_2142 : i32 to index
      %get3A_2144 = arith.index_cast %scan3A_2084 : i32 to index
      %get3A_2145 = arith.constant 112 : index
      %get3A_2146 = tpu.vector_load %arg4[%get3A_2143, %get3A_2144, %get3A_2145] {strides = array<i32>} : memref<2x256x128xf32, #tpu.memory_space<vmem>>, vector<1x1x16xf32>,
      %get3A_2147 = vector.shape_cast %get3A_2146 : vector<1x1x16xf32> to vector<16xf32>
      %add3A_2148 = arith.addf %scan3A_2092, %get3A_2147 : vector<16xf32>
      scf.yield %add3A_2099, %add3A_2106, %add3A_2113, %add3A_2120, %add3A_2127, %add3A_2134, %add3A_2141, %add3A_2148 : vector<16xf32>, vector<16xf32>, vector<16xf32>, vector<16xf32>, vector<16xf32>, vector<16xf32>, vector<16xf32>, vector<16xf32>
    }
    %scan3A_463 = arith.constant 256 : i32
    %get3A_464 = arith.constant 0 : i32
    %get3A_465 = arith.index_cast %get3A_464 : i32 to index
    %get3A_466 = arith.constant 0 : index
    %get3A_467 = tpu.vector_load %arg5[%get3A_465, %get3A_466] {strides = array<i32>} : memref<4x128xf32, #tpu.memory_space<vmem>>, vector<1x16xf32>,
    %get3A_468 = vector.shape_cast %get3A_467 : vector<1x16xf32> to vector<16xf32>
    %add3A_469 = arith.addf %get3A_468, %scan3A_462#0 : vector<16xf32>
    %swap3A_470 = arith.constant 0 : i32
    %swap3A_471 = arith.index_cast %swap3A_470 : i32 to index
    %swap3A_472 = arith.constant 0 : index
    %swap3A_473 = tpu.vector_load %arg5[%swap3A_471, %swap3A_472] {strides = array<i32>} : memref<4x128xf32, #tpu.memory_space<vmem>>, vector<1x16xf32>,
    %swap3A_474 = vector.shape_cast %swap3A_473 : vector<1x16xf32> to vector<16xf32>
    %swap3A_475 = vector.shape_cast %add3A_469 : vector<16xf32> to vector<1x16xf32>
    tpu.vector_store %arg5[%swap3A_471, %swap3A_472], %swap3A_475 {strides = array<i32>} : memref<4x128xf32, #tpu.memory_space<vmem>>, vector<1x16xf32>,
    %get3A_476 = arith.constant 0 : i32
    %get3A_477 = arith.index_cast %get3A_476 : i32 to index
    %get3A_478 = arith.constant 16 : index
    %get3A_479 = tpu.vector_load %arg5[%get3A_477, %get3A_478] {strides = array<i32>} : memref<4x128xf32, #tpu.memory_space<vmem>>, vector<1x16xf32>,
    %get3A_480 = vector.shape_cast %get3A_479 : vector<1x16xf32> to vector<16xf32>
    %add3A_481 = arith.addf %get3A_480, %scan3A_462#1 : vector<16xf32>
    %swap3A_482 = arith.constant 0 : i32
    %swap3A_483 = arith.index_cast %swap3A_482 : i32 to index
    %swap3A_484 = arith.constant 16 : index
    %swap3A_485 = tpu.vector_load %arg5[%swap3A_483, %swap3A_484] {strides = array<i32>} : memref<4x128xf32, #tpu.memory_space<vmem>>, vector<1x16xf32>,
    %swap3A_486 = vector.shape_cast %swap3A_485 : vector<1x16xf32> to vector<16xf32>
    %swap3A_487 = vector.shape_cast %add3A_481 : vector<16xf32> to vector<1x16xf32>
    tpu.vector_store %arg5[%swap3A_483, %swap3A_484], %swap3A_487 {strides = array<i32>} : memref<4x128xf32, #tpu.memory_space<vmem>>, vector<1x16xf32>,
    %get3A_488 = arith.constant 0 : i32
    %get3A_489 = arith.index_cast %get3A_488 : i32 to index
    %get3A_490 = arith.constant 32 : index
    %get3A_491 = tpu.vector_load %arg5[%get3A_489, %get3A_490] {strides = array<i32>} : memref<4x128xf32, #tpu.memory_space<vmem>>, vector<1x16xf32>,
    %get3A_492 = vector.shape_cast %get3A_491 : vector<1x16xf32> to vector<16xf32>
    %add3A_493 = arith.addf %get3A_492, %scan3A_462#2 : vector<16xf32>
    %swap3A_494 = arith.constant 0 : i32
    %swap3A_495 = arith.index_cast %swap3A_494 : i32 to index
    %swap3A_496 = arith.constant 32 : index
    %swap3A_497 = tpu.vector_load %arg5[%swap3A_495, %swap3A_496] {strides = array<i32>} : memref<4x128xf32, #tpu.memory_space<vmem>>, vector<1x16xf32>,
    %swap3A_498 = vector.shape_cast %swap3A_497 : vector<1x16xf32> to vector<16xf32>
    %swap3A_499 = vector.shape_cast %add3A_493 : vector<16xf32> to vector<1x16xf32>
    tpu.vector_store %arg5[%swap3A_495, %swap3A_496], %swap3A_499 {strides = array<i32>} : memref<4x128xf32, #tpu.memory_space<vmem>>, vector<1x16xf32>,
    %get3A_500 = arith.constant 0 : i32
    %get3A_501 = arith.index_cast %get3A_500 : i32 to index
    %get3A_502 = arith.constant 48 : index
    %get3A_503 = tpu.vector_load %arg5[%get3A_501, %get3A_502] {strides = array<i32>} : memref<4x128xf32, #tpu.memory_space<vmem>>, vector<1x16xf32>,
    %get3A_504 = vector.shape_cast %get3A_503 : vector<1x16xf32> to vector<16xf32>
    %add3A_505 = arith.addf %get3A_504, %scan3A_462#3 : vector<16xf32>
    %swap3A_506 = arith.constant 0 : i32
    %swap3A_507 = arith.index_cast %swap3A_506 : i32 to index
    %swap3A_508 = arith.constant 48 : index
    %swap3A_509 = tpu.vector_load %arg5[%swap3A_507, %swap3A_508] {strides = array<i32>} : memref<4x128xf32, #tpu.memory_space<vmem>>, vector<1x16xf32>,
    %swap3A_510 = vector.shape_cast %swap3A_509 : vector<1x16xf32> to vector<16xf32>
    %swap3A_511 = vector.shape_cast %add3A_505 : vector<16xf32> to vector<1x16xf32>
    tpu.vector_store %arg5[%swap3A_507, %swap3A_508], %swap3A_511 {strides = array<i32>} : memref<4x128xf32, #tpu.memory_space<vmem>>, vector<1x16xf32>,
    %get3A_512 = arith.constant 0 : i32
    %get3A_513 = arith.index_cast %get3A_512 : i32 to index
    %get3A_514 = arith.constant 64 : index
    %get3A_515 = tpu.vector_load %arg5[%get3A_513, %get3A_514] {strides = array<i32>} : memref<4x128xf32, #tpu.memory_space<vmem>>, vector<1x16xf32>,
    %get3A_516 = vector.shape_cast %get3A_515 : vector<1x16xf32> to vector<16xf32>
    %add3A_517 = arith.addf %get3A_516, %scan3A_462#4 : vector<16xf32>
    %swap3A_518 = arith.constant 0 : i32
    %swap3A_519 = arith.index_cast %swap3A_518 : i32 to index
    %swap3A_520 = arith.constant 64 : index
    %swap3A_521 = tpu.vector_load %arg5[%swap3A_519, %swap3A_520] {strides = array<i32>} : memref<4x128xf32, #tpu.memory_space<vmem>>, vector<1x16xf32>,
    %swap3A_522 = vector.shape_cast %swap3A_521 : vector<1x16xf32> to vector<16xf32>
    %swap3A_523 = vector.shape_cast %add3A_517 : vector<16xf32> to vector<1x16xf32>
    tpu.vector_store %arg5[%swap3A_519, %swap3A_520], %swap3A_523 {strides = array<i32>} : memref<4x128xf32, #tpu.memory_space<vmem>>, vector<1x16xf32>,
    %get3A_524 = arith.constant 0 : i32
    %get3A_525 = arith.index_cast %get3A_524 : i32 to index
    %get3A_526 = arith.constant 80 : index
    %get3A_527 = tpu.vector_load %arg5[%get3A_525, %get3A_526] {strides = array<i32>} : memref<4x128xf32, #tpu.memory_space<vmem>>, vector<1x16xf32>,
    %get3A_528 = vector.shape_cast %get3A_527 : vector<1x16xf32> to vector<16xf32>
    %add3A_529 = arith.addf %get3A_528, %scan3A_462#5 : vector<16xf32>
    %swap3A_530 = arith.constant 0 : i32
    %swap3A_531 = arith.index_cast %swap3A_530 : i32 to index
    %swap3A_532 = arith.constant 80 : index
    %swap3A_533 = tpu.vector_load %arg5[%swap3A_531, %swap3A_532] {strides = array<i32>} : memref<4x128xf32, #tpu.memory_space<vmem>>, vector<1x16xf32>,
    %swap3A_534 = vector.shape_cast %swap3A_533 : vector<1x16xf32> to vector<16xf32>
    %swap3A_535 = vector.shape_cast %add3A_529 : vector<16xf32> to vector<1x16xf32>
    tpu.vector_store %arg5[%swap3A_531, %swap3A_532], %swap3A_535 {strides = array<i32>} : memref<4x128xf32, #tpu.memory_space<vmem>>, vector<1x16xf32>,
    %get3A_536 = arith.constant 0 : i32
    %get3A_537 = arith.index_cast %get3A_536 : i32 to index
    %get3A_538 = arith.constant 96 : index
    %get3A_539 = tpu.vector_load %arg5[%get3A_537, %get3A_538] {strides = array<i32>} : memref<4x128xf32, #tpu.memory_space<vmem>>, vector<1x16xf32>,
    %get3A_540 = vector.shape_cast %get3A_539 : vector<1x16xf32> to vector<16xf32>
    %add3A_541 = arith.addf %get3A_540, %scan3A_462#6 : vector<16xf32>
    %swap3A_542 = arith.constant 0 : i32
    %swap3A_543 = arith.index_cast %swap3A_542 : i32 to index
    %swap3A_544 = arith.constant 96 : index
    %swap3A_545 = tpu.vector_load %arg5[%swap3A_543, %swap3A_544] {strides = array<i32>} : memref<4x128xf32, #tpu.memory_space<vmem>>, vector<1x16xf32>,
    %swap3A_546 = vector.shape_cast %swap3A_545 : vector<1x16xf32> to vector<16xf32>
    %swap3A_547 = vector.shape_cast %add3A_541 : vector<16xf32> to vector<1x16xf32>
    tpu.vector_store %arg5[%swap3A_543, %swap3A_544], %swap3A_547 {strides = array<i32>} : memref<4x128xf32, #tpu.memory_space<vmem>>, vector<1x16xf32>,
    %get3A_548 = arith.constant 0 : i32
    %get3A_549 = arith.index_cast %get3A_548 : i32 to index
    %get3A_550 = arith.constant 112 : index
    %get3A_551 = tpu.vector_load %arg5[%get3A_549, %get3A_550] {strides = array<i32>} : memref<4x128xf32, #tpu.memory_space<vmem>>, vector<1x16xf32>,
    %get3A_552 = vector.shape_cast %get3A_551 : vector<1x16xf32> to vector<16xf32>
    %add3A_553 = arith.addf %get3A_552, %scan3A_462#7 : vector<16xf32>
    %swap3A_554 = arith.constant 0 : i32
    %swap3A_555 = arith.index_cast %swap3A_554 : i32 to index
    %swap3A_556 = arith.constant 112 : index
    %swap3A_557 = tpu.vector_load %arg5[%swap3A_555, %swap3A_556] {strides = array<i32>} : memref<4x128xf32, #tpu.memory_space<vmem>>, vector<1x16xf32>,
    %swap3A_558 = vector.shape_cast %swap3A_557 : vector<1x16xf32> to vector<16xf32>
    %swap3A_559 = vector.shape_cast %add3A_553 : vector<16xf32> to vector<1x16xf32>
    tpu.vector_store %arg5[%swap3A_555, %swap3A_556], %swap3A_559 {strides = array<i32>} : memref<4x128xf32, #tpu.memory_space<vmem>>, vector<1x16xf32>,
    %add3A_560 = arith.constant 256 : i32
    %add3A_561 = arith.addi %mul3A_34, %add3A_560 : i32
    %dma_start3A_562 = arith.constant 1 : i32
    %dma_start3A_563 = arith.constant 1 : i32
    %dma_start3A_564 = arith.constant 1 : i32
    %dma_start3A_565 = arith.constant 0 : i32
    %dma_start3A_566 = arith.constant 0 : i32
    %dma_start3A_567 = tpu.memref_slice %arg4[%dma_start3A_563, %dma_start3A_565, %dma_start3A_566] : memref<2x256x128xf32, #tpu.memory_space<vmem>> -> memref<1x256x128xf32, #tpu.memory_space<vmem>>
    %dma_start3A_568 = tpu.memref_squeeze %dma_start3A_567 : memref<1x256x128xf32, #tpu.memory_space<vmem>> -> memref<256x128xf32, #tpu.memory_space<vmem>>
    %dma_start3A_569 = tpu.memref_slice %arg2[%dma_start3A_562, %add3A_561, %mul3A_32] : memref<4x2048x2048xf32, #tpu.memory_space<hbm>> -> memref<1x256x128xf32, #tpu.memory_space<hbm>>
    %dma_start3A_570 = tpu.memref_squeeze %dma_start3A_569 : memref<1x256x128xf32, #tpu.memory_space<hbm>> -> memref<256x128xf32, #tpu.memory_space<hbm>>
    %dma_start3A_571 = tpu.memref_slice %arg6[%dma_start3A_564] : memref<2x!tpu.dma_semaphore, #tpu.memory_space<semaphore_mem>> -> memref<1x!tpu.dma_semaphore, #tpu.memory_space<semaphore_mem>>
    %dma_start3A_572 = tpu.memref_squeeze %dma_start3A_571 : memref<1x!tpu.dma_semaphore, #tpu.memory_space<semaphore_mem>> -> memref<!tpu.dma_semaphore, #tpu.memory_space<semaphore_mem>>
    %dma_start3A_573 = arith.constant 0 : i32
    %dma_start3A_574 = arith.constant 0 : i32
    %dma_start3A_575 = tpu.memref_slice %arg4[%dma_start3A_563, %dma_start3A_573, %dma_start3A_574] : memref<2x256x128xf32, #tpu.memory_space<vmem>> -> memref<1x256x128xf32, #tpu.memory_space<vmem>>
    %dma_start3A_576 = tpu.memref_squeeze %dma_start3A_575 : memref<1x256x128xf32, #tpu.memory_space<vmem>> -> memref<256x128xf32, #tpu.memory_space<vmem>>
    %dma_start3A_577 = tpu.memref_slice %arg2[%dma_start3A_562, %add3A_561, %mul3A_32] : memref<4x2048x2048xf32, #tpu.memory_space<hbm>> -> memref<1x256x128xf32, #tpu.memory_space<hbm>>
    %dma_start3A_578 = tpu.memref_squeeze %dma_start3A_577 : memref<1x256x128xf32, #tpu.memory_space<hbm>> -> memref<256x128xf32, #tpu.memory_space<hbm>>
    tpu.enqueue_dma source(%dma_start3A_578 : memref<256x128xf32, #tpu.memory_space<hbm>>) target(%dma_start3A_576 : memref<256x128xf32, #tpu.memory_space<vmem>>) target_semaphore(%dma_start3A_572 : memref<!tpu.dma_semaphore, #tpu.memory_space<semaphore_mem>>)
    %dma_wait3A_579 = arith.constant 1 : i32
    %dma_wait3A_580 = arith.constant 0 : i32
    %dma_wait3A_581 = arith.constant 0 : i32
    %dma_wait3A_582 = arith.constant 0 : i32
    %dma_wait3A_583 = arith.constant 0 : i32
    %dma_wait3A_584 = tpu.memref_slice %arg4[%dma_wait3A_580, %dma_wait3A_582, %dma_wait3A_583] : memref<2x256x128xf32, #tpu.memory_space<vmem>> -> memref<1x256x128xf32, #tpu.memory_space<vmem>>
    %dma_wait3A_585 = tpu.memref_squeeze %dma_wait3A_584 : memref<1x256x128xf32, #tpu.memory_space<vmem>> -> memref<256x128xf32, #tpu.memory_space<vmem>>
    %dma_wait3A_586 = tpu.memref_slice %arg2[%dma_wait3A_579, %add3A_421, %mul3A_32] : memref<4x2048x2048xf32, #tpu.memory_space<hbm>> -> memref<1x256x128xf32, #tpu.memory_space<hbm>>
    %dma_wait3A_587 = tpu.memref_squeeze %dma_wait3A_586 : memref<1x256x128xf32, #tpu.memory_space<hbm>> -> memref<256x128xf32, #tpu.memory_space<hbm>>
    %dma_wait3A_588 = tpu.memref_slice %arg6[%dma_wait3A_581] : memref<2x!tpu.dma_semaphore, #tpu.memory_space<semaphore_mem>> -> memref<1x!tpu.dma_semaphore, #tpu.memory_space<semaphore_mem>>
    %dma_wait3A_589 = tpu.memref_squeeze %dma_wait3A_588 : memref<1x!tpu.dma_semaphore, #tpu.memory_space<semaphore_mem>> -> memref<!tpu.dma_semaphore, #tpu.memory_space<semaphore_mem>>
    %dma_wait3A_590 = arith.constant 0 : i32
    %dma_wait3A_591 = arith.constant 0 : i32
    %dma_wait3A_592 = tpu.memref_slice %arg4[%dma_wait3A_580, %dma_wait3A_590, %dma_wait3A_591] : memref<2x256x128xf32, #tpu.memory_space<vmem>> -> memref<1x256x128xf32, #tpu.memory_space<vmem>>
    %dma_wait3A_593 = tpu.memref_squeeze %dma_wait3A_592 : memref<1x256x128xf32, #tpu.memory_space<vmem>> -> memref<256x128xf32, #tpu.memory_space<vmem>>
    %dma_wait3A_594 = tpu.memref_slice %arg2[%dma_wait3A_579, %add3A_421, %mul3A_32] : memref<4x2048x2048xf32, #tpu.memory_space<hbm>> -> memref<1x256x128xf32, #tpu.memory_space<hbm>>
    %dma_wait3A_595 = tpu.memref_squeeze %dma_wait3A_594 : memref<1x256x128xf32, #tpu.memory_space<hbm>> -> memref<256x128xf32, #tpu.memory_space<hbm>>
    tpu.wait_dma2 semaphore(%dma_wait3A_589 : memref<!tpu.dma_semaphore, #tpu.memory_space<semaphore_mem>>) src(%dma_wait3A_595 : memref<256x128xf32, #tpu.memory_space<hbm>>) dst(%dma_wait3A_593 : memref<256x128xf32, #tpu.memory_space<vmem>>)
    %broadcast_in_dim3A_596 = arith.constant 0.000000e+00 : f32
    %broadcast_in_dim3A_597 = vector.broadcast %broadcast_in_dim3A_596 : f32 to vector<16xf32>
    %scan3A_598 = arith.constant 0 : i32
    %scan3A_599 = arith.constant 256 : i32
    %scan3A_600 = arith.addi %scan3A_598, %scan3A_599 : i32
    %scan3A_601 = arith.constant 1 : i32
    %scan3A_602:8 = scf.for %scan3A_2084 = %scan3A_598 to %scan3A_600 step %scan3A_601 iter_args(%scan3A_2085 = %broadcast_in_dim3A_597, %scan3A_2086 = %broadcast_in_dim3A_597, %scan3A_2087 = %broadcast_in_dim3A_597, %scan3A_2088 = %broadcast_in_dim3A_597, %scan3A_2089 = %broadcast_in_dim3A_597, %scan3A_2090 = %broadcast_in_dim3A_597, %scan3A_2091 = %broadcast_in_dim3A_597, %scan3A_2092 = %broadcast_in_dim3A_597) -> (vector<16xf32>, vector<16xf32>, vector<16xf32>, vector<16xf32>, vector<16xf32>, vector<16xf32>, vector<16xf32>, vector<16xf32>)  : i32 {
      %get3A_2093 = arith.constant 0 : i32
      %get3A_2094 = arith.index_cast %get3A_2093 : i32 to index
      %get3A_2095 = arith.index_cast %scan3A_2084 : i32 to index
      %get3A_2096 = arith.constant 0 : index
      %get3A_2097 = tpu.vector_load %arg4[%get3A_2094, %get3A_2095, %get3A_2096] {strides = array<i32>} : memref<2x256x128xf32, #tpu.memory_space<vmem>>, vector<1x1x16xf32>,
      %get3A_2098 = vector.shape_cast %get3A_2097 : vector<1x1x16xf32> to vector<16xf32>
      %add3A_2099 = arith.addf %scan3A_2085, %get3A_2098 : vector<16xf32>
      %get3A_2100 = arith.constant 0 : i32
      %get3A_2101 = arith.index_cast %get3A_2100 : i32 to index
      %get3A_2102 = arith.index_cast %scan3A_2084 : i32 to index
      %get3A_2103 = arith.constant 16 : index
      %get3A_2104 = tpu.vector_load %arg4[%get3A_2101, %get3A_2102, %get3A_2103] {strides = array<i32>} : memref<2x256x128xf32, #tpu.memory_space<vmem>>, vector<1x1x16xf32>,
      %get3A_2105 = vector.shape_cast %get3A_2104 : vector<1x1x16xf32> to vector<16xf32>
      %add3A_2106 = arith.addf %scan3A_2086, %get3A_2105 : vector<16xf32>
      %get3A_2107 = arith.constant 0 : i32
      %get3A_2108 = arith.index_cast %get3A_2107 : i32 to index
      %get3A_2109 = arith.index_cast %scan3A_2084 : i32 to index
      %get3A_2110 = arith.constant 32 : index
      %get3A_2111 = tpu.vector_load %arg4[%get3A_2108, %get3A_2109, %get3A_2110] {strides = array<i32>} : memref<2x256x128xf32, #tpu.memory_space<vmem>>, vector<1x1x16xf32>,
      %get3A_2112 = vector.shape_cast %get3A_2111 : vector<1x1x16xf32> to vector<16xf32>
      %add3A_2113 = arith.addf %scan3A_2087, %get3A_2112 : vector<16xf32>
      %get3A_2114 = arith.constant 0 : i32
      %get3A_2115 = arith.index_cast %get3A_2114 : i32 to index
      %get3A_2116 = arith.index_cast %scan3A_2084 : i32 to index
      %get3A_2117 = arith.constant 48 : index
      %get3A_2118 = tpu.vector_load %arg4[%get3A_2115, %get3A_2116, %get3A_2117] {strides = array<i32>} : memref<2x256x128xf32, #tpu.memory_space<vmem>>, vector<1x1x16xf32>,
      %get3A_2119 = vector.shape_cast %get3A_2118 : vector<1x1x16xf32> to vector<16xf32>
      %add3A_2120 = arith.addf %scan3A_2088, %get3A_2119 : vector<16xf32>
      %get3A_2121 = arith.constant 0 : i32
      %get3A_2122 = arith.index_cast %get3A_2121 : i32 to index
      %get3A_2123 = arith.index_cast %scan3A_2084 : i32 to index
      %get3A_2124 = arith.constant 64 : index
      %get3A_2125 = tpu.vector_load %arg4[%get3A_2122, %get3A_2123, %get3A_2124] {strides = array<i32>} : memref<2x256x128xf32, #tpu.memory_space<vmem>>, vector<1x1x16xf32>,
      %get3A_2126 = vector.shape_cast %get3A_2125 : vector<1x1x16xf32> to vector<16xf32>
      %add3A_2127 = arith.addf %scan3A_2089, %get3A_2126 : vector<16xf32>
      %get3A_2128 = arith.constant 0 : i32
      %get3A_2129 = arith.index_cast %get3A_2128 : i32 to index
      %get3A_2130 = arith.index_cast %scan3A_2084 : i32 to index
      %get3A_2131 = arith.constant 80 : index
      %get3A_2132 = tpu.vector_load %arg4[%get3A_2129, %get3A_2130, %get3A_2131] {strides = array<i32>} : memref<2x256x128xf32, #tpu.memory_space<vmem>>, vector<1x1x16xf32>,
      %get3A_2133 = vector.shape_cast %get3A_2132 : vector<1x1x16xf32> to vector<16xf32>
      %add3A_2134 = arith.addf %scan3A_2090, %get3A_2133 : vector<16xf32>
      %get3A_2135 = arith.constant 0 : i32
      %get3A_2136 = arith.index_cast %get3A_2135 : i32 to index
      %get3A_2137 = arith.index_cast %scan3A_2084 : i32 to index
      %get3A_2138 = arith.constant 96 : index
      %get3A_2139 = tpu.vector_load %arg4[%get3A_2136, %get3A_2137, %get3A_2138] {strides = array<i32>} : memref<2x256x128xf32, #tpu.memory_space<vmem>>, vector<1x1x16xf32>,
      %get3A_2140 = vector.shape_cast %get3A_2139 : vector<1x1x16xf32> to vector<16xf32>
      %add3A_2141 = arith.addf %scan3A_2091, %get3A_2140 : vector<16xf32>
      %get3A_2142 = arith.constant 0 : i32
      %get3A_2143 = arith.index_cast %get3A_2142 : i32 to index
      %get3A_2144 = arith.index_cast %scan3A_2084 : i32 to index
      %get3A_2145 = arith.constant 112 : index
      %get3A_2146 = tpu.vector_load %arg4[%get3A_2143, %get3A_2144, %get3A_2145] {strides = array<i32>} : memref<2x256x128xf32, #tpu.memory_space<vmem>>, vector<1x1x16xf32>,
      %get3A_2147 = vector.shape_cast %get3A_2146 : vector<1x1x16xf32> to vector<16xf32>
      %add3A_2148 = arith.addf %scan3A_2092, %get3A_2147 : vector<16xf32>
      scf.yield %add3A_2099, %add3A_2106, %add3A_2113, %add3A_2120, %add3A_2127, %add3A_2134, %add3A_2141, %add3A_2148 : vector<16xf32>, vector<16xf32>, vector<16xf32>, vector<16xf32>, vector<16xf32>, vector<16xf32>, vector<16xf32>, vector<16xf32>
    }
    %scan3A_603 = arith.constant 256 : i32
    %swap3A_604 = arith.constant 1 : i32
    %swap3A_605 = arith.index_cast %swap3A_604 : i32 to index
    %swap3A_606 = arith.constant 0 : index
    %swap3A_607 = tpu.vector_load %arg5[%swap3A_605, %swap3A_606] {strides = array<i32>} : memref<4x128xf32, #tpu.memory_space<vmem>>, vector<1x16xf32>,
    %swap3A_608 = vector.shape_cast %swap3A_607 : vector<1x16xf32> to vector<16xf32>
    %swap3A_609 = vector.shape_cast %scan3A_602#0 : vector<16xf32> to vector<1x16xf32>
    tpu.vector_store %arg5[%swap3A_605, %swap3A_606], %swap3A_609 {strides = array<i32>} : memref<4x128xf32, #tpu.memory_space<vmem>>, vector<1x16xf32>,
    %swap3A_610 = arith.constant 1 : i32
    %swap3A_611 = arith.index_cast %swap3A_610 : i32 to index
    %swap3A_612 = arith.constant 16 : index
    %swap3A_613 = tpu.vector_load %arg5[%swap3A_611, %swap3A_612] {strides = array<i32>} : memref<4x128xf32, #tpu.memory_space<vmem>>, vector<1x16xf32>,
    %swap3A_614 = vector.shape_cast %swap3A_613 : vector<1x16xf32> to vector<16xf32>
    %swap3A_615 = vector.shape_cast %scan3A_602#1 : vector<16xf32> to vector<1x16xf32>
    tpu.vector_store %arg5[%swap3A_611, %swap3A_612], %swap3A_615 {strides = array<i32>} : memref<4x128xf32, #tpu.memory_space<vmem>>, vector<1x16xf32>,
    %swap3A_616 = arith.constant 1 : i32
    %swap3A_617 = arith.index_cast %swap3A_616 : i32 to index
    %swap3A_618 = arith.constant 32 : index
    %swap3A_619 = tpu.vector_load %arg5[%swap3A_617, %swap3A_618] {strides = array<i32>} : memref<4x128xf32, #tpu.memory_space<vmem>>, vector<1x16xf32>,
    %swap3A_620 = vector.shape_cast %swap3A_619 : vector<1x16xf32> to vector<16xf32>
    %swap3A_621 = vector.shape_cast %scan3A_602#2 : vector<16xf32> to vector<1x16xf32>
    tpu.vector_store %arg5[%swap3A_617, %swap3A_618], %swap3A_621 {strides = array<i32>} : memref<4x128xf32, #tpu.memory_space<vmem>>, vector<1x16xf32>,
    %swap3A_622 = arith.constant 1 : i32
    %swap3A_623 = arith.index_cast %swap3A_622 : i32 to index
    %swap3A_624 = arith.constant 48 : index
    %swap3A_625 = tpu.vector_load %arg5[%swap3A_623, %swap3A_624] {strides = array<i32>} : memref<4x128xf32, #tpu.memory_space<vmem>>, vector<1x16xf32>,
    %swap3A_626 = vector.shape_cast %swap3A_625 : vector<1x16xf32> to vector<16xf32>
    %swap3A_627 = vector.shape_cast %scan3A_602#3 : vector<16xf32> to vector<1x16xf32>
    tpu.vector_store %arg5[%swap3A_623, %swap3A_624], %swap3A_627 {strides = array<i32>} : memref<4x128xf32, #tpu.memory_space<vmem>>, vector<1x16xf32>,
    %swap3A_628 = arith.constant 1 : i32
    %swap3A_629 = arith.index_cast %swap3A_628 : i32 to index
    %swap3A_630 = arith.constant 64 : index
    %swap3A_631 = tpu.vector_load %arg5[%swap3A_629, %swap3A_630] {strides = array<i32>} : memref<4x128xf32, #tpu.memory_space<vmem>>, vector<1x16xf32>,
    %swap3A_632 = vector.shape_cast %swap3A_631 : vector<1x16xf32> to vector<16xf32>
    %swap3A_633 = vector.shape_cast %scan3A_602#4 : vector<16xf32> to vector<1x16xf32>
    tpu.vector_store %arg5[%swap3A_629, %swap3A_630], %swap3A_633 {strides = array<i32>} : memref<4x128xf32, #tpu.memory_space<vmem>>, vector<1x16xf32>,
    %swap3A_634 = arith.constant 1 : i32
    %swap3A_635 = arith.index_cast %swap3A_634 : i32 to index
    %swap3A_636 = arith.constant 80 : index
    %swap3A_637 = tpu.vector_load %arg5[%swap3A_635, %swap3A_636] {strides = array<i32>} : memref<4x128xf32, #tpu.memory_space<vmem>>, vector<1x16xf32>,
    %swap3A_638 = vector.shape_cast %swap3A_637 : vector<1x16xf32> to vector<16xf32>
    %swap3A_639 = vector.shape_cast %scan3A_602#5 : vector<16xf32> to vector<1x16xf32>
    tpu.vector_store %arg5[%swap3A_635, %swap3A_636], %swap3A_639 {strides = array<i32>} : memref<4x128xf32, #tpu.memory_space<vmem>>, vector<1x16xf32>,
    %swap3A_640 = arith.constant 1 : i32
    %swap3A_641 = arith.index_cast %swap3A_640 : i32 to index
    %swap3A_642 = arith.constant 96 : index
    %swap3A_643 = tpu.vector_load %arg5[%swap3A_641, %swap3A_642] {strides = array<i32>} : memref<4x128xf32, #tpu.memory_space<vmem>>, vector<1x16xf32>,
    %swap3A_644 = vector.shape_cast %swap3A_643 : vector<1x16xf32> to vector<16xf32>
    %swap3A_645 = vector.shape_cast %scan3A_602#6 : vector<16xf32> to vector<1x16xf32>
    tpu.vector_store %arg5[%swap3A_641, %swap3A_642], %swap3A_645 {strides = array<i32>} : memref<4x128xf32, #tpu.memory_space<vmem>>, vector<1x16xf32>,
    %swap3A_646 = arith.constant 1 : i32
    %swap3A_647 = arith.index_cast %swap3A_646 : i32 to index
    %swap3A_648 = arith.constant 112 : index
    %swap3A_649 = tpu.vector_load %arg5[%swap3A_647, %swap3A_648] {strides = array<i32>} : memref<4x128xf32, #tpu.memory_space<vmem>>, vector<1x16xf32>,
    %swap3A_650 = vector.shape_cast %swap3A_649 : vector<1x16xf32> to vector<16xf32>
    %swap3A_651 = vector.shape_cast %scan3A_602#7 : vector<16xf32> to vector<1x16xf32>
    tpu.vector_store %arg5[%swap3A_647, %swap3A_648], %swap3A_651 {strides = array<i32>} : memref<4x128xf32, #tpu.memory_space<vmem>>, vector<1x16xf32>,
    %add3A_652 = arith.constant 512 : i32
    %add3A_653 = arith.addi %mul3A_34, %add3A_652 : i32
    %dma_start3A_654 = arith.constant 1 : i32
    %dma_start3A_655 = arith.constant 0 : i32
    %dma_start3A_656 = arith.constant 0 : i32
    %dma_start3A_657 = arith.constant 0 : i32
    %dma_start3A_658 = arith.constant 0 : i32
    %dma_start3A_659 = tpu.memref_slice %arg4[%dma_start3A_655, %dma_start3A_657, %dma_start3A_658] : memref<2x256x128xf32, #tpu.memory_space<vmem>> -> memref<1x256x128xf32, #tpu.memory_space<vmem>>
    %dma_start3A_660 = tpu.memref_squeeze %dma_start3A_659 : memref<1x256x128xf32, #tpu.memory_space<vmem>> -> memref<256x128xf32, #tpu.memory_space<vmem>>
    %dma_start3A_661 = tpu.memref_slice %arg2[%dma_start3A_654, %add3A_653, %mul3A_32] : memref<4x2048x2048xf32, #tpu.memory_space<hbm>> -> memref<1x256x128xf32, #tpu.memory_space<hbm>>
    %dma_start3A_662 = tpu.memref_squeeze %dma_start3A_661 : memref<1x256x128xf32, #tpu.memory_space<hbm>> -> memref<256x128xf32, #tpu.memory_space<hbm>>
    %dma_start3A_663 = tpu.memref_slice %arg6[%dma_start3A_656] : memref<2x!tpu.dma_semaphore, #tpu.memory_space<semaphore_mem>> -> memref<1x!tpu.dma_semaphore, #tpu.memory_space<semaphore_mem>>
    %dma_start3A_664 = tpu.memref_squeeze %dma_start3A_663 : memref<1x!tpu.dma_semaphore, #tpu.memory_space<semaphore_mem>> -> memref<!tpu.dma_semaphore, #tpu.memory_space<semaphore_mem>>
    %dma_start3A_665 = arith.constant 0 : i32
    %dma_start3A_666 = arith.constant 0 : i32
    %dma_start3A_667 = tpu.memref_slice %arg4[%dma_start3A_655, %dma_start3A_665, %dma_start3A_666] : memref<2x256x128xf32, #tpu.memory_space<vmem>> -> memref<1x256x128xf32, #tpu.memory_space<vmem>>
    %dma_start3A_668 = tpu.memref_squeeze %dma_start3A_667 : memref<1x256x128xf32, #tpu.memory_space<vmem>> -> memref<256x128xf32, #tpu.memory_space<vmem>>
    %dma_start3A_669 = tpu.memref_slice %arg2[%dma_start3A_654, %add3A_653, %mul3A_32] : memref<4x2048x2048xf32, #tpu.memory_space<hbm>> -> memref<1x256x128xf32, #tpu.memory_space<hbm>>
    %dma_start3A_670 = tpu.memref_squeeze %dma_start3A_669 : memref<1x256x128xf32, #tpu.memory_space<hbm>> -> memref<256x128xf32, #tpu.memory_space<hbm>>
    tpu.enqueue_dma source(%dma_start3A_670 : memref<256x128xf32, #tpu.memory_space<hbm>>) target(%dma_start3A_668 : memref<256x128xf32, #tpu.memory_space<vmem>>) target_semaphore(%dma_start3A_664 : memref<!tpu.dma_semaphore, #tpu.memory_space<semaphore_mem>>)
    %dma_wait3A_671 = arith.constant 1 : i32
    %dma_wait3A_672 = arith.constant 1 : i32
    %dma_wait3A_673 = arith.constant 1 : i32
    %dma_wait3A_674 = arith.constant 0 : i32
    %dma_wait3A_675 = arith.constant 0 : i32
    %dma_wait3A_676 = tpu.memref_slice %arg4[%dma_wait3A_672, %dma_wait3A_674, %dma_wait3A_675] : memref<2x256x128xf32, #tpu.memory_space<vmem>> -> memref<1x256x128xf32, #tpu.memory_space<vmem>>
    %dma_wait3A_677 = tpu.memref_squeeze %dma_wait3A_676 : memref<1x256x128xf32, #tpu.memory_space<vmem>> -> memref<256x128xf32, #tpu.memory_space<vmem>>
    %dma_wait3A_678 = tpu.memref_slice %arg2[%dma_wait3A_671, %add3A_561, %mul3A_32] : memref<4x2048x2048xf32, #tpu.memory_space<hbm>> -> memref<1x256x128xf32, #tpu.memory_space<hbm>>
    %dma_wait3A_679 = tpu.memref_squeeze %dma_wait3A_678 : memref<1x256x128xf32, #tpu.memory_space<hbm>> -> memref<256x128xf32, #tpu.memory_space<hbm>>
    %dma_wait3A_680 = tpu.memref_slice %arg6[%dma_wait3A_673] : memref<2x!tpu.dma_semaphore, #tpu.memory_space<semaphore_mem>> -> memref<1x!tpu.dma_semaphore, #tpu.memory_space<semaphore_mem>>
    %dma_wait3A_681 = tpu.memref_squeeze %dma_wait3A_680 : memref<1x!tpu.dma_semaphore, #tpu.memory_space<semaphore_mem>> -> memref<!tpu.dma_semaphore, #tpu.memory_space<semaphore_mem>>
    %dma_wait3A_682 = arith.constant 0 : i32
    %dma_wait3A_683 = arith.constant 0 : i32
    %dma_wait3A_684 = tpu.memref_slice %arg4[%dma_wait3A_672, %dma_wait3A_682, %dma_wait3A_683] : memref<2x256x128xf32, #tpu.memory_space<vmem>> -> memref<1x256x128xf32, #tpu.memory_space<vmem>>
    %dma_wait3A_685 = tpu.memref_squeeze %dma_wait3A_684 : memref<1x256x128xf32, #tpu.memory_space<vmem>> -> memref<256x128xf32, #tpu.memory_space<vmem>>
    %dma_wait3A_686 = tpu.memref_slice %arg2[%dma_wait3A_671, %add3A_561, %mul3A_32] : memref<4x2048x2048xf32, #tpu.memory_space<hbm>> -> memref<1x256x128xf32, #tpu.memory_space<hbm>>
    %dma_wait3A_687 = tpu.memref_squeeze %dma_wait3A_686 : memref<1x256x128xf32, #tpu.memory_space<hbm>> -> memref<256x128xf32, #tpu.memory_space<hbm>>
    tpu.wait_dma2 semaphore(%dma_wait3A_681 : memref<!tpu.dma_semaphore, #tpu.memory_space<semaphore_mem>>) src(%dma_wait3A_687 : memref<256x128xf32, #tpu.memory_space<hbm>>) dst(%dma_wait3A_685 : memref<256x128xf32, #tpu.memory_space<vmem>>)
    %broadcast_in_dim3A_688 = arith.constant 0.000000e+00 : f32
    %broadcast_in_dim3A_689 = vector.broadcast %broadcast_in_dim3A_688 : f32 to vector<16xf32>
    %scan3A_690 = arith.constant 0 : i32
    %scan3A_691 = arith.constant 256 : i32
    %scan3A_692 = arith.addi %scan3A_690, %scan3A_691 : i32
    %scan3A_693 = arith.constant 1 : i32
    %scan3A_694:8 = scf.for %scan3A_2084 = %scan3A_690 to %scan3A_692 step %scan3A_693 iter_args(%scan3A_2085 = %broadcast_in_dim3A_689, %scan3A_2086 = %broadcast_in_dim3A_689, %scan3A_2087 = %broadcast_in_dim3A_689, %scan3A_2088 = %broadcast_in_dim3A_689, %scan3A_2089 = %broadcast_in_dim3A_689, %scan3A_2090 = %broadcast_in_dim3A_689, %scan3A_2091 = %broadcast_in_dim3A_689, %scan3A_2092 = %broadcast_in_dim3A_689) -> (vector<16xf32>, vector<16xf32>, vector<16xf32>, vector<16xf32>, vector<16xf32>, vector<16xf32>, vector<16xf32>, vector<16xf32>)  : i32 {
      %get3A_2093 = arith.constant 1 : i32
      %get3A_2094 = arith.index_cast %get3A_2093 : i32 to index
      %get3A_2095 = arith.index_cast %scan3A_2084 : i32 to index
      %get3A_2096 = arith.constant 0 : index
      %get3A_2097 = tpu.vector_load %arg4[%get3A_2094, %get3A_2095, %get3A_2096] {strides = array<i32>} : memref<2x256x128xf32, #tpu.memory_space<vmem>>, vector<1x1x16xf32>,
      %get3A_2098 = vector.shape_cast %get3A_2097 : vector<1x1x16xf32> to vector<16xf32>
      %add3A_2099 = arith.addf %scan3A_2085, %get3A_2098 : vector<16xf32>
      %get3A_2100 = arith.constant 1 : i32
      %get3A_2101 = arith.index_cast %get3A_2100 : i32 to index
      %get3A_2102 = arith.index_cast %scan3A_2084 : i32 to index
      %get3A_2103 = arith.constant 16 : index
      %get3A_2104 = tpu.vector_load %arg4[%get3A_2101, %get3A_2102, %get3A_2103] {strides = array<i32>} : memref<2x256x128xf32, #tpu.memory_space<vmem>>, vector<1x1x16xf32>,
      %get3A_2105 = vector.shape_cast %get3A_2104 : vector<1x1x16xf32> to vector<16xf32>
      %add3A_2106 = arith.addf %scan3A_2086, %get3A_2105 : vector<16xf32>
      %get3A_2107 = arith.constant 1 : i32
      %get3A_2108 = arith.index_cast %get3A_2107 : i32 to index
      %get3A_2109 = arith.index_cast %scan3A_2084 : i32 to index
      %get3A_2110 = arith.constant 32 : index
      %get3A_2111 = tpu.vector_load %arg4[%get3A_2108, %get3A_2109, %get3A_2110] {strides = array<i32>} : memref<2x256x128xf32, #tpu.memory_space<vmem>>, vector<1x1x16xf32>,
      %get3A_2112 = vector.shape_cast %get3A_2111 : vector<1x1x16xf32> to vector<16xf32>
      %add3A_2113 = arith.addf %scan3A_2087, %get3A_2112 : vector<16xf32>
      %get3A_2114 = arith.constant 1 : i32
      %get3A_2115 = arith.index_cast %get3A_2114 : i32 to index
      %get3A_2116 = arith.index_cast %scan3A_2084 : i32 to index
      %get3A_2117 = arith.constant 48 : index
      %get3A_2118 = tpu.vector_load %arg4[%get3A_2115, %get3A_2116, %get3A_2117] {strides = array<i32>} : memref<2x256x128xf32, #tpu.memory_space<vmem>>, vector<1x1x16xf32>,
      %get3A_2119 = vector.shape_cast %get3A_2118 : vector<1x1x16xf32> to vector<16xf32>
      %add3A_2120 = arith.addf %scan3A_2088, %get3A_2119 : vector<16xf32>
      %get3A_2121 = arith.constant 1 : i32
      %get3A_2122 = arith.index_cast %get3A_2121 : i32 to index
      %get3A_2123 = arith.index_cast %scan3A_2084 : i32 to index
      %get3A_2124 = arith.constant 64 : index
      %get3A_2125 = tpu.vector_load %arg4[%get3A_2122, %get3A_2123, %get3A_2124] {strides = array<i32>} : memref<2x256x128xf32, #tpu.memory_space<vmem>>, vector<1x1x16xf32>,
      %get3A_2126 = vector.shape_cast %get3A_2125 : vector<1x1x16xf32> to vector<16xf32>
      %add3A_2127 = arith.addf %scan3A_2089, %get3A_2126 : vector<16xf32>
      %get3A_2128 = arith.constant 1 : i32
      %get3A_2129 = arith.index_cast %get3A_2128 : i32 to index
      %get3A_2130 = arith.index_cast %scan3A_2084 : i32 to index
      %get3A_2131 = arith.constant 80 : index
      %get3A_2132 = tpu.vector_load %arg4[%get3A_2129, %get3A_2130, %get3A_2131] {strides = array<i32>} : memref<2x256x128xf32, #tpu.memory_space<vmem>>, vector<1x1x16xf32>,
      %get3A_2133 = vector.shape_cast %get3A_2132 : vector<1x1x16xf32> to vector<16xf32>
      %add3A_2134 = arith.addf %scan3A_2090, %get3A_2133 : vector<16xf32>
      %get3A_2135 = arith.constant 1 : i32
      %get3A_2136 = arith.index_cast %get3A_2135 : i32 to index
      %get3A_2137 = arith.index_cast %scan3A_2084 : i32 to index
      %get3A_2138 = arith.constant 96 : index
      %get3A_2139 = tpu.vector_load %arg4[%get3A_2136, %get3A_2137, %get3A_2138] {strides = array<i32>} : memref<2x256x128xf32, #tpu.memory_space<vmem>>, vector<1x1x16xf32>,
      %get3A_2140 = vector.shape_cast %get3A_2139 : vector<1x1x16xf32> to vector<16xf32>
      %add3A_2141 = arith.addf %scan3A_2091, %get3A_2140 : vector<16xf32>
      %get3A_2142 = arith.constant 1 : i32
      %get3A_2143 = arith.index_cast %get3A_2142 : i32 to index
      %get3A_2144 = arith.index_cast %scan3A_2084 : i32 to index
      %get3A_2145 = arith.constant 112 : index
      %get3A_2146 = tpu.vector_load %arg4[%get3A_2143, %get3A_2144, %get3A_2145] {strides = array<i32>} : memref<2x256x128xf32, #tpu.memory_space<vmem>>, vector<1x1x16xf32>,
      %get3A_2147 = vector.shape_cast %get3A_2146 : vector<1x1x16xf32> to vector<16xf32>
      %add3A_2148 = arith.addf %scan3A_2092, %get3A_2147 : vector<16xf32>
      scf.yield %add3A_2099, %add3A_2106, %add3A_2113, %add3A_2120, %add3A_2127, %add3A_2134, %add3A_2141, %add3A_2148 : vector<16xf32>, vector<16xf32>, vector<16xf32>, vector<16xf32>, vector<16xf32>, vector<16xf32>, vector<16xf32>, vector<16xf32>
    }
    %scan3A_695 = arith.constant 256 : i32
    %get3A_696 = arith.constant 1 : i32
    %get3A_697 = arith.index_cast %get3A_696 : i32 to index
    %get3A_698 = arith.constant 0 : index
    %get3A_699 = tpu.vector_load %arg5[%get3A_697, %get3A_698] {strides = array<i32>} : memref<4x128xf32, #tpu.memory_space<vmem>>, vector<1x16xf32>,
    %get3A_700 = vector.shape_cast %get3A_699 : vector<1x16xf32> to vector<16xf32>
    %add3A_701 = arith.addf %get3A_700, %scan3A_694#0 : vector<16xf32>
    %swap3A_702 = arith.constant 1 : i32
    %swap3A_703 = arith.index_cast %swap3A_702 : i32 to index
    %swap3A_704 = arith.constant 0 : index
    %swap3A_705 = tpu.vector_load %arg5[%swap3A_703, %swap3A_704] {strides = array<i32>} : memref<4x128xf32, #tpu.memory_space<vmem>>, vector<1x16xf32>,
    %swap3A_706 = vector.shape_cast %swap3A_705 : vector<1x16xf32> to vector<16xf32>
    %swap3A_707 = vector.shape_cast %add3A_701 : vector<16xf32> to vector<1x16xf32>
    tpu.vector_store %arg5[%swap3A_703, %swap3A_704], %swap3A_707 {strides = array<i32>} : memref<4x128xf32, #tpu.memory_space<vmem>>, vector<1x16xf32>,
    %get3A_708 = arith.constant 1 : i32
    %get3A_709 = arith.index_cast %get3A_708 : i32 to index
    %get3A_710 = arith.constant 16 : index
    %get3A_711 = tpu.vector_load %arg5[%get3A_709, %get3A_710] {strides = array<i32>} : memref<4x128xf32, #tpu.memory_space<vmem>>, vector<1x16xf32>,
    %get3A_712 = vector.shape_cast %get3A_711 : vector<1x16xf32> to vector<16xf32>
    %add3A_713 = arith.addf %get3A_712, %scan3A_694#1 : vector<16xf32>
    %swap3A_714 = arith.constant 1 : i32
    %swap3A_715 = arith.index_cast %swap3A_714 : i32 to index
    %swap3A_716 = arith.constant 16 : index
    %swap3A_717 = tpu.vector_load %arg5[%swap3A_715, %swap3A_716] {strides = array<i32>} : memref<4x128xf32, #tpu.memory_space<vmem>>, vector<1x16xf32>,
    %swap3A_718 = vector.shape_cast %swap3A_717 : vector<1x16xf32> to vector<16xf32>
    %swap3A_719 = vector.shape_cast %add3A_713 : vector<16xf32> to vector<1x16xf32>
    tpu.vector_store %arg5[%swap3A_715, %swap3A_716], %swap3A_719 {strides = array<i32>} : memref<4x128xf32, #tpu.memory_space<vmem>>, vector<1x16xf32>,
    %get3A_720 = arith.constant 1 : i32
    %get3A_721 = arith.index_cast %get3A_720 : i32 to index
    %get3A_722 = arith.constant 32 : index
    %get3A_723 = tpu.vector_load %arg5[%get3A_721, %get3A_722] {strides = array<i32>} : memref<4x128xf32, #tpu.memory_space<vmem>>, vector<1x16xf32>,
    %get3A_724 = vector.shape_cast %get3A_723 : vector<1x16xf32> to vector<16xf32>
    %add3A_725 = arith.addf %get3A_724, %scan3A_694#2 : vector<16xf32>
    %swap3A_726 = arith.constant 1 : i32
    %swap3A_727 = arith.index_cast %swap3A_726 : i32 to index
    %swap3A_728 = arith.constant 32 : index
    %swap3A_729 = tpu.vector_load %arg5[%swap3A_727, %swap3A_728] {strides = array<i32>} : memref<4x128xf32, #tpu.memory_space<vmem>>, vector<1x16xf32>,
    %swap3A_730 = vector.shape_cast %swap3A_729 : vector<1x16xf32> to vector<16xf32>
    %swap3A_731 = vector.shape_cast %add3A_725 : vector<16xf32> to vector<1x16xf32>
    tpu.vector_store %arg5[%swap3A_727, %swap3A_728], %swap3A_731 {strides = array<i32>} : memref<4x128xf32, #tpu.memory_space<vmem>>, vector<1x16xf32>,
    %get3A_732 = arith.constant 1 : i32
    %get3A_733 = arith.index_cast %get3A_732 : i32 to index
    %get3A_734 = arith.constant 48 : index
    %get3A_735 = tpu.vector_load %arg5[%get3A_733, %get3A_734] {strides = array<i32>} : memref<4x128xf32, #tpu.memory_space<vmem>>, vector<1x16xf32>,
    %get3A_736 = vector.shape_cast %get3A_735 : vector<1x16xf32> to vector<16xf32>
    %add3A_737 = arith.addf %get3A_736, %scan3A_694#3 : vector<16xf32>
    %swap3A_738 = arith.constant 1 : i32
    %swap3A_739 = arith.index_cast %swap3A_738 : i32 to index
    %swap3A_740 = arith.constant 48 : index
    %swap3A_741 = tpu.vector_load %arg5[%swap3A_739, %swap3A_740] {strides = array<i32>} : memref<4x128xf32, #tpu.memory_space<vmem>>, vector<1x16xf32>,
    %swap3A_742 = vector.shape_cast %swap3A_741 : vector<1x16xf32> to vector<16xf32>
    %swap3A_743 = vector.shape_cast %add3A_737 : vector<16xf32> to vector<1x16xf32>
    tpu.vector_store %arg5[%swap3A_739, %swap3A_740], %swap3A_743 {strides = array<i32>} : memref<4x128xf32, #tpu.memory_space<vmem>>, vector<1x16xf32>,
    %get3A_744 = arith.constant 1 : i32
    %get3A_745 = arith.index_cast %get3A_744 : i32 to index
    %get3A_746 = arith.constant 64 : index
    %get3A_747 = tpu.vector_load %arg5[%get3A_745, %get3A_746] {strides = array<i32>} : memref<4x128xf32, #tpu.memory_space<vmem>>, vector<1x16xf32>,
    %get3A_748 = vector.shape_cast %get3A_747 : vector<1x16xf32> to vector<16xf32>
    %add3A_749 = arith.addf %get3A_748, %scan3A_694#4 : vector<16xf32>
    %swap3A_750 = arith.constant 1 : i32
    %swap3A_751 = arith.index_cast %swap3A_750 : i32 to index
    %swap3A_752 = arith.constant 64 : index
    %swap3A_753 = tpu.vector_load %arg5[%swap3A_751, %swap3A_752] {strides = array<i32>} : memref<4x128xf32, #tpu.memory_space<vmem>>, vector<1x16xf32>,
    %swap3A_754 = vector.shape_cast %swap3A_753 : vector<1x16xf32> to vector<16xf32>
    %swap3A_755 = vector.shape_cast %add3A_749 : vector<16xf32> to vector<1x16xf32>
    tpu.vector_store %arg5[%swap3A_751, %swap3A_752], %swap3A_755 {strides = array<i32>} : memref<4x128xf32, #tpu.memory_space<vmem>>, vector<1x16xf32>,
    %get3A_756 = arith.constant 1 : i32
    %get3A_757 = arith.index_cast %get3A_756 : i32 to index
    %get3A_758 = arith.constant 80 : index
    %get3A_759 = tpu.vector_load %arg5[%get3A_757, %get3A_758] {strides = array<i32>} : memref<4x128xf32, #tpu.memory_space<vmem>>, vector<1x16xf32>,
    %get3A_760 = vector.shape_cast %get3A_759 : vector<1x16xf32> to vector<16xf32>
    %add3A_761 = arith.addf %get3A_760, %scan3A_694#5 : vector<16xf32>
    %swap3A_762 = arith.constant 1 : i32
    %swap3A_763 = arith.index_cast %swap3A_762 : i32 to index
    %swap3A_764 = arith.constant 80 : index
    %swap3A_765 = tpu.vector_load %arg5[%swap3A_763, %swap3A_764] {strides = array<i32>} : memref<4x128xf32, #tpu.memory_space<vmem>>, vector<1x16xf32>,
    %swap3A_766 = vector.shape_cast %swap3A_765 : vector<1x16xf32> to vector<16xf32>
    %swap3A_767 = vector.shape_cast %add3A_761 : vector<16xf32> to vector<1x16xf32>
    tpu.vector_store %arg5[%swap3A_763, %swap3A_764], %swap3A_767 {strides = array<i32>} : memref<4x128xf32, #tpu.memory_space<vmem>>, vector<1x16xf32>,
    %get3A_768 = arith.constant 1 : i32
    %get3A_769 = arith.index_cast %get3A_768 : i32 to index
    %get3A_770 = arith.constant 96 : index
    %get3A_771 = tpu.vector_load %arg5[%get3A_769, %get3A_770] {strides = array<i32>} : memref<4x128xf32, #tpu.memory_space<vmem>>, vector<1x16xf32>,
    %get3A_772 = vector.shape_cast %get3A_771 : vector<1x16xf32> to vector<16xf32>
    %add3A_773 = arith.addf %get3A_772, %scan3A_694#6 : vector<16xf32>
    %swap3A_774 = arith.constant 1 : i32
    %swap3A_775 = arith.index_cast %swap3A_774 : i32 to index
    %swap3A_776 = arith.constant 96 : index
    %swap3A_777 = tpu.vector_load %arg5[%swap3A_775, %swap3A_776] {strides = array<i32>} : memref<4x128xf32, #tpu.memory_space<vmem>>, vector<1x16xf32>,
    %swap3A_778 = vector.shape_cast %swap3A_777 : vector<1x16xf32> to vector<16xf32>
    %swap3A_779 = vector.shape_cast %add3A_773 : vector<16xf32> to vector<1x16xf32>
    tpu.vector_store %arg5[%swap3A_775, %swap3A_776], %swap3A_779 {strides = array<i32>} : memref<4x128xf32, #tpu.memory_space<vmem>>, vector<1x16xf32>,
    %get3A_780 = arith.constant 1 : i32
    %get3A_781 = arith.index_cast %get3A_780 : i32 to index
    %get3A_782 = arith.constant 112 : index
    %get3A_783 = tpu.vector_load %arg5[%get3A_781, %get3A_782] {strides = array<i32>} : memref<4x128xf32, #tpu.memory_space<vmem>>, vector<1x16xf32>,
    %get3A_784 = vector.shape_cast %get3A_783 : vector<1x16xf32> to vector<16xf32>
    %add3A_785 = arith.addf %get3A_784, %scan3A_694#7 : vector<16xf32>
    %swap3A_786 = arith.constant 1 : i32
    %swap3A_787 = arith.index_cast %swap3A_786 : i32 to index
    %swap3A_788 = arith.constant 112 : index
    %swap3A_789 = tpu.vector_load %arg5[%swap3A_787, %swap3A_788] {strides = array<i32>} : memref<4x128xf32, #tpu.memory_space<vmem>>, vector<1x16xf32>,
    %swap3A_790 = vector.shape_cast %swap3A_789 : vector<1x16xf32> to vector<16xf32>
    %swap3A_791 = vector.shape_cast %add3A_785 : vector<16xf32> to vector<1x16xf32>
    tpu.vector_store %arg5[%swap3A_787, %swap3A_788], %swap3A_791 {strides = array<i32>} : memref<4x128xf32, #tpu.memory_space<vmem>>, vector<1x16xf32>,
    %add3A_792 = arith.constant 768 : i32
    %add3A_793 = arith.addi %mul3A_34, %add3A_792 : i32
    %dma_start3A_794 = arith.constant 1 : i32
    %dma_start3A_795 = arith.constant 1 : i32
    %dma_start3A_796 = arith.constant 1 : i32
    %dma_start3A_797 = arith.constant 0 : i32
    %dma_start3A_798 = arith.constant 0 : i32
    %dma_start3A_799 = tpu.memref_slice %arg4[%dma_start3A_795, %dma_start3A_797, %dma_start3A_798] : memref<2x256x128xf32, #tpu.memory_space<vmem>> -> memref<1x256x128xf32, #tpu.memory_space<vmem>>
    %dma_start3A_800 = tpu.memref_squeeze %dma_start3A_799 : memref<1x256x128xf32, #tpu.memory_space<vmem>> -> memref<256x128xf32, #tpu.memory_space<vmem>>
    %dma_start3A_801 = tpu.memref_slice %arg2[%dma_start3A_794, %add3A_793, %mul3A_32] : memref<4x2048x2048xf32, #tpu.memory_space<hbm>> -> memref<1x256x128xf32, #tpu.memory_space<hbm>>
    %dma_start3A_802 = tpu.memref_squeeze %dma_start3A_801 : memref<1x256x128xf32, #tpu.memory_space<hbm>> -> memref<256x128xf32, #tpu.memory_space<hbm>>
    %dma_start3A_803 = tpu.memref_slice %arg6[%dma_start3A_796] : memref<2x!tpu.dma_semaphore, #tpu.memory_space<semaphore_mem>> -> memref<1x!tpu.dma_semaphore, #tpu.memory_space<semaphore_mem>>
    %dma_start3A_804 = tpu.memref_squeeze %dma_start3A_803 : memref<1x!tpu.dma_semaphore, #tpu.memory_space<semaphore_mem>> -> memref<!tpu.dma_semaphore, #tpu.memory_space<semaphore_mem>>
    %dma_start3A_805 = arith.constant 0 : i32
    %dma_start3A_806 = arith.constant 0 : i32
    %dma_start3A_807 = tpu.memref_slice %arg4[%dma_start3A_795, %dma_start3A_805, %dma_start3A_806] : memref<2x256x128xf32, #tpu.memory_space<vmem>> -> memref<1x256x128xf32, #tpu.memory_space<vmem>>
    %dma_start3A_808 = tpu.memref_squeeze %dma_start3A_807 : memref<1x256x128xf32, #tpu.memory_space<vmem>> -> memref<256x128xf32, #tpu.memory_space<vmem>>
    %dma_start3A_809 = tpu.memref_slice %arg2[%dma_start3A_794, %add3A_793, %mul3A_32] : memref<4x2048x2048xf32, #tpu.memory_space<hbm>> -> memref<1x256x128xf32, #tpu.memory_space<hbm>>
    %dma_start3A_810 = tpu.memref_squeeze %dma_start3A_809 : memref<1x256x128xf32, #tpu.memory_space<hbm>> -> memref<256x128xf32, #tpu.memory_space<hbm>>
    tpu.enqueue_dma source(%dma_start3A_810 : memref<256x128xf32, #tpu.memory_space<hbm>>) target(%dma_start3A_808 : memref<256x128xf32, #tpu.memory_space<vmem>>) target_semaphore(%dma_start3A_804 : memref<!tpu.dma_semaphore, #tpu.memory_space<semaphore_mem>>)
    %dma_wait3A_811 = arith.constant 1 : i32
    %dma_wait3A_812 = arith.constant 0 : i32
    %dma_wait3A_813 = arith.constant 0 : i32
    %dma_wait3A_814 = arith.constant 0 : i32
    %dma_wait3A_815 = arith.constant 0 : i32
    %dma_wait3A_816 = tpu.memref_slice %arg4[%dma_wait3A_812, %dma_wait3A_814, %dma_wait3A_815] : memref<2x256x128xf32, #tpu.memory_space<vmem>> -> memref<1x256x128xf32, #tpu.memory_space<vmem>>
    %dma_wait3A_817 = tpu.memref_squeeze %dma_wait3A_816 : memref<1x256x128xf32, #tpu.memory_space<vmem>> -> memref<256x128xf32, #tpu.memory_space<vmem>>
    %dma_wait3A_818 = tpu.memref_slice %arg2[%dma_wait3A_811, %add3A_653, %mul3A_32] : memref<4x2048x2048xf32, #tpu.memory_space<hbm>> -> memref<1x256x128xf32, #tpu.memory_space<hbm>>
    %dma_wait3A_819 = tpu.memref_squeeze %dma_wait3A_818 : memref<1x256x128xf32, #tpu.memory_space<hbm>> -> memref<256x128xf32, #tpu.memory_space<hbm>>
    %dma_wait3A_820 = tpu.memref_slice %arg6[%dma_wait3A_813] : memref<2x!tpu.dma_semaphore, #tpu.memory_space<semaphore_mem>> -> memref<1x!tpu.dma_semaphore, #tpu.memory_space<semaphore_mem>>
    %dma_wait3A_821 = tpu.memref_squeeze %dma_wait3A_820 : memref<1x!tpu.dma_semaphore, #tpu.memory_space<semaphore_mem>> -> memref<!tpu.dma_semaphore, #tpu.memory_space<semaphore_mem>>
    %dma_wait3A_822 = arith.constant 0 : i32
    %dma_wait3A_823 = arith.constant 0 : i32
    %dma_wait3A_824 = tpu.memref_slice %arg4[%dma_wait3A_812, %dma_wait3A_822, %dma_wait3A_823] : memref<2x256x128xf32, #tpu.memory_space<vmem>> -> memref<1x256x128xf32, #tpu.memory_space<vmem>>
    %dma_wait3A_825 = tpu.memref_squeeze %dma_wait3A_824 : memref<1x256x128xf32, #tpu.memory_space<vmem>> -> memref<256x128xf32, #tpu.memory_space<vmem>>
    %dma_wait3A_826 = tpu.memref_slice %arg2[%dma_wait3A_811, %add3A_653, %mul3A_32] : memref<4x2048x2048xf32, #tpu.memory_space<hbm>> -> memref<1x256x128xf32, #tpu.memory_space<hbm>>
    %dma_wait3A_827 = tpu.memref_squeeze %dma_wait3A_826 : memref<1x256x128xf32, #tpu.memory_space<hbm>> -> memref<256x128xf32, #tpu.memory_space<hbm>>
    tpu.wait_dma2 semaphore(%dma_wait3A_821 : memref<!tpu.dma_semaphore, #tpu.memory_space<semaphore_mem>>) src(%dma_wait3A_827 : memref<256x128xf32, #tpu.memory_space<hbm>>) dst(%dma_wait3A_825 : memref<256x128xf32, #tpu.memory_space<vmem>>)
    %broadcast_in_dim3A_828 = arith.constant 0.000000e+00 : f32
    %broadcast_in_dim3A_829 = vector.broadcast %broadcast_in_dim3A_828 : f32 to vector<16xf32>
    %scan3A_830 = arith.constant 0 : i32
    %scan3A_831 = arith.constant 256 : i32
    %scan3A_832 = arith.addi %scan3A_830, %scan3A_831 : i32
    %scan3A_833 = arith.constant 1 : i32
    %scan3A_834:8 = scf.for %scan3A_2084 = %scan3A_830 to %scan3A_832 step %scan3A_833 iter_args(%scan3A_2085 = %broadcast_in_dim3A_829, %scan3A_2086 = %broadcast_in_dim3A_829, %scan3A_2087 = %broadcast_in_dim3A_829, %scan3A_2088 = %broadcast_in_dim3A_829, %scan3A_2089 = %broadcast_in_dim3A_829, %scan3A_2090 = %broadcast_in_dim3A_829, %scan3A_2091 = %broadcast_in_dim3A_829, %scan3A_2092 = %broadcast_in_dim3A_829) -> (vector<16xf32>, vector<16xf32>, vector<16xf32>, vector<16xf32>, vector<16xf32>, vector<16xf32>, vector<16xf32>, vector<16xf32>)  : i32 {
      %get3A_2093 = arith.constant 0 : i32
      %get3A_2094 = arith.index_cast %get3A_2093 : i32 to index
      %get3A_2095 = arith.index_cast %scan3A_2084 : i32 to index
      %get3A_2096 = arith.constant 0 : index
      %get3A_2097 = tpu.vector_load %arg4[%get3A_2094, %get3A_2095, %get3A_2096] {strides = array<i32>} : memref<2x256x128xf32, #tpu.memory_space<vmem>>, vector<1x1x16xf32>,
      %get3A_2098 = vector.shape_cast %get3A_2097 : vector<1x1x16xf32> to vector<16xf32>
      %add3A_2099 = arith.addf %scan3A_2085, %get3A_2098 : vector<16xf32>
      %get3A_2100 = arith.constant 0 : i32
      %get3A_2101 = arith.index_cast %get3A_2100 : i32 to index
      %get3A_2102 = arith.index_cast %scan3A_2084 : i32 to index
      %get3A_2103 = arith.constant 16 : index
      %get3A_2104 = tpu.vector_load %arg4[%get3A_2101, %get3A_2102, %get3A_2103] {strides = array<i32>} : memref<2x256x128xf32, #tpu.memory_space<vmem>>, vector<1x1x16xf32>,
      %get3A_2105 = vector.shape_cast %get3A_2104 : vector<1x1x16xf32> to vector<16xf32>
      %add3A_2106 = arith.addf %scan3A_2086, %get3A_2105 : vector<16xf32>
      %get3A_2107 = arith.constant 0 : i32
      %get3A_2108 = arith.index_cast %get3A_2107 : i32 to index
      %get3A_2109 = arith.index_cast %scan3A_2084 : i32 to index
      %get3A_2110 = arith.constant 32 : index
      %get3A_2111 = tpu.vector_load %arg4[%get3A_2108, %get3A_2109, %get3A_2110] {strides = array<i32>} : memref<2x256x128xf32, #tpu.memory_space<vmem>>, vector<1x1x16xf32>,
      %get3A_2112 = vector.shape_cast %get3A_2111 : vector<1x1x16xf32> to vector<16xf32>
      %add3A_2113 = arith.addf %scan3A_2087, %get3A_2112 : vector<16xf32>
      %get3A_2114 = arith.constant 0 : i32
      %get3A_2115 = arith.index_cast %get3A_2114 : i32 to index
      %get3A_2116 = arith.index_cast %scan3A_2084 : i32 to index
      %get3A_2117 = arith.constant 48 : index
      %get3A_2118 = tpu.vector_load %arg4[%get3A_2115, %get3A_2116, %get3A_2117] {strides = array<i32>} : memref<2x256x128xf32, #tpu.memory_space<vmem>>, vector<1x1x16xf32>,
      %get3A_2119 = vector.shape_cast %get3A_2118 : vector<1x1x16xf32> to vector<16xf32>
      %add3A_2120 = arith.addf %scan3A_2088, %get3A_2119 : vector<16xf32>
      %get3A_2121 = arith.constant 0 : i32
      %get3A_2122 = arith.index_cast %get3A_2121 : i32 to index
      %get3A_2123 = arith.index_cast %scan3A_2084 : i32 to index
      %get3A_2124 = arith.constant 64 : index
      %get3A_2125 = tpu.vector_load %arg4[%get3A_2122, %get3A_2123, %get3A_2124] {strides = array<i32>} : memref<2x256x128xf32, #tpu.memory_space<vmem>>, vector<1x1x16xf32>,
      %get3A_2126 = vector.shape_cast %get3A_2125 : vector<1x1x16xf32> to vector<16xf32>
      %add3A_2127 = arith.addf %scan3A_2089, %get3A_2126 : vector<16xf32>
      %get3A_2128 = arith.constant 0 : i32
      %get3A_2129 = arith.index_cast %get3A_2128 : i32 to index
      %get3A_2130 = arith.index_cast %scan3A_2084 : i32 to index
      %get3A_2131 = arith.constant 80 : index
      %get3A_2132 = tpu.vector_load %arg4[%get3A_2129, %get3A_2130, %get3A_2131] {strides = array<i32>} : memref<2x256x128xf32, #tpu.memory_space<vmem>>, vector<1x1x16xf32>,
      %get3A_2133 = vector.shape_cast %get3A_2132 : vector<1x1x16xf32> to vector<16xf32>
      %add3A_2134 = arith.addf %scan3A_2090, %get3A_2133 : vector<16xf32>
      %get3A_2135 = arith.constant 0 : i32
      %get3A_2136 = arith.index_cast %get3A_2135 : i32 to index
      %get3A_2137 = arith.index_cast %scan3A_2084 : i32 to index
      %get3A_2138 = arith.constant 96 : index
      %get3A_2139 = tpu.vector_load %arg4[%get3A_2136, %get3A_2137, %get3A_2138] {strides = array<i32>} : memref<2x256x128xf32, #tpu.memory_space<vmem>>, vector<1x1x16xf32>,
      %get3A_2140 = vector.shape_cast %get3A_2139 : vector<1x1x16xf32> to vector<16xf32>
      %add3A_2141 = arith.addf %scan3A_2091, %get3A_2140 : vector<16xf32>
      %get3A_2142 = arith.constant 0 : i32
      %get3A_2143 = arith.index_cast %get3A_2142 : i32 to index
      %get3A_2144 = arith.index_cast %scan3A_2084 : i32 to index
      %get3A_2145 = arith.constant 112 : index
      %get3A_2146 = tpu.vector_load %arg4[%get3A_2143, %get3A_2144, %get3A_2145] {strides = array<i32>} : memref<2x256x128xf32, #tpu.memory_space<vmem>>, vector<1x1x16xf32>,
      %get3A_2147 = vector.shape_cast %get3A_2146 : vector<1x1x16xf32> to vector<16xf32>
      %add3A_2148 = arith.addf %scan3A_2092, %get3A_2147 : vector<16xf32>
      scf.yield %add3A_2099, %add3A_2106, %add3A_2113, %add3A_2120, %add3A_2127, %add3A_2134, %add3A_2141, %add3A_2148 : vector<16xf32>, vector<16xf32>, vector<16xf32>, vector<16xf32>, vector<16xf32>, vector<16xf32>, vector<16xf32>, vector<16xf32>
    }
    %scan3A_835 = arith.constant 256 : i32
    %get3A_836 = arith.constant 1 : i32
    %get3A_837 = arith.index_cast %get3A_836 : i32 to index
    %get3A_838 = arith.constant 0 : index
    %get3A_839 = tpu.vector_load %arg5[%get3A_837, %get3A_838] {strides = array<i32>} : memref<4x128xf32, #tpu.memory_space<vmem>>, vector<1x16xf32>,
    %get3A_840 = vector.shape_cast %get3A_839 : vector<1x16xf32> to vector<16xf32>
    %add3A_841 = arith.addf %get3A_840, %scan3A_834#0 : vector<16xf32>
    %swap3A_842 = arith.constant 1 : i32
    %swap3A_843 = arith.index_cast %swap3A_842 : i32 to index
    %swap3A_844 = arith.constant 0 : index
    %swap3A_845 = tpu.vector_load %arg5[%swap3A_843, %swap3A_844] {strides = array<i32>} : memref<4x128xf32, #tpu.memory_space<vmem>>, vector<1x16xf32>,
    %swap3A_846 = vector.shape_cast %swap3A_845 : vector<1x16xf32> to vector<16xf32>
    %swap3A_847 = vector.shape_cast %add3A_841 : vector<16xf32> to vector<1x16xf32>
    tpu.vector_store %arg5[%swap3A_843, %swap3A_844], %swap3A_847 {strides = array<i32>} : memref<4x128xf32, #tpu.memory_space<vmem>>, vector<1x16xf32>,
    %get3A_848 = arith.constant 1 : i32
    %get3A_849 = arith.index_cast %get3A_848 : i32 to index
    %get3A_850 = arith.constant 16 : index
    %get3A_851 = tpu.vector_load %arg5[%get3A_849, %get3A_850] {strides = array<i32>} : memref<4x128xf32, #tpu.memory_space<vmem>>, vector<1x16xf32>,
    %get3A_852 = vector.shape_cast %get3A_851 : vector<1x16xf32> to vector<16xf32>
    %add3A_853 = arith.addf %get3A_852, %scan3A_834#1 : vector<16xf32>
    %swap3A_854 = arith.constant 1 : i32
    %swap3A_855 = arith.index_cast %swap3A_854 : i32 to index
    %swap3A_856 = arith.constant 16 : index
    %swap3A_857 = tpu.vector_load %arg5[%swap3A_855, %swap3A_856] {strides = array<i32>} : memref<4x128xf32, #tpu.memory_space<vmem>>, vector<1x16xf32>,
    %swap3A_858 = vector.shape_cast %swap3A_857 : vector<1x16xf32> to vector<16xf32>
    %swap3A_859 = vector.shape_cast %add3A_853 : vector<16xf32> to vector<1x16xf32>
    tpu.vector_store %arg5[%swap3A_855, %swap3A_856], %swap3A_859 {strides = array<i32>} : memref<4x128xf32, #tpu.memory_space<vmem>>, vector<1x16xf32>,
    %get3A_860 = arith.constant 1 : i32
    %get3A_861 = arith.index_cast %get3A_860 : i32 to index
    %get3A_862 = arith.constant 32 : index
    %get3A_863 = tpu.vector_load %arg5[%get3A_861, %get3A_862] {strides = array<i32>} : memref<4x128xf32, #tpu.memory_space<vmem>>, vector<1x16xf32>,
    %get3A_864 = vector.shape_cast %get3A_863 : vector<1x16xf32> to vector<16xf32>
    %add3A_865 = arith.addf %get3A_864, %scan3A_834#2 : vector<16xf32>
    %swap3A_866 = arith.constant 1 : i32
    %swap3A_867 = arith.index_cast %swap3A_866 : i32 to index
    %swap3A_868 = arith.constant 32 : index
    %swap3A_869 = tpu.vector_load %arg5[%swap3A_867, %swap3A_868] {strides = array<i32>} : memref<4x128xf32, #tpu.memory_space<vmem>>, vector<1x16xf32>,
    %swap3A_870 = vector.shape_cast %swap3A_869 : vector<1x16xf32> to vector<16xf32>
    %swap3A_871 = vector.shape_cast %add3A_865 : vector<16xf32> to vector<1x16xf32>
    tpu.vector_store %arg5[%swap3A_867, %swap3A_868], %swap3A_871 {strides = array<i32>} : memref<4x128xf32, #tpu.memory_space<vmem>>, vector<1x16xf32>,
    %get3A_872 = arith.constant 1 : i32
    %get3A_873 = arith.index_cast %get3A_872 : i32 to index
    %get3A_874 = arith.constant 48 : index
    %get3A_875 = tpu.vector_load %arg5[%get3A_873, %get3A_874] {strides = array<i32>} : memref<4x128xf32, #tpu.memory_space<vmem>>, vector<1x16xf32>,
    %get3A_876 = vector.shape_cast %get3A_875 : vector<1x16xf32> to vector<16xf32>
    %add3A_877 = arith.addf %get3A_876, %scan3A_834#3 : vector<16xf32>
    %swap3A_878 = arith.constant 1 : i32
    %swap3A_879 = arith.index_cast %swap3A_878 : i32 to index
    %swap3A_880 = arith.constant 48 : index
    %swap3A_881 = tpu.vector_load %arg5[%swap3A_879, %swap3A_880] {strides = array<i32>} : memref<4x128xf32, #tpu.memory_space<vmem>>, vector<1x16xf32>,
    %swap3A_882 = vector.shape_cast %swap3A_881 : vector<1x16xf32> to vector<16xf32>
    %swap3A_883 = vector.shape_cast %add3A_877 : vector<16xf32> to vector<1x16xf32>
    tpu.vector_store %arg5[%swap3A_879, %swap3A_880], %swap3A_883 {strides = array<i32>} : memref<4x128xf32, #tpu.memory_space<vmem>>, vector<1x16xf32>,
    %get3A_884 = arith.constant 1 : i32
    %get3A_885 = arith.index_cast %get3A_884 : i32 to index
    %get3A_886 = arith.constant 64 : index
    %get3A_887 = tpu.vector_load %arg5[%get3A_885, %get3A_886] {strides = array<i32>} : memref<4x128xf32, #tpu.memory_space<vmem>>, vector<1x16xf32>,
    %get3A_888 = vector.shape_cast %get3A_887 : vector<1x16xf32> to vector<16xf32>
    %add3A_889 = arith.addf %get3A_888, %scan3A_834#4 : vector<16xf32>
    %swap3A_890 = arith.constant 1 : i32
    %swap3A_891 = arith.index_cast %swap3A_890 : i32 to index
    %swap3A_892 = arith.constant 64 : index
    %swap3A_893 = tpu.vector_load %arg5[%swap3A_891, %swap3A_892] {strides = array<i32>} : memref<4x128xf32, #tpu.memory_space<vmem>>, vector<1x16xf32>,
    %swap3A_894 = vector.shape_cast %swap3A_893 : vector<1x16xf32> to vector<16xf32>
    %swap3A_895 = vector.shape_cast %add3A_889 : vector<16xf32> to vector<1x16xf32>
    tpu.vector_store %arg5[%swap3A_891, %swap3A_892], %swap3A_895 {strides = array<i32>} : memref<4x128xf32, #tpu.memory_space<vmem>>, vector<1x16xf32>,
    %get3A_896 = arith.constant 1 : i32
    %get3A_897 = arith.index_cast %get3A_896 : i32 to index
    %get3A_898 = arith.constant 80 : index
    %get3A_899 = tpu.vector_load %arg5[%get3A_897, %get3A_898] {strides = array<i32>} : memref<4x128xf32, #tpu.memory_space<vmem>>, vector<1x16xf32>,
    %get3A_900 = vector.shape_cast %get3A_899 : vector<1x16xf32> to vector<16xf32>
    %add3A_901 = arith.addf %get3A_900, %scan3A_834#5 : vector<16xf32>
    %swap3A_902 = arith.constant 1 : i32
    %swap3A_903 = arith.index_cast %swap3A_902 : i32 to index
    %swap3A_904 = arith.constant 80 : index
    %swap3A_905 = tpu.vector_load %arg5[%swap3A_903, %swap3A_904] {strides = array<i32>} : memref<4x128xf32, #tpu.memory_space<vmem>>, vector<1x16xf32>,
    %swap3A_906 = vector.shape_cast %swap3A_905 : vector<1x16xf32> to vector<16xf32>
    %swap3A_907 = vector.shape_cast %add3A_901 : vector<16xf32> to vector<1x16xf32>
    tpu.vector_store %arg5[%swap3A_903, %swap3A_904], %swap3A_907 {strides = array<i32>} : memref<4x128xf32, #tpu.memory_space<vmem>>, vector<1x16xf32>,
    %get3A_908 = arith.constant 1 : i32
    %get3A_909 = arith.index_cast %get3A_908 : i32 to index
    %get3A_910 = arith.constant 96 : index
    %get3A_911 = tpu.vector_load %arg5[%get3A_909, %get3A_910] {strides = array<i32>} : memref<4x128xf32, #tpu.memory_space<vmem>>, vector<1x16xf32>,
    %get3A_912 = vector.shape_cast %get3A_911 : vector<1x16xf32> to vector<16xf32>
    %add3A_913 = arith.addf %get3A_912, %scan3A_834#6 : vector<16xf32>
    %swap3A_914 = arith.constant 1 : i32
    %swap3A_915 = arith.index_cast %swap3A_914 : i32 to index
    %swap3A_916 = arith.constant 96 : index
    %swap3A_917 = tpu.vector_load %arg5[%swap3A_915, %swap3A_916] {strides = array<i32>} : memref<4x128xf32, #tpu.memory_space<vmem>>, vector<1x16xf32>,
    %swap3A_918 = vector.shape_cast %swap3A_917 : vector<1x16xf32> to vector<16xf32>
    %swap3A_919 = vector.shape_cast %add3A_913 : vector<16xf32> to vector<1x16xf32>
    tpu.vector_store %arg5[%swap3A_915, %swap3A_916], %swap3A_919 {strides = array<i32>} : memref<4x128xf32, #tpu.memory_space<vmem>>, vector<1x16xf32>,
    %get3A_920 = arith.constant 1 : i32
    %get3A_921 = arith.index_cast %get3A_920 : i32 to index
    %get3A_922 = arith.constant 112 : index
    %get3A_923 = tpu.vector_load %arg5[%get3A_921, %get3A_922] {strides = array<i32>} : memref<4x128xf32, #tpu.memory_space<vmem>>, vector<1x16xf32>,
    %get3A_924 = vector.shape_cast %get3A_923 : vector<1x16xf32> to vector<16xf32>
    %add3A_925 = arith.addf %get3A_924, %scan3A_834#7 : vector<16xf32>
    %swap3A_926 = arith.constant 1 : i32
    %swap3A_927 = arith.index_cast %swap3A_926 : i32 to index
    %swap3A_928 = arith.constant 112 : index
    %swap3A_929 = tpu.vector_load %arg5[%swap3A_927, %swap3A_928] {strides = array<i32>} : memref<4x128xf32, #tpu.memory_space<vmem>>, vector<1x16xf32>,
    %swap3A_930 = vector.shape_cast %swap3A_929 : vector<1x16xf32> to vector<16xf32>
    %swap3A_931 = vector.shape_cast %add3A_925 : vector<16xf32> to vector<1x16xf32>
    tpu.vector_store %arg5[%swap3A_927, %swap3A_928], %swap3A_931 {strides = array<i32>} : memref<4x128xf32, #tpu.memory_space<vmem>>, vector<1x16xf32>,
    %add3A_932 = arith.constant 0 : i32
    %add3A_933 = arith.addi %mul3A_34, %add3A_932 : i32
    %dma_start3A_934 = arith.constant 2 : i32
    %dma_start3A_935 = arith.constant 0 : i32
    %dma_start3A_936 = arith.constant 0 : i32
    %dma_start3A_937 = arith.constant 0 : i32
    %dma_start3A_938 = arith.constant 0 : i32
    %dma_start3A_939 = tpu.memref_slice %arg4[%dma_start3A_935, %dma_start3A_937, %dma_start3A_938] : memref<2x256x128xf32, #tpu.memory_space<vmem>> -> memref<1x256x128xf32, #tpu.memory_space<vmem>>
    %dma_start3A_940 = tpu.memref_squeeze %dma_start3A_939 : memref<1x256x128xf32, #tpu.memory_space<vmem>> -> memref<256x128xf32, #tpu.memory_space<vmem>>
    %dma_start3A_941 = tpu.memref_slice %arg2[%dma_start3A_934, %add3A_933, %mul3A_32] : memref<4x2048x2048xf32, #tpu.memory_space<hbm>> -> memref<1x256x128xf32, #tpu.memory_space<hbm>>
    %dma_start3A_942 = tpu.memref_squeeze %dma_start3A_941 : memref<1x256x128xf32, #tpu.memory_space<hbm>> -> memref<256x128xf32, #tpu.memory_space<hbm>>
    %dma_start3A_943 = tpu.memref_slice %arg6[%dma_start3A_936] : memref<2x!tpu.dma_semaphore, #tpu.memory_space<semaphore_mem>> -> memref<1x!tpu.dma_semaphore, #tpu.memory_space<semaphore_mem>>
    %dma_start3A_944 = tpu.memref_squeeze %dma_start3A_943 : memref<1x!tpu.dma_semaphore, #tpu.memory_space<semaphore_mem>> -> memref<!tpu.dma_semaphore, #tpu.memory_space<semaphore_mem>>
    %dma_start3A_945 = arith.constant 0 : i32
    %dma_start3A_946 = arith.constant 0 : i32
    %dma_start3A_947 = tpu.memref_slice %arg4[%dma_start3A_935, %dma_start3A_945, %dma_start3A_946] : memref<2x256x128xf32, #tpu.memory_space<vmem>> -> memref<1x256x128xf32, #tpu.memory_space<vmem>>
    %dma_start3A_948 = tpu.memref_squeeze %dma_start3A_947 : memref<1x256x128xf32, #tpu.memory_space<vmem>> -> memref<256x128xf32, #tpu.memory_space<vmem>>
    %dma_start3A_949 = tpu.memref_slice %arg2[%dma_start3A_934, %add3A_933, %mul3A_32] : memref<4x2048x2048xf32, #tpu.memory_space<hbm>> -> memref<1x256x128xf32, #tpu.memory_space<hbm>>
    %dma_start3A_950 = tpu.memref_squeeze %dma_start3A_949 : memref<1x256x128xf32, #tpu.memory_space<hbm>> -> memref<256x128xf32, #tpu.memory_space<hbm>>
    tpu.enqueue_dma source(%dma_start3A_950 : memref<256x128xf32, #tpu.memory_space<hbm>>) target(%dma_start3A_948 : memref<256x128xf32, #tpu.memory_space<vmem>>) target_semaphore(%dma_start3A_944 : memref<!tpu.dma_semaphore, #tpu.memory_space<semaphore_mem>>)
    %dma_wait3A_951 = arith.constant 1 : i32
    %dma_wait3A_952 = arith.constant 1 : i32
    %dma_wait3A_953 = arith.constant 1 : i32
    %dma_wait3A_954 = arith.constant 0 : i32
    %dma_wait3A_955 = arith.constant 0 : i32
    %dma_wait3A_956 = tpu.memref_slice %arg4[%dma_wait3A_952, %dma_wait3A_954, %dma_wait3A_955] : memref<2x256x128xf32, #tpu.memory_space<vmem>> -> memref<1x256x128xf32, #tpu.memory_space<vmem>>
    %dma_wait3A_957 = tpu.memref_squeeze %dma_wait3A_956 : memref<1x256x128xf32, #tpu.memory_space<vmem>> -> memref<256x128xf32, #tpu.memory_space<vmem>>
    %dma_wait3A_958 = tpu.memref_slice %arg2[%dma_wait3A_951, %add3A_793, %mul3A_32] : memref<4x2048x2048xf32, #tpu.memory_space<hbm>> -> memref<1x256x128xf32, #tpu.memory_space<hbm>>
    %dma_wait3A_959 = tpu.memref_squeeze %dma_wait3A_958 : memref<1x256x128xf32, #tpu.memory_space<hbm>> -> memref<256x128xf32, #tpu.memory_space<hbm>>
    %dma_wait3A_960 = tpu.memref_slice %arg6[%dma_wait3A_953] : memref<2x!tpu.dma_semaphore, #tpu.memory_space<semaphore_mem>> -> memref<1x!tpu.dma_semaphore, #tpu.memory_space<semaphore_mem>>
    %dma_wait3A_961 = tpu.memref_squeeze %dma_wait3A_960 : memref<1x!tpu.dma_semaphore, #tpu.memory_space<semaphore_mem>> -> memref<!tpu.dma_semaphore, #tpu.memory_space<semaphore_mem>>
    %dma_wait3A_962 = arith.constant 0 : i32
    %dma_wait3A_963 = arith.constant 0 : i32
    %dma_wait3A_964 = tpu.memref_slice %arg4[%dma_wait3A_952, %dma_wait3A_962, %dma_wait3A_963] : memref<2x256x128xf32, #tpu.memory_space<vmem>> -> memref<1x256x128xf32, #tpu.memory_space<vmem>>
    %dma_wait3A_965 = tpu.memref_squeeze %dma_wait3A_964 : memref<1x256x128xf32, #tpu.memory_space<vmem>> -> memref<256x128xf32, #tpu.memory_space<vmem>>
    %dma_wait3A_966 = tpu.memref_slice %arg2[%dma_wait3A_951, %add3A_793, %mul3A_32] : memref<4x2048x2048xf32, #tpu.memory_space<hbm>> -> memref<1x256x128xf32, #tpu.memory_space<hbm>>
    %dma_wait3A_967 = tpu.memref_squeeze %dma_wait3A_966 : memref<1x256x128xf32, #tpu.memory_space<hbm>> -> memref<256x128xf32, #tpu.memory_space<hbm>>
    tpu.wait_dma2 semaphore(%dma_wait3A_961 : memref<!tpu.dma_semaphore, #tpu.memory_space<semaphore_mem>>) src(%dma_wait3A_967 : memref<256x128xf32, #tpu.memory_space<hbm>>) dst(%dma_wait3A_965 : memref<256x128xf32, #tpu.memory_space<vmem>>)
    %broadcast_in_dim3A_968 = arith.constant 0.000000e+00 : f32
    %broadcast_in_dim3A_969 = vector.broadcast %broadcast_in_dim3A_968 : f32 to vector<16xf32>
    %scan3A_970 = arith.constant 0 : i32
    %scan3A_971 = arith.constant 256 : i32
    %scan3A_972 = arith.addi %scan3A_970, %scan3A_971 : i32
    %scan3A_973 = arith.constant 1 : i32
    %scan3A_974:8 = scf.for %scan3A_2084 = %scan3A_970 to %scan3A_972 step %scan3A_973 iter_args(%scan3A_2085 = %broadcast_in_dim3A_969, %scan3A_2086 = %broadcast_in_dim3A_969, %scan3A_2087 = %broadcast_in_dim3A_969, %scan3A_2088 = %broadcast_in_dim3A_969, %scan3A_2089 = %broadcast_in_dim3A_969, %scan3A_2090 = %broadcast_in_dim3A_969, %scan3A_2091 = %broadcast_in_dim3A_969, %scan3A_2092 = %broadcast_in_dim3A_969) -> (vector<16xf32>, vector<16xf32>, vector<16xf32>, vector<16xf32>, vector<16xf32>, vector<16xf32>, vector<16xf32>, vector<16xf32>)  : i32 {
      %get3A_2093 = arith.constant 1 : i32
      %get3A_2094 = arith.index_cast %get3A_2093 : i32 to index
      %get3A_2095 = arith.index_cast %scan3A_2084 : i32 to index
      %get3A_2096 = arith.constant 0 : index
      %get3A_2097 = tpu.vector_load %arg4[%get3A_2094, %get3A_2095, %get3A_2096] {strides = array<i32>} : memref<2x256x128xf32, #tpu.memory_space<vmem>>, vector<1x1x16xf32>,
      %get3A_2098 = vector.shape_cast %get3A_2097 : vector<1x1x16xf32> to vector<16xf32>
      %add3A_2099 = arith.addf %scan3A_2085, %get3A_2098 : vector<16xf32>
      %get3A_2100 = arith.constant 1 : i32
      %get3A_2101 = arith.index_cast %get3A_2100 : i32 to index
      %get3A_2102 = arith.index_cast %scan3A_2084 : i32 to index
      %get3A_2103 = arith.constant 16 : index
      %get3A_2104 = tpu.vector_load %arg4[%get3A_2101, %get3A_2102, %get3A_2103] {strides = array<i32>} : memref<2x256x128xf32, #tpu.memory_space<vmem>>, vector<1x1x16xf32>,
      %get3A_2105 = vector.shape_cast %get3A_2104 : vector<1x1x16xf32> to vector<16xf32>
      %add3A_2106 = arith.addf %scan3A_2086, %get3A_2105 : vector<16xf32>
      %get3A_2107 = arith.constant 1 : i32
      %get3A_2108 = arith.index_cast %get3A_2107 : i32 to index
      %get3A_2109 = arith.index_cast %scan3A_2084 : i32 to index
      %get3A_2110 = arith.constant 32 : index
      %get3A_2111 = tpu.vector_load %arg4[%get3A_2108, %get3A_2109, %get3A_2110] {strides = array<i32>} : memref<2x256x128xf32, #tpu.memory_space<vmem>>, vector<1x1x16xf32>,
      %get3A_2112 = vector.shape_cast %get3A_2111 : vector<1x1x16xf32> to vector<16xf32>
      %add3A_2113 = arith.addf %scan3A_2087, %get3A_2112 : vector<16xf32>
      %get3A_2114 = arith.constant 1 : i32
      %get3A_2115 = arith.index_cast %get3A_2114 : i32 to index
      %get3A_2116 = arith.index_cast %scan3A_2084 : i32 to index
      %get3A_2117 = arith.constant 48 : index
      %get3A_2118 = tpu.vector_load %arg4[%get3A_2115, %get3A_2116, %get3A_2117] {strides = array<i32>} : memref<2x256x128xf32, #tpu.memory_space<vmem>>, vector<1x1x16xf32>,
      %get3A_2119 = vector.shape_cast %get3A_2118 : vector<1x1x16xf32> to vector<16xf32>
      %add3A_2120 = arith.addf %scan3A_2088, %get3A_2119 : vector<16xf32>
      %get3A_2121 = arith.constant 1 : i32
      %get3A_2122 = arith.index_cast %get3A_2121 : i32 to index
      %get3A_2123 = arith.index_cast %scan3A_2084 : i32 to index
      %get3A_2124 = arith.constant 64 : index
      %get3A_2125 = tpu.vector_load %arg4[%get3A_2122, %get3A_2123, %get3A_2124] {strides = array<i32>} : memref<2x256x128xf32, #tpu.memory_space<vmem>>, vector<1x1x16xf32>,
      %get3A_2126 = vector.shape_cast %get3A_2125 : vector<1x1x16xf32> to vector<16xf32>
      %add3A_2127 = arith.addf %scan3A_2089, %get3A_2126 : vector<16xf32>
      %get3A_2128 = arith.constant 1 : i32
      %get3A_2129 = arith.index_cast %get3A_2128 : i32 to index
      %get3A_2130 = arith.index_cast %scan3A_2084 : i32 to index
      %get3A_2131 = arith.constant 80 : index
      %get3A_2132 = tpu.vector_load %arg4[%get3A_2129, %get3A_2130, %get3A_2131] {strides = array<i32>} : memref<2x256x128xf32, #tpu.memory_space<vmem>>, vector<1x1x16xf32>,
      %get3A_2133 = vector.shape_cast %get3A_2132 : vector<1x1x16xf32> to vector<16xf32>
      %add3A_2134 = arith.addf %scan3A_2090, %get3A_2133 : vector<16xf32>
      %get3A_2135 = arith.constant 1 : i32
      %get3A_2136 = arith.index_cast %get3A_2135 : i32 to index
      %get3A_2137 = arith.index_cast %scan3A_2084 : i32 to index
      %get3A_2138 = arith.constant 96 : index
      %get3A_2139 = tpu.vector_load %arg4[%get3A_2136, %get3A_2137, %get3A_2138] {strides = array<i32>} : memref<2x256x128xf32, #tpu.memory_space<vmem>>, vector<1x1x16xf32>,
      %get3A_2140 = vector.shape_cast %get3A_2139 : vector<1x1x16xf32> to vector<16xf32>
      %add3A_2141 = arith.addf %scan3A_2091, %get3A_2140 : vector<16xf32>
      %get3A_2142 = arith.constant 1 : i32
      %get3A_2143 = arith.index_cast %get3A_2142 : i32 to index
      %get3A_2144 = arith.index_cast %scan3A_2084 : i32 to index
      %get3A_2145 = arith.constant 112 : index
      %get3A_2146 = tpu.vector_load %arg4[%get3A_2143, %get3A_2144, %get3A_2145] {strides = array<i32>} : memref<2x256x128xf32, #tpu.memory_space<vmem>>, vector<1x1x16xf32>,
      %get3A_2147 = vector.shape_cast %get3A_2146 : vector<1x1x16xf32> to vector<16xf32>
      %add3A_2148 = arith.addf %scan3A_2092, %get3A_2147 : vector<16xf32>
      scf.yield %add3A_2099, %add3A_2106, %add3A_2113, %add3A_2120, %add3A_2127, %add3A_2134, %add3A_2141, %add3A_2148 : vector<16xf32>, vector<16xf32>, vector<16xf32>, vector<16xf32>, vector<16xf32>, vector<16xf32>, vector<16xf32>, vector<16xf32>
    }
    %scan3A_975 = arith.constant 256 : i32
    %get3A_976 = arith.constant 1 : i32
    %get3A_977 = arith.index_cast %get3A_976 : i32 to index
    %get3A_978 = arith.constant 0 : index
    %get3A_979 = tpu.vector_load %arg5[%get3A_977, %get3A_978] {strides = array<i32>} : memref<4x128xf32, #tpu.memory_space<vmem>>, vector<1x16xf32>,
    %get3A_980 = vector.shape_cast %get3A_979 : vector<1x16xf32> to vector<16xf32>
    %add3A_981 = arith.addf %get3A_980, %scan3A_974#0 : vector<16xf32>
    %swap3A_982 = arith.constant 1 : i32
    %swap3A_983 = arith.index_cast %swap3A_982 : i32 to index
    %swap3A_984 = arith.constant 0 : index
    %swap3A_985 = tpu.vector_load %arg5[%swap3A_983, %swap3A_984] {strides = array<i32>} : memref<4x128xf32, #tpu.memory_space<vmem>>, vector<1x16xf32>,
    %swap3A_986 = vector.shape_cast %swap3A_985 : vector<1x16xf32> to vector<16xf32>
    %swap3A_987 = vector.shape_cast %add3A_981 : vector<16xf32> to vector<1x16xf32>
    tpu.vector_store %arg5[%swap3A_983, %swap3A_984], %swap3A_987 {strides = array<i32>} : memref<4x128xf32, #tpu.memory_space<vmem>>, vector<1x16xf32>,
    %get3A_988 = arith.constant 1 : i32
    %get3A_989 = arith.index_cast %get3A_988 : i32 to index
    %get3A_990 = arith.constant 16 : index
    %get3A_991 = tpu.vector_load %arg5[%get3A_989, %get3A_990] {strides = array<i32>} : memref<4x128xf32, #tpu.memory_space<vmem>>, vector<1x16xf32>,
    %get3A_992 = vector.shape_cast %get3A_991 : vector<1x16xf32> to vector<16xf32>
    %add3A_993 = arith.addf %get3A_992, %scan3A_974#1 : vector<16xf32>
    %swap3A_994 = arith.constant 1 : i32
    %swap3A_995 = arith.index_cast %swap3A_994 : i32 to index
    %swap3A_996 = arith.constant 16 : index
    %swap3A_997 = tpu.vector_load %arg5[%swap3A_995, %swap3A_996] {strides = array<i32>} : memref<4x128xf32, #tpu.memory_space<vmem>>, vector<1x16xf32>,
    %swap3A_998 = vector.shape_cast %swap3A_997 : vector<1x16xf32> to vector<16xf32>
    %swap3A_999 = vector.shape_cast %add3A_993 : vector<16xf32> to vector<1x16xf32>
    tpu.vector_store %arg5[%swap3A_995, %swap3A_996], %swap3A_999 {strides = array<i32>} : memref<4x128xf32, #tpu.memory_space<vmem>>, vector<1x16xf32>,
    %get3A_1000 = arith.constant 1 : i32
    %get3A_1001 = arith.index_cast %get3A_1000 : i32 to index
    %get3A_1002 = arith.constant 32 : index
    %get3A_1003 = tpu.vector_load %arg5[%get3A_1001, %get3A_1002] {strides = array<i32>} : memref<4x128xf32, #tpu.memory_space<vmem>>, vector<1x16xf32>,
    %get3A_1004 = vector.shape_cast %get3A_1003 : vector<1x16xf32> to vector<16xf32>
    %add3A_1005 = arith.addf %get3A_1004, %scan3A_974#2 : vector<16xf32>
    %swap3A_1006 = arith.constant 1 : i32
    %swap3A_1007 = arith.index_cast %swap3A_1006 : i32 to index
    %swap3A_1008 = arith.constant 32 : index
    %swap3A_1009 = tpu.vector_load %arg5[%swap3A_1007, %swap3A_1008] {strides = array<i32>} : memref<4x128xf32, #tpu.memory_space<vmem>>, vector<1x16xf32>,
    %swap3A_1010 = vector.shape_cast %swap3A_1009 : vector<1x16xf32> to vector<16xf32>
    %swap3A_1011 = vector.shape_cast %add3A_1005 : vector<16xf32> to vector<1x16xf32>
    tpu.vector_store %arg5[%swap3A_1007, %swap3A_1008], %swap3A_1011 {strides = array<i32>} : memref<4x128xf32, #tpu.memory_space<vmem>>, vector<1x16xf32>,
    %get3A_1012 = arith.constant 1 : i32
    %get3A_1013 = arith.index_cast %get3A_1012 : i32 to index
    %get3A_1014 = arith.constant 48 : index
    %get3A_1015 = tpu.vector_load %arg5[%get3A_1013, %get3A_1014] {strides = array<i32>} : memref<4x128xf32, #tpu.memory_space<vmem>>, vector<1x16xf32>,
    %get3A_1016 = vector.shape_cast %get3A_1015 : vector<1x16xf32> to vector<16xf32>
    %add3A_1017 = arith.addf %get3A_1016, %scan3A_974#3 : vector<16xf32>
    %swap3A_1018 = arith.constant 1 : i32
    %swap3A_1019 = arith.index_cast %swap3A_1018 : i32 to index
    %swap3A_1020 = arith.constant 48 : index
    %swap3A_1021 = tpu.vector_load %arg5[%swap3A_1019, %swap3A_1020] {strides = array<i32>} : memref<4x128xf32, #tpu.memory_space<vmem>>, vector<1x16xf32>,
    %swap3A_1022 = vector.shape_cast %swap3A_1021 : vector<1x16xf32> to vector<16xf32>
    %swap3A_1023 = vector.shape_cast %add3A_1017 : vector<16xf32> to vector<1x16xf32>
    tpu.vector_store %arg5[%swap3A_1019, %swap3A_1020], %swap3A_1023 {strides = array<i32>} : memref<4x128xf32, #tpu.memory_space<vmem>>, vector<1x16xf32>,
    %get3A_1024 = arith.constant 1 : i32
    %get3A_1025 = arith.index_cast %get3A_1024 : i32 to index
    %get3A_1026 = arith.constant 64 : index
    %get3A_1027 = tpu.vector_load %arg5[%get3A_1025, %get3A_1026] {strides = array<i32>} : memref<4x128xf32, #tpu.memory_space<vmem>>, vector<1x16xf32>,
    %get3A_1028 = vector.shape_cast %get3A_1027 : vector<1x16xf32> to vector<16xf32>
    %add3A_1029 = arith.addf %get3A_1028, %scan3A_974#4 : vector<16xf32>
    %swap3A_1030 = arith.constant 1 : i32
    %swap3A_1031 = arith.index_cast %swap3A_1030 : i32 to index
    %swap3A_1032 = arith.constant 64 : index
    %swap3A_1033 = tpu.vector_load %arg5[%swap3A_1031, %swap3A_1032] {strides = array<i32>} : memref<4x128xf32, #tpu.memory_space<vmem>>, vector<1x16xf32>,
    %swap3A_1034 = vector.shape_cast %swap3A_1033 : vector<1x16xf32> to vector<16xf32>
    %swap3A_1035 = vector.shape_cast %add3A_1029 : vector<16xf32> to vector<1x16xf32>
    tpu.vector_store %arg5[%swap3A_1031, %swap3A_1032], %swap3A_1035 {strides = array<i32>} : memref<4x128xf32, #tpu.memory_space<vmem>>, vector<1x16xf32>,
    %get3A_1036 = arith.constant 1 : i32
    %get3A_1037 = arith.index_cast %get3A_1036 : i32 to index
    %get3A_1038 = arith.constant 80 : index
    %get3A_1039 = tpu.vector_load %arg5[%get3A_1037, %get3A_1038] {strides = array<i32>} : memref<4x128xf32, #tpu.memory_space<vmem>>, vector<1x16xf32>,
    %get3A_1040 = vector.shape_cast %get3A_1039 : vector<1x16xf32> to vector<16xf32>
    %add3A_1041 = arith.addf %get3A_1040, %scan3A_974#5 : vector<16xf32>
    %swap3A_1042 = arith.constant 1 : i32
    %swap3A_1043 = arith.index_cast %swap3A_1042 : i32 to index
    %swap3A_1044 = arith.constant 80 : index
    %swap3A_1045 = tpu.vector_load %arg5[%swap3A_1043, %swap3A_1044] {strides = array<i32>} : memref<4x128xf32, #tpu.memory_space<vmem>>, vector<1x16xf32>,
    %swap3A_1046 = vector.shape_cast %swap3A_1045 : vector<1x16xf32> to vector<16xf32>
    %swap3A_1047 = vector.shape_cast %add3A_1041 : vector<16xf32> to vector<1x16xf32>
    tpu.vector_store %arg5[%swap3A_1043, %swap3A_1044], %swap3A_1047 {strides = array<i32>} : memref<4x128xf32, #tpu.memory_space<vmem>>, vector<1x16xf32>,
    %get3A_1048 = arith.constant 1 : i32
    %get3A_1049 = arith.index_cast %get3A_1048 : i32 to index
    %get3A_1050 = arith.constant 96 : index
    %get3A_1051 = tpu.vector_load %arg5[%get3A_1049, %get3A_1050] {strides = array<i32>} : memref<4x128xf32, #tpu.memory_space<vmem>>, vector<1x16xf32>,
    %get3A_1052 = vector.shape_cast %get3A_1051 : vector<1x16xf32> to vector<16xf32>
    %add3A_1053 = arith.addf %get3A_1052, %scan3A_974#6 : vector<16xf32>
    %swap3A_1054 = arith.constant 1 : i32
    %swap3A_1055 = arith.index_cast %swap3A_1054 : i32 to index
    %swap3A_1056 = arith.constant 96 : index
    %swap3A_1057 = tpu.vector_load %arg5[%swap3A_1055, %swap3A_1056] {strides = array<i32>} : memref<4x128xf32, #tpu.memory_space<vmem>>, vector<1x16xf32>,
    %swap3A_1058 = vector.shape_cast %swap3A_1057 : vector<1x16xf32> to vector<16xf32>
    %swap3A_1059 = vector.shape_cast %add3A_1053 : vector<16xf32> to vector<1x16xf32>
    tpu.vector_store %arg5[%swap3A_1055, %swap3A_1056], %swap3A_1059 {strides = array<i32>} : memref<4x128xf32, #tpu.memory_space<vmem>>, vector<1x16xf32>,
    %get3A_1060 = arith.constant 1 : i32
    %get3A_1061 = arith.index_cast %get3A_1060 : i32 to index
    %get3A_1062 = arith.constant 112 : index
    %get3A_1063 = tpu.vector_load %arg5[%get3A_1061, %get3A_1062] {strides = array<i32>} : memref<4x128xf32, #tpu.memory_space<vmem>>, vector<1x16xf32>,
    %get3A_1064 = vector.shape_cast %get3A_1063 : vector<1x16xf32> to vector<16xf32>
    %add3A_1065 = arith.addf %get3A_1064, %scan3A_974#7 : vector<16xf32>
    %swap3A_1066 = arith.constant 1 : i32
    %swap3A_1067 = arith.index_cast %swap3A_1066 : i32 to index
    %swap3A_1068 = arith.constant 112 : index
    %swap3A_1069 = tpu.vector_load %arg5[%swap3A_1067, %swap3A_1068] {strides = array<i32>} : memref<4x128xf32, #tpu.memory_space<vmem>>, vector<1x16xf32>,
    %swap3A_1070 = vector.shape_cast %swap3A_1069 : vector<1x16xf32> to vector<16xf32>
    %swap3A_1071 = vector.shape_cast %add3A_1065 : vector<16xf32> to vector<1x16xf32>
    tpu.vector_store %arg5[%swap3A_1067, %swap3A_1068], %swap3A_1071 {strides = array<i32>} : memref<4x128xf32, #tpu.memory_space<vmem>>, vector<1x16xf32>,
    %add3A_1072 = arith.constant 256 : i32
    %add3A_1073 = arith.addi %mul3A_34, %add3A_1072 : i32
    %dma_start3A_1074 = arith.constant 2 : i32
    %dma_start3A_1075 = arith.constant 1 : i32
    %dma_start3A_1076 = arith.constant 1 : i32
    %dma_start3A_1077 = arith.constant 0 : i32
    %dma_start3A_1078 = arith.constant 0 : i32
    %dma_start3A_1079 = tpu.memref_slice %arg4[%dma_start3A_1075, %dma_start3A_1077, %dma_start3A_1078] : memref<2x256x128xf32, #tpu.memory_space<vmem>> -> memref<1x256x128xf32, #tpu.memory_space<vmem>>
    %dma_start3A_1080 = tpu.memref_squeeze %dma_start3A_1079 : memref<1x256x128xf32, #tpu.memory_space<vmem>> -> memref<256x128xf32, #tpu.memory_space<vmem>>
    %dma_start3A_1081 = tpu.memref_slice %arg2[%dma_start3A_1074, %add3A_1073, %mul3A_32] : memref<4x2048x2048xf32, #tpu.memory_space<hbm>> -> memref<1x256x128xf32, #tpu.memory_space<hbm>>
    %dma_start3A_1082 = tpu.memref_squeeze %dma_start3A_1081 : memref<1x256x128xf32, #tpu.memory_space<hbm>> -> memref<256x128xf32, #tpu.memory_space<hbm>>
    %dma_start3A_1083 = tpu.memref_slice %arg6[%dma_start3A_1076] : memref<2x!tpu.dma_semaphore, #tpu.memory_space<semaphore_mem>> -> memref<1x!tpu.dma_semaphore, #tpu.memory_space<semaphore_mem>>
    %dma_start3A_1084 = tpu.memref_squeeze %dma_start3A_1083 : memref<1x!tpu.dma_semaphore, #tpu.memory_space<semaphore_mem>> -> memref<!tpu.dma_semaphore, #tpu.memory_space<semaphore_mem>>
    %dma_start3A_1085 = arith.constant 0 : i32
    %dma_start3A_1086 = arith.constant 0 : i32
    %dma_start3A_1087 = tpu.memref_slice %arg4[%dma_start3A_1075, %dma_start3A_1085, %dma_start3A_1086] : memref<2x256x128xf32, #tpu.memory_space<vmem>> -> memref<1x256x128xf32, #tpu.memory_space<vmem>>
    %dma_start3A_1088 = tpu.memref_squeeze %dma_start3A_1087 : memref<1x256x128xf32, #tpu.memory_space<vmem>> -> memref<256x128xf32, #tpu.memory_space<vmem>>
    %dma_start3A_1089 = tpu.memref_slice %arg2[%dma_start3A_1074, %add3A_1073, %mul3A_32] : memref<4x2048x2048xf32, #tpu.memory_space<hbm>> -> memref<1x256x128xf32, #tpu.memory_space<hbm>>
    %dma_start3A_1090 = tpu.memref_squeeze %dma_start3A_1089 : memref<1x256x128xf32, #tpu.memory_space<hbm>> -> memref<256x128xf32, #tpu.memory_space<hbm>>
    tpu.enqueue_dma source(%dma_start3A_1090 : memref<256x128xf32, #tpu.memory_space<hbm>>) target(%dma_start3A_1088 : memref<256x128xf32, #tpu.memory_space<vmem>>) target_semaphore(%dma_start3A_1084 : memref<!tpu.dma_semaphore, #tpu.memory_space<semaphore_mem>>)
    %dma_wait3A_1091 = arith.constant 2 : i32
    %dma_wait3A_1092 = arith.constant 0 : i32
    %dma_wait3A_1093 = arith.constant 0 : i32
    %dma_wait3A_1094 = arith.constant 0 : i32
    %dma_wait3A_1095 = arith.constant 0 : i32
    %dma_wait3A_1096 = tpu.memref_slice %arg4[%dma_wait3A_1092, %dma_wait3A_1094, %dma_wait3A_1095] : memref<2x256x128xf32, #tpu.memory_space<vmem>> -> memref<1x256x128xf32, #tpu.memory_space<vmem>>
    %dma_wait3A_1097 = tpu.memref_squeeze %dma_wait3A_1096 : memref<1x256x128xf32, #tpu.memory_space<vmem>> -> memref<256x128xf32, #tpu.memory_space<vmem>>
    %dma_wait3A_1098 = tpu.memref_slice %arg2[%dma_wait3A_1091, %add3A_933, %mul3A_32] : memref<4x2048x2048xf32, #tpu.memory_space<hbm>> -> memref<1x256x128xf32, #tpu.memory_space<hbm>>
    %dma_wait3A_1099 = tpu.memref_squeeze %dma_wait3A_1098 : memref<1x256x128xf32, #tpu.memory_space<hbm>> -> memref<256x128xf32, #tpu.memory_space<hbm>>
    %dma_wait3A_1100 = tpu.memref_slice %arg6[%dma_wait3A_1093] : memref<2x!tpu.dma_semaphore, #tpu.memory_space<semaphore_mem>> -> memref<1x!tpu.dma_semaphore, #tpu.memory_space<semaphore_mem>>
    %dma_wait3A_1101 = tpu.memref_squeeze %dma_wait3A_1100 : memref<1x!tpu.dma_semaphore, #tpu.memory_space<semaphore_mem>> -> memref<!tpu.dma_semaphore, #tpu.memory_space<semaphore_mem>>
    %dma_wait3A_1102 = arith.constant 0 : i32
    %dma_wait3A_1103 = arith.constant 0 : i32
    %dma_wait3A_1104 = tpu.memref_slice %arg4[%dma_wait3A_1092, %dma_wait3A_1102, %dma_wait3A_1103] : memref<2x256x128xf32, #tpu.memory_space<vmem>> -> memref<1x256x128xf32, #tpu.memory_space<vmem>>
    %dma_wait3A_1105 = tpu.memref_squeeze %dma_wait3A_1104 : memref<1x256x128xf32, #tpu.memory_space<vmem>> -> memref<256x128xf32, #tpu.memory_space<vmem>>
    %dma_wait3A_1106 = tpu.memref_slice %arg2[%dma_wait3A_1091, %add3A_933, %mul3A_32] : memref<4x2048x2048xf32, #tpu.memory_space<hbm>> -> memref<1x256x128xf32, #tpu.memory_space<hbm>>
    %dma_wait3A_1107 = tpu.memref_squeeze %dma_wait3A_1106 : memref<1x256x128xf32, #tpu.memory_space<hbm>> -> memref<256x128xf32, #tpu.memory_space<hbm>>
    tpu.wait_dma2 semaphore(%dma_wait3A_1101 : memref<!tpu.dma_semaphore, #tpu.memory_space<semaphore_mem>>) src(%dma_wait3A_1107 : memref<256x128xf32, #tpu.memory_space<hbm>>) dst(%dma_wait3A_1105 : memref<256x128xf32, #tpu.memory_space<vmem>>)
    %broadcast_in_dim3A_1108 = arith.constant 0.000000e+00 : f32
    %broadcast_in_dim3A_1109 = vector.broadcast %broadcast_in_dim3A_1108 : f32 to vector<16xf32>
    %scan3A_1110 = arith.constant 0 : i32
    %scan3A_1111 = arith.constant 256 : i32
    %scan3A_1112 = arith.addi %scan3A_1110, %scan3A_1111 : i32
    %scan3A_1113 = arith.constant 1 : i32
    %scan3A_1114:8 = scf.for %scan3A_2084 = %scan3A_1110 to %scan3A_1112 step %scan3A_1113 iter_args(%scan3A_2085 = %broadcast_in_dim3A_1109, %scan3A_2086 = %broadcast_in_dim3A_1109, %scan3A_2087 = %broadcast_in_dim3A_1109, %scan3A_2088 = %broadcast_in_dim3A_1109, %scan3A_2089 = %broadcast_in_dim3A_1109, %scan3A_2090 = %broadcast_in_dim3A_1109, %scan3A_2091 = %broadcast_in_dim3A_1109, %scan3A_2092 = %broadcast_in_dim3A_1109) -> (vector<16xf32>, vector<16xf32>, vector<16xf32>, vector<16xf32>, vector<16xf32>, vector<16xf32>, vector<16xf32>, vector<16xf32>)  : i32 {
      %get3A_2093 = arith.constant 0 : i32
      %get3A_2094 = arith.index_cast %get3A_2093 : i32 to index
      %get3A_2095 = arith.index_cast %scan3A_2084 : i32 to index
      %get3A_2096 = arith.constant 0 : index
      %get3A_2097 = tpu.vector_load %arg4[%get3A_2094, %get3A_2095, %get3A_2096] {strides = array<i32>} : memref<2x256x128xf32, #tpu.memory_space<vmem>>, vector<1x1x16xf32>,
      %get3A_2098 = vector.shape_cast %get3A_2097 : vector<1x1x16xf32> to vector<16xf32>
      %add3A_2099 = arith.addf %scan3A_2085, %get3A_2098 : vector<16xf32>
      %get3A_2100 = arith.constant 0 : i32
      %get3A_2101 = arith.index_cast %get3A_2100 : i32 to index
      %get3A_2102 = arith.index_cast %scan3A_2084 : i32 to index
      %get3A_2103 = arith.constant 16 : index
      %get3A_2104 = tpu.vector_load %arg4[%get3A_2101, %get3A_2102, %get3A_2103] {strides = array<i32>} : memref<2x256x128xf32, #tpu.memory_space<vmem>>, vector<1x1x16xf32>,
      %get3A_2105 = vector.shape_cast %get3A_2104 : vector<1x1x16xf32> to vector<16xf32>
      %add3A_2106 = arith.addf %scan3A_2086, %get3A_2105 : vector<16xf32>
      %get3A_2107 = arith.constant 0 : i32
      %get3A_2108 = arith.index_cast %get3A_2107 : i32 to index
      %get3A_2109 = arith.index_cast %scan3A_2084 : i32 to index
      %get3A_2110 = arith.constant 32 : index
      %get3A_2111 = tpu.vector_load %arg4[%get3A_2108, %get3A_2109, %get3A_2110] {strides = array<i32>} : memref<2x256x128xf32, #tpu.memory_space<vmem>>, vector<1x1x16xf32>,
      %get3A_2112 = vector.shape_cast %get3A_2111 : vector<1x1x16xf32> to vector<16xf32>
      %add3A_2113 = arith.addf %scan3A_2087, %get3A_2112 : vector<16xf32>
      %get3A_2114 = arith.constant 0 : i32
      %get3A_2115 = arith.index_cast %get3A_2114 : i32 to index
      %get3A_2116 = arith.index_cast %scan3A_2084 : i32 to index
      %get3A_2117 = arith.constant 48 : index
      %get3A_2118 = tpu.vector_load %arg4[%get3A_2115, %get3A_2116, %get3A_2117] {strides = array<i32>} : memref<2x256x128xf32, #tpu.memory_space<vmem>>, vector<1x1x16xf32>,
      %get3A_2119 = vector.shape_cast %get3A_2118 : vector<1x1x16xf32> to vector<16xf32>
      %add3A_2120 = arith.addf %scan3A_2088, %get3A_2119 : vector<16xf32>
      %get3A_2121 = arith.constant 0 : i32
      %get3A_2122 = arith.index_cast %get3A_2121 : i32 to index
      %get3A_2123 = arith.index_cast %scan3A_2084 : i32 to index
      %get3A_2124 = arith.constant 64 : index
      %get3A_2125 = tpu.vector_load %arg4[%get3A_2122, %get3A_2123, %get3A_2124] {strides = array<i32>} : memref<2x256x128xf32, #tpu.memory_space<vmem>>, vector<1x1x16xf32>,
      %get3A_2126 = vector.shape_cast %get3A_2125 : vector<1x1x16xf32> to vector<16xf32>
      %add3A_2127 = arith.addf %scan3A_2089, %get3A_2126 : vector<16xf32>
      %get3A_2128 = arith.constant 0 : i32
      %get3A_2129 = arith.index_cast %get3A_2128 : i32 to index
      %get3A_2130 = arith.index_cast %scan3A_2084 : i32 to index
      %get3A_2131 = arith.constant 80 : index
      %get3A_2132 = tpu.vector_load %arg4[%get3A_2129, %get3A_2130, %get3A_2131] {strides = array<i32>} : memref<2x256x128xf32, #tpu.memory_space<vmem>>, vector<1x1x16xf32>,
      %get3A_2133 = vector.shape_cast %get3A_2132 : vector<1x1x16xf32> to vector<16xf32>
      %add3A_2134 = arith.addf %scan3A_2090, %get3A_2133 : vector<16xf32>
      %get3A_2135 = arith.constant 0 : i32
      %get3A_2136 = arith.index_cast %get3A_2135 : i32 to index
      %get3A_2137 = arith.index_cast %scan3A_2084 : i32 to index
      %get3A_2138 = arith.constant 96 : index
      %get3A_2139 = tpu.vector_load %arg4[%get3A_2136, %get3A_2137, %get3A_2138] {strides = array<i32>} : memref<2x256x128xf32, #tpu.memory_space<vmem>>, vector<1x1x16xf32>,
      %get3A_2140 = vector.shape_cast %get3A_2139 : vector<1x1x16xf32> to vector<16xf32>
      %add3A_2141 = arith.addf %scan3A_2091, %get3A_2140 : vector<16xf32>
      %get3A_2142 = arith.constant 0 : i32
      %get3A_2143 = arith.index_cast %get3A_2142 : i32 to index
      %get3A_2144 = arith.index_cast %scan3A_2084 : i32 to index
      %get3A_2145 = arith.constant 112 : index
      %get3A_2146 = tpu.vector_load %arg4[%get3A_2143, %get3A_2144, %get3A_2145] {strides = array<i32>} : memref<2x256x128xf32, #tpu.memory_space<vmem>>, vector<1x1x16xf32>,
      %get3A_2147 = vector.shape_cast %get3A_2146 : vector<1x1x16xf32> to vector<16xf32>
      %add3A_2148 = arith.addf %scan3A_2092, %get3A_2147 : vector<16xf32>
      scf.yield %add3A_2099, %add3A_2106, %add3A_2113, %add3A_2120, %add3A_2127, %add3A_2134, %add3A_2141, %add3A_2148 : vector<16xf32>, vector<16xf32>, vector<16xf32>, vector<16xf32>, vector<16xf32>, vector<16xf32>, vector<16xf32>, vector<16xf32>
    }
    %scan3A_1115 = arith.constant 256 : i32
    %swap3A_1116 = arith.constant 2 : i32
    %swap3A_1117 = arith.index_cast %swap3A_1116 : i32 to index
    %swap3A_1118 = arith.constant 0 : index
    %swap3A_1119 = tpu.vector_load %arg5[%swap3A_1117, %swap3A_1118] {strides = array<i32>} : memref<4x128xf32, #tpu.memory_space<vmem>>, vector<1x16xf32>,
    %swap3A_1120 = vector.shape_cast %swap3A_1119 : vector<1x16xf32> to vector<16xf32>
    %swap3A_1121 = vector.shape_cast %scan3A_1114#0 : vector<16xf32> to vector<1x16xf32>
    tpu.vector_store %arg5[%swap3A_1117, %swap3A_1118], %swap3A_1121 {strides = array<i32>} : memref<4x128xf32, #tpu.memory_space<vmem>>, vector<1x16xf32>,
    %swap3A_1122 = arith.constant 2 : i32
    %swap3A_1123 = arith.index_cast %swap3A_1122 : i32 to index
    %swap3A_1124 = arith.constant 16 : index
    %swap3A_1125 = tpu.vector_load %arg5[%swap3A_1123, %swap3A_1124] {strides = array<i32>} : memref<4x128xf32, #tpu.memory_space<vmem>>, vector<1x16xf32>,
    %swap3A_1126 = vector.shape_cast %swap3A_1125 : vector<1x16xf32> to vector<16xf32>
    %swap3A_1127 = vector.shape_cast %scan3A_1114#1 : vector<16xf32> to vector<1x16xf32>
    tpu.vector_store %arg5[%swap3A_1123, %swap3A_1124], %swap3A_1127 {strides = array<i32>} : memref<4x128xf32, #tpu.memory_space<vmem>>, vector<1x16xf32>,
    %swap3A_1128 = arith.constant 2 : i32
    %swap3A_1129 = arith.index_cast %swap3A_1128 : i32 to index
    %swap3A_1130 = arith.constant 32 : index
    %swap3A_1131 = tpu.vector_load %arg5[%swap3A_1129, %swap3A_1130] {strides = array<i32>} : memref<4x128xf32, #tpu.memory_space<vmem>>, vector<1x16xf32>,
    %swap3A_1132 = vector.shape_cast %swap3A_1131 : vector<1x16xf32> to vector<16xf32>
    %swap3A_1133 = vector.shape_cast %scan3A_1114#2 : vector<16xf32> to vector<1x16xf32>
    tpu.vector_store %arg5[%swap3A_1129, %swap3A_1130], %swap3A_1133 {strides = array<i32>} : memref<4x128xf32, #tpu.memory_space<vmem>>, vector<1x16xf32>,
    %swap3A_1134 = arith.constant 2 : i32
    %swap3A_1135 = arith.index_cast %swap3A_1134 : i32 to index
    %swap3A_1136 = arith.constant 48 : index
    %swap3A_1137 = tpu.vector_load %arg5[%swap3A_1135, %swap3A_1136] {strides = array<i32>} : memref<4x128xf32, #tpu.memory_space<vmem>>, vector<1x16xf32>,
    %swap3A_1138 = vector.shape_cast %swap3A_1137 : vector<1x16xf32> to vector<16xf32>
    %swap3A_1139 = vector.shape_cast %scan3A_1114#3 : vector<16xf32> to vector<1x16xf32>
    tpu.vector_store %arg5[%swap3A_1135, %swap3A_1136], %swap3A_1139 {strides = array<i32>} : memref<4x128xf32, #tpu.memory_space<vmem>>, vector<1x16xf32>,
    %swap3A_1140 = arith.constant 2 : i32
    %swap3A_1141 = arith.index_cast %swap3A_1140 : i32 to index
    %swap3A_1142 = arith.constant 64 : index
    %swap3A_1143 = tpu.vector_load %arg5[%swap3A_1141, %swap3A_1142] {strides = array<i32>} : memref<4x128xf32, #tpu.memory_space<vmem>>, vector<1x16xf32>,
    %swap3A_1144 = vector.shape_cast %swap3A_1143 : vector<1x16xf32> to vector<16xf32>
    %swap3A_1145 = vector.shape_cast %scan3A_1114#4 : vector<16xf32> to vector<1x16xf32>
    tpu.vector_store %arg5[%swap3A_1141, %swap3A_1142], %swap3A_1145 {strides = array<i32>} : memref<4x128xf32, #tpu.memory_space<vmem>>, vector<1x16xf32>,
    %swap3A_1146 = arith.constant 2 : i32
    %swap3A_1147 = arith.index_cast %swap3A_1146 : i32 to index
    %swap3A_1148 = arith.constant 80 : index
    %swap3A_1149 = tpu.vector_load %arg5[%swap3A_1147, %swap3A_1148] {strides = array<i32>} : memref<4x128xf32, #tpu.memory_space<vmem>>, vector<1x16xf32>,
    %swap3A_1150 = vector.shape_cast %swap3A_1149 : vector<1x16xf32> to vector<16xf32>
    %swap3A_1151 = vector.shape_cast %scan3A_1114#5 : vector<16xf32> to vector<1x16xf32>
    tpu.vector_store %arg5[%swap3A_1147, %swap3A_1148], %swap3A_1151 {strides = array<i32>} : memref<4x128xf32, #tpu.memory_space<vmem>>, vector<1x16xf32>,
    %swap3A_1152 = arith.constant 2 : i32
    %swap3A_1153 = arith.index_cast %swap3A_1152 : i32 to index
    %swap3A_1154 = arith.constant 96 : index
    %swap3A_1155 = tpu.vector_load %arg5[%swap3A_1153, %swap3A_1154] {strides = array<i32>} : memref<4x128xf32, #tpu.memory_space<vmem>>, vector<1x16xf32>,
    %swap3A_1156 = vector.shape_cast %swap3A_1155 : vector<1x16xf32> to vector<16xf32>
    %swap3A_1157 = vector.shape_cast %scan3A_1114#6 : vector<16xf32> to vector<1x16xf32>
    tpu.vector_store %arg5[%swap3A_1153, %swap3A_1154], %swap3A_1157 {strides = array<i32>} : memref<4x128xf32, #tpu.memory_space<vmem>>, vector<1x16xf32>,
    %swap3A_1158 = arith.constant 2 : i32
    %swap3A_1159 = arith.index_cast %swap3A_1158 : i32 to index
    %swap3A_1160 = arith.constant 112 : index
    %swap3A_1161 = tpu.vector_load %arg5[%swap3A_1159, %swap3A_1160] {strides = array<i32>} : memref<4x128xf32, #tpu.memory_space<vmem>>, vector<1x16xf32>,
    %swap3A_1162 = vector.shape_cast %swap3A_1161 : vector<1x16xf32> to vector<16xf32>
    %swap3A_1163 = vector.shape_cast %scan3A_1114#7 : vector<16xf32> to vector<1x16xf32>
    tpu.vector_store %arg5[%swap3A_1159, %swap3A_1160], %swap3A_1163 {strides = array<i32>} : memref<4x128xf32, #tpu.memory_space<vmem>>, vector<1x16xf32>,
    %add3A_1164 = arith.constant 512 : i32
    %add3A_1165 = arith.addi %mul3A_34, %add3A_1164 : i32
    %dma_start3A_1166 = arith.constant 2 : i32
    %dma_start3A_1167 = arith.constant 0 : i32
    %dma_start3A_1168 = arith.constant 0 : i32
    %dma_start3A_1169 = arith.constant 0 : i32
    %dma_start3A_1170 = arith.constant 0 : i32
    %dma_start3A_1171 = tpu.memref_slice %arg4[%dma_start3A_1167, %dma_start3A_1169, %dma_start3A_1170] : memref<2x256x128xf32, #tpu.memory_space<vmem>> -> memref<1x256x128xf32, #tpu.memory_space<vmem>>
    %dma_start3A_1172 = tpu.memref_squeeze %dma_start3A_1171 : memref<1x256x128xf32, #tpu.memory_space<vmem>> -> memref<256x128xf32, #tpu.memory_space<vmem>>
    %dma_start3A_1173 = tpu.memref_slice %arg2[%dma_start3A_1166, %add3A_1165, %mul3A_32] : memref<4x2048x2048xf32, #tpu.memory_space<hbm>> -> memref<1x256x128xf32, #tpu.memory_space<hbm>>
    %dma_start3A_1174 = tpu.memref_squeeze %dma_start3A_1173 : memref<1x256x128xf32, #tpu.memory_space<hbm>> -> memref<256x128xf32, #tpu.memory_space<hbm>>
    %dma_start3A_1175 = tpu.memref_slice %arg6[%dma_start3A_1168] : memref<2x!tpu.dma_semaphore, #tpu.memory_space<semaphore_mem>> -> memref<1x!tpu.dma_semaphore, #tpu.memory_space<semaphore_mem>>
    %dma_start3A_1176 = tpu.memref_squeeze %dma_start3A_1175 : memref<1x!tpu.dma_semaphore, #tpu.memory_space<semaphore_mem>> -> memref<!tpu.dma_semaphore, #tpu.memory_space<semaphore_mem>>
    %dma_start3A_1177 = arith.constant 0 : i32
    %dma_start3A_1178 = arith.constant 0 : i32
    %dma_start3A_1179 = tpu.memref_slice %arg4[%dma_start3A_1167, %dma_start3A_1177, %dma_start3A_1178] : memref<2x256x128xf32, #tpu.memory_space<vmem>> -> memref<1x256x128xf32, #tpu.memory_space<vmem>>
    %dma_start3A_1180 = tpu.memref_squeeze %dma_start3A_1179 : memref<1x256x128xf32, #tpu.memory_space<vmem>> -> memref<256x128xf32, #tpu.memory_space<vmem>>
    %dma_start3A_1181 = tpu.memref_slice %arg2[%dma_start3A_1166, %add3A_1165, %mul3A_32] : memref<4x2048x2048xf32, #tpu.memory_space<hbm>> -> memref<1x256x128xf32, #tpu.memory_space<hbm>>
    %dma_start3A_1182 = tpu.memref_squeeze %dma_start3A_1181 : memref<1x256x128xf32, #tpu.memory_space<hbm>> -> memref<256x128xf32, #tpu.memory_space<hbm>>
    tpu.enqueue_dma source(%dma_start3A_1182 : memref<256x128xf32, #tpu.memory_space<hbm>>) target(%dma_start3A_1180 : memref<256x128xf32, #tpu.memory_space<vmem>>) target_semaphore(%dma_start3A_1176 : memref<!tpu.dma_semaphore, #tpu.memory_space<semaphore_mem>>)
    %dma_wait3A_1183 = arith.constant 2 : i32
    %dma_wait3A_1184 = arith.constant 1 : i32
    %dma_wait3A_1185 = arith.constant 1 : i32
    %dma_wait3A_1186 = arith.constant 0 : i32
    %dma_wait3A_1187 = arith.constant 0 : i32
    %dma_wait3A_1188 = tpu.memref_slice %arg4[%dma_wait3A_1184, %dma_wait3A_1186, %dma_wait3A_1187] : memref<2x256x128xf32, #tpu.memory_space<vmem>> -> memref<1x256x128xf32, #tpu.memory_space<vmem>>
    %dma_wait3A_1189 = tpu.memref_squeeze %dma_wait3A_1188 : memref<1x256x128xf32, #tpu.memory_space<vmem>> -> memref<256x128xf32, #tpu.memory_space<vmem>>
    %dma_wait3A_1190 = tpu.memref_slice %arg2[%dma_wait3A_1183, %add3A_1073, %mul3A_32] : memref<4x2048x2048xf32, #tpu.memory_space<hbm>> -> memref<1x256x128xf32, #tpu.memory_space<hbm>>
    %dma_wait3A_1191 = tpu.memref_squeeze %dma_wait3A_1190 : memref<1x256x128xf32, #tpu.memory_space<hbm>> -> memref<256x128xf32, #tpu.memory_space<hbm>>
    %dma_wait3A_1192 = tpu.memref_slice %arg6[%dma_wait3A_1185] : memref<2x!tpu.dma_semaphore, #tpu.memory_space<semaphore_mem>> -> memref<1x!tpu.dma_semaphore, #tpu.memory_space<semaphore_mem>>
    %dma_wait3A_1193 = tpu.memref_squeeze %dma_wait3A_1192 : memref<1x!tpu.dma_semaphore, #tpu.memory_space<semaphore_mem>> -> memref<!tpu.dma_semaphore, #tpu.memory_space<semaphore_mem>>
    %dma_wait3A_1194 = arith.constant 0 : i32
    %dma_wait3A_1195 = arith.constant 0 : i32
    %dma_wait3A_1196 = tpu.memref_slice %arg4[%dma_wait3A_1184, %dma_wait3A_1194, %dma_wait3A_1195] : memref<2x256x128xf32, #tpu.memory_space<vmem>> -> memref<1x256x128xf32, #tpu.memory_space<vmem>>
    %dma_wait3A_1197 = tpu.memref_squeeze %dma_wait3A_1196 : memref<1x256x128xf32, #tpu.memory_space<vmem>> -> memref<256x128xf32, #tpu.memory_space<vmem>>
    %dma_wait3A_1198 = tpu.memref_slice %arg2[%dma_wait3A_1183, %add3A_1073, %mul3A_32] : memref<4x2048x2048xf32, #tpu.memory_space<hbm>> -> memref<1x256x128xf32, #tpu.memory_space<hbm>>
    %dma_wait3A_1199 = tpu.memref_squeeze %dma_wait3A_1198 : memref<1x256x128xf32, #tpu.memory_space<hbm>> -> memref<256x128xf32, #tpu.memory_space<hbm>>
    tpu.wait_dma2 semaphore(%dma_wait3A_1193 : memref<!tpu.dma_semaphore, #tpu.memory_space<semaphore_mem>>) src(%dma_wait3A_1199 : memref<256x128xf32, #tpu.memory_space<hbm>>) dst(%dma_wait3A_1197 : memref<256x128xf32, #tpu.memory_space<vmem>>)
    %broadcast_in_dim3A_1200 = arith.constant 0.000000e+00 : f32
    %broadcast_in_dim3A_1201 = vector.broadcast %broadcast_in_dim3A_1200 : f32 to vector<16xf32>
    %scan3A_1202 = arith.constant 0 : i32
    %scan3A_1203 = arith.constant 256 : i32
    %scan3A_1204 = arith.addi %scan3A_1202, %scan3A_1203 : i32
    %scan3A_1205 = arith.constant 1 : i32
    %scan3A_1206:8 = scf.for %scan3A_2084 = %scan3A_1202 to %scan3A_1204 step %scan3A_1205 iter_args(%scan3A_2085 = %broadcast_in_dim3A_1201, %scan3A_2086 = %broadcast_in_dim3A_1201, %scan3A_2087 = %broadcast_in_dim3A_1201, %scan3A_2088 = %broadcast_in_dim3A_1201, %scan3A_2089 = %broadcast_in_dim3A_1201, %scan3A_2090 = %broadcast_in_dim3A_1201, %scan3A_2091 = %broadcast_in_dim3A_1201, %scan3A_2092 = %broadcast_in_dim3A_1201) -> (vector<16xf32>, vector<16xf32>, vector<16xf32>, vector<16xf32>, vector<16xf32>, vector<16xf32>, vector<16xf32>, vector<16xf32>)  : i32 {
      %get3A_2093 = arith.constant 1 : i32
      %get3A_2094 = arith.index_cast %get3A_2093 : i32 to index
      %get3A_2095 = arith.index_cast %scan3A_2084 : i32 to index
      %get3A_2096 = arith.constant 0 : index
      %get3A_2097 = tpu.vector_load %arg4[%get3A_2094, %get3A_2095, %get3A_2096] {strides = array<i32>} : memref<2x256x128xf32, #tpu.memory_space<vmem>>, vector<1x1x16xf32>,
      %get3A_2098 = vector.shape_cast %get3A_2097 : vector<1x1x16xf32> to vector<16xf32>
      %add3A_2099 = arith.addf %scan3A_2085, %get3A_2098 : vector<16xf32>
      %get3A_2100 = arith.constant 1 : i32
      %get3A_2101 = arith.index_cast %get3A_2100 : i32 to index
      %get3A_2102 = arith.index_cast %scan3A_2084 : i32 to index
      %get3A_2103 = arith.constant 16 : index
      %get3A_2104 = tpu.vector_load %arg4[%get3A_2101, %get3A_2102, %get3A_2103] {strides = array<i32>} : memref<2x256x128xf32, #tpu.memory_space<vmem>>, vector<1x1x16xf32>,
      %get3A_2105 = vector.shape_cast %get3A_2104 : vector<1x1x16xf32> to vector<16xf32>
      %add3A_2106 = arith.addf %scan3A_2086, %get3A_2105 : vector<16xf32>
      %get3A_2107 = arith.constant 1 : i32
      %get3A_2108 = arith.index_cast %get3A_2107 : i32 to index
      %get3A_2109 = arith.index_cast %scan3A_2084 : i32 to index
      %get3A_2110 = arith.constant 32 : index
      %get3A_2111 = tpu.vector_load %arg4[%get3A_2108, %get3A_2109, %get3A_2110] {strides = array<i32>} : memref<2x256x128xf32, #tpu.memory_space<vmem>>, vector<1x1x16xf32>,
      %get3A_2112 = vector.shape_cast %get3A_2111 : vector<1x1x16xf32> to vector<16xf32>
      %add3A_2113 = arith.addf %scan3A_2087, %get3A_2112 : vector<16xf32>
      %get3A_2114 = arith.constant 1 : i32
      %get3A_2115 = arith.index_cast %get3A_2114 : i32 to index
      %get3A_2116 = arith.index_cast %scan3A_2084 : i32 to index
      %get3A_2117 = arith.constant 48 : index
      %get3A_2118 = tpu.vector_load %arg4[%get3A_2115, %get3A_2116, %get3A_2117] {strides = array<i32>} : memref<2x256x128xf32, #tpu.memory_space<vmem>>, vector<1x1x16xf32>,
      %get3A_2119 = vector.shape_cast %get3A_2118 : vector<1x1x16xf32> to vector<16xf32>
      %add3A_2120 = arith.addf %scan3A_2088, %get3A_2119 : vector<16xf32>
      %get3A_2121 = arith.constant 1 : i32
      %get3A_2122 = arith.index_cast %get3A_2121 : i32 to index
      %get3A_2123 = arith.index_cast %scan3A_2084 : i32 to index
      %get3A_2124 = arith.constant 64 : index
      %get3A_2125 = tpu.vector_load %arg4[%get3A_2122, %get3A_2123, %get3A_2124] {strides = array<i32>} : memref<2x256x128xf32, #tpu.memory_space<vmem>>, vector<1x1x16xf32>,
      %get3A_2126 = vector.shape_cast %get3A_2125 : vector<1x1x16xf32> to vector<16xf32>
      %add3A_2127 = arith.addf %scan3A_2089, %get3A_2126 : vector<16xf32>
      %get3A_2128 = arith.constant 1 : i32
      %get3A_2129 = arith.index_cast %get3A_2128 : i32 to index
      %get3A_2130 = arith.index_cast %scan3A_2084 : i32 to index
      %get3A_2131 = arith.constant 80 : index
      %get3A_2132 = tpu.vector_load %arg4[%get3A_2129, %get3A_2130, %get3A_2131] {strides = array<i32>} : memref<2x256x128xf32, #tpu.memory_space<vmem>>, vector<1x1x16xf32>,
      %get3A_2133 = vector.shape_cast %get3A_2132 : vector<1x1x16xf32> to vector<16xf32>
      %add3A_2134 = arith.addf %scan3A_2090, %get3A_2133 : vector<16xf32>
      %get3A_2135 = arith.constant 1 : i32
      %get3A_2136 = arith.index_cast %get3A_2135 : i32 to index
      %get3A_2137 = arith.index_cast %scan3A_2084 : i32 to index
      %get3A_2138 = arith.constant 96 : index
      %get3A_2139 = tpu.vector_load %arg4[%get3A_2136, %get3A_2137, %get3A_2138] {strides = array<i32>} : memref<2x256x128xf32, #tpu.memory_space<vmem>>, vector<1x1x16xf32>,
      %get3A_2140 = vector.shape_cast %get3A_2139 : vector<1x1x16xf32> to vector<16xf32>
      %add3A_2141 = arith.addf %scan3A_2091, %get3A_2140 : vector<16xf32>
      %get3A_2142 = arith.constant 1 : i32
      %get3A_2143 = arith.index_cast %get3A_2142 : i32 to index
      %get3A_2144 = arith.index_cast %scan3A_2084 : i32 to index
      %get3A_2145 = arith.constant 112 : index
      %get3A_2146 = tpu.vector_load %arg4[%get3A_2143, %get3A_2144, %get3A_2145] {strides = array<i32>} : memref<2x256x128xf32, #tpu.memory_space<vmem>>, vector<1x1x16xf32>,
      %get3A_2147 = vector.shape_cast %get3A_2146 : vector<1x1x16xf32> to vector<16xf32>
      %add3A_2148 = arith.addf %scan3A_2092, %get3A_2147 : vector<16xf32>
      scf.yield %add3A_2099, %add3A_2106, %add3A_2113, %add3A_2120, %add3A_2127, %add3A_2134, %add3A_2141, %add3A_2148 : vector<16xf32>, vector<16xf32>, vector<16xf32>, vector<16xf32>, vector<16xf32>, vector<16xf32>, vector<16xf32>, vector<16xf32>
    }
    %scan3A_1207 = arith.constant 256 : i32
    %get3A_1208 = arith.constant 2 : i32
    %get3A_1209 = arith.index_cast %get3A_1208 : i32 to index
    %get3A_1210 = arith.constant 0 : index
    %get3A_1211 = tpu.vector_load %arg5[%get3A_1209, %get3A_1210] {strides = array<i32>} : memref<4x128xf32, #tpu.memory_space<vmem>>, vector<1x16xf32>,
    %get3A_1212 = vector.shape_cast %get3A_1211 : vector<1x16xf32> to vector<16xf32>
    %add3A_1213 = arith.addf %get3A_1212, %scan3A_1206#0 : vector<16xf32>
    %swap3A_1214 = arith.constant 2 : i32
    %swap3A_1215 = arith.index_cast %swap3A_1214 : i32 to index
    %swap3A_1216 = arith.constant 0 : index
    %swap3A_1217 = tpu.vector_load %arg5[%swap3A_1215, %swap3A_1216] {strides = array<i32>} : memref<4x128xf32, #tpu.memory_space<vmem>>, vector<1x16xf32>,
    %swap3A_1218 = vector.shape_cast %swap3A_1217 : vector<1x16xf32> to vector<16xf32>
    %swap3A_1219 = vector.shape_cast %add3A_1213 : vector<16xf32> to vector<1x16xf32>
    tpu.vector_store %arg5[%swap3A_1215, %swap3A_1216], %swap3A_1219 {strides = array<i32>} : memref<4x128xf32, #tpu.memory_space<vmem>>, vector<1x16xf32>,
    %get3A_1220 = arith.constant 2 : i32
    %get3A_1221 = arith.index_cast %get3A_1220 : i32 to index
    %get3A_1222 = arith.constant 16 : index
    %get3A_1223 = tpu.vector_load %arg5[%get3A_1221, %get3A_1222] {strides = array<i32>} : memref<4x128xf32, #tpu.memory_space<vmem>>, vector<1x16xf32>,
    %get3A_1224 = vector.shape_cast %get3A_1223 : vector<1x16xf32> to vector<16xf32>
    %add3A_1225 = arith.addf %get3A_1224, %scan3A_1206#1 : vector<16xf32>
    %swap3A_1226 = arith.constant 2 : i32
    %swap3A_1227 = arith.index_cast %swap3A_1226 : i32 to index
    %swap3A_1228 = arith.constant 16 : index
    %swap3A_1229 = tpu.vector_load %arg5[%swap3A_1227, %swap3A_1228] {strides = array<i32>} : memref<4x128xf32, #tpu.memory_space<vmem>>, vector<1x16xf32>,
    %swap3A_1230 = vector.shape_cast %swap3A_1229 : vector<1x16xf32> to vector<16xf32>
    %swap3A_1231 = vector.shape_cast %add3A_1225 : vector<16xf32> to vector<1x16xf32>
    tpu.vector_store %arg5[%swap3A_1227, %swap3A_1228], %swap3A_1231 {strides = array<i32>} : memref<4x128xf32, #tpu.memory_space<vmem>>, vector<1x16xf32>,
    %get3A_1232 = arith.constant 2 : i32
    %get3A_1233 = arith.index_cast %get3A_1232 : i32 to index
    %get3A_1234 = arith.constant 32 : index
    %get3A_1235 = tpu.vector_load %arg5[%get3A_1233, %get3A_1234] {strides = array<i32>} : memref<4x128xf32, #tpu.memory_space<vmem>>, vector<1x16xf32>,
    %get3A_1236 = vector.shape_cast %get3A_1235 : vector<1x16xf32> to vector<16xf32>
    %add3A_1237 = arith.addf %get3A_1236, %scan3A_1206#2 : vector<16xf32>
    %swap3A_1238 = arith.constant 2 : i32
    %swap3A_1239 = arith.index_cast %swap3A_1238 : i32 to index
    %swap3A_1240 = arith.constant 32 : index
    %swap3A_1241 = tpu.vector_load %arg5[%swap3A_1239, %swap3A_1240] {strides = array<i32>} : memref<4x128xf32, #tpu.memory_space<vmem>>, vector<1x16xf32>,
    %swap3A_1242 = vector.shape_cast %swap3A_1241 : vector<1x16xf32> to vector<16xf32>
    %swap3A_1243 = vector.shape_cast %add3A_1237 : vector<16xf32> to vector<1x16xf32>
    tpu.vector_store %arg5[%swap3A_1239, %swap3A_1240], %swap3A_1243 {strides = array<i32>} : memref<4x128xf32, #tpu.memory_space<vmem>>, vector<1x16xf32>,
    %get3A_1244 = arith.constant 2 : i32
    %get3A_1245 = arith.index_cast %get3A_1244 : i32 to index
    %get3A_1246 = arith.constant 48 : index
    %get3A_1247 = tpu.vector_load %arg5[%get3A_1245, %get3A_1246] {strides = array<i32>} : memref<4x128xf32, #tpu.memory_space<vmem>>, vector<1x16xf32>,
    %get3A_1248 = vector.shape_cast %get3A_1247 : vector<1x16xf32> to vector<16xf32>
    %add3A_1249 = arith.addf %get3A_1248, %scan3A_1206#3 : vector<16xf32>
    %swap3A_1250 = arith.constant 2 : i32
    %swap3A_1251 = arith.index_cast %swap3A_1250 : i32 to index
    %swap3A_1252 = arith.constant 48 : index
    %swap3A_1253 = tpu.vector_load %arg5[%swap3A_1251, %swap3A_1252] {strides = array<i32>} : memref<4x128xf32, #tpu.memory_space<vmem>>, vector<1x16xf32>,
    %swap3A_1254 = vector.shape_cast %swap3A_1253 : vector<1x16xf32> to vector<16xf32>
    %swap3A_1255 = vector.shape_cast %add3A_1249 : vector<16xf32> to vector<1x16xf32>
    tpu.vector_store %arg5[%swap3A_1251, %swap3A_1252], %swap3A_1255 {strides = array<i32>} : memref<4x128xf32, #tpu.memory_space<vmem>>, vector<1x16xf32>,
    %get3A_1256 = arith.constant 2 : i32
    %get3A_1257 = arith.index_cast %get3A_1256 : i32 to index
    %get3A_1258 = arith.constant 64 : index
    %get3A_1259 = tpu.vector_load %arg5[%get3A_1257, %get3A_1258] {strides = array<i32>} : memref<4x128xf32, #tpu.memory_space<vmem>>, vector<1x16xf32>,
    %get3A_1260 = vector.shape_cast %get3A_1259 : vector<1x16xf32> to vector<16xf32>
    %add3A_1261 = arith.addf %get3A_1260, %scan3A_1206#4 : vector<16xf32>
    %swap3A_1262 = arith.constant 2 : i32
    %swap3A_1263 = arith.index_cast %swap3A_1262 : i32 to index
    %swap3A_1264 = arith.constant 64 : index
    %swap3A_1265 = tpu.vector_load %arg5[%swap3A_1263, %swap3A_1264] {strides = array<i32>} : memref<4x128xf32, #tpu.memory_space<vmem>>, vector<1x16xf32>,
    %swap3A_1266 = vector.shape_cast %swap3A_1265 : vector<1x16xf32> to vector<16xf32>
    %swap3A_1267 = vector.shape_cast %add3A_1261 : vector<16xf32> to vector<1x16xf32>
    tpu.vector_store %arg5[%swap3A_1263, %swap3A_1264], %swap3A_1267 {strides = array<i32>} : memref<4x128xf32, #tpu.memory_space<vmem>>, vector<1x16xf32>,
    %get3A_1268 = arith.constant 2 : i32
    %get3A_1269 = arith.index_cast %get3A_1268 : i32 to index
    %get3A_1270 = arith.constant 80 : index
    %get3A_1271 = tpu.vector_load %arg5[%get3A_1269, %get3A_1270] {strides = array<i32>} : memref<4x128xf32, #tpu.memory_space<vmem>>, vector<1x16xf32>,
    %get3A_1272 = vector.shape_cast %get3A_1271 : vector<1x16xf32> to vector<16xf32>
    %add3A_1273 = arith.addf %get3A_1272, %scan3A_1206#5 : vector<16xf32>
    %swap3A_1274 = arith.constant 2 : i32
    %swap3A_1275 = arith.index_cast %swap3A_1274 : i32 to index
    %swap3A_1276 = arith.constant 80 : index
    %swap3A_1277 = tpu.vector_load %arg5[%swap3A_1275, %swap3A_1276] {strides = array<i32>} : memref<4x128xf32, #tpu.memory_space<vmem>>, vector<1x16xf32>,
    %swap3A_1278 = vector.shape_cast %swap3A_1277 : vector<1x16xf32> to vector<16xf32>
    %swap3A_1279 = vector.shape_cast %add3A_1273 : vector<16xf32> to vector<1x16xf32>
    tpu.vector_store %arg5[%swap3A_1275, %swap3A_1276], %swap3A_1279 {strides = array<i32>} : memref<4x128xf32, #tpu.memory_space<vmem>>, vector<1x16xf32>,
    %get3A_1280 = arith.constant 2 : i32
    %get3A_1281 = arith.index_cast %get3A_1280 : i32 to index
    %get3A_1282 = arith.constant 96 : index
    %get3A_1283 = tpu.vector_load %arg5[%get3A_1281, %get3A_1282] {strides = array<i32>} : memref<4x128xf32, #tpu.memory_space<vmem>>, vector<1x16xf32>,
    %get3A_1284 = vector.shape_cast %get3A_1283 : vector<1x16xf32> to vector<16xf32>
    %add3A_1285 = arith.addf %get3A_1284, %scan3A_1206#6 : vector<16xf32>
    %swap3A_1286 = arith.constant 2 : i32
    %swap3A_1287 = arith.index_cast %swap3A_1286 : i32 to index
    %swap3A_1288 = arith.constant 96 : index
    %swap3A_1289 = tpu.vector_load %arg5[%swap3A_1287, %swap3A_1288] {strides = array<i32>} : memref<4x128xf32, #tpu.memory_space<vmem>>, vector<1x16xf32>,
    %swap3A_1290 = vector.shape_cast %swap3A_1289 : vector<1x16xf32> to vector<16xf32>
    %swap3A_1291 = vector.shape_cast %add3A_1285 : vector<16xf32> to vector<1x16xf32>
    tpu.vector_store %arg5[%swap3A_1287, %swap3A_1288], %swap3A_1291 {strides = array<i32>} : memref<4x128xf32, #tpu.memory_space<vmem>>, vector<1x16xf32>,
    %get3A_1292 = arith.constant 2 : i32
    %get3A_1293 = arith.index_cast %get3A_1292 : i32 to index
    %get3A_1294 = arith.constant 112 : index
    %get3A_1295 = tpu.vector_load %arg5[%get3A_1293, %get3A_1294] {strides = array<i32>} : memref<4x128xf32, #tpu.memory_space<vmem>>, vector<1x16xf32>,
    %get3A_1296 = vector.shape_cast %get3A_1295 : vector<1x16xf32> to vector<16xf32>
    %add3A_1297 = arith.addf %get3A_1296, %scan3A_1206#7 : vector<16xf32>
    %swap3A_1298 = arith.constant 2 : i32
    %swap3A_1299 = arith.index_cast %swap3A_1298 : i32 to index
    %swap3A_1300 = arith.constant 112 : index
    %swap3A_1301 = tpu.vector_load %arg5[%swap3A_1299, %swap3A_1300] {strides = array<i32>} : memref<4x128xf32, #tpu.memory_space<vmem>>, vector<1x16xf32>,
    %swap3A_1302 = vector.shape_cast %swap3A_1301 : vector<1x16xf32> to vector<16xf32>
    %swap3A_1303 = vector.shape_cast %add3A_1297 : vector<16xf32> to vector<1x16xf32>
    tpu.vector_store %arg5[%swap3A_1299, %swap3A_1300], %swap3A_1303 {strides = array<i32>} : memref<4x128xf32, #tpu.memory_space<vmem>>, vector<1x16xf32>,
    %add3A_1304 = arith.constant 768 : i32
    %add3A_1305 = arith.addi %mul3A_34, %add3A_1304 : i32
    %dma_start3A_1306 = arith.constant 2 : i32
    %dma_start3A_1307 = arith.constant 1 : i32
    %dma_start3A_1308 = arith.constant 1 : i32
    %dma_start3A_1309 = arith.constant 0 : i32
    %dma_start3A_1310 = arith.constant 0 : i32
    %dma_start3A_1311 = tpu.memref_slice %arg4[%dma_start3A_1307, %dma_start3A_1309, %dma_start3A_1310] : memref<2x256x128xf32, #tpu.memory_space<vmem>> -> memref<1x256x128xf32, #tpu.memory_space<vmem>>
    %dma_start3A_1312 = tpu.memref_squeeze %dma_start3A_1311 : memref<1x256x128xf32, #tpu.memory_space<vmem>> -> memref<256x128xf32, #tpu.memory_space<vmem>>
    %dma_start3A_1313 = tpu.memref_slice %arg2[%dma_start3A_1306, %add3A_1305, %mul3A_32] : memref<4x2048x2048xf32, #tpu.memory_space<hbm>> -> memref<1x256x128xf32, #tpu.memory_space<hbm>>
    %dma_start3A_1314 = tpu.memref_squeeze %dma_start3A_1313 : memref<1x256x128xf32, #tpu.memory_space<hbm>> -> memref<256x128xf32, #tpu.memory_space<hbm>>
    %dma_start3A_1315 = tpu.memref_slice %arg6[%dma_start3A_1308] : memref<2x!tpu.dma_semaphore, #tpu.memory_space<semaphore_mem>> -> memref<1x!tpu.dma_semaphore, #tpu.memory_space<semaphore_mem>>
    %dma_start3A_1316 = tpu.memref_squeeze %dma_start3A_1315 : memref<1x!tpu.dma_semaphore, #tpu.memory_space<semaphore_mem>> -> memref<!tpu.dma_semaphore, #tpu.memory_space<semaphore_mem>>
    %dma_start3A_1317 = arith.constant 0 : i32
    %dma_start3A_1318 = arith.constant 0 : i32
    %dma_start3A_1319 = tpu.memref_slice %arg4[%dma_start3A_1307, %dma_start3A_1317, %dma_start3A_1318] : memref<2x256x128xf32, #tpu.memory_space<vmem>> -> memref<1x256x128xf32, #tpu.memory_space<vmem>>
    %dma_start3A_1320 = tpu.memref_squeeze %dma_start3A_1319 : memref<1x256x128xf32, #tpu.memory_space<vmem>> -> memref<256x128xf32, #tpu.memory_space<vmem>>
    %dma_start3A_1321 = tpu.memref_slice %arg2[%dma_start3A_1306, %add3A_1305, %mul3A_32] : memref<4x2048x2048xf32, #tpu.memory_space<hbm>> -> memref<1x256x128xf32, #tpu.memory_space<hbm>>
    %dma_start3A_1322 = tpu.memref_squeeze %dma_start3A_1321 : memref<1x256x128xf32, #tpu.memory_space<hbm>> -> memref<256x128xf32, #tpu.memory_space<hbm>>
    tpu.enqueue_dma source(%dma_start3A_1322 : memref<256x128xf32, #tpu.memory_space<hbm>>) target(%dma_start3A_1320 : memref<256x128xf32, #tpu.memory_space<vmem>>) target_semaphore(%dma_start3A_1316 : memref<!tpu.dma_semaphore, #tpu.memory_space<semaphore_mem>>)
    %dma_wait3A_1323 = arith.constant 2 : i32
    %dma_wait3A_1324 = arith.constant 0 : i32
    %dma_wait3A_1325 = arith.constant 0 : i32
    %dma_wait3A_1326 = arith.constant 0 : i32
    %dma_wait3A_1327 = arith.constant 0 : i32
    %dma_wait3A_1328 = tpu.memref_slice %arg4[%dma_wait3A_1324, %dma_wait3A_1326, %dma_wait3A_1327] : memref<2x256x128xf32, #tpu.memory_space<vmem>> -> memref<1x256x128xf32, #tpu.memory_space<vmem>>
    %dma_wait3A_1329 = tpu.memref_squeeze %dma_wait3A_1328 : memref<1x256x128xf32, #tpu.memory_space<vmem>> -> memref<256x128xf32, #tpu.memory_space<vmem>>
    %dma_wait3A_1330 = tpu.memref_slice %arg2[%dma_wait3A_1323, %add3A_1165, %mul3A_32] : memref<4x2048x2048xf32, #tpu.memory_space<hbm>> -> memref<1x256x128xf32, #tpu.memory_space<hbm>>
    %dma_wait3A_1331 = tpu.memref_squeeze %dma_wait3A_1330 : memref<1x256x128xf32, #tpu.memory_space<hbm>> -> memref<256x128xf32, #tpu.memory_space<hbm>>
    %dma_wait3A_1332 = tpu.memref_slice %arg6[%dma_wait3A_1325] : memref<2x!tpu.dma_semaphore, #tpu.memory_space<semaphore_mem>> -> memref<1x!tpu.dma_semaphore, #tpu.memory_space<semaphore_mem>>
    %dma_wait3A_1333 = tpu.memref_squeeze %dma_wait3A_1332 : memref<1x!tpu.dma_semaphore, #tpu.memory_space<semaphore_mem>> -> memref<!tpu.dma_semaphore, #tpu.memory_space<semaphore_mem>>
    %dma_wait3A_1334 = arith.constant 0 : i32
    %dma_wait3A_1335 = arith.constant 0 : i32
    %dma_wait3A_1336 = tpu.memref_slice %arg4[%dma_wait3A_1324, %dma_wait3A_1334, %dma_wait3A_1335] : memref<2x256x128xf32, #tpu.memory_space<vmem>> -> memref<1x256x128xf32, #tpu.memory_space<vmem>>
    %dma_wait3A_1337 = tpu.memref_squeeze %dma_wait3A_1336 : memref<1x256x128xf32, #tpu.memory_space<vmem>> -> memref<256x128xf32, #tpu.memory_space<vmem>>
    %dma_wait3A_1338 = tpu.memref_slice %arg2[%dma_wait3A_1323, %add3A_1165, %mul3A_32] : memref<4x2048x2048xf32, #tpu.memory_space<hbm>> -> memref<1x256x128xf32, #tpu.memory_space<hbm>>
    %dma_wait3A_1339 = tpu.memref_squeeze %dma_wait3A_1338 : memref<1x256x128xf32, #tpu.memory_space<hbm>> -> memref<256x128xf32, #tpu.memory_space<hbm>>
    tpu.wait_dma2 semaphore(%dma_wait3A_1333 : memref<!tpu.dma_semaphore, #tpu.memory_space<semaphore_mem>>) src(%dma_wait3A_1339 : memref<256x128xf32, #tpu.memory_space<hbm>>) dst(%dma_wait3A_1337 : memref<256x128xf32, #tpu.memory_space<vmem>>)
    %broadcast_in_dim3A_1340 = arith.constant 0.000000e+00 : f32
    %broadcast_in_dim3A_1341 = vector.broadcast %broadcast_in_dim3A_1340 : f32 to vector<16xf32>
    %scan3A_1342 = arith.constant 0 : i32
    %scan3A_1343 = arith.constant 256 : i32
    %scan3A_1344 = arith.addi %scan3A_1342, %scan3A_1343 : i32
    %scan3A_1345 = arith.constant 1 : i32
    %scan3A_1346:8 = scf.for %scan3A_2084 = %scan3A_1342 to %scan3A_1344 step %scan3A_1345 iter_args(%scan3A_2085 = %broadcast_in_dim3A_1341, %scan3A_2086 = %broadcast_in_dim3A_1341, %scan3A_2087 = %broadcast_in_dim3A_1341, %scan3A_2088 = %broadcast_in_dim3A_1341, %scan3A_2089 = %broadcast_in_dim3A_1341, %scan3A_2090 = %broadcast_in_dim3A_1341, %scan3A_2091 = %broadcast_in_dim3A_1341, %scan3A_2092 = %broadcast_in_dim3A_1341) -> (vector<16xf32>, vector<16xf32>, vector<16xf32>, vector<16xf32>, vector<16xf32>, vector<16xf32>, vector<16xf32>, vector<16xf32>)  : i32 {
      %get3A_2093 = arith.constant 0 : i32
      %get3A_2094 = arith.index_cast %get3A_2093 : i32 to index
      %get3A_2095 = arith.index_cast %scan3A_2084 : i32 to index
      %get3A_2096 = arith.constant 0 : index
      %get3A_2097 = tpu.vector_load %arg4[%get3A_2094, %get3A_2095, %get3A_2096] {strides = array<i32>} : memref<2x256x128xf32, #tpu.memory_space<vmem>>, vector<1x1x16xf32>,
      %get3A_2098 = vector.shape_cast %get3A_2097 : vector<1x1x16xf32> to vector<16xf32>
      %add3A_2099 = arith.addf %scan3A_2085, %get3A_2098 : vector<16xf32>
      %get3A_2100 = arith.constant 0 : i32
      %get3A_2101 = arith.index_cast %get3A_2100 : i32 to index
      %get3A_2102 = arith.index_cast %scan3A_2084 : i32 to index
      %get3A_2103 = arith.constant 16 : index
      %get3A_2104 = tpu.vector_load %arg4[%get3A_2101, %get3A_2102, %get3A_2103] {strides = array<i32>} : memref<2x256x128xf32, #tpu.memory_space<vmem>>, vector<1x1x16xf32>,
      %get3A_2105 = vector.shape_cast %get3A_2104 : vector<1x1x16xf32> to vector<16xf32>
      %add3A_2106 = arith.addf %scan3A_2086, %get3A_2105 : vector<16xf32>
      %get3A_2107 = arith.constant 0 : i32
      %get3A_2108 = arith.index_cast %get3A_2107 : i32 to index
      %get3A_2109 = arith.index_cast %scan3A_2084 : i32 to index
      %get3A_2110 = arith.constant 32 : index
      %get3A_2111 = tpu.vector_load %arg4[%get3A_2108, %get3A_2109, %get3A_2110] {strides = array<i32>} : memref<2x256x128xf32, #tpu.memory_space<vmem>>, vector<1x1x16xf32>,
      %get3A_2112 = vector.shape_cast %get3A_2111 : vector<1x1x16xf32> to vector<16xf32>
      %add3A_2113 = arith.addf %scan3A_2087, %get3A_2112 : vector<16xf32>
      %get3A_2114 = arith.constant 0 : i32
      %get3A_2115 = arith.index_cast %get3A_2114 : i32 to index
      %get3A_2116 = arith.index_cast %scan3A_2084 : i32 to index
      %get3A_2117 = arith.constant 48 : index
      %get3A_2118 = tpu.vector_load %arg4[%get3A_2115, %get3A_2116, %get3A_2117] {strides = array<i32>} : memref<2x256x128xf32, #tpu.memory_space<vmem>>, vector<1x1x16xf32>,
      %get3A_2119 = vector.shape_cast %get3A_2118 : vector<1x1x16xf32> to vector<16xf32>
      %add3A_2120 = arith.addf %scan3A_2088, %get3A_2119 : vector<16xf32>
      %get3A_2121 = arith.constant 0 : i32
      %get3A_2122 = arith.index_cast %get3A_2121 : i32 to index
      %get3A_2123 = arith.index_cast %scan3A_2084 : i32 to index
      %get3A_2124 = arith.constant 64 : index
      %get3A_2125 = tpu.vector_load %arg4[%get3A_2122, %get3A_2123, %get3A_2124] {strides = array<i32>} : memref<2x256x128xf32, #tpu.memory_space<vmem>>, vector<1x1x16xf32>,
      %get3A_2126 = vector.shape_cast %get3A_2125 : vector<1x1x16xf32> to vector<16xf32>
      %add3A_2127 = arith.addf %scan3A_2089, %get3A_2126 : vector<16xf32>
      %get3A_2128 = arith.constant 0 : i32
      %get3A_2129 = arith.index_cast %get3A_2128 : i32 to index
      %get3A_2130 = arith.index_cast %scan3A_2084 : i32 to index
      %get3A_2131 = arith.constant 80 : index
      %get3A_2132 = tpu.vector_load %arg4[%get3A_2129, %get3A_2130, %get3A_2131] {strides = array<i32>} : memref<2x256x128xf32, #tpu.memory_space<vmem>>, vector<1x1x16xf32>,
      %get3A_2133 = vector.shape_cast %get3A_2132 : vector<1x1x16xf32> to vector<16xf32>
      %add3A_2134 = arith.addf %scan3A_2090, %get3A_2133 : vector<16xf32>
      %get3A_2135 = arith.constant 0 : i32
      %get3A_2136 = arith.index_cast %get3A_2135 : i32 to index
      %get3A_2137 = arith.index_cast %scan3A_2084 : i32 to index
      %get3A_2138 = arith.constant 96 : index
      %get3A_2139 = tpu.vector_load %arg4[%get3A_2136, %get3A_2137, %get3A_2138] {strides = array<i32>} : memref<2x256x128xf32, #tpu.memory_space<vmem>>, vector<1x1x16xf32>,
      %get3A_2140 = vector.shape_cast %get3A_2139 : vector<1x1x16xf32> to vector<16xf32>
      %add3A_2141 = arith.addf %scan3A_2091, %get3A_2140 : vector<16xf32>
      %get3A_2142 = arith.constant 0 : i32
      %get3A_2143 = arith.index_cast %get3A_2142 : i32 to index
      %get3A_2144 = arith.index_cast %scan3A_2084 : i32 to index
      %get3A_2145 = arith.constant 112 : index
      %get3A_2146 = tpu.vector_load %arg4[%get3A_2143, %get3A_2144, %get3A_2145] {strides = array<i32>} : memref<2x256x128xf32, #tpu.memory_space<vmem>>, vector<1x1x16xf32>,
      %get3A_2147 = vector.shape_cast %get3A_2146 : vector<1x1x16xf32> to vector<16xf32>
      %add3A_2148 = arith.addf %scan3A_2092, %get3A_2147 : vector<16xf32>
      scf.yield %add3A_2099, %add3A_2106, %add3A_2113, %add3A_2120, %add3A_2127, %add3A_2134, %add3A_2141, %add3A_2148 : vector<16xf32>, vector<16xf32>, vector<16xf32>, vector<16xf32>, vector<16xf32>, vector<16xf32>, vector<16xf32>, vector<16xf32>
    }
    %scan3A_1347 = arith.constant 256 : i32
    %get3A_1348 = arith.constant 2 : i32
    %get3A_1349 = arith.index_cast %get3A_1348 : i32 to index
    %get3A_1350 = arith.constant 0 : index
    %get3A_1351 = tpu.vector_load %arg5[%get3A_1349, %get3A_1350] {strides = array<i32>} : memref<4x128xf32, #tpu.memory_space<vmem>>, vector<1x16xf32>,
    %get3A_1352 = vector.shape_cast %get3A_1351 : vector<1x16xf32> to vector<16xf32>
    %add3A_1353 = arith.addf %get3A_1352, %scan3A_1346#0 : vector<16xf32>
    %swap3A_1354 = arith.constant 2 : i32
    %swap3A_1355 = arith.index_cast %swap3A_1354 : i32 to index
    %swap3A_1356 = arith.constant 0 : index
    %swap3A_1357 = tpu.vector_load %arg5[%swap3A_1355, %swap3A_1356] {strides = array<i32>} : memref<4x128xf32, #tpu.memory_space<vmem>>, vector<1x16xf32>,
    %swap3A_1358 = vector.shape_cast %swap3A_1357 : vector<1x16xf32> to vector<16xf32>
    %swap3A_1359 = vector.shape_cast %add3A_1353 : vector<16xf32> to vector<1x16xf32>
    tpu.vector_store %arg5[%swap3A_1355, %swap3A_1356], %swap3A_1359 {strides = array<i32>} : memref<4x128xf32, #tpu.memory_space<vmem>>, vector<1x16xf32>,
    %get3A_1360 = arith.constant 2 : i32
    %get3A_1361 = arith.index_cast %get3A_1360 : i32 to index
    %get3A_1362 = arith.constant 16 : index
    %get3A_1363 = tpu.vector_load %arg5[%get3A_1361, %get3A_1362] {strides = array<i32>} : memref<4x128xf32, #tpu.memory_space<vmem>>, vector<1x16xf32>,
    %get3A_1364 = vector.shape_cast %get3A_1363 : vector<1x16xf32> to vector<16xf32>
    %add3A_1365 = arith.addf %get3A_1364, %scan3A_1346#1 : vector<16xf32>
    %swap3A_1366 = arith.constant 2 : i32
    %swap3A_1367 = arith.index_cast %swap3A_1366 : i32 to index
    %swap3A_1368 = arith.constant 16 : index
    %swap3A_1369 = tpu.vector_load %arg5[%swap3A_1367, %swap3A_1368] {strides = array<i32>} : memref<4x128xf32, #tpu.memory_space<vmem>>, vector<1x16xf32>,
    %swap3A_1370 = vector.shape_cast %swap3A_1369 : vector<1x16xf32> to vector<16xf32>
    %swap3A_1371 = vector.shape_cast %add3A_1365 : vector<16xf32> to vector<1x16xf32>
    tpu.vector_store %arg5[%swap3A_1367, %swap3A_1368], %swap3A_1371 {strides = array<i32>} : memref<4x128xf32, #tpu.memory_space<vmem>>, vector<1x16xf32>,
    %get3A_1372 = arith.constant 2 : i32
    %get3A_1373 = arith.index_cast %get3A_1372 : i32 to index
    %get3A_1374 = arith.constant 32 : index
    %get3A_1375 = tpu.vector_load %arg5[%get3A_1373, %get3A_1374] {strides = array<i32>} : memref<4x128xf32, #tpu.memory_space<vmem>>, vector<1x16xf32>,
    %get3A_1376 = vector.shape_cast %get3A_1375 : vector<1x16xf32> to vector<16xf32>
    %add3A_1377 = arith.addf %get3A_1376, %scan3A_1346#2 : vector<16xf32>
    %swap3A_1378 = arith.constant 2 : i32
    %swap3A_1379 = arith.index_cast %swap3A_1378 : i32 to index
    %swap3A_1380 = arith.constant 32 : index
    %swap3A_1381 = tpu.vector_load %arg5[%swap3A_1379, %swap3A_1380] {strides = array<i32>} : memref<4x128xf32, #tpu.memory_space<vmem>>, vector<1x16xf32>,
    %swap3A_1382 = vector.shape_cast %swap3A_1381 : vector<1x16xf32> to vector<16xf32>
    %swap3A_1383 = vector.shape_cast %add3A_1377 : vector<16xf32> to vector<1x16xf32>
    tpu.vector_store %arg5[%swap3A_1379, %swap3A_1380], %swap3A_1383 {strides = array<i32>} : memref<4x128xf32, #tpu.memory_space<vmem>>, vector<1x16xf32>,
    %get3A_1384 = arith.constant 2 : i32
    %get3A_1385 = arith.index_cast %get3A_1384 : i32 to index
    %get3A_1386 = arith.constant 48 : index
    %get3A_1387 = tpu.vector_load %arg5[%get3A_1385, %get3A_1386] {strides = array<i32>} : memref<4x128xf32, #tpu.memory_space<vmem>>, vector<1x16xf32>,
    %get3A_1388 = vector.shape_cast %get3A_1387 : vector<1x16xf32> to vector<16xf32>
    %add3A_1389 = arith.addf %get3A_1388, %scan3A_1346#3 : vector<16xf32>
    %swap3A_1390 = arith.constant 2 : i32
    %swap3A_1391 = arith.index_cast %swap3A_1390 : i32 to index
    %swap3A_1392 = arith.constant 48 : index
    %swap3A_1393 = tpu.vector_load %arg5[%swap3A_1391, %swap3A_1392] {strides = array<i32>} : memref<4x128xf32, #tpu.memory_space<vmem>>, vector<1x16xf32>,
    %swap3A_1394 = vector.shape_cast %swap3A_1393 : vector<1x16xf32> to vector<16xf32>
    %swap3A_1395 = vector.shape_cast %add3A_1389 : vector<16xf32> to vector<1x16xf32>
    tpu.vector_store %arg5[%swap3A_1391, %swap3A_1392], %swap3A_1395 {strides = array<i32>} : memref<4x128xf32, #tpu.memory_space<vmem>>, vector<1x16xf32>,
    %get3A_1396 = arith.constant 2 : i32
    %get3A_1397 = arith.index_cast %get3A_1396 : i32 to index
    %get3A_1398 = arith.constant 64 : index
    %get3A_1399 = tpu.vector_load %arg5[%get3A_1397, %get3A_1398] {strides = array<i32>} : memref<4x128xf32, #tpu.memory_space<vmem>>, vector<1x16xf32>,
    %get3A_1400 = vector.shape_cast %get3A_1399 : vector<1x16xf32> to vector<16xf32>
    %add3A_1401 = arith.addf %get3A_1400, %scan3A_1346#4 : vector<16xf32>
    %swap3A_1402 = arith.constant 2 : i32
    %swap3A_1403 = arith.index_cast %swap3A_1402 : i32 to index
    %swap3A_1404 = arith.constant 64 : index
    %swap3A_1405 = tpu.vector_load %arg5[%swap3A_1403, %swap3A_1404] {strides = array<i32>} : memref<4x128xf32, #tpu.memory_space<vmem>>, vector<1x16xf32>,
    %swap3A_1406 = vector.shape_cast %swap3A_1405 : vector<1x16xf32> to vector<16xf32>
    %swap3A_1407 = vector.shape_cast %add3A_1401 : vector<16xf32> to vector<1x16xf32>
    tpu.vector_store %arg5[%swap3A_1403, %swap3A_1404], %swap3A_1407 {strides = array<i32>} : memref<4x128xf32, #tpu.memory_space<vmem>>, vector<1x16xf32>,
    %get3A_1408 = arith.constant 2 : i32
    %get3A_1409 = arith.index_cast %get3A_1408 : i32 to index
    %get3A_1410 = arith.constant 80 : index
    %get3A_1411 = tpu.vector_load %arg5[%get3A_1409, %get3A_1410] {strides = array<i32>} : memref<4x128xf32, #tpu.memory_space<vmem>>, vector<1x16xf32>,
    %get3A_1412 = vector.shape_cast %get3A_1411 : vector<1x16xf32> to vector<16xf32>
    %add3A_1413 = arith.addf %get3A_1412, %scan3A_1346#5 : vector<16xf32>
    %swap3A_1414 = arith.constant 2 : i32
    %swap3A_1415 = arith.index_cast %swap3A_1414 : i32 to index
    %swap3A_1416 = arith.constant 80 : index
    %swap3A_1417 = tpu.vector_load %arg5[%swap3A_1415, %swap3A_1416] {strides = array<i32>} : memref<4x128xf32, #tpu.memory_space<vmem>>, vector<1x16xf32>,
    %swap3A_1418 = vector.shape_cast %swap3A_1417 : vector<1x16xf32> to vector<16xf32>
    %swap3A_1419 = vector.shape_cast %add3A_1413 : vector<16xf32> to vector<1x16xf32>
    tpu.vector_store %arg5[%swap3A_1415, %swap3A_1416], %swap3A_1419 {strides = array<i32>} : memref<4x128xf32, #tpu.memory_space<vmem>>, vector<1x16xf32>,
    %get3A_1420 = arith.constant 2 : i32
    %get3A_1421 = arith.index_cast %get3A_1420 : i32 to index
    %get3A_1422 = arith.constant 96 : index
    %get3A_1423 = tpu.vector_load %arg5[%get3A_1421, %get3A_1422] {strides = array<i32>} : memref<4x128xf32, #tpu.memory_space<vmem>>, vector<1x16xf32>,
    %get3A_1424 = vector.shape_cast %get3A_1423 : vector<1x16xf32> to vector<16xf32>
    %add3A_1425 = arith.addf %get3A_1424, %scan3A_1346#6 : vector<16xf32>
    %swap3A_1426 = arith.constant 2 : i32
    %swap3A_1427 = arith.index_cast %swap3A_1426 : i32 to index
    %swap3A_1428 = arith.constant 96 : index
    %swap3A_1429 = tpu.vector_load %arg5[%swap3A_1427, %swap3A_1428] {strides = array<i32>} : memref<4x128xf32, #tpu.memory_space<vmem>>, vector<1x16xf32>,
    %swap3A_1430 = vector.shape_cast %swap3A_1429 : vector<1x16xf32> to vector<16xf32>
    %swap3A_1431 = vector.shape_cast %add3A_1425 : vector<16xf32> to vector<1x16xf32>
    tpu.vector_store %arg5[%swap3A_1427, %swap3A_1428], %swap3A_1431 {strides = array<i32>} : memref<4x128xf32, #tpu.memory_space<vmem>>, vector<1x16xf32>,
    %get3A_1432 = arith.constant 2 : i32
    %get3A_1433 = arith.index_cast %get3A_1432 : i32 to index
    %get3A_1434 = arith.constant 112 : index
    %get3A_1435 = tpu.vector_load %arg5[%get3A_1433, %get3A_1434] {strides = array<i32>} : memref<4x128xf32, #tpu.memory_space<vmem>>, vector<1x16xf32>,
    %get3A_1436 = vector.shape_cast %get3A_1435 : vector<1x16xf32> to vector<16xf32>
    %add3A_1437 = arith.addf %get3A_1436, %scan3A_1346#7 : vector<16xf32>
    %swap3A_1438 = arith.constant 2 : i32
    %swap3A_1439 = arith.index_cast %swap3A_1438 : i32 to index
    %swap3A_1440 = arith.constant 112 : index
    %swap3A_1441 = tpu.vector_load %arg5[%swap3A_1439, %swap3A_1440] {strides = array<i32>} : memref<4x128xf32, #tpu.memory_space<vmem>>, vector<1x16xf32>,
    %swap3A_1442 = vector.shape_cast %swap3A_1441 : vector<1x16xf32> to vector<16xf32>
    %swap3A_1443 = vector.shape_cast %add3A_1437 : vector<16xf32> to vector<1x16xf32>
    tpu.vector_store %arg5[%swap3A_1439, %swap3A_1440], %swap3A_1443 {strides = array<i32>} : memref<4x128xf32, #tpu.memory_space<vmem>>, vector<1x16xf32>,
    %add3A_1444 = arith.constant 0 : i32
    %add3A_1445 = arith.addi %mul3A_34, %add3A_1444 : i32
    %dma_start3A_1446 = arith.constant 3 : i32
    %dma_start3A_1447 = arith.constant 0 : i32
    %dma_start3A_1448 = arith.constant 0 : i32
    %dma_start3A_1449 = arith.constant 0 : i32
    %dma_start3A_1450 = arith.constant 0 : i32
    %dma_start3A_1451 = tpu.memref_slice %arg4[%dma_start3A_1447, %dma_start3A_1449, %dma_start3A_1450] : memref<2x256x128xf32, #tpu.memory_space<vmem>> -> memref<1x256x128xf32, #tpu.memory_space<vmem>>
    %dma_start3A_1452 = tpu.memref_squeeze %dma_start3A_1451 : memref<1x256x128xf32, #tpu.memory_space<vmem>> -> memref<256x128xf32, #tpu.memory_space<vmem>>
    %dma_start3A_1453 = tpu.memref_slice %arg2[%dma_start3A_1446, %add3A_1445, %mul3A_32] : memref<4x2048x2048xf32, #tpu.memory_space<hbm>> -> memref<1x256x128xf32, #tpu.memory_space<hbm>>
    %dma_start3A_1454 = tpu.memref_squeeze %dma_start3A_1453 : memref<1x256x128xf32, #tpu.memory_space<hbm>> -> memref<256x128xf32, #tpu.memory_space<hbm>>
    %dma_start3A_1455 = tpu.memref_slice %arg6[%dma_start3A_1448] : memref<2x!tpu.dma_semaphore, #tpu.memory_space<semaphore_mem>> -> memref<1x!tpu.dma_semaphore, #tpu.memory_space<semaphore_mem>>
    %dma_start3A_1456 = tpu.memref_squeeze %dma_start3A_1455 : memref<1x!tpu.dma_semaphore, #tpu.memory_space<semaphore_mem>> -> memref<!tpu.dma_semaphore, #tpu.memory_space<semaphore_mem>>
    %dma_start3A_1457 = arith.constant 0 : i32
    %dma_start3A_1458 = arith.constant 0 : i32
    %dma_start3A_1459 = tpu.memref_slice %arg4[%dma_start3A_1447, %dma_start3A_1457, %dma_start3A_1458] : memref<2x256x128xf32, #tpu.memory_space<vmem>> -> memref<1x256x128xf32, #tpu.memory_space<vmem>>
    %dma_start3A_1460 = tpu.memref_squeeze %dma_start3A_1459 : memref<1x256x128xf32, #tpu.memory_space<vmem>> -> memref<256x128xf32, #tpu.memory_space<vmem>>
    %dma_start3A_1461 = tpu.memref_slice %arg2[%dma_start3A_1446, %add3A_1445, %mul3A_32] : memref<4x2048x2048xf32, #tpu.memory_space<hbm>> -> memref<1x256x128xf32, #tpu.memory_space<hbm>>
    %dma_start3A_1462 = tpu.memref_squeeze %dma_start3A_1461 : memref<1x256x128xf32, #tpu.memory_space<hbm>> -> memref<256x128xf32, #tpu.memory_space<hbm>>
    tpu.enqueue_dma source(%dma_start3A_1462 : memref<256x128xf32, #tpu.memory_space<hbm>>) target(%dma_start3A_1460 : memref<256x128xf32, #tpu.memory_space<vmem>>) target_semaphore(%dma_start3A_1456 : memref<!tpu.dma_semaphore, #tpu.memory_space<semaphore_mem>>)
    %dma_wait3A_1463 = arith.constant 2 : i32
    %dma_wait3A_1464 = arith.constant 1 : i32
    %dma_wait3A_1465 = arith.constant 1 : i32
    %dma_wait3A_1466 = arith.constant 0 : i32
    %dma_wait3A_1467 = arith.constant 0 : i32
    %dma_wait3A_1468 = tpu.memref_slice %arg4[%dma_wait3A_1464, %dma_wait3A_1466, %dma_wait3A_1467] : memref<2x256x128xf32, #tpu.memory_space<vmem>> -> memref<1x256x128xf32, #tpu.memory_space<vmem>>
    %dma_wait3A_1469 = tpu.memref_squeeze %dma_wait3A_1468 : memref<1x256x128xf32, #tpu.memory_space<vmem>> -> memref<256x128xf32, #tpu.memory_space<vmem>>
    %dma_wait3A_1470 = tpu.memref_slice %arg2[%dma_wait3A_1463, %add3A_1305, %mul3A_32] : memref<4x2048x2048xf32, #tpu.memory_space<hbm>> -> memref<1x256x128xf32, #tpu.memory_space<hbm>>
    %dma_wait3A_1471 = tpu.memref_squeeze %dma_wait3A_1470 : memref<1x256x128xf32, #tpu.memory_space<hbm>> -> memref<256x128xf32, #tpu.memory_space<hbm>>
    %dma_wait3A_1472 = tpu.memref_slice %arg6[%dma_wait3A_1465] : memref<2x!tpu.dma_semaphore, #tpu.memory_space<semaphore_mem>> -> memref<1x!tpu.dma_semaphore, #tpu.memory_space<semaphore_mem>>
    %dma_wait3A_1473 = tpu.memref_squeeze %dma_wait3A_1472 : memref<1x!tpu.dma_semaphore, #tpu.memory_space<semaphore_mem>> -> memref<!tpu.dma_semaphore, #tpu.memory_space<semaphore_mem>>
    %dma_wait3A_1474 = arith.constant 0 : i32
    %dma_wait3A_1475 = arith.constant 0 : i32
    %dma_wait3A_1476 = tpu.memref_slice %arg4[%dma_wait3A_1464, %dma_wait3A_1474, %dma_wait3A_1475] : memref<2x256x128xf32, #tpu.memory_space<vmem>> -> memref<1x256x128xf32, #tpu.memory_space<vmem>>
    %dma_wait3A_1477 = tpu.memref_squeeze %dma_wait3A_1476 : memref<1x256x128xf32, #tpu.memory_space<vmem>> -> memref<256x128xf32, #tpu.memory_space<vmem>>
    %dma_wait3A_1478 = tpu.memref_slice %arg2[%dma_wait3A_1463, %add3A_1305, %mul3A_32] : memref<4x2048x2048xf32, #tpu.memory_space<hbm>> -> memref<1x256x128xf32, #tpu.memory_space<hbm>>
    %dma_wait3A_1479 = tpu.memref_squeeze %dma_wait3A_1478 : memref<1x256x128xf32, #tpu.memory_space<hbm>> -> memref<256x128xf32, #tpu.memory_space<hbm>>
    tpu.wait_dma2 semaphore(%dma_wait3A_1473 : memref<!tpu.dma_semaphore, #tpu.memory_space<semaphore_mem>>) src(%dma_wait3A_1479 : memref<256x128xf32, #tpu.memory_space<hbm>>) dst(%dma_wait3A_1477 : memref<256x128xf32, #tpu.memory_space<vmem>>)
    %broadcast_in_dim3A_1480 = arith.constant 0.000000e+00 : f32
    %broadcast_in_dim3A_1481 = vector.broadcast %broadcast_in_dim3A_1480 : f32 to vector<16xf32>
    %scan3A_1482 = arith.constant 0 : i32
    %scan3A_1483 = arith.constant 256 : i32
    %scan3A_1484 = arith.addi %scan3A_1482, %scan3A_1483 : i32
    %scan3A_1485 = arith.constant 1 : i32
    %scan3A_1486:8 = scf.for %scan3A_2084 = %scan3A_1482 to %scan3A_1484 step %scan3A_1485 iter_args(%scan3A_2085 = %broadcast_in_dim3A_1481, %scan3A_2086 = %broadcast_in_dim3A_1481, %scan3A_2087 = %broadcast_in_dim3A_1481, %scan3A_2088 = %broadcast_in_dim3A_1481, %scan3A_2089 = %broadcast_in_dim3A_1481, %scan3A_2090 = %broadcast_in_dim3A_1481, %scan3A_2091 = %broadcast_in_dim3A_1481, %scan3A_2092 = %broadcast_in_dim3A_1481) -> (vector<16xf32>, vector<16xf32>, vector<16xf32>, vector<16xf32>, vector<16xf32>, vector<16xf32>, vector<16xf32>, vector<16xf32>)  : i32 {
      %get3A_2093 = arith.constant 1 : i32
      %get3A_2094 = arith.index_cast %get3A_2093 : i32 to index
      %get3A_2095 = arith.index_cast %scan3A_2084 : i32 to index
      %get3A_2096 = arith.constant 0 : index
      %get3A_2097 = tpu.vector_load %arg4[%get3A_2094, %get3A_2095, %get3A_2096] {strides = array<i32>} : memref<2x256x128xf32, #tpu.memory_space<vmem>>, vector<1x1x16xf32>,
      %get3A_2098 = vector.shape_cast %get3A_2097 : vector<1x1x16xf32> to vector<16xf32>
      %add3A_2099 = arith.addf %scan3A_2085, %get3A_2098 : vector<16xf32>
      %get3A_2100 = arith.constant 1 : i32
      %get3A_2101 = arith.index_cast %get3A_2100 : i32 to index
      %get3A_2102 = arith.index_cast %scan3A_2084 : i32 to index
      %get3A_2103 = arith.constant 16 : index
      %get3A_2104 = tpu.vector_load %arg4[%get3A_2101, %get3A_2102, %get3A_2103] {strides = array<i32>} : memref<2x256x128xf32, #tpu.memory_space<vmem>>, vector<1x1x16xf32>,
      %get3A_2105 = vector.shape_cast %get3A_2104 : vector<1x1x16xf32> to vector<16xf32>
      %add3A_2106 = arith.addf %scan3A_2086, %get3A_2105 : vector<16xf32>
      %get3A_2107 = arith.constant 1 : i32
      %get3A_2108 = arith.index_cast %get3A_2107 : i32 to index
      %get3A_2109 = arith.index_cast %scan3A_2084 : i32 to index
      %get3A_2110 = arith.constant 32 : index
      %get3A_2111 = tpu.vector_load %arg4[%get3A_2108, %get3A_2109, %get3A_2110] {strides = array<i32>} : memref<2x256x128xf32, #tpu.memory_space<vmem>>, vector<1x1x16xf32>,
      %get3A_2112 = vector.shape_cast %get3A_2111 : vector<1x1x16xf32> to vector<16xf32>
      %add3A_2113 = arith.addf %scan3A_2087, %get3A_2112 : vector<16xf32>
      %get3A_2114 = arith.constant 1 : i32
      %get3A_2115 = arith.index_cast %get3A_2114 : i32 to index
      %get3A_2116 = arith.index_cast %scan3A_2084 : i32 to index
      %get3A_2117 = arith.constant 48 : index
      %get3A_2118 = tpu.vector_load %arg4[%get3A_2115, %get3A_2116, %get3A_2117] {strides = array<i32>} : memref<2x256x128xf32, #tpu.memory_space<vmem>>, vector<1x1x16xf32>,
      %get3A_2119 = vector.shape_cast %get3A_2118 : vector<1x1x16xf32> to vector<16xf32>
      %add3A_2120 = arith.addf %scan3A_2088, %get3A_2119 : vector<16xf32>
      %get3A_2121 = arith.constant 1 : i32
      %get3A_2122 = arith.index_cast %get3A_2121 : i32 to index
      %get3A_2123 = arith.index_cast %scan3A_2084 : i32 to index
      %get3A_2124 = arith.constant 64 : index
      %get3A_2125 = tpu.vector_load %arg4[%get3A_2122, %get3A_2123, %get3A_2124] {strides = array<i32>} : memref<2x256x128xf32, #tpu.memory_space<vmem>>, vector<1x1x16xf32>,
      %get3A_2126 = vector.shape_cast %get3A_2125 : vector<1x1x16xf32> to vector<16xf32>
      %add3A_2127 = arith.addf %scan3A_2089, %get3A_2126 : vector<16xf32>
      %get3A_2128 = arith.constant 1 : i32
      %get3A_2129 = arith.index_cast %get3A_2128 : i32 to index
      %get3A_2130 = arith.index_cast %scan3A_2084 : i32 to index
      %get3A_2131 = arith.constant 80 : index
      %get3A_2132 = tpu.vector_load %arg4[%get3A_2129, %get3A_2130, %get3A_2131] {strides = array<i32>} : memref<2x256x128xf32, #tpu.memory_space<vmem>>, vector<1x1x16xf32>,
      %get3A_2133 = vector.shape_cast %get3A_2132 : vector<1x1x16xf32> to vector<16xf32>
      %add3A_2134 = arith.addf %scan3A_2090, %get3A_2133 : vector<16xf32>
      %get3A_2135 = arith.constant 1 : i32
      %get3A_2136 = arith.index_cast %get3A_2135 : i32 to index
      %get3A_2137 = arith.index_cast %scan3A_2084 : i32 to index
      %get3A_2138 = arith.constant 96 : index
      %get3A_2139 = tpu.vector_load %arg4[%get3A_2136, %get3A_2137, %get3A_2138] {strides = array<i32>} : memref<2x256x128xf32, #tpu.memory_space<vmem>>, vector<1x1x16xf32>,
      %get3A_2140 = vector.shape_cast %get3A_2139 : vector<1x1x16xf32> to vector<16xf32>
      %add3A_2141 = arith.addf %scan3A_2091, %get3A_2140 : vector<16xf32>
      %get3A_2142 = arith.constant 1 : i32
      %get3A_2143 = arith.index_cast %get3A_2142 : i32 to index
      %get3A_2144 = arith.index_cast %scan3A_2084 : i32 to index
      %get3A_2145 = arith.constant 112 : index
      %get3A_2146 = tpu.vector_load %arg4[%get3A_2143, %get3A_2144, %get3A_2145] {strides = array<i32>} : memref<2x256x128xf32, #tpu.memory_space<vmem>>, vector<1x1x16xf32>,
      %get3A_2147 = vector.shape_cast %get3A_2146 : vector<1x1x16xf32> to vector<16xf32>
      %add3A_2148 = arith.addf %scan3A_2092, %get3A_2147 : vector<16xf32>
      scf.yield %add3A_2099, %add3A_2106, %add3A_2113, %add3A_2120, %add3A_2127, %add3A_2134, %add3A_2141, %add3A_2148 : vector<16xf32>, vector<16xf32>, vector<16xf32>, vector<16xf32>, vector<16xf32>, vector<16xf32>, vector<16xf32>, vector<16xf32>
    }
    %scan3A_1487 = arith.constant 256 : i32
    %get3A_1488 = arith.constant 2 : i32
    %get3A_1489 = arith.index_cast %get3A_1488 : i32 to index
    %get3A_1490 = arith.constant 0 : index
    %get3A_1491 = tpu.vector_load %arg5[%get3A_1489, %get3A_1490] {strides = array<i32>} : memref<4x128xf32, #tpu.memory_space<vmem>>, vector<1x16xf32>,
    %get3A_1492 = vector.shape_cast %get3A_1491 : vector<1x16xf32> to vector<16xf32>
    %add3A_1493 = arith.addf %get3A_1492, %scan3A_1486#0 : vector<16xf32>
    %swap3A_1494 = arith.constant 2 : i32
    %swap3A_1495 = arith.index_cast %swap3A_1494 : i32 to index
    %swap3A_1496 = arith.constant 0 : index
    %swap3A_1497 = tpu.vector_load %arg5[%swap3A_1495, %swap3A_1496] {strides = array<i32>} : memref<4x128xf32, #tpu.memory_space<vmem>>, vector<1x16xf32>,
    %swap3A_1498 = vector.shape_cast %swap3A_1497 : vector<1x16xf32> to vector<16xf32>
    %swap3A_1499 = vector.shape_cast %add3A_1493 : vector<16xf32> to vector<1x16xf32>
    tpu.vector_store %arg5[%swap3A_1495, %swap3A_1496], %swap3A_1499 {strides = array<i32>} : memref<4x128xf32, #tpu.memory_space<vmem>>, vector<1x16xf32>,
    %get3A_1500 = arith.constant 2 : i32
    %get3A_1501 = arith.index_cast %get3A_1500 : i32 to index
    %get3A_1502 = arith.constant 16 : index
    %get3A_1503 = tpu.vector_load %arg5[%get3A_1501, %get3A_1502] {strides = array<i32>} : memref<4x128xf32, #tpu.memory_space<vmem>>, vector<1x16xf32>,
    %get3A_1504 = vector.shape_cast %get3A_1503 : vector<1x16xf32> to vector<16xf32>
    %add3A_1505 = arith.addf %get3A_1504, %scan3A_1486#1 : vector<16xf32>
    %swap3A_1506 = arith.constant 2 : i32
    %swap3A_1507 = arith.index_cast %swap3A_1506 : i32 to index
    %swap3A_1508 = arith.constant 16 : index
    %swap3A_1509 = tpu.vector_load %arg5[%swap3A_1507, %swap3A_1508] {strides = array<i32>} : memref<4x128xf32, #tpu.memory_space<vmem>>, vector<1x16xf32>,
    %swap3A_1510 = vector.shape_cast %swap3A_1509 : vector<1x16xf32> to vector<16xf32>
    %swap3A_1511 = vector.shape_cast %add3A_1505 : vector<16xf32> to vector<1x16xf32>
    tpu.vector_store %arg5[%swap3A_1507, %swap3A_1508], %swap3A_1511 {strides = array<i32>} : memref<4x128xf32, #tpu.memory_space<vmem>>, vector<1x16xf32>,
    %get3A_1512 = arith.constant 2 : i32
    %get3A_1513 = arith.index_cast %get3A_1512 : i32 to index
    %get3A_1514 = arith.constant 32 : index
    %get3A_1515 = tpu.vector_load %arg5[%get3A_1513, %get3A_1514] {strides = array<i32>} : memref<4x128xf32, #tpu.memory_space<vmem>>, vector<1x16xf32>,
    %get3A_1516 = vector.shape_cast %get3A_1515 : vector<1x16xf32> to vector<16xf32>
    %add3A_1517 = arith.addf %get3A_1516, %scan3A_1486#2 : vector<16xf32>
    %swap3A_1518 = arith.constant 2 : i32
    %swap3A_1519 = arith.index_cast %swap3A_1518 : i32 to index
    %swap3A_1520 = arith.constant 32 : index
    %swap3A_1521 = tpu.vector_load %arg5[%swap3A_1519, %swap3A_1520] {strides = array<i32>} : memref<4x128xf32, #tpu.memory_space<vmem>>, vector<1x16xf32>,
    %swap3A_1522 = vector.shape_cast %swap3A_1521 : vector<1x16xf32> to vector<16xf32>
    %swap3A_1523 = vector.shape_cast %add3A_1517 : vector<16xf32> to vector<1x16xf32>
    tpu.vector_store %arg5[%swap3A_1519, %swap3A_1520], %swap3A_1523 {strides = array<i32>} : memref<4x128xf32, #tpu.memory_space<vmem>>, vector<1x16xf32>,
    %get3A_1524 = arith.constant 2 : i32
    %get3A_1525 = arith.index_cast %get3A_1524 : i32 to index
    %get3A_1526 = arith.constant 48 : index
    %get3A_1527 = tpu.vector_load %arg5[%get3A_1525, %get3A_1526] {strides = array<i32>} : memref<4x128xf32, #tpu.memory_space<vmem>>, vector<1x16xf32>,
    %get3A_1528 = vector.shape_cast %get3A_1527 : vector<1x16xf32> to vector<16xf32>
    %add3A_1529 = arith.addf %get3A_1528, %scan3A_1486#3 : vector<16xf32>
    %swap3A_1530 = arith.constant 2 : i32
    %swap3A_1531 = arith.index_cast %swap3A_1530 : i32 to index
    %swap3A_1532 = arith.constant 48 : index
    %swap3A_1533 = tpu.vector_load %arg5[%swap3A_1531, %swap3A_1532] {strides = array<i32>} : memref<4x128xf32, #tpu.memory_space<vmem>>, vector<1x16xf32>,
    %swap3A_1534 = vector.shape_cast %swap3A_1533 : vector<1x16xf32> to vector<16xf32>
    %swap3A_1535 = vector.shape_cast %add3A_1529 : vector<16xf32> to vector<1x16xf32>
    tpu.vector_store %arg5[%swap3A_1531, %swap3A_1532], %swap3A_1535 {strides = array<i32>} : memref<4x128xf32, #tpu.memory_space<vmem>>, vector<1x16xf32>,
    %get3A_1536 = arith.constant 2 : i32
    %get3A_1537 = arith.index_cast %get3A_1536 : i32 to index
    %get3A_1538 = arith.constant 64 : index
    %get3A_1539 = tpu.vector_load %arg5[%get3A_1537, %get3A_1538] {strides = array<i32>} : memref<4x128xf32, #tpu.memory_space<vmem>>, vector<1x16xf32>,
    %get3A_1540 = vector.shape_cast %get3A_1539 : vector<1x16xf32> to vector<16xf32>
    %add3A_1541 = arith.addf %get3A_1540, %scan3A_1486#4 : vector<16xf32>
    %swap3A_1542 = arith.constant 2 : i32
    %swap3A_1543 = arith.index_cast %swap3A_1542 : i32 to index
    %swap3A_1544 = arith.constant 64 : index
    %swap3A_1545 = tpu.vector_load %arg5[%swap3A_1543, %swap3A_1544] {strides = array<i32>} : memref<4x128xf32, #tpu.memory_space<vmem>>, vector<1x16xf32>,
    %swap3A_1546 = vector.shape_cast %swap3A_1545 : vector<1x16xf32> to vector<16xf32>
    %swap3A_1547 = vector.shape_cast %add3A_1541 : vector<16xf32> to vector<1x16xf32>
    tpu.vector_store %arg5[%swap3A_1543, %swap3A_1544], %swap3A_1547 {strides = array<i32>} : memref<4x128xf32, #tpu.memory_space<vmem>>, vector<1x16xf32>,
    %get3A_1548 = arith.constant 2 : i32
    %get3A_1549 = arith.index_cast %get3A_1548 : i32 to index
    %get3A_1550 = arith.constant 80 : index
    %get3A_1551 = tpu.vector_load %arg5[%get3A_1549, %get3A_1550] {strides = array<i32>} : memref<4x128xf32, #tpu.memory_space<vmem>>, vector<1x16xf32>,
    %get3A_1552 = vector.shape_cast %get3A_1551 : vector<1x16xf32> to vector<16xf32>
    %add3A_1553 = arith.addf %get3A_1552, %scan3A_1486#5 : vector<16xf32>
    %swap3A_1554 = arith.constant 2 : i32
    %swap3A_1555 = arith.index_cast %swap3A_1554 : i32 to index
    %swap3A_1556 = arith.constant 80 : index
    %swap3A_1557 = tpu.vector_load %arg5[%swap3A_1555, %swap3A_1556] {strides = array<i32>} : memref<4x128xf32, #tpu.memory_space<vmem>>, vector<1x16xf32>,
    %swap3A_1558 = vector.shape_cast %swap3A_1557 : vector<1x16xf32> to vector<16xf32>
    %swap3A_1559 = vector.shape_cast %add3A_1553 : vector<16xf32> to vector<1x16xf32>
    tpu.vector_store %arg5[%swap3A_1555, %swap3A_1556], %swap3A_1559 {strides = array<i32>} : memref<4x128xf32, #tpu.memory_space<vmem>>, vector<1x16xf32>,
    %get3A_1560 = arith.constant 2 : i32
    %get3A_1561 = arith.index_cast %get3A_1560 : i32 to index
    %get3A_1562 = arith.constant 96 : index
    %get3A_1563 = tpu.vector_load %arg5[%get3A_1561, %get3A_1562] {strides = array<i32>} : memref<4x128xf32, #tpu.memory_space<vmem>>, vector<1x16xf32>,
    %get3A_1564 = vector.shape_cast %get3A_1563 : vector<1x16xf32> to vector<16xf32>
    %add3A_1565 = arith.addf %get3A_1564, %scan3A_1486#6 : vector<16xf32>
    %swap3A_1566 = arith.constant 2 : i32
    %swap3A_1567 = arith.index_cast %swap3A_1566 : i32 to index
    %swap3A_1568 = arith.constant 96 : index
    %swap3A_1569 = tpu.vector_load %arg5[%swap3A_1567, %swap3A_1568] {strides = array<i32>} : memref<4x128xf32, #tpu.memory_space<vmem>>, vector<1x16xf32>,
    %swap3A_1570 = vector.shape_cast %swap3A_1569 : vector<1x16xf32> to vector<16xf32>
    %swap3A_1571 = vector.shape_cast %add3A_1565 : vector<16xf32> to vector<1x16xf32>
    tpu.vector_store %arg5[%swap3A_1567, %swap3A_1568], %swap3A_1571 {strides = array<i32>} : memref<4x128xf32, #tpu.memory_space<vmem>>, vector<1x16xf32>,
    %get3A_1572 = arith.constant 2 : i32
    %get3A_1573 = arith.index_cast %get3A_1572 : i32 to index
    %get3A_1574 = arith.constant 112 : index
    %get3A_1575 = tpu.vector_load %arg5[%get3A_1573, %get3A_1574] {strides = array<i32>} : memref<4x128xf32, #tpu.memory_space<vmem>>, vector<1x16xf32>,
    %get3A_1576 = vector.shape_cast %get3A_1575 : vector<1x16xf32> to vector<16xf32>
    %add3A_1577 = arith.addf %get3A_1576, %scan3A_1486#7 : vector<16xf32>
    %swap3A_1578 = arith.constant 2 : i32
    %swap3A_1579 = arith.index_cast %swap3A_1578 : i32 to index
    %swap3A_1580 = arith.constant 112 : index
    %swap3A_1581 = tpu.vector_load %arg5[%swap3A_1579, %swap3A_1580] {strides = array<i32>} : memref<4x128xf32, #tpu.memory_space<vmem>>, vector<1x16xf32>,
    %swap3A_1582 = vector.shape_cast %swap3A_1581 : vector<1x16xf32> to vector<16xf32>
    %swap3A_1583 = vector.shape_cast %add3A_1577 : vector<16xf32> to vector<1x16xf32>
    tpu.vector_store %arg5[%swap3A_1579, %swap3A_1580], %swap3A_1583 {strides = array<i32>} : memref<4x128xf32, #tpu.memory_space<vmem>>, vector<1x16xf32>,
    %add3A_1584 = arith.constant 256 : i32
    %add3A_1585 = arith.addi %mul3A_34, %add3A_1584 : i32
    %dma_start3A_1586 = arith.constant 3 : i32
    %dma_start3A_1587 = arith.constant 1 : i32
    %dma_start3A_1588 = arith.constant 1 : i32
    %dma_start3A_1589 = arith.constant 0 : i32
    %dma_start3A_1590 = arith.constant 0 : i32
    %dma_start3A_1591 = tpu.memref_slice %arg4[%dma_start3A_1587, %dma_start3A_1589, %dma_start3A_1590] : memref<2x256x128xf32, #tpu.memory_space<vmem>> -> memref<1x256x128xf32, #tpu.memory_space<vmem>>
    %dma_start3A_1592 = tpu.memref_squeeze %dma_start3A_1591 : memref<1x256x128xf32, #tpu.memory_space<vmem>> -> memref<256x128xf32, #tpu.memory_space<vmem>>
    %dma_start3A_1593 = tpu.memref_slice %arg2[%dma_start3A_1586, %add3A_1585, %mul3A_32] : memref<4x2048x2048xf32, #tpu.memory_space<hbm>> -> memref<1x256x128xf32, #tpu.memory_space<hbm>>
    %dma_start3A_1594 = tpu.memref_squeeze %dma_start3A_1593 : memref<1x256x128xf32, #tpu.memory_space<hbm>> -> memref<256x128xf32, #tpu.memory_space<hbm>>
    %dma_start3A_1595 = tpu.memref_slice %arg6[%dma_start3A_1588] : memref<2x!tpu.dma_semaphore, #tpu.memory_space<semaphore_mem>> -> memref<1x!tpu.dma_semaphore, #tpu.memory_space<semaphore_mem>>
    %dma_start3A_1596 = tpu.memref_squeeze %dma_start3A_1595 : memref<1x!tpu.dma_semaphore, #tpu.memory_space<semaphore_mem>> -> memref<!tpu.dma_semaphore, #tpu.memory_space<semaphore_mem>>
    %dma_start3A_1597 = arith.constant 0 : i32
    %dma_start3A_1598 = arith.constant 0 : i32
    %dma_start3A_1599 = tpu.memref_slice %arg4[%dma_start3A_1587, %dma_start3A_1597, %dma_start3A_1598] : memref<2x256x128xf32, #tpu.memory_space<vmem>> -> memref<1x256x128xf32, #tpu.memory_space<vmem>>
    %dma_start3A_1600 = tpu.memref_squeeze %dma_start3A_1599 : memref<1x256x128xf32, #tpu.memory_space<vmem>> -> memref<256x128xf32, #tpu.memory_space<vmem>>
    %dma_start3A_1601 = tpu.memref_slice %arg2[%dma_start3A_1586, %add3A_1585, %mul3A_32] : memref<4x2048x2048xf32, #tpu.memory_space<hbm>> -> memref<1x256x128xf32, #tpu.memory_space<hbm>>
    %dma_start3A_1602 = tpu.memref_squeeze %dma_start3A_1601 : memref<1x256x128xf32, #tpu.memory_space<hbm>> -> memref<256x128xf32, #tpu.memory_space<hbm>>
    tpu.enqueue_dma source(%dma_start3A_1602 : memref<256x128xf32, #tpu.memory_space<hbm>>) target(%dma_start3A_1600 : memref<256x128xf32, #tpu.memory_space<vmem>>) target_semaphore(%dma_start3A_1596 : memref<!tpu.dma_semaphore, #tpu.memory_space<semaphore_mem>>)
    %dma_wait3A_1603 = arith.constant 3 : i32
    %dma_wait3A_1604 = arith.constant 0 : i32
    %dma_wait3A_1605 = arith.constant 0 : i32
    %dma_wait3A_1606 = arith.constant 0 : i32
    %dma_wait3A_1607 = arith.constant 0 : i32
    %dma_wait3A_1608 = tpu.memref_slice %arg4[%dma_wait3A_1604, %dma_wait3A_1606, %dma_wait3A_1607] : memref<2x256x128xf32, #tpu.memory_space<vmem>> -> memref<1x256x128xf32, #tpu.memory_space<vmem>>
    %dma_wait3A_1609 = tpu.memref_squeeze %dma_wait3A_1608 : memref<1x256x128xf32, #tpu.memory_space<vmem>> -> memref<256x128xf32, #tpu.memory_space<vmem>>
    %dma_wait3A_1610 = tpu.memref_slice %arg2[%dma_wait3A_1603, %add3A_1445, %mul3A_32] : memref<4x2048x2048xf32, #tpu.memory_space<hbm>> -> memref<1x256x128xf32, #tpu.memory_space<hbm>>
    %dma_wait3A_1611 = tpu.memref_squeeze %dma_wait3A_1610 : memref<1x256x128xf32, #tpu.memory_space<hbm>> -> memref<256x128xf32, #tpu.memory_space<hbm>>
    %dma_wait3A_1612 = tpu.memref_slice %arg6[%dma_wait3A_1605] : memref<2x!tpu.dma_semaphore, #tpu.memory_space<semaphore_mem>> -> memref<1x!tpu.dma_semaphore, #tpu.memory_space<semaphore_mem>>
    %dma_wait3A_1613 = tpu.memref_squeeze %dma_wait3A_1612 : memref<1x!tpu.dma_semaphore, #tpu.memory_space<semaphore_mem>> -> memref<!tpu.dma_semaphore, #tpu.memory_space<semaphore_mem>>
    %dma_wait3A_1614 = arith.constant 0 : i32
    %dma_wait3A_1615 = arith.constant 0 : i32
    %dma_wait3A_1616 = tpu.memref_slice %arg4[%dma_wait3A_1604, %dma_wait3A_1614, %dma_wait3A_1615] : memref<2x256x128xf32, #tpu.memory_space<vmem>> -> memref<1x256x128xf32, #tpu.memory_space<vmem>>
    %dma_wait3A_1617 = tpu.memref_squeeze %dma_wait3A_1616 : memref<1x256x128xf32, #tpu.memory_space<vmem>> -> memref<256x128xf32, #tpu.memory_space<vmem>>
    %dma_wait3A_1618 = tpu.memref_slice %arg2[%dma_wait3A_1603, %add3A_1445, %mul3A_32] : memref<4x2048x2048xf32, #tpu.memory_space<hbm>> -> memref<1x256x128xf32, #tpu.memory_space<hbm>>
    %dma_wait3A_1619 = tpu.memref_squeeze %dma_wait3A_1618 : memref<1x256x128xf32, #tpu.memory_space<hbm>> -> memref<256x128xf32, #tpu.memory_space<hbm>>
    tpu.wait_dma2 semaphore(%dma_wait3A_1613 : memref<!tpu.dma_semaphore, #tpu.memory_space<semaphore_mem>>) src(%dma_wait3A_1619 : memref<256x128xf32, #tpu.memory_space<hbm>>) dst(%dma_wait3A_1617 : memref<256x128xf32, #tpu.memory_space<vmem>>)
    %broadcast_in_dim3A_1620 = arith.constant 0.000000e+00 : f32
    %broadcast_in_dim3A_1621 = vector.broadcast %broadcast_in_dim3A_1620 : f32 to vector<16xf32>
    %scan3A_1622 = arith.constant 0 : i32
    %scan3A_1623 = arith.constant 256 : i32
    %scan3A_1624 = arith.addi %scan3A_1622, %scan3A_1623 : i32
    %scan3A_1625 = arith.constant 1 : i32
    %scan3A_1626:8 = scf.for %scan3A_2084 = %scan3A_1622 to %scan3A_1624 step %scan3A_1625 iter_args(%scan3A_2085 = %broadcast_in_dim3A_1621, %scan3A_2086 = %broadcast_in_dim3A_1621, %scan3A_2087 = %broadcast_in_dim3A_1621, %scan3A_2088 = %broadcast_in_dim3A_1621, %scan3A_2089 = %broadcast_in_dim3A_1621, %scan3A_2090 = %broadcast_in_dim3A_1621, %scan3A_2091 = %broadcast_in_dim3A_1621, %scan3A_2092 = %broadcast_in_dim3A_1621) -> (vector<16xf32>, vector<16xf32>, vector<16xf32>, vector<16xf32>, vector<16xf32>, vector<16xf32>, vector<16xf32>, vector<16xf32>)  : i32 {
      %get3A_2093 = arith.constant 0 : i32
      %get3A_2094 = arith.index_cast %get3A_2093 : i32 to index
      %get3A_2095 = arith.index_cast %scan3A_2084 : i32 to index
      %get3A_2096 = arith.constant 0 : index
      %get3A_2097 = tpu.vector_load %arg4[%get3A_2094, %get3A_2095, %get3A_2096] {strides = array<i32>} : memref<2x256x128xf32, #tpu.memory_space<vmem>>, vector<1x1x16xf32>,
      %get3A_2098 = vector.shape_cast %get3A_2097 : vector<1x1x16xf32> to vector<16xf32>
      %add3A_2099 = arith.addf %scan3A_2085, %get3A_2098 : vector<16xf32>
      %get3A_2100 = arith.constant 0 : i32
      %get3A_2101 = arith.index_cast %get3A_2100 : i32 to index
      %get3A_2102 = arith.index_cast %scan3A_2084 : i32 to index
      %get3A_2103 = arith.constant 16 : index
      %get3A_2104 = tpu.vector_load %arg4[%get3A_2101, %get3A_2102, %get3A_2103] {strides = array<i32>} : memref<2x256x128xf32, #tpu.memory_space<vmem>>, vector<1x1x16xf32>,
      %get3A_2105 = vector.shape_cast %get3A_2104 : vector<1x1x16xf32> to vector<16xf32>
      %add3A_2106 = arith.addf %scan3A_2086, %get3A_2105 : vector<16xf32>
      %get3A_2107 = arith.constant 0 : i32
      %get3A_2108 = arith.index_cast %get3A_2107 : i32 to index
      %get3A_2109 = arith.index_cast %scan3A_2084 : i32 to index
      %get3A_2110 = arith.constant 32 : index
      %get3A_2111 = tpu.vector_load %arg4[%get3A_2108, %get3A_2109, %get3A_2110] {strides = array<i32>} : memref<2x256x128xf32, #tpu.memory_space<vmem>>, vector<1x1x16xf32>,
      %get3A_2112 = vector.shape_cast %get3A_2111 : vector<1x1x16xf32> to vector<16xf32>
      %add3A_2113 = arith.addf %scan3A_2087, %get3A_2112 : vector<16xf32>
      %get3A_2114 = arith.constant 0 : i32
      %get3A_2115 = arith.index_cast %get3A_2114 : i32 to index
      %get3A_2116 = arith.index_cast %scan3A_2084 : i32 to index
      %get3A_2117 = arith.constant 48 : index
      %get3A_2118 = tpu.vector_load %arg4[%get3A_2115, %get3A_2116, %get3A_2117] {strides = array<i32>} : memref<2x256x128xf32, #tpu.memory_space<vmem>>, vector<1x1x16xf32>,
      %get3A_2119 = vector.shape_cast %get3A_2118 : vector<1x1x16xf32> to vector<16xf32>
      %add3A_2120 = arith.addf %scan3A_2088, %get3A_2119 : vector<16xf32>
      %get3A_2121 = arith.constant 0 : i32
      %get3A_2122 = arith.index_cast %get3A_2121 : i32 to index
      %get3A_2123 = arith.index_cast %scan3A_2084 : i32 to index
      %get3A_2124 = arith.constant 64 : index
      %get3A_2125 = tpu.vector_load %arg4[%get3A_2122, %get3A_2123, %get3A_2124] {strides = array<i32>} : memref<2x256x128xf32, #tpu.memory_space<vmem>>, vector<1x1x16xf32>,
      %get3A_2126 = vector.shape_cast %get3A_2125 : vector<1x1x16xf32> to vector<16xf32>
      %add3A_2127 = arith.addf %scan3A_2089, %get3A_2126 : vector<16xf32>
      %get3A_2128 = arith.constant 0 : i32
      %get3A_2129 = arith.index_cast %get3A_2128 : i32 to index
      %get3A_2130 = arith.index_cast %scan3A_2084 : i32 to index
      %get3A_2131 = arith.constant 80 : index
      %get3A_2132 = tpu.vector_load %arg4[%get3A_2129, %get3A_2130, %get3A_2131] {strides = array<i32>} : memref<2x256x128xf32, #tpu.memory_space<vmem>>, vector<1x1x16xf32>,
      %get3A_2133 = vector.shape_cast %get3A_2132 : vector<1x1x16xf32> to vector<16xf32>
      %add3A_2134 = arith.addf %scan3A_2090, %get3A_2133 : vector<16xf32>
      %get3A_2135 = arith.constant 0 : i32
      %get3A_2136 = arith.index_cast %get3A_2135 : i32 to index
      %get3A_2137 = arith.index_cast %scan3A_2084 : i32 to index
      %get3A_2138 = arith.constant 96 : index
      %get3A_2139 = tpu.vector_load %arg4[%get3A_2136, %get3A_2137, %get3A_2138] {strides = array<i32>} : memref<2x256x128xf32, #tpu.memory_space<vmem>>, vector<1x1x16xf32>,
      %get3A_2140 = vector.shape_cast %get3A_2139 : vector<1x1x16xf32> to vector<16xf32>
      %add3A_2141 = arith.addf %scan3A_2091, %get3A_2140 : vector<16xf32>
      %get3A_2142 = arith.constant 0 : i32
      %get3A_2143 = arith.index_cast %get3A_2142 : i32 to index
      %get3A_2144 = arith.index_cast %scan3A_2084 : i32 to index
      %get3A_2145 = arith.constant 112 : index
      %get3A_2146 = tpu.vector_load %arg4[%get3A_2143, %get3A_2144, %get3A_2145] {strides = array<i32>} : memref<2x256x128xf32, #tpu.memory_space<vmem>>, vector<1x1x16xf32>,
      %get3A_2147 = vector.shape_cast %get3A_2146 : vector<1x1x16xf32> to vector<16xf32>
      %add3A_2148 = arith.addf %scan3A_2092, %get3A_2147 : vector<16xf32>
      scf.yield %add3A_2099, %add3A_2106, %add3A_2113, %add3A_2120, %add3A_2127, %add3A_2134, %add3A_2141, %add3A_2148 : vector<16xf32>, vector<16xf32>, vector<16xf32>, vector<16xf32>, vector<16xf32>, vector<16xf32>, vector<16xf32>, vector<16xf32>
    }
    %scan3A_1627 = arith.constant 256 : i32
    %swap3A_1628 = arith.constant 3 : i32
    %swap3A_1629 = arith.index_cast %swap3A_1628 : i32 to index
    %swap3A_1630 = arith.constant 0 : index
    %swap3A_1631 = tpu.vector_load %arg5[%swap3A_1629, %swap3A_1630] {strides = array<i32>} : memref<4x128xf32, #tpu.memory_space<vmem>>, vector<1x16xf32>,
    %swap3A_1632 = vector.shape_cast %swap3A_1631 : vector<1x16xf32> to vector<16xf32>
    %swap3A_1633 = vector.shape_cast %scan3A_1626#0 : vector<16xf32> to vector<1x16xf32>
    tpu.vector_store %arg5[%swap3A_1629, %swap3A_1630], %swap3A_1633 {strides = array<i32>} : memref<4x128xf32, #tpu.memory_space<vmem>>, vector<1x16xf32>,
    %swap3A_1634 = arith.constant 3 : i32
    %swap3A_1635 = arith.index_cast %swap3A_1634 : i32 to index
    %swap3A_1636 = arith.constant 16 : index
    %swap3A_1637 = tpu.vector_load %arg5[%swap3A_1635, %swap3A_1636] {strides = array<i32>} : memref<4x128xf32, #tpu.memory_space<vmem>>, vector<1x16xf32>,
    %swap3A_1638 = vector.shape_cast %swap3A_1637 : vector<1x16xf32> to vector<16xf32>
    %swap3A_1639 = vector.shape_cast %scan3A_1626#1 : vector<16xf32> to vector<1x16xf32>
    tpu.vector_store %arg5[%swap3A_1635, %swap3A_1636], %swap3A_1639 {strides = array<i32>} : memref<4x128xf32, #tpu.memory_space<vmem>>, vector<1x16xf32>,
    %swap3A_1640 = arith.constant 3 : i32
    %swap3A_1641 = arith.index_cast %swap3A_1640 : i32 to index
    %swap3A_1642 = arith.constant 32 : index
    %swap3A_1643 = tpu.vector_load %arg5[%swap3A_1641, %swap3A_1642] {strides = array<i32>} : memref<4x128xf32, #tpu.memory_space<vmem>>, vector<1x16xf32>,
    %swap3A_1644 = vector.shape_cast %swap3A_1643 : vector<1x16xf32> to vector<16xf32>
    %swap3A_1645 = vector.shape_cast %scan3A_1626#2 : vector<16xf32> to vector<1x16xf32>
    tpu.vector_store %arg5[%swap3A_1641, %swap3A_1642], %swap3A_1645 {strides = array<i32>} : memref<4x128xf32, #tpu.memory_space<vmem>>, vector<1x16xf32>,
    %swap3A_1646 = arith.constant 3 : i32
    %swap3A_1647 = arith.index_cast %swap3A_1646 : i32 to index
    %swap3A_1648 = arith.constant 48 : index
    %swap3A_1649 = tpu.vector_load %arg5[%swap3A_1647, %swap3A_1648] {strides = array<i32>} : memref<4x128xf32, #tpu.memory_space<vmem>>, vector<1x16xf32>,
    %swap3A_1650 = vector.shape_cast %swap3A_1649 : vector<1x16xf32> to vector<16xf32>
    %swap3A_1651 = vector.shape_cast %scan3A_1626#3 : vector<16xf32> to vector<1x16xf32>
    tpu.vector_store %arg5[%swap3A_1647, %swap3A_1648], %swap3A_1651 {strides = array<i32>} : memref<4x128xf32, #tpu.memory_space<vmem>>, vector<1x16xf32>,
    %swap3A_1652 = arith.constant 3 : i32
    %swap3A_1653 = arith.index_cast %swap3A_1652 : i32 to index
    %swap3A_1654 = arith.constant 64 : index
    %swap3A_1655 = tpu.vector_load %arg5[%swap3A_1653, %swap3A_1654] {strides = array<i32>} : memref<4x128xf32, #tpu.memory_space<vmem>>, vector<1x16xf32>,
    %swap3A_1656 = vector.shape_cast %swap3A_1655 : vector<1x16xf32> to vector<16xf32>
    %swap3A_1657 = vector.shape_cast %scan3A_1626#4 : vector<16xf32> to vector<1x16xf32>
    tpu.vector_store %arg5[%swap3A_1653, %swap3A_1654], %swap3A_1657 {strides = array<i32>} : memref<4x128xf32, #tpu.memory_space<vmem>>, vector<1x16xf32>,
    %swap3A_1658 = arith.constant 3 : i32
    %swap3A_1659 = arith.index_cast %swap3A_1658 : i32 to index
    %swap3A_1660 = arith.constant 80 : index
    %swap3A_1661 = tpu.vector_load %arg5[%swap3A_1659, %swap3A_1660] {strides = array<i32>} : memref<4x128xf32, #tpu.memory_space<vmem>>, vector<1x16xf32>,
    %swap3A_1662 = vector.shape_cast %swap3A_1661 : vector<1x16xf32> to vector<16xf32>
    %swap3A_1663 = vector.shape_cast %scan3A_1626#5 : vector<16xf32> to vector<1x16xf32>
    tpu.vector_store %arg5[%swap3A_1659, %swap3A_1660], %swap3A_1663 {strides = array<i32>} : memref<4x128xf32, #tpu.memory_space<vmem>>, vector<1x16xf32>,
    %swap3A_1664 = arith.constant 3 : i32
    %swap3A_1665 = arith.index_cast %swap3A_1664 : i32 to index
    %swap3A_1666 = arith.constant 96 : index
    %swap3A_1667 = tpu.vector_load %arg5[%swap3A_1665, %swap3A_1666] {strides = array<i32>} : memref<4x128xf32, #tpu.memory_space<vmem>>, vector<1x16xf32>,
    %swap3A_1668 = vector.shape_cast %swap3A_1667 : vector<1x16xf32> to vector<16xf32>
    %swap3A_1669 = vector.shape_cast %scan3A_1626#6 : vector<16xf32> to vector<1x16xf32>
    tpu.vector_store %arg5[%swap3A_1665, %swap3A_1666], %swap3A_1669 {strides = array<i32>} : memref<4x128xf32, #tpu.memory_space<vmem>>, vector<1x16xf32>,
    %swap3A_1670 = arith.constant 3 : i32
    %swap3A_1671 = arith.index_cast %swap3A_1670 : i32 to index
    %swap3A_1672 = arith.constant 112 : index
    %swap3A_1673 = tpu.vector_load %arg5[%swap3A_1671, %swap3A_1672] {strides = array<i32>} : memref<4x128xf32, #tpu.memory_space<vmem>>, vector<1x16xf32>,
    %swap3A_1674 = vector.shape_cast %swap3A_1673 : vector<1x16xf32> to vector<16xf32>
    %swap3A_1675 = vector.shape_cast %scan3A_1626#7 : vector<16xf32> to vector<1x16xf32>
    tpu.vector_store %arg5[%swap3A_1671, %swap3A_1672], %swap3A_1675 {strides = array<i32>} : memref<4x128xf32, #tpu.memory_space<vmem>>, vector<1x16xf32>,
    %add3A_1676 = arith.constant 512 : i32
    %add3A_1677 = arith.addi %mul3A_34, %add3A_1676 : i32
    %dma_start3A_1678 = arith.constant 3 : i32
    %dma_start3A_1679 = arith.constant 0 : i32
    %dma_start3A_1680 = arith.constant 0 : i32
    %dma_start3A_1681 = arith.constant 0 : i32
    %dma_start3A_1682 = arith.constant 0 : i32
    %dma_start3A_1683 = tpu.memref_slice %arg4[%dma_start3A_1679, %dma_start3A_1681, %dma_start3A_1682] : memref<2x256x128xf32, #tpu.memory_space<vmem>> -> memref<1x256x128xf32, #tpu.memory_space<vmem>>
    %dma_start3A_1684 = tpu.memref_squeeze %dma_start3A_1683 : memref<1x256x128xf32, #tpu.memory_space<vmem>> -> memref<256x128xf32, #tpu.memory_space<vmem>>
    %dma_start3A_1685 = tpu.memref_slice %arg2[%dma_start3A_1678, %add3A_1677, %mul3A_32] : memref<4x2048x2048xf32, #tpu.memory_space<hbm>> -> memref<1x256x128xf32, #tpu.memory_space<hbm>>
    %dma_start3A_1686 = tpu.memref_squeeze %dma_start3A_1685 : memref<1x256x128xf32, #tpu.memory_space<hbm>> -> memref<256x128xf32, #tpu.memory_space<hbm>>
    %dma_start3A_1687 = tpu.memref_slice %arg6[%dma_start3A_1680] : memref<2x!tpu.dma_semaphore, #tpu.memory_space<semaphore_mem>> -> memref<1x!tpu.dma_semaphore, #tpu.memory_space<semaphore_mem>>
    %dma_start3A_1688 = tpu.memref_squeeze %dma_start3A_1687 : memref<1x!tpu.dma_semaphore, #tpu.memory_space<semaphore_mem>> -> memref<!tpu.dma_semaphore, #tpu.memory_space<semaphore_mem>>
    %dma_start3A_1689 = arith.constant 0 : i32
    %dma_start3A_1690 = arith.constant 0 : i32
    %dma_start3A_1691 = tpu.memref_slice %arg4[%dma_start3A_1679, %dma_start3A_1689, %dma_start3A_1690] : memref<2x256x128xf32, #tpu.memory_space<vmem>> -> memref<1x256x128xf32, #tpu.memory_space<vmem>>
    %dma_start3A_1692 = tpu.memref_squeeze %dma_start3A_1691 : memref<1x256x128xf32, #tpu.memory_space<vmem>> -> memref<256x128xf32, #tpu.memory_space<vmem>>
    %dma_start3A_1693 = tpu.memref_slice %arg2[%dma_start3A_1678, %add3A_1677, %mul3A_32] : memref<4x2048x2048xf32, #tpu.memory_space<hbm>> -> memref<1x256x128xf32, #tpu.memory_space<hbm>>
    %dma_start3A_1694 = tpu.memref_squeeze %dma_start3A_1693 : memref<1x256x128xf32, #tpu.memory_space<hbm>> -> memref<256x128xf32, #tpu.memory_space<hbm>>
    tpu.enqueue_dma source(%dma_start3A_1694 : memref<256x128xf32, #tpu.memory_space<hbm>>) target(%dma_start3A_1692 : memref<256x128xf32, #tpu.memory_space<vmem>>) target_semaphore(%dma_start3A_1688 : memref<!tpu.dma_semaphore, #tpu.memory_space<semaphore_mem>>)
    %dma_wait3A_1695 = arith.constant 3 : i32
    %dma_wait3A_1696 = arith.constant 1 : i32
    %dma_wait3A_1697 = arith.constant 1 : i32
    %dma_wait3A_1698 = arith.constant 0 : i32
    %dma_wait3A_1699 = arith.constant 0 : i32
    %dma_wait3A_1700 = tpu.memref_slice %arg4[%dma_wait3A_1696, %dma_wait3A_1698, %dma_wait3A_1699] : memref<2x256x128xf32, #tpu.memory_space<vmem>> -> memref<1x256x128xf32, #tpu.memory_space<vmem>>
    %dma_wait3A_1701 = tpu.memref_squeeze %dma_wait3A_1700 : memref<1x256x128xf32, #tpu.memory_space<vmem>> -> memref<256x128xf32, #tpu.memory_space<vmem>>
    %dma_wait3A_1702 = tpu.memref_slice %arg2[%dma_wait3A_1695, %add3A_1585, %mul3A_32] : memref<4x2048x2048xf32, #tpu.memory_space<hbm>> -> memref<1x256x128xf32, #tpu.memory_space<hbm>>
    %dma_wait3A_1703 = tpu.memref_squeeze %dma_wait3A_1702 : memref<1x256x128xf32, #tpu.memory_space<hbm>> -> memref<256x128xf32, #tpu.memory_space<hbm>>
    %dma_wait3A_1704 = tpu.memref_slice %arg6[%dma_wait3A_1697] : memref<2x!tpu.dma_semaphore, #tpu.memory_space<semaphore_mem>> -> memref<1x!tpu.dma_semaphore, #tpu.memory_space<semaphore_mem>>
    %dma_wait3A_1705 = tpu.memref_squeeze %dma_wait3A_1704 : memref<1x!tpu.dma_semaphore, #tpu.memory_space<semaphore_mem>> -> memref<!tpu.dma_semaphore, #tpu.memory_space<semaphore_mem>>
    %dma_wait3A_1706 = arith.constant 0 : i32
    %dma_wait3A_1707 = arith.constant 0 : i32
    %dma_wait3A_1708 = tpu.memref_slice %arg4[%dma_wait3A_1696, %dma_wait3A_1706, %dma_wait3A_1707] : memref<2x256x128xf32, #tpu.memory_space<vmem>> -> memref<1x256x128xf32, #tpu.memory_space<vmem>>
    %dma_wait3A_1709 = tpu.memref_squeeze %dma_wait3A_1708 : memref<1x256x128xf32, #tpu.memory_space<vmem>> -> memref<256x128xf32, #tpu.memory_space<vmem>>
    %dma_wait3A_1710 = tpu.memref_slice %arg2[%dma_wait3A_1695, %add3A_1585, %mul3A_32] : memref<4x2048x2048xf32, #tpu.memory_space<hbm>> -> memref<1x256x128xf32, #tpu.memory_space<hbm>>
    %dma_wait3A_1711 = tpu.memref_squeeze %dma_wait3A_1710 : memref<1x256x128xf32, #tpu.memory_space<hbm>> -> memref<256x128xf32, #tpu.memory_space<hbm>>
    tpu.wait_dma2 semaphore(%dma_wait3A_1705 : memref<!tpu.dma_semaphore, #tpu.memory_space<semaphore_mem>>) src(%dma_wait3A_1711 : memref<256x128xf32, #tpu.memory_space<hbm>>) dst(%dma_wait3A_1709 : memref<256x128xf32, #tpu.memory_space<vmem>>)
    %broadcast_in_dim3A_1712 = arith.constant 0.000000e+00 : f32
    %broadcast_in_dim3A_1713 = vector.broadcast %broadcast_in_dim3A_1712 : f32 to vector<16xf32>
    %scan3A_1714 = arith.constant 0 : i32
    %scan3A_1715 = arith.constant 256 : i32
    %scan3A_1716 = arith.addi %scan3A_1714, %scan3A_1715 : i32
    %scan3A_1717 = arith.constant 1 : i32
    %scan3A_1718:8 = scf.for %scan3A_2084 = %scan3A_1714 to %scan3A_1716 step %scan3A_1717 iter_args(%scan3A_2085 = %broadcast_in_dim3A_1713, %scan3A_2086 = %broadcast_in_dim3A_1713, %scan3A_2087 = %broadcast_in_dim3A_1713, %scan3A_2088 = %broadcast_in_dim3A_1713, %scan3A_2089 = %broadcast_in_dim3A_1713, %scan3A_2090 = %broadcast_in_dim3A_1713, %scan3A_2091 = %broadcast_in_dim3A_1713, %scan3A_2092 = %broadcast_in_dim3A_1713) -> (vector<16xf32>, vector<16xf32>, vector<16xf32>, vector<16xf32>, vector<16xf32>, vector<16xf32>, vector<16xf32>, vector<16xf32>)  : i32 {
      %get3A_2093 = arith.constant 1 : i32
      %get3A_2094 = arith.index_cast %get3A_2093 : i32 to index
      %get3A_2095 = arith.index_cast %scan3A_2084 : i32 to index
      %get3A_2096 = arith.constant 0 : index
      %get3A_2097 = tpu.vector_load %arg4[%get3A_2094, %get3A_2095, %get3A_2096] {strides = array<i32>} : memref<2x256x128xf32, #tpu.memory_space<vmem>>, vector<1x1x16xf32>,
      %get3A_2098 = vector.shape_cast %get3A_2097 : vector<1x1x16xf32> to vector<16xf32>
      %add3A_2099 = arith.addf %scan3A_2085, %get3A_2098 : vector<16xf32>
      %get3A_2100 = arith.constant 1 : i32
      %get3A_2101 = arith.index_cast %get3A_2100 : i32 to index
      %get3A_2102 = arith.index_cast %scan3A_2084 : i32 to index
      %get3A_2103 = arith.constant 16 : index
      %get3A_2104 = tpu.vector_load %arg4[%get3A_2101, %get3A_2102, %get3A_2103] {strides = array<i32>} : memref<2x256x128xf32, #tpu.memory_space<vmem>>, vector<1x1x16xf32>,
      %get3A_2105 = vector.shape_cast %get3A_2104 : vector<1x1x16xf32> to vector<16xf32>
      %add3A_2106 = arith.addf %scan3A_2086, %get3A_2105 : vector<16xf32>
      %get3A_2107 = arith.constant 1 : i32
      %get3A_2108 = arith.index_cast %get3A_2107 : i32 to index
      %get3A_2109 = arith.index_cast %scan3A_2084 : i32 to index
      %get3A_2110 = arith.constant 32 : index
      %get3A_2111 = tpu.vector_load %arg4[%get3A_2108, %get3A_2109, %get3A_2110] {strides = array<i32>} : memref<2x256x128xf32, #tpu.memory_space<vmem>>, vector<1x1x16xf32>,
      %get3A_2112 = vector.shape_cast %get3A_2111 : vector<1x1x16xf32> to vector<16xf32>
      %add3A_2113 = arith.addf %scan3A_2087, %get3A_2112 : vector<16xf32>
      %get3A_2114 = arith.constant 1 : i32
      %get3A_2115 = arith.index_cast %get3A_2114 : i32 to index
      %get3A_2116 = arith.index_cast %scan3A_2084 : i32 to index
      %get3A_2117 = arith.constant 48 : index
      %get3A_2118 = tpu.vector_load %arg4[%get3A_2115, %get3A_2116, %get3A_2117] {strides = array<i32>} : memref<2x256x128xf32, #tpu.memory_space<vmem>>, vector<1x1x16xf32>,
      %get3A_2119 = vector.shape_cast %get3A_2118 : vector<1x1x16xf32> to vector<16xf32>
      %add3A_2120 = arith.addf %scan3A_2088, %get3A_2119 : vector<16xf32>
      %get3A_2121 = arith.constant 1 : i32
      %get3A_2122 = arith.index_cast %get3A_2121 : i32 to index
      %get3A_2123 = arith.index_cast %scan3A_2084 : i32 to index
      %get3A_2124 = arith.constant 64 : index
      %get3A_2125 = tpu.vector_load %arg4[%get3A_2122, %get3A_2123, %get3A_2124] {strides = array<i32>} : memref<2x256x128xf32, #tpu.memory_space<vmem>>, vector<1x1x16xf32>,
      %get3A_2126 = vector.shape_cast %get3A_2125 : vector<1x1x16xf32> to vector<16xf32>
      %add3A_2127 = arith.addf %scan3A_2089, %get3A_2126 : vector<16xf32>
      %get3A_2128 = arith.constant 1 : i32
      %get3A_2129 = arith.index_cast %get3A_2128 : i32 to index
      %get3A_2130 = arith.index_cast %scan3A_2084 : i32 to index
      %get3A_2131 = arith.constant 80 : index
      %get3A_2132 = tpu.vector_load %arg4[%get3A_2129, %get3A_2130, %get3A_2131] {strides = array<i32>} : memref<2x256x128xf32, #tpu.memory_space<vmem>>, vector<1x1x16xf32>,
      %get3A_2133 = vector.shape_cast %get3A_2132 : vector<1x1x16xf32> to vector<16xf32>
      %add3A_2134 = arith.addf %scan3A_2090, %get3A_2133 : vector<16xf32>
      %get3A_2135 = arith.constant 1 : i32
      %get3A_2136 = arith.index_cast %get3A_2135 : i32 to index
      %get3A_2137 = arith.index_cast %scan3A_2084 : i32 to index
      %get3A_2138 = arith.constant 96 : index
      %get3A_2139 = tpu.vector_load %arg4[%get3A_2136, %get3A_2137, %get3A_2138] {strides = array<i32>} : memref<2x256x128xf32, #tpu.memory_space<vmem>>, vector<1x1x16xf32>,
      %get3A_2140 = vector.shape_cast %get3A_2139 : vector<1x1x16xf32> to vector<16xf32>
      %add3A_2141 = arith.addf %scan3A_2091, %get3A_2140 : vector<16xf32>
      %get3A_2142 = arith.constant 1 : i32
      %get3A_2143 = arith.index_cast %get3A_2142 : i32 to index
      %get3A_2144 = arith.index_cast %scan3A_2084 : i32 to index
      %get3A_2145 = arith.constant 112 : index
      %get3A_2146 = tpu.vector_load %arg4[%get3A_2143, %get3A_2144, %get3A_2145] {strides = array<i32>} : memref<2x256x128xf32, #tpu.memory_space<vmem>>, vector<1x1x16xf32>,
      %get3A_2147 = vector.shape_cast %get3A_2146 : vector<1x1x16xf32> to vector<16xf32>
      %add3A_2148 = arith.addf %scan3A_2092, %get3A_2147 : vector<16xf32>
      scf.yield %add3A_2099, %add3A_2106, %add3A_2113, %add3A_2120, %add3A_2127, %add3A_2134, %add3A_2141, %add3A_2148 : vector<16xf32>, vector<16xf32>, vector<16xf32>, vector<16xf32>, vector<16xf32>, vector<16xf32>, vector<16xf32>, vector<16xf32>
    }
    %scan3A_1719 = arith.constant 256 : i32
    %get3A_1720 = arith.constant 3 : i32
    %get3A_1721 = arith.index_cast %get3A_1720 : i32 to index
    %get3A_1722 = arith.constant 0 : index
    %get3A_1723 = tpu.vector_load %arg5[%get3A_1721, %get3A_1722] {strides = array<i32>} : memref<4x128xf32, #tpu.memory_space<vmem>>, vector<1x16xf32>,
    %get3A_1724 = vector.shape_cast %get3A_1723 : vector<1x16xf32> to vector<16xf32>
    %add3A_1725 = arith.addf %get3A_1724, %scan3A_1718#0 : vector<16xf32>
    %swap3A_1726 = arith.constant 3 : i32
    %swap3A_1727 = arith.index_cast %swap3A_1726 : i32 to index
    %swap3A_1728 = arith.constant 0 : index
    %swap3A_1729 = tpu.vector_load %arg5[%swap3A_1727, %swap3A_1728] {strides = array<i32>} : memref<4x128xf32, #tpu.memory_space<vmem>>, vector<1x16xf32>,
    %swap3A_1730 = vector.shape_cast %swap3A_1729 : vector<1x16xf32> to vector<16xf32>
    %swap3A_1731 = vector.shape_cast %add3A_1725 : vector<16xf32> to vector<1x16xf32>
    tpu.vector_store %arg5[%swap3A_1727, %swap3A_1728], %swap3A_1731 {strides = array<i32>} : memref<4x128xf32, #tpu.memory_space<vmem>>, vector<1x16xf32>,
    %get3A_1732 = arith.constant 3 : i32
    %get3A_1733 = arith.index_cast %get3A_1732 : i32 to index
    %get3A_1734 = arith.constant 16 : index
    %get3A_1735 = tpu.vector_load %arg5[%get3A_1733, %get3A_1734] {strides = array<i32>} : memref<4x128xf32, #tpu.memory_space<vmem>>, vector<1x16xf32>,
    %get3A_1736 = vector.shape_cast %get3A_1735 : vector<1x16xf32> to vector<16xf32>
    %add3A_1737 = arith.addf %get3A_1736, %scan3A_1718#1 : vector<16xf32>
    %swap3A_1738 = arith.constant 3 : i32
    %swap3A_1739 = arith.index_cast %swap3A_1738 : i32 to index
    %swap3A_1740 = arith.constant 16 : index
    %swap3A_1741 = tpu.vector_load %arg5[%swap3A_1739, %swap3A_1740] {strides = array<i32>} : memref<4x128xf32, #tpu.memory_space<vmem>>, vector<1x16xf32>,
    %swap3A_1742 = vector.shape_cast %swap3A_1741 : vector<1x16xf32> to vector<16xf32>
    %swap3A_1743 = vector.shape_cast %add3A_1737 : vector<16xf32> to vector<1x16xf32>
    tpu.vector_store %arg5[%swap3A_1739, %swap3A_1740], %swap3A_1743 {strides = array<i32>} : memref<4x128xf32, #tpu.memory_space<vmem>>, vector<1x16xf32>,
    %get3A_1744 = arith.constant 3 : i32
    %get3A_1745 = arith.index_cast %get3A_1744 : i32 to index
    %get3A_1746 = arith.constant 32 : index
    %get3A_1747 = tpu.vector_load %arg5[%get3A_1745, %get3A_1746] {strides = array<i32>} : memref<4x128xf32, #tpu.memory_space<vmem>>, vector<1x16xf32>,
    %get3A_1748 = vector.shape_cast %get3A_1747 : vector<1x16xf32> to vector<16xf32>
    %add3A_1749 = arith.addf %get3A_1748, %scan3A_1718#2 : vector<16xf32>
    %swap3A_1750 = arith.constant 3 : i32
    %swap3A_1751 = arith.index_cast %swap3A_1750 : i32 to index
    %swap3A_1752 = arith.constant 32 : index
    %swap3A_1753 = tpu.vector_load %arg5[%swap3A_1751, %swap3A_1752] {strides = array<i32>} : memref<4x128xf32, #tpu.memory_space<vmem>>, vector<1x16xf32>,
    %swap3A_1754 = vector.shape_cast %swap3A_1753 : vector<1x16xf32> to vector<16xf32>
    %swap3A_1755 = vector.shape_cast %add3A_1749 : vector<16xf32> to vector<1x16xf32>
    tpu.vector_store %arg5[%swap3A_1751, %swap3A_1752], %swap3A_1755 {strides = array<i32>} : memref<4x128xf32, #tpu.memory_space<vmem>>, vector<1x16xf32>,
    %get3A_1756 = arith.constant 3 : i32
    %get3A_1757 = arith.index_cast %get3A_1756 : i32 to index
    %get3A_1758 = arith.constant 48 : index
    %get3A_1759 = tpu.vector_load %arg5[%get3A_1757, %get3A_1758] {strides = array<i32>} : memref<4x128xf32, #tpu.memory_space<vmem>>, vector<1x16xf32>,
    %get3A_1760 = vector.shape_cast %get3A_1759 : vector<1x16xf32> to vector<16xf32>
    %add3A_1761 = arith.addf %get3A_1760, %scan3A_1718#3 : vector<16xf32>
    %swap3A_1762 = arith.constant 3 : i32
    %swap3A_1763 = arith.index_cast %swap3A_1762 : i32 to index
    %swap3A_1764 = arith.constant 48 : index
    %swap3A_1765 = tpu.vector_load %arg5[%swap3A_1763, %swap3A_1764] {strides = array<i32>} : memref<4x128xf32, #tpu.memory_space<vmem>>, vector<1x16xf32>,
    %swap3A_1766 = vector.shape_cast %swap3A_1765 : vector<1x16xf32> to vector<16xf32>
    %swap3A_1767 = vector.shape_cast %add3A_1761 : vector<16xf32> to vector<1x16xf32>
    tpu.vector_store %arg5[%swap3A_1763, %swap3A_1764], %swap3A_1767 {strides = array<i32>} : memref<4x128xf32, #tpu.memory_space<vmem>>, vector<1x16xf32>,
    %get3A_1768 = arith.constant 3 : i32
    %get3A_1769 = arith.index_cast %get3A_1768 : i32 to index
    %get3A_1770 = arith.constant 64 : index
    %get3A_1771 = tpu.vector_load %arg5[%get3A_1769, %get3A_1770] {strides = array<i32>} : memref<4x128xf32, #tpu.memory_space<vmem>>, vector<1x16xf32>,
    %get3A_1772 = vector.shape_cast %get3A_1771 : vector<1x16xf32> to vector<16xf32>
    %add3A_1773 = arith.addf %get3A_1772, %scan3A_1718#4 : vector<16xf32>
    %swap3A_1774 = arith.constant 3 : i32
    %swap3A_1775 = arith.index_cast %swap3A_1774 : i32 to index
    %swap3A_1776 = arith.constant 64 : index
    %swap3A_1777 = tpu.vector_load %arg5[%swap3A_1775, %swap3A_1776] {strides = array<i32>} : memref<4x128xf32, #tpu.memory_space<vmem>>, vector<1x16xf32>,
    %swap3A_1778 = vector.shape_cast %swap3A_1777 : vector<1x16xf32> to vector<16xf32>
    %swap3A_1779 = vector.shape_cast %add3A_1773 : vector<16xf32> to vector<1x16xf32>
    tpu.vector_store %arg5[%swap3A_1775, %swap3A_1776], %swap3A_1779 {strides = array<i32>} : memref<4x128xf32, #tpu.memory_space<vmem>>, vector<1x16xf32>,
    %get3A_1780 = arith.constant 3 : i32
    %get3A_1781 = arith.index_cast %get3A_1780 : i32 to index
    %get3A_1782 = arith.constant 80 : index
    %get3A_1783 = tpu.vector_load %arg5[%get3A_1781, %get3A_1782] {strides = array<i32>} : memref<4x128xf32, #tpu.memory_space<vmem>>, vector<1x16xf32>,
    %get3A_1784 = vector.shape_cast %get3A_1783 : vector<1x16xf32> to vector<16xf32>
    %add3A_1785 = arith.addf %get3A_1784, %scan3A_1718#5 : vector<16xf32>
    %swap3A_1786 = arith.constant 3 : i32
    %swap3A_1787 = arith.index_cast %swap3A_1786 : i32 to index
    %swap3A_1788 = arith.constant 80 : index
    %swap3A_1789 = tpu.vector_load %arg5[%swap3A_1787, %swap3A_1788] {strides = array<i32>} : memref<4x128xf32, #tpu.memory_space<vmem>>, vector<1x16xf32>,
    %swap3A_1790 = vector.shape_cast %swap3A_1789 : vector<1x16xf32> to vector<16xf32>
    %swap3A_1791 = vector.shape_cast %add3A_1785 : vector<16xf32> to vector<1x16xf32>
    tpu.vector_store %arg5[%swap3A_1787, %swap3A_1788], %swap3A_1791 {strides = array<i32>} : memref<4x128xf32, #tpu.memory_space<vmem>>, vector<1x16xf32>,
    %get3A_1792 = arith.constant 3 : i32
    %get3A_1793 = arith.index_cast %get3A_1792 : i32 to index
    %get3A_1794 = arith.constant 96 : index
    %get3A_1795 = tpu.vector_load %arg5[%get3A_1793, %get3A_1794] {strides = array<i32>} : memref<4x128xf32, #tpu.memory_space<vmem>>, vector<1x16xf32>,
    %get3A_1796 = vector.shape_cast %get3A_1795 : vector<1x16xf32> to vector<16xf32>
    %add3A_1797 = arith.addf %get3A_1796, %scan3A_1718#6 : vector<16xf32>
    %swap3A_1798 = arith.constant 3 : i32
    %swap3A_1799 = arith.index_cast %swap3A_1798 : i32 to index
    %swap3A_1800 = arith.constant 96 : index
    %swap3A_1801 = tpu.vector_load %arg5[%swap3A_1799, %swap3A_1800] {strides = array<i32>} : memref<4x128xf32, #tpu.memory_space<vmem>>, vector<1x16xf32>,
    %swap3A_1802 = vector.shape_cast %swap3A_1801 : vector<1x16xf32> to vector<16xf32>
    %swap3A_1803 = vector.shape_cast %add3A_1797 : vector<16xf32> to vector<1x16xf32>
    tpu.vector_store %arg5[%swap3A_1799, %swap3A_1800], %swap3A_1803 {strides = array<i32>} : memref<4x128xf32, #tpu.memory_space<vmem>>, vector<1x16xf32>,
    %get3A_1804 = arith.constant 3 : i32
    %get3A_1805 = arith.index_cast %get3A_1804 : i32 to index
    %get3A_1806 = arith.constant 112 : index
    %get3A_1807 = tpu.vector_load %arg5[%get3A_1805, %get3A_1806] {strides = array<i32>} : memref<4x128xf32, #tpu.memory_space<vmem>>, vector<1x16xf32>,
    %get3A_1808 = vector.shape_cast %get3A_1807 : vector<1x16xf32> to vector<16xf32>
    %add3A_1809 = arith.addf %get3A_1808, %scan3A_1718#7 : vector<16xf32>
    %swap3A_1810 = arith.constant 3 : i32
    %swap3A_1811 = arith.index_cast %swap3A_1810 : i32 to index
    %swap3A_1812 = arith.constant 112 : index
    %swap3A_1813 = tpu.vector_load %arg5[%swap3A_1811, %swap3A_1812] {strides = array<i32>} : memref<4x128xf32, #tpu.memory_space<vmem>>, vector<1x16xf32>,
    %swap3A_1814 = vector.shape_cast %swap3A_1813 : vector<1x16xf32> to vector<16xf32>
    %swap3A_1815 = vector.shape_cast %add3A_1809 : vector<16xf32> to vector<1x16xf32>
    tpu.vector_store %arg5[%swap3A_1811, %swap3A_1812], %swap3A_1815 {strides = array<i32>} : memref<4x128xf32, #tpu.memory_space<vmem>>, vector<1x16xf32>,
    %add3A_1816 = arith.constant 768 : i32
    %add3A_1817 = arith.addi %mul3A_34, %add3A_1816 : i32
    %dma_start3A_1818 = arith.constant 3 : i32
    %dma_start3A_1819 = arith.constant 1 : i32
    %dma_start3A_1820 = arith.constant 1 : i32
    %dma_start3A_1821 = arith.constant 0 : i32
    %dma_start3A_1822 = arith.constant 0 : i32
    %dma_start3A_1823 = tpu.memref_slice %arg4[%dma_start3A_1819, %dma_start3A_1821, %dma_start3A_1822] : memref<2x256x128xf32, #tpu.memory_space<vmem>> -> memref<1x256x128xf32, #tpu.memory_space<vmem>>
    %dma_start3A_1824 = tpu.memref_squeeze %dma_start3A_1823 : memref<1x256x128xf32, #tpu.memory_space<vmem>> -> memref<256x128xf32, #tpu.memory_space<vmem>>
    %dma_start3A_1825 = tpu.memref_slice %arg2[%dma_start3A_1818, %add3A_1817, %mul3A_32] : memref<4x2048x2048xf32, #tpu.memory_space<hbm>> -> memref<1x256x128xf32, #tpu.memory_space<hbm>>
    %dma_start3A_1826 = tpu.memref_squeeze %dma_start3A_1825 : memref<1x256x128xf32, #tpu.memory_space<hbm>> -> memref<256x128xf32, #tpu.memory_space<hbm>>
    %dma_start3A_1827 = tpu.memref_slice %arg6[%dma_start3A_1820] : memref<2x!tpu.dma_semaphore, #tpu.memory_space<semaphore_mem>> -> memref<1x!tpu.dma_semaphore, #tpu.memory_space<semaphore_mem>>
    %dma_start3A_1828 = tpu.memref_squeeze %dma_start3A_1827 : memref<1x!tpu.dma_semaphore, #tpu.memory_space<semaphore_mem>> -> memref<!tpu.dma_semaphore, #tpu.memory_space<semaphore_mem>>
    %dma_start3A_1829 = arith.constant 0 : i32
    %dma_start3A_1830 = arith.constant 0 : i32
    %dma_start3A_1831 = tpu.memref_slice %arg4[%dma_start3A_1819, %dma_start3A_1829, %dma_start3A_1830] : memref<2x256x128xf32, #tpu.memory_space<vmem>> -> memref<1x256x128xf32, #tpu.memory_space<vmem>>
    %dma_start3A_1832 = tpu.memref_squeeze %dma_start3A_1831 : memref<1x256x128xf32, #tpu.memory_space<vmem>> -> memref<256x128xf32, #tpu.memory_space<vmem>>
    %dma_start3A_1833 = tpu.memref_slice %arg2[%dma_start3A_1818, %add3A_1817, %mul3A_32] : memref<4x2048x2048xf32, #tpu.memory_space<hbm>> -> memref<1x256x128xf32, #tpu.memory_space<hbm>>
    %dma_start3A_1834 = tpu.memref_squeeze %dma_start3A_1833 : memref<1x256x128xf32, #tpu.memory_space<hbm>> -> memref<256x128xf32, #tpu.memory_space<hbm>>
    tpu.enqueue_dma source(%dma_start3A_1834 : memref<256x128xf32, #tpu.memory_space<hbm>>) target(%dma_start3A_1832 : memref<256x128xf32, #tpu.memory_space<vmem>>) target_semaphore(%dma_start3A_1828 : memref<!tpu.dma_semaphore, #tpu.memory_space<semaphore_mem>>)
    %dma_wait3A_1835 = arith.constant 3 : i32
    %dma_wait3A_1836 = arith.constant 0 : i32
    %dma_wait3A_1837 = arith.constant 0 : i32
    %dma_wait3A_1838 = arith.constant 0 : i32
    %dma_wait3A_1839 = arith.constant 0 : i32
    %dma_wait3A_1840 = tpu.memref_slice %arg4[%dma_wait3A_1836, %dma_wait3A_1838, %dma_wait3A_1839] : memref<2x256x128xf32, #tpu.memory_space<vmem>> -> memref<1x256x128xf32, #tpu.memory_space<vmem>>
    %dma_wait3A_1841 = tpu.memref_squeeze %dma_wait3A_1840 : memref<1x256x128xf32, #tpu.memory_space<vmem>> -> memref<256x128xf32, #tpu.memory_space<vmem>>
    %dma_wait3A_1842 = tpu.memref_slice %arg2[%dma_wait3A_1835, %add3A_1677, %mul3A_32] : memref<4x2048x2048xf32, #tpu.memory_space<hbm>> -> memref<1x256x128xf32, #tpu.memory_space<hbm>>
    %dma_wait3A_1843 = tpu.memref_squeeze %dma_wait3A_1842 : memref<1x256x128xf32, #tpu.memory_space<hbm>> -> memref<256x128xf32, #tpu.memory_space<hbm>>
    %dma_wait3A_1844 = tpu.memref_slice %arg6[%dma_wait3A_1837] : memref<2x!tpu.dma_semaphore, #tpu.memory_space<semaphore_mem>> -> memref<1x!tpu.dma_semaphore, #tpu.memory_space<semaphore_mem>>
    %dma_wait3A_1845 = tpu.memref_squeeze %dma_wait3A_1844 : memref<1x!tpu.dma_semaphore, #tpu.memory_space<semaphore_mem>> -> memref<!tpu.dma_semaphore, #tpu.memory_space<semaphore_mem>>
    %dma_wait3A_1846 = arith.constant 0 : i32
    %dma_wait3A_1847 = arith.constant 0 : i32
    %dma_wait3A_1848 = tpu.memref_slice %arg4[%dma_wait3A_1836, %dma_wait3A_1846, %dma_wait3A_1847] : memref<2x256x128xf32, #tpu.memory_space<vmem>> -> memref<1x256x128xf32, #tpu.memory_space<vmem>>
    %dma_wait3A_1849 = tpu.memref_squeeze %dma_wait3A_1848 : memref<1x256x128xf32, #tpu.memory_space<vmem>> -> memref<256x128xf32, #tpu.memory_space<vmem>>
    %dma_wait3A_1850 = tpu.memref_slice %arg2[%dma_wait3A_1835, %add3A_1677, %mul3A_32] : memref<4x2048x2048xf32, #tpu.memory_space<hbm>> -> memref<1x256x128xf32, #tpu.memory_space<hbm>>
    %dma_wait3A_1851 = tpu.memref_squeeze %dma_wait3A_1850 : memref<1x256x128xf32, #tpu.memory_space<hbm>> -> memref<256x128xf32, #tpu.memory_space<hbm>>
    tpu.wait_dma2 semaphore(%dma_wait3A_1845 : memref<!tpu.dma_semaphore, #tpu.memory_space<semaphore_mem>>) src(%dma_wait3A_1851 : memref<256x128xf32, #tpu.memory_space<hbm>>) dst(%dma_wait3A_1849 : memref<256x128xf32, #tpu.memory_space<vmem>>)
    %broadcast_in_dim3A_1852 = arith.constant 0.000000e+00 : f32
    %broadcast_in_dim3A_1853 = vector.broadcast %broadcast_in_dim3A_1852 : f32 to vector<16xf32>
    %scan3A_1854 = arith.constant 0 : i32
    %scan3A_1855 = arith.constant 256 : i32
    %scan3A_1856 = arith.addi %scan3A_1854, %scan3A_1855 : i32
    %scan3A_1857 = arith.constant 1 : i32
    %scan3A_1858:8 = scf.for %scan3A_2084 = %scan3A_1854 to %scan3A_1856 step %scan3A_1857 iter_args(%scan3A_2085 = %broadcast_in_dim3A_1853, %scan3A_2086 = %broadcast_in_dim3A_1853, %scan3A_2087 = %broadcast_in_dim3A_1853, %scan3A_2088 = %broadcast_in_dim3A_1853, %scan3A_2089 = %broadcast_in_dim3A_1853, %scan3A_2090 = %broadcast_in_dim3A_1853, %scan3A_2091 = %broadcast_in_dim3A_1853, %scan3A_2092 = %broadcast_in_dim3A_1853) -> (vector<16xf32>, vector<16xf32>, vector<16xf32>, vector<16xf32>, vector<16xf32>, vector<16xf32>, vector<16xf32>, vector<16xf32>)  : i32 {
      %get3A_2093 = arith.constant 0 : i32
      %get3A_2094 = arith.index_cast %get3A_2093 : i32 to index
      %get3A_2095 = arith.index_cast %scan3A_2084 : i32 to index
      %get3A_2096 = arith.constant 0 : index
      %get3A_2097 = tpu.vector_load %arg4[%get3A_2094, %get3A_2095, %get3A_2096] {strides = array<i32>} : memref<2x256x128xf32, #tpu.memory_space<vmem>>, vector<1x1x16xf32>,
      %get3A_2098 = vector.shape_cast %get3A_2097 : vector<1x1x16xf32> to vector<16xf32>
      %add3A_2099 = arith.addf %scan3A_2085, %get3A_2098 : vector<16xf32>
      %get3A_2100 = arith.constant 0 : i32
      %get3A_2101 = arith.index_cast %get3A_2100 : i32 to index
      %get3A_2102 = arith.index_cast %scan3A_2084 : i32 to index
      %get3A_2103 = arith.constant 16 : index
      %get3A_2104 = tpu.vector_load %arg4[%get3A_2101, %get3A_2102, %get3A_2103] {strides = array<i32>} : memref<2x256x128xf32, #tpu.memory_space<vmem>>, vector<1x1x16xf32>,
      %get3A_2105 = vector.shape_cast %get3A_2104 : vector<1x1x16xf32> to vector<16xf32>
      %add3A_2106 = arith.addf %scan3A_2086, %get3A_2105 : vector<16xf32>
      %get3A_2107 = arith.constant 0 : i32
      %get3A_2108 = arith.index_cast %get3A_2107 : i32 to index
      %get3A_2109 = arith.index_cast %scan3A_2084 : i32 to index
      %get3A_2110 = arith.constant 32 : index
      %get3A_2111 = tpu.vector_load %arg4[%get3A_2108, %get3A_2109, %get3A_2110] {strides = array<i32>} : memref<2x256x128xf32, #tpu.memory_space<vmem>>, vector<1x1x16xf32>,
      %get3A_2112 = vector.shape_cast %get3A_2111 : vector<1x1x16xf32> to vector<16xf32>
      %add3A_2113 = arith.addf %scan3A_2087, %get3A_2112 : vector<16xf32>
      %get3A_2114 = arith.constant 0 : i32
      %get3A_2115 = arith.index_cast %get3A_2114 : i32 to index
      %get3A_2116 = arith.index_cast %scan3A_2084 : i32 to index
      %get3A_2117 = arith.constant 48 : index
      %get3A_2118 = tpu.vector_load %arg4[%get3A_2115, %get3A_2116, %get3A_2117] {strides = array<i32>} : memref<2x256x128xf32, #tpu.memory_space<vmem>>, vector<1x1x16xf32>,
      %get3A_2119 = vector.shape_cast %get3A_2118 : vector<1x1x16xf32> to vector<16xf32>
      %add3A_2120 = arith.addf %scan3A_2088, %get3A_2119 : vector<16xf32>
      %get3A_2121 = arith.constant 0 : i32
      %get3A_2122 = arith.index_cast %get3A_2121 : i32 to index
      %get3A_2123 = arith.index_cast %scan3A_2084 : i32 to index
      %get3A_2124 = arith.constant 64 : index
      %get3A_2125 = tpu.vector_load %arg4[%get3A_2122, %get3A_2123, %get3A_2124] {strides = array<i32>} : memref<2x256x128xf32, #tpu.memory_space<vmem>>, vector<1x1x16xf32>,
      %get3A_2126 = vector.shape_cast %get3A_2125 : vector<1x1x16xf32> to vector<16xf32>
      %add3A_2127 = arith.addf %scan3A_2089, %get3A_2126 : vector<16xf32>
      %get3A_2128 = arith.constant 0 : i32
      %get3A_2129 = arith.index_cast %get3A_2128 : i32 to index
      %get3A_2130 = arith.index_cast %scan3A_2084 : i32 to index
      %get3A_2131 = arith.constant 80 : index
      %get3A_2132 = tpu.vector_load %arg4[%get3A_2129, %get3A_2130, %get3A_2131] {strides = array<i32>} : memref<2x256x128xf32, #tpu.memory_space<vmem>>, vector<1x1x16xf32>,
      %get3A_2133 = vector.shape_cast %get3A_2132 : vector<1x1x16xf32> to vector<16xf32>
      %add3A_2134 = arith.addf %scan3A_2090, %get3A_2133 : vector<16xf32>
      %get3A_2135 = arith.constant 0 : i32
      %get3A_2136 = arith.index_cast %get3A_2135 : i32 to index
      %get3A_2137 = arith.index_cast %scan3A_2084 : i32 to index
      %get3A_2138 = arith.constant 96 : index
      %get3A_2139 = tpu.vector_load %arg4[%get3A_2136, %get3A_2137, %get3A_2138] {strides = array<i32>} : memref<2x256x128xf32, #tpu.memory_space<vmem>>, vector<1x1x16xf32>,
      %get3A_2140 = vector.shape_cast %get3A_2139 : vector<1x1x16xf32> to vector<16xf32>
      %add3A_2141 = arith.addf %scan3A_2091, %get3A_2140 : vector<16xf32>
      %get3A_2142 = arith.constant 0 : i32
      %get3A_2143 = arith.index_cast %get3A_2142 : i32 to index
      %get3A_2144 = arith.index_cast %scan3A_2084 : i32 to index
      %get3A_2145 = arith.constant 112 : index
      %get3A_2146 = tpu.vector_load %arg4[%get3A_2143, %get3A_2144, %get3A_2145] {strides = array<i32>} : memref<2x256x128xf32, #tpu.memory_space<vmem>>, vector<1x1x16xf32>,
      %get3A_2147 = vector.shape_cast %get3A_2146 : vector<1x1x16xf32> to vector<16xf32>
      %add3A_2148 = arith.addf %scan3A_2092, %get3A_2147 : vector<16xf32>
      scf.yield %add3A_2099, %add3A_2106, %add3A_2113, %add3A_2120, %add3A_2127, %add3A_2134, %add3A_2141, %add3A_2148 : vector<16xf32>, vector<16xf32>, vector<16xf32>, vector<16xf32>, vector<16xf32>, vector<16xf32>, vector<16xf32>, vector<16xf32>
    }
    %scan3A_1859 = arith.constant 256 : i32
    %get3A_1860 = arith.constant 3 : i32
    %get3A_1861 = arith.index_cast %get3A_1860 : i32 to index
    %get3A_1862 = arith.constant 0 : index
    %get3A_1863 = tpu.vector_load %arg5[%get3A_1861, %get3A_1862] {strides = array<i32>} : memref<4x128xf32, #tpu.memory_space<vmem>>, vector<1x16xf32>,
    %get3A_1864 = vector.shape_cast %get3A_1863 : vector<1x16xf32> to vector<16xf32>
    %add3A_1865 = arith.addf %get3A_1864, %scan3A_1858#0 : vector<16xf32>
    %swap3A_1866 = arith.constant 3 : i32
    %swap3A_1867 = arith.index_cast %swap3A_1866 : i32 to index
    %swap3A_1868 = arith.constant 0 : index
    %swap3A_1869 = tpu.vector_load %arg5[%swap3A_1867, %swap3A_1868] {strides = array<i32>} : memref<4x128xf32, #tpu.memory_space<vmem>>, vector<1x16xf32>,
    %swap3A_1870 = vector.shape_cast %swap3A_1869 : vector<1x16xf32> to vector<16xf32>
    %swap3A_1871 = vector.shape_cast %add3A_1865 : vector<16xf32> to vector<1x16xf32>
    tpu.vector_store %arg5[%swap3A_1867, %swap3A_1868], %swap3A_1871 {strides = array<i32>} : memref<4x128xf32, #tpu.memory_space<vmem>>, vector<1x16xf32>,
    %get3A_1872 = arith.constant 3 : i32
    %get3A_1873 = arith.index_cast %get3A_1872 : i32 to index
    %get3A_1874 = arith.constant 16 : index
    %get3A_1875 = tpu.vector_load %arg5[%get3A_1873, %get3A_1874] {strides = array<i32>} : memref<4x128xf32, #tpu.memory_space<vmem>>, vector<1x16xf32>,
    %get3A_1876 = vector.shape_cast %get3A_1875 : vector<1x16xf32> to vector<16xf32>
    %add3A_1877 = arith.addf %get3A_1876, %scan3A_1858#1 : vector<16xf32>
    %swap3A_1878 = arith.constant 3 : i32
    %swap3A_1879 = arith.index_cast %swap3A_1878 : i32 to index
    %swap3A_1880 = arith.constant 16 : index
    %swap3A_1881 = tpu.vector_load %arg5[%swap3A_1879, %swap3A_1880] {strides = array<i32>} : memref<4x128xf32, #tpu.memory_space<vmem>>, vector<1x16xf32>,
    %swap3A_1882 = vector.shape_cast %swap3A_1881 : vector<1x16xf32> to vector<16xf32>
    %swap3A_1883 = vector.shape_cast %add3A_1877 : vector<16xf32> to vector<1x16xf32>
    tpu.vector_store %arg5[%swap3A_1879, %swap3A_1880], %swap3A_1883 {strides = array<i32>} : memref<4x128xf32, #tpu.memory_space<vmem>>, vector<1x16xf32>,
    %get3A_1884 = arith.constant 3 : i32
    %get3A_1885 = arith.index_cast %get3A_1884 : i32 to index
    %get3A_1886 = arith.constant 32 : index
    %get3A_1887 = tpu.vector_load %arg5[%get3A_1885, %get3A_1886] {strides = array<i32>} : memref<4x128xf32, #tpu.memory_space<vmem>>, vector<1x16xf32>,
    %get3A_1888 = vector.shape_cast %get3A_1887 : vector<1x16xf32> to vector<16xf32>
    %add3A_1889 = arith.addf %get3A_1888, %scan3A_1858#2 : vector<16xf32>
    %swap3A_1890 = arith.constant 3 : i32
    %swap3A_1891 = arith.index_cast %swap3A_1890 : i32 to index
    %swap3A_1892 = arith.constant 32 : index
    %swap3A_1893 = tpu.vector_load %arg5[%swap3A_1891, %swap3A_1892] {strides = array<i32>} : memref<4x128xf32, #tpu.memory_space<vmem>>, vector<1x16xf32>,
    %swap3A_1894 = vector.shape_cast %swap3A_1893 : vector<1x16xf32> to vector<16xf32>
    %swap3A_1895 = vector.shape_cast %add3A_1889 : vector<16xf32> to vector<1x16xf32>
    tpu.vector_store %arg5[%swap3A_1891, %swap3A_1892], %swap3A_1895 {strides = array<i32>} : memref<4x128xf32, #tpu.memory_space<vmem>>, vector<1x16xf32>,
    %get3A_1896 = arith.constant 3 : i32
    %get3A_1897 = arith.index_cast %get3A_1896 : i32 to index
    %get3A_1898 = arith.constant 48 : index
    %get3A_1899 = tpu.vector_load %arg5[%get3A_1897, %get3A_1898] {strides = array<i32>} : memref<4x128xf32, #tpu.memory_space<vmem>>, vector<1x16xf32>,
    %get3A_1900 = vector.shape_cast %get3A_1899 : vector<1x16xf32> to vector<16xf32>
    %add3A_1901 = arith.addf %get3A_1900, %scan3A_1858#3 : vector<16xf32>
    %swap3A_1902 = arith.constant 3 : i32
    %swap3A_1903 = arith.index_cast %swap3A_1902 : i32 to index
    %swap3A_1904 = arith.constant 48 : index
    %swap3A_1905 = tpu.vector_load %arg5[%swap3A_1903, %swap3A_1904] {strides = array<i32>} : memref<4x128xf32, #tpu.memory_space<vmem>>, vector<1x16xf32>,
    %swap3A_1906 = vector.shape_cast %swap3A_1905 : vector<1x16xf32> to vector<16xf32>
    %swap3A_1907 = vector.shape_cast %add3A_1901 : vector<16xf32> to vector<1x16xf32>
    tpu.vector_store %arg5[%swap3A_1903, %swap3A_1904], %swap3A_1907 {strides = array<i32>} : memref<4x128xf32, #tpu.memory_space<vmem>>, vector<1x16xf32>,
    %get3A_1908 = arith.constant 3 : i32
    %get3A_1909 = arith.index_cast %get3A_1908 : i32 to index
    %get3A_1910 = arith.constant 64 : index
    %get3A_1911 = tpu.vector_load %arg5[%get3A_1909, %get3A_1910] {strides = array<i32>} : memref<4x128xf32, #tpu.memory_space<vmem>>, vector<1x16xf32>,
    %get3A_1912 = vector.shape_cast %get3A_1911 : vector<1x16xf32> to vector<16xf32>
    %add3A_1913 = arith.addf %get3A_1912, %scan3A_1858#4 : vector<16xf32>
    %swap3A_1914 = arith.constant 3 : i32
    %swap3A_1915 = arith.index_cast %swap3A_1914 : i32 to index
    %swap3A_1916 = arith.constant 64 : index
    %swap3A_1917 = tpu.vector_load %arg5[%swap3A_1915, %swap3A_1916] {strides = array<i32>} : memref<4x128xf32, #tpu.memory_space<vmem>>, vector<1x16xf32>,
    %swap3A_1918 = vector.shape_cast %swap3A_1917 : vector<1x16xf32> to vector<16xf32>
    %swap3A_1919 = vector.shape_cast %add3A_1913 : vector<16xf32> to vector<1x16xf32>
    tpu.vector_store %arg5[%swap3A_1915, %swap3A_1916], %swap3A_1919 {strides = array<i32>} : memref<4x128xf32, #tpu.memory_space<vmem>>, vector<1x16xf32>,
    %get3A_1920 = arith.constant 3 : i32
    %get3A_1921 = arith.index_cast %get3A_1920 : i32 to index
    %get3A_1922 = arith.constant 80 : index
    %get3A_1923 = tpu.vector_load %arg5[%get3A_1921, %get3A_1922] {strides = array<i32>} : memref<4x128xf32, #tpu.memory_space<vmem>>, vector<1x16xf32>,
    %get3A_1924 = vector.shape_cast %get3A_1923 : vector<1x16xf32> to vector<16xf32>
    %add3A_1925 = arith.addf %get3A_1924, %scan3A_1858#5 : vector<16xf32>
    %swap3A_1926 = arith.constant 3 : i32
    %swap3A_1927 = arith.index_cast %swap3A_1926 : i32 to index
    %swap3A_1928 = arith.constant 80 : index
    %swap3A_1929 = tpu.vector_load %arg5[%swap3A_1927, %swap3A_1928] {strides = array<i32>} : memref<4x128xf32, #tpu.memory_space<vmem>>, vector<1x16xf32>,
    %swap3A_1930 = vector.shape_cast %swap3A_1929 : vector<1x16xf32> to vector<16xf32>
    %swap3A_1931 = vector.shape_cast %add3A_1925 : vector<16xf32> to vector<1x16xf32>
    tpu.vector_store %arg5[%swap3A_1927, %swap3A_1928], %swap3A_1931 {strides = array<i32>} : memref<4x128xf32, #tpu.memory_space<vmem>>, vector<1x16xf32>,
    %get3A_1932 = arith.constant 3 : i32
    %get3A_1933 = arith.index_cast %get3A_1932 : i32 to index
    %get3A_1934 = arith.constant 96 : index
    %get3A_1935 = tpu.vector_load %arg5[%get3A_1933, %get3A_1934] {strides = array<i32>} : memref<4x128xf32, #tpu.memory_space<vmem>>, vector<1x16xf32>,
    %get3A_1936 = vector.shape_cast %get3A_1935 : vector<1x16xf32> to vector<16xf32>
    %add3A_1937 = arith.addf %get3A_1936, %scan3A_1858#6 : vector<16xf32>
    %swap3A_1938 = arith.constant 3 : i32
    %swap3A_1939 = arith.index_cast %swap3A_1938 : i32 to index
    %swap3A_1940 = arith.constant 96 : index
    %swap3A_1941 = tpu.vector_load %arg5[%swap3A_1939, %swap3A_1940] {strides = array<i32>} : memref<4x128xf32, #tpu.memory_space<vmem>>, vector<1x16xf32>,
    %swap3A_1942 = vector.shape_cast %swap3A_1941 : vector<1x16xf32> to vector<16xf32>
    %swap3A_1943 = vector.shape_cast %add3A_1937 : vector<16xf32> to vector<1x16xf32>
    tpu.vector_store %arg5[%swap3A_1939, %swap3A_1940], %swap3A_1943 {strides = array<i32>} : memref<4x128xf32, #tpu.memory_space<vmem>>, vector<1x16xf32>,
    %get3A_1944 = arith.constant 3 : i32
    %get3A_1945 = arith.index_cast %get3A_1944 : i32 to index
    %get3A_1946 = arith.constant 112 : index
    %get3A_1947 = tpu.vector_load %arg5[%get3A_1945, %get3A_1946] {strides = array<i32>} : memref<4x128xf32, #tpu.memory_space<vmem>>, vector<1x16xf32>,
    %get3A_1948 = vector.shape_cast %get3A_1947 : vector<1x16xf32> to vector<16xf32>
    %add3A_1949 = arith.addf %get3A_1948, %scan3A_1858#7 : vector<16xf32>
    %swap3A_1950 = arith.constant 3 : i32
    %swap3A_1951 = arith.index_cast %swap3A_1950 : i32 to index
    %swap3A_1952 = arith.constant 112 : index
    %swap3A_1953 = tpu.vector_load %arg5[%swap3A_1951, %swap3A_1952] {strides = array<i32>} : memref<4x128xf32, #tpu.memory_space<vmem>>, vector<1x16xf32>,
    %swap3A_1954 = vector.shape_cast %swap3A_1953 : vector<1x16xf32> to vector<16xf32>
    %swap3A_1955 = vector.shape_cast %add3A_1949 : vector<16xf32> to vector<1x16xf32>
    tpu.vector_store %arg5[%swap3A_1951, %swap3A_1952], %swap3A_1955 {strides = array<i32>} : memref<4x128xf32, #tpu.memory_space<vmem>>, vector<1x16xf32>,
    %dma_wait3A_1956 = arith.constant 3 : i32
    %dma_wait3A_1957 = arith.constant 1 : i32
    %dma_wait3A_1958 = arith.constant 1 : i32
    %dma_wait3A_1959 = arith.constant 0 : i32
    %dma_wait3A_1960 = arith.constant 0 : i32
    %dma_wait3A_1961 = tpu.memref_slice %arg4[%dma_wait3A_1957, %dma_wait3A_1959, %dma_wait3A_1960] : memref<2x256x128xf32, #tpu.memory_space<vmem>> -> memref<1x256x128xf32, #tpu.memory_space<vmem>>
    %dma_wait3A_1962 = tpu.memref_squeeze %dma_wait3A_1961 : memref<1x256x128xf32, #tpu.memory_space<vmem>> -> memref<256x128xf32, #tpu.memory_space<vmem>>
    %dma_wait3A_1963 = tpu.memref_slice %arg2[%dma_wait3A_1956, %add3A_1817, %mul3A_32] : memref<4x2048x2048xf32, #tpu.memory_space<hbm>> -> memref<1x256x128xf32, #tpu.memory_space<hbm>>
    %dma_wait3A_1964 = tpu.memref_squeeze %dma_wait3A_1963 : memref<1x256x128xf32, #tpu.memory_space<hbm>> -> memref<256x128xf32, #tpu.memory_space<hbm>>
    %dma_wait3A_1965 = tpu.memref_slice %arg6[%dma_wait3A_1958] : memref<2x!tpu.dma_semaphore, #tpu.memory_space<semaphore_mem>> -> memref<1x!tpu.dma_semaphore, #tpu.memory_space<semaphore_mem>>
    %dma_wait3A_1966 = tpu.memref_squeeze %dma_wait3A_1965 : memref<1x!tpu.dma_semaphore, #tpu.memory_space<semaphore_mem>> -> memref<!tpu.dma_semaphore, #tpu.memory_space<semaphore_mem>>
    %dma_wait3A_1967 = arith.constant 0 : i32
    %dma_wait3A_1968 = arith.constant 0 : i32
    %dma_wait3A_1969 = tpu.memref_slice %arg4[%dma_wait3A_1957, %dma_wait3A_1967, %dma_wait3A_1968] : memref<2x256x128xf32, #tpu.memory_space<vmem>> -> memref<1x256x128xf32, #tpu.memory_space<vmem>>
    %dma_wait3A_1970 = tpu.memref_squeeze %dma_wait3A_1969 : memref<1x256x128xf32, #tpu.memory_space<vmem>> -> memref<256x128xf32, #tpu.memory_space<vmem>>
    %dma_wait3A_1971 = tpu.memref_slice %arg2[%dma_wait3A_1956, %add3A_1817, %mul3A_32] : memref<4x2048x2048xf32, #tpu.memory_space<hbm>> -> memref<1x256x128xf32, #tpu.memory_space<hbm>>
    %dma_wait3A_1972 = tpu.memref_squeeze %dma_wait3A_1971 : memref<1x256x128xf32, #tpu.memory_space<hbm>> -> memref<256x128xf32, #tpu.memory_space<hbm>>
    tpu.wait_dma2 semaphore(%dma_wait3A_1966 : memref<!tpu.dma_semaphore, #tpu.memory_space<semaphore_mem>>) src(%dma_wait3A_1972 : memref<256x128xf32, #tpu.memory_space<hbm>>) dst(%dma_wait3A_1970 : memref<256x128xf32, #tpu.memory_space<vmem>>)
    %broadcast_in_dim3A_1973 = arith.constant 0.000000e+00 : f32
    %broadcast_in_dim3A_1974 = vector.broadcast %broadcast_in_dim3A_1973 : f32 to vector<16xf32>
    %scan3A_1975 = arith.constant 0 : i32
    %scan3A_1976 = arith.constant 256 : i32
    %scan3A_1977 = arith.addi %scan3A_1975, %scan3A_1976 : i32
    %scan3A_1978 = arith.constant 1 : i32
    %scan3A_1979:8 = scf.for %scan3A_2084 = %scan3A_1975 to %scan3A_1977 step %scan3A_1978 iter_args(%scan3A_2085 = %broadcast_in_dim3A_1974, %scan3A_2086 = %broadcast_in_dim3A_1974, %scan3A_2087 = %broadcast_in_dim3A_1974, %scan3A_2088 = %broadcast_in_dim3A_1974, %scan3A_2089 = %broadcast_in_dim3A_1974, %scan3A_2090 = %broadcast_in_dim3A_1974, %scan3A_2091 = %broadcast_in_dim3A_1974, %scan3A_2092 = %broadcast_in_dim3A_1974) -> (vector<16xf32>, vector<16xf32>, vector<16xf32>, vector<16xf32>, vector<16xf32>, vector<16xf32>, vector<16xf32>, vector<16xf32>)  : i32 {
      %get3A_2093 = arith.constant 1 : i32
      %get3A_2094 = arith.index_cast %get3A_2093 : i32 to index
      %get3A_2095 = arith.index_cast %scan3A_2084 : i32 to index
      %get3A_2096 = arith.constant 0 : index
      %get3A_2097 = tpu.vector_load %arg4[%get3A_2094, %get3A_2095, %get3A_2096] {strides = array<i32>} : memref<2x256x128xf32, #tpu.memory_space<vmem>>, vector<1x1x16xf32>,
      %get3A_2098 = vector.shape_cast %get3A_2097 : vector<1x1x16xf32> to vector<16xf32>
      %add3A_2099 = arith.addf %scan3A_2085, %get3A_2098 : vector<16xf32>
      %get3A_2100 = arith.constant 1 : i32
      %get3A_2101 = arith.index_cast %get3A_2100 : i32 to index
      %get3A_2102 = arith.index_cast %scan3A_2084 : i32 to index
      %get3A_2103 = arith.constant 16 : index
      %get3A_2104 = tpu.vector_load %arg4[%get3A_2101, %get3A_2102, %get3A_2103] {strides = array<i32>} : memref<2x256x128xf32, #tpu.memory_space<vmem>>, vector<1x1x16xf32>,
      %get3A_2105 = vector.shape_cast %get3A_2104 : vector<1x1x16xf32> to vector<16xf32>
      %add3A_2106 = arith.addf %scan3A_2086, %get3A_2105 : vector<16xf32>
      %get3A_2107 = arith.constant 1 : i32
      %get3A_2108 = arith.index_cast %get3A_2107 : i32 to index
      %get3A_2109 = arith.index_cast %scan3A_2084 : i32 to index
      %get3A_2110 = arith.constant 32 : index
      %get3A_2111 = tpu.vector_load %arg4[%get3A_2108, %get3A_2109, %get3A_2110] {strides = array<i32>} : memref<2x256x128xf32, #tpu.memory_space<vmem>>, vector<1x1x16xf32>,
      %get3A_2112 = vector.shape_cast %get3A_2111 : vector<1x1x16xf32> to vector<16xf32>
      %add3A_2113 = arith.addf %scan3A_2087, %get3A_2112 : vector<16xf32>
      %get3A_2114 = arith.constant 1 : i32
      %get3A_2115 = arith.index_cast %get3A_2114 : i32 to index
      %get3A_2116 = arith.index_cast %scan3A_2084 : i32 to index
      %get3A_2117 = arith.constant 48 : index
      %get3A_2118 = tpu.vector_load %arg4[%get3A_2115, %get3A_2116, %get3A_2117] {strides = array<i32>} : memref<2x256x128xf32, #tpu.memory_space<vmem>>, vector<1x1x16xf32>,
      %get3A_2119 = vector.shape_cast %get3A_2118 : vector<1x1x16xf32> to vector<16xf32>
      %add3A_2120 = arith.addf %scan3A_2088, %get3A_2119 : vector<16xf32>
      %get3A_2121 = arith.constant 1 : i32
      %get3A_2122 = arith.index_cast %get3A_2121 : i32 to index
      %get3A_2123 = arith.index_cast %scan3A_2084 : i32 to index
      %get3A_2124 = arith.constant 64 : index
      %get3A_2125 = tpu.vector_load %arg4[%get3A_2122, %get3A_2123, %get3A_2124] {strides = array<i32>} : memref<2x256x128xf32, #tpu.memory_space<vmem>>, vector<1x1x16xf32>,
      %get3A_2126 = vector.shape_cast %get3A_2125 : vector<1x1x16xf32> to vector<16xf32>
      %add3A_2127 = arith.addf %scan3A_2089, %get3A_2126 : vector<16xf32>
      %get3A_2128 = arith.constant 1 : i32
      %get3A_2129 = arith.index_cast %get3A_2128 : i32 to index
      %get3A_2130 = arith.index_cast %scan3A_2084 : i32 to index
      %get3A_2131 = arith.constant 80 : index
      %get3A_2132 = tpu.vector_load %arg4[%get3A_2129, %get3A_2130, %get3A_2131] {strides = array<i32>} : memref<2x256x128xf32, #tpu.memory_space<vmem>>, vector<1x1x16xf32>,
      %get3A_2133 = vector.shape_cast %get3A_2132 : vector<1x1x16xf32> to vector<16xf32>
      %add3A_2134 = arith.addf %scan3A_2090, %get3A_2133 : vector<16xf32>
      %get3A_2135 = arith.constant 1 : i32
      %get3A_2136 = arith.index_cast %get3A_2135 : i32 to index
      %get3A_2137 = arith.index_cast %scan3A_2084 : i32 to index
      %get3A_2138 = arith.constant 96 : index
      %get3A_2139 = tpu.vector_load %arg4[%get3A_2136, %get3A_2137, %get3A_2138] {strides = array<i32>} : memref<2x256x128xf32, #tpu.memory_space<vmem>>, vector<1x1x16xf32>,
      %get3A_2140 = vector.shape_cast %get3A_2139 : vector<1x1x16xf32> to vector<16xf32>
      %add3A_2141 = arith.addf %scan3A_2091, %get3A_2140 : vector<16xf32>
      %get3A_2142 = arith.constant 1 : i32
      %get3A_2143 = arith.index_cast %get3A_2142 : i32 to index
      %get3A_2144 = arith.index_cast %scan3A_2084 : i32 to index
      %get3A_2145 = arith.constant 112 : index
      %get3A_2146 = tpu.vector_load %arg4[%get3A_2143, %get3A_2144, %get3A_2145] {strides = array<i32>} : memref<2x256x128xf32, #tpu.memory_space<vmem>>, vector<1x1x16xf32>,
      %get3A_2147 = vector.shape_cast %get3A_2146 : vector<1x1x16xf32> to vector<16xf32>
      %add3A_2148 = arith.addf %scan3A_2092, %get3A_2147 : vector<16xf32>
      scf.yield %add3A_2099, %add3A_2106, %add3A_2113, %add3A_2120, %add3A_2127, %add3A_2134, %add3A_2141, %add3A_2148 : vector<16xf32>, vector<16xf32>, vector<16xf32>, vector<16xf32>, vector<16xf32>, vector<16xf32>, vector<16xf32>, vector<16xf32>
    }
    %scan3A_1980 = arith.constant 256 : i32
    %get3A_1981 = arith.constant 3 : i32
    %get3A_1982 = arith.index_cast %get3A_1981 : i32 to index
    %get3A_1983 = arith.constant 0 : index
    %get3A_1984 = tpu.vector_load %arg5[%get3A_1982, %get3A_1983] {strides = array<i32>} : memref<4x128xf32, #tpu.memory_space<vmem>>, vector<1x16xf32>,
    %get3A_1985 = vector.shape_cast %get3A_1984 : vector<1x16xf32> to vector<16xf32>
    %add3A_1986 = arith.addf %get3A_1985, %scan3A_1979#0 : vector<16xf32>
    %swap3A_1987 = arith.constant 3 : i32
    %swap3A_1988 = arith.index_cast %swap3A_1987 : i32 to index
    %swap3A_1989 = arith.constant 0 : index
    %swap3A_1990 = tpu.vector_load %arg5[%swap3A_1988, %swap3A_1989] {strides = array<i32>} : memref<4x128xf32, #tpu.memory_space<vmem>>, vector<1x16xf32>,
    %swap3A_1991 = vector.shape_cast %swap3A_1990 : vector<1x16xf32> to vector<16xf32>
    %swap3A_1992 = vector.shape_cast %add3A_1986 : vector<16xf32> to vector<1x16xf32>
    tpu.vector_store %arg5[%swap3A_1988, %swap3A_1989], %swap3A_1992 {strides = array<i32>} : memref<4x128xf32, #tpu.memory_space<vmem>>, vector<1x16xf32>,
    %get3A_1993 = arith.constant 3 : i32
    %get3A_1994 = arith.index_cast %get3A_1993 : i32 to index
    %get3A_1995 = arith.constant 16 : index
    %get3A_1996 = tpu.vector_load %arg5[%get3A_1994, %get3A_1995] {strides = array<i32>} : memref<4x128xf32, #tpu.memory_space<vmem>>, vector<1x16xf32>,
    %get3A_1997 = vector.shape_cast %get3A_1996 : vector<1x16xf32> to vector<16xf32>
    %add3A_1998 = arith.addf %get3A_1997, %scan3A_1979#1 : vector<16xf32>
    %swap3A_1999 = arith.constant 3 : i32
    %swap3A_2000 = arith.index_cast %swap3A_1999 : i32 to index
    %swap3A_2001 = arith.constant 16 : index
    %swap3A_2002 = tpu.vector_load %arg5[%swap3A_2000, %swap3A_2001] {strides = array<i32>} : memref<4x128xf32, #tpu.memory_space<vmem>>, vector<1x16xf32>,
    %swap3A_2003 = vector.shape_cast %swap3A_2002 : vector<1x16xf32> to vector<16xf32>
    %swap3A_2004 = vector.shape_cast %add3A_1998 : vector<16xf32> to vector<1x16xf32>
    tpu.vector_store %arg5[%swap3A_2000, %swap3A_2001], %swap3A_2004 {strides = array<i32>} : memref<4x128xf32, #tpu.memory_space<vmem>>, vector<1x16xf32>,
    %get3A_2005 = arith.constant 3 : i32
    %get3A_2006 = arith.index_cast %get3A_2005 : i32 to index
    %get3A_2007 = arith.constant 32 : index
    %get3A_2008 = tpu.vector_load %arg5[%get3A_2006, %get3A_2007] {strides = array<i32>} : memref<4x128xf32, #tpu.memory_space<vmem>>, vector<1x16xf32>,
    %get3A_2009 = vector.shape_cast %get3A_2008 : vector<1x16xf32> to vector<16xf32>
    %add3A_2010 = arith.addf %get3A_2009, %scan3A_1979#2 : vector<16xf32>
    %swap3A_2011 = arith.constant 3 : i32
    %swap3A_2012 = arith.index_cast %swap3A_2011 : i32 to index
    %swap3A_2013 = arith.constant 32 : index
    %swap3A_2014 = tpu.vector_load %arg5[%swap3A_2012, %swap3A_2013] {strides = array<i32>} : memref<4x128xf32, #tpu.memory_space<vmem>>, vector<1x16xf32>,
    %swap3A_2015 = vector.shape_cast %swap3A_2014 : vector<1x16xf32> to vector<16xf32>
    %swap3A_2016 = vector.shape_cast %add3A_2010 : vector<16xf32> to vector<1x16xf32>
    tpu.vector_store %arg5[%swap3A_2012, %swap3A_2013], %swap3A_2016 {strides = array<i32>} : memref<4x128xf32, #tpu.memory_space<vmem>>, vector<1x16xf32>,
    %get3A_2017 = arith.constant 3 : i32
    %get3A_2018 = arith.index_cast %get3A_2017 : i32 to index
    %get3A_2019 = arith.constant 48 : index
    %get3A_2020 = tpu.vector_load %arg5[%get3A_2018, %get3A_2019] {strides = array<i32>} : memref<4x128xf32, #tpu.memory_space<vmem>>, vector<1x16xf32>,
    %get3A_2021 = vector.shape_cast %get3A_2020 : vector<1x16xf32> to vector<16xf32>
    %add3A_2022 = arith.addf %get3A_2021, %scan3A_1979#3 : vector<16xf32>
    %swap3A_2023 = arith.constant 3 : i32
    %swap3A_2024 = arith.index_cast %swap3A_2023 : i32 to index
    %swap3A_2025 = arith.constant 48 : index
    %swap3A_2026 = tpu.vector_load %arg5[%swap3A_2024, %swap3A_2025] {strides = array<i32>} : memref<4x128xf32, #tpu.memory_space<vmem>>, vector<1x16xf32>,
    %swap3A_2027 = vector.shape_cast %swap3A_2026 : vector<1x16xf32> to vector<16xf32>
    %swap3A_2028 = vector.shape_cast %add3A_2022 : vector<16xf32> to vector<1x16xf32>
    tpu.vector_store %arg5[%swap3A_2024, %swap3A_2025], %swap3A_2028 {strides = array<i32>} : memref<4x128xf32, #tpu.memory_space<vmem>>, vector<1x16xf32>,
    %get3A_2029 = arith.constant 3 : i32
    %get3A_2030 = arith.index_cast %get3A_2029 : i32 to index
    %get3A_2031 = arith.constant 64 : index
    %get3A_2032 = tpu.vector_load %arg5[%get3A_2030, %get3A_2031] {strides = array<i32>} : memref<4x128xf32, #tpu.memory_space<vmem>>, vector<1x16xf32>,
    %get3A_2033 = vector.shape_cast %get3A_2032 : vector<1x16xf32> to vector<16xf32>
    %add3A_2034 = arith.addf %get3A_2033, %scan3A_1979#4 : vector<16xf32>
    %swap3A_2035 = arith.constant 3 : i32
    %swap3A_2036 = arith.index_cast %swap3A_2035 : i32 to index
    %swap3A_2037 = arith.constant 64 : index
    %swap3A_2038 = tpu.vector_load %arg5[%swap3A_2036, %swap3A_2037] {strides = array<i32>} : memref<4x128xf32, #tpu.memory_space<vmem>>, vector<1x16xf32>,
    %swap3A_2039 = vector.shape_cast %swap3A_2038 : vector<1x16xf32> to vector<16xf32>
    %swap3A_2040 = vector.shape_cast %add3A_2034 : vector<16xf32> to vector<1x16xf32>
    tpu.vector_store %arg5[%swap3A_2036, %swap3A_2037], %swap3A_2040 {strides = array<i32>} : memref<4x128xf32, #tpu.memory_space<vmem>>, vector<1x16xf32>,
    %get3A_2041 = arith.constant 3 : i32
    %get3A_2042 = arith.index_cast %get3A_2041 : i32 to index
    %get3A_2043 = arith.constant 80 : index
    %get3A_2044 = tpu.vector_load %arg5[%get3A_2042, %get3A_2043] {strides = array<i32>} : memref<4x128xf32, #tpu.memory_space<vmem>>, vector<1x16xf32>,
    %get3A_2045 = vector.shape_cast %get3A_2044 : vector<1x16xf32> to vector<16xf32>
    %add3A_2046 = arith.addf %get3A_2045, %scan3A_1979#5 : vector<16xf32>
    %swap3A_2047 = arith.constant 3 : i32
    %swap3A_2048 = arith.index_cast %swap3A_2047 : i32 to index
    %swap3A_2049 = arith.constant 80 : index
    %swap3A_2050 = tpu.vector_load %arg5[%swap3A_2048, %swap3A_2049] {strides = array<i32>} : memref<4x128xf32, #tpu.memory_space<vmem>>, vector<1x16xf32>,
    %swap3A_2051 = vector.shape_cast %swap3A_2050 : vector<1x16xf32> to vector<16xf32>
    %swap3A_2052 = vector.shape_cast %add3A_2046 : vector<16xf32> to vector<1x16xf32>
    tpu.vector_store %arg5[%swap3A_2048, %swap3A_2049], %swap3A_2052 {strides = array<i32>} : memref<4x128xf32, #tpu.memory_space<vmem>>, vector<1x16xf32>,
    %get3A_2053 = arith.constant 3 : i32
    %get3A_2054 = arith.index_cast %get3A_2053 : i32 to index
    %get3A_2055 = arith.constant 96 : index
    %get3A_2056 = tpu.vector_load %arg5[%get3A_2054, %get3A_2055] {strides = array<i32>} : memref<4x128xf32, #tpu.memory_space<vmem>>, vector<1x16xf32>,
    %get3A_2057 = vector.shape_cast %get3A_2056 : vector<1x16xf32> to vector<16xf32>
    %add3A_2058 = arith.addf %get3A_2057, %scan3A_1979#6 : vector<16xf32>
    %swap3A_2059 = arith.constant 3 : i32
    %swap3A_2060 = arith.index_cast %swap3A_2059 : i32 to index
    %swap3A_2061 = arith.constant 96 : index
    %swap3A_2062 = tpu.vector_load %arg5[%swap3A_2060, %swap3A_2061] {strides = array<i32>} : memref<4x128xf32, #tpu.memory_space<vmem>>, vector<1x16xf32>,
    %swap3A_2063 = vector.shape_cast %swap3A_2062 : vector<1x16xf32> to vector<16xf32>
    %swap3A_2064 = vector.shape_cast %add3A_2058 : vector<16xf32> to vector<1x16xf32>
    tpu.vector_store %arg5[%swap3A_2060, %swap3A_2061], %swap3A_2064 {strides = array<i32>} : memref<4x128xf32, #tpu.memory_space<vmem>>, vector<1x16xf32>,
    %get3A_2065 = arith.constant 3 : i32
    %get3A_2066 = arith.index_cast %get3A_2065 : i32 to index
    %get3A_2067 = arith.constant 112 : index
    %get3A_2068 = tpu.vector_load %arg5[%get3A_2066, %get3A_2067] {strides = array<i32>} : memref<4x128xf32, #tpu.memory_space<vmem>>, vector<1x16xf32>,
    %get3A_2069 = vector.shape_cast %get3A_2068 : vector<1x16xf32> to vector<16xf32>
    %add3A_2070 = arith.addf %get3A_2069, %scan3A_1979#7 : vector<16xf32>
    %swap3A_2071 = arith.constant 3 : i32
    %swap3A_2072 = arith.index_cast %swap3A_2071 : i32 to index
    %swap3A_2073 = arith.constant 112 : index
    %swap3A_2074 = tpu.vector_load %arg5[%swap3A_2072, %swap3A_2073] {strides = array<i32>} : memref<4x128xf32, #tpu.memory_space<vmem>>, vector<1x16xf32>,
    %swap3A_2075 = vector.shape_cast %swap3A_2074 : vector<1x16xf32> to vector<16xf32>
    %swap3A_2076 = vector.shape_cast %add3A_2070 : vector<16xf32> to vector<1x16xf32>
    tpu.vector_store %arg5[%swap3A_2072, %swap3A_2073], %swap3A_2076 {strides = array<i32>} : memref<4x128xf32, #tpu.memory_space<vmem>>, vector<1x16xf32>,
    %run_scoped3A = arith.constant 0 : i32
    %run_scoped3A_2077 = arith.constant 0 : i32
    "tpu.region"() ({
      %run_scoped3A_2084 = tpu.sem_alloc : memref<!tpu.dma_semaphore, #tpu.memory_space<semaphore_mem>>
      %dma_start3A_2085 = arith.constant 0 : i32
      %dma_start3A_2086 = tpu.memref_slice %arg5[%run_scoped3A, %dma_start3A_2085] : memref<4x128xf32, #tpu.memory_space<vmem>> -> memref<1x128xf32, #tpu.memory_space<vmem>>
      %dma_start3A_2087 = tpu.memref_squeeze %dma_start3A_2086 : memref<1x128xf32, #tpu.memory_space<vmem>> -> memref<128xf32, #tpu.memory_space<vmem>>
      %dma_start3A_2088 = tpu.memref_slice %arg3[%select_n3A_30, %run_scoped3A_2077, %mul3A_32] : memref<2x4x2048xf32, #tpu.memory_space<hbm>> -> memref<1x1x128xf32, #tpu.memory_space<hbm>>
      %dma_start3A_2089 = tpu.memref_squeeze %dma_start3A_2088 : memref<1x1x128xf32, #tpu.memory_space<hbm>> -> memref<128xf32, #tpu.memory_space<hbm>>
      %dma_start3A_2090 = tpu.memref_slice %arg3[%select_n3A_30, %run_scoped3A_2077, %mul3A_32] : memref<2x4x2048xf32, #tpu.memory_space<hbm>> -> memref<1x1x128xf32, #tpu.memory_space<hbm>>
      %dma_start3A_2091 = tpu.memref_squeeze %dma_start3A_2090 : memref<1x1x128xf32, #tpu.memory_space<hbm>> -> memref<128xf32, #tpu.memory_space<hbm>>
      %dma_start3A_2092 = arith.constant 0 : i32
      %dma_start3A_2093 = tpu.memref_slice %arg5[%run_scoped3A, %dma_start3A_2092] : memref<4x128xf32, #tpu.memory_space<vmem>> -> memref<1x128xf32, #tpu.memory_space<vmem>>
      %dma_start3A_2094 = tpu.memref_squeeze %dma_start3A_2093 : memref<1x128xf32, #tpu.memory_space<vmem>> -> memref<128xf32, #tpu.memory_space<vmem>>
      tpu.enqueue_dma source(%dma_start3A_2094 : memref<128xf32, #tpu.memory_space<vmem>>) target(%dma_start3A_2091 : memref<128xf32, #tpu.memory_space<hbm>>) target_semaphore(%run_scoped3A_2084 : memref<!tpu.dma_semaphore, #tpu.memory_space<semaphore_mem>>)
      %dma_wait3A_2095 = arith.constant 0 : i32
      %dma_wait3A_2096 = tpu.memref_slice %arg5[%run_scoped3A, %dma_wait3A_2095] : memref<4x128xf32, #tpu.memory_space<vmem>> -> memref<1x128xf32, #tpu.memory_space<vmem>>
      %dma_wait3A_2097 = tpu.memref_squeeze %dma_wait3A_2096 : memref<1x128xf32, #tpu.memory_space<vmem>> -> memref<128xf32, #tpu.memory_space<vmem>>
      %dma_wait3A_2098 = tpu.memref_slice %arg3[%select_n3A_30, %run_scoped3A_2077, %mul3A_32] : memref<2x4x2048xf32, #tpu.memory_space<hbm>> -> memref<1x1x128xf32, #tpu.memory_space<hbm>>
      %dma_wait3A_2099 = tpu.memref_squeeze %dma_wait3A_2098 : memref<1x1x128xf32, #tpu.memory_space<hbm>> -> memref<128xf32, #tpu.memory_space<hbm>>
      %dma_wait3A_2100 = tpu.memref_slice %arg3[%select_n3A_30, %run_scoped3A_2077, %mul3A_32] : memref<2x4x2048xf32, #tpu.memory_space<hbm>> -> memref<1x1x128xf32, #tpu.memory_space<hbm>>
      %dma_wait3A_2101 = tpu.memref_squeeze %dma_wait3A_2100 : memref<1x1x128xf32, #tpu.memory_space<hbm>> -> memref<128xf32, #tpu.memory_space<hbm>>
      %dma_wait3A_2102 = arith.constant 0 : i32
      %dma_wait3A_2103 = tpu.memref_slice %arg5[%run_scoped3A, %dma_wait3A_2102] : memref<4x128xf32, #tpu.memory_space<vmem>> -> memref<1x128xf32, #tpu.memory_space<vmem>>
      %dma_wait3A_2104 = tpu.memref_squeeze %dma_wait3A_2103 : memref<1x128xf32, #tpu.memory_space<vmem>> -> memref<128xf32, #tpu.memory_space<vmem>>
      tpu.wait_dma2 semaphore(%run_scoped3A_2084 : memref<!tpu.dma_semaphore, #tpu.memory_space<semaphore_mem>>) src(%dma_wait3A_2104 : memref<128xf32, #tpu.memory_space<vmem>>) dst(%dma_wait3A_2101 : memref<128xf32, #tpu.memory_space<hbm>>)
      tpu.yield
    }) : () -> ()
    %run_scoped3A_2078 = arith.constant 1 : i32
    %run_scoped3A_2079 = arith.constant 1 : i32
    "tpu.region"() ({
      %run_scoped3A_2084 = tpu.sem_alloc : memref<!tpu.dma_semaphore, #tpu.memory_space<semaphore_mem>>
      %dma_start3A_2085 = arith.constant 0 : i32
      %dma_start3A_2086 = tpu.memref_slice %arg5[%run_scoped3A_2078, %dma_start3A_2085] : memref<4x128xf32, #tpu.memory_space<vmem>> -> memref<1x128xf32, #tpu.memory_space<vmem>>
      %dma_start3A_2087 = tpu.memref_squeeze %dma_start3A_2086 : memref<1x128xf32, #tpu.memory_space<vmem>> -> memref<128xf32, #tpu.memory_space<vmem>>
      %dma_start3A_2088 = tpu.memref_slice %arg3[%select_n3A_30, %run_scoped3A_2079, %mul3A_32] : memref<2x4x2048xf32, #tpu.memory_space<hbm>> -> memref<1x1x128xf32, #tpu.memory_space<hbm>>
      %dma_start3A_2089 = tpu.memref_squeeze %dma_start3A_2088 : memref<1x1x128xf32, #tpu.memory_space<hbm>> -> memref<128xf32, #tpu.memory_space<hbm>>
      %dma_start3A_2090 = tpu.memref_slice %arg3[%select_n3A_30, %run_scoped3A_2079, %mul3A_32] : memref<2x4x2048xf32, #tpu.memory_space<hbm>> -> memref<1x1x128xf32, #tpu.memory_space<hbm>>
      %dma_start3A_2091 = tpu.memref_squeeze %dma_start3A_2090 : memref<1x1x128xf32, #tpu.memory_space<hbm>> -> memref<128xf32, #tpu.memory_space<hbm>>
      %dma_start3A_2092 = arith.constant 0 : i32
      %dma_start3A_2093 = tpu.memref_slice %arg5[%run_scoped3A_2078, %dma_start3A_2092] : memref<4x128xf32, #tpu.memory_space<vmem>> -> memref<1x128xf32, #tpu.memory_space<vmem>>
      %dma_start3A_2094 = tpu.memref_squeeze %dma_start3A_2093 : memref<1x128xf32, #tpu.memory_space<vmem>> -> memref<128xf32, #tpu.memory_space<vmem>>
      tpu.enqueue_dma source(%dma_start3A_2094 : memref<128xf32, #tpu.memory_space<vmem>>) target(%dma_start3A_2091 : memref<128xf32, #tpu.memory_space<hbm>>) target_semaphore(%run_scoped3A_2084 : memref<!tpu.dma_semaphore, #tpu.memory_space<semaphore_mem>>)
      %dma_wait3A_2095 = arith.constant 0 : i32
      %dma_wait3A_2096 = tpu.memref_slice %arg5[%run_scoped3A_2078, %dma_wait3A_2095] : memref<4x128xf32, #tpu.memory_space<vmem>> -> memref<1x128xf32, #tpu.memory_space<vmem>>
      %dma_wait3A_2097 = tpu.memref_squeeze %dma_wait3A_2096 : memref<1x128xf32, #tpu.memory_space<vmem>> -> memref<128xf32, #tpu.memory_space<vmem>>
      %dma_wait3A_2098 = tpu.memref_slice %arg3[%select_n3A_30, %run_scoped3A_2079, %mul3A_32] : memref<2x4x2048xf32, #tpu.memory_space<hbm>> -> memref<1x1x128xf32, #tpu.memory_space<hbm>>
      %dma_wait3A_2099 = tpu.memref_squeeze %dma_wait3A_2098 : memref<1x1x128xf32, #tpu.memory_space<hbm>> -> memref<128xf32, #tpu.memory_space<hbm>>
      %dma_wait3A_2100 = tpu.memref_slice %arg3[%select_n3A_30, %run_scoped3A_2079, %mul3A_32] : memref<2x4x2048xf32, #tpu.memory_space<hbm>> -> memref<1x1x128xf32, #tpu.memory_space<hbm>>
      %dma_wait3A_2101 = tpu.memref_squeeze %dma_wait3A_2100 : memref<1x1x128xf32, #tpu.memory_space<hbm>> -> memref<128xf32, #tpu.memory_space<hbm>>
      %dma_wait3A_2102 = arith.constant 0 : i32
      %dma_wait3A_2103 = tpu.memref_slice %arg5[%run_scoped3A_2078, %dma_wait3A_2102] : memref<4x128xf32, #tpu.memory_space<vmem>> -> memref<1x128xf32, #tpu.memory_space<vmem>>
      %dma_wait3A_2104 = tpu.memref_squeeze %dma_wait3A_2103 : memref<1x128xf32, #tpu.memory_space<vmem>> -> memref<128xf32, #tpu.memory_space<vmem>>
      tpu.wait_dma2 semaphore(%run_scoped3A_2084 : memref<!tpu.dma_semaphore, #tpu.memory_space<semaphore_mem>>) src(%dma_wait3A_2104 : memref<128xf32, #tpu.memory_space<vmem>>) dst(%dma_wait3A_2101 : memref<128xf32, #tpu.memory_space<hbm>>)
      tpu.yield
    }) : () -> ()
    %run_scoped3A_2080 = arith.constant 2 : i32
    %run_scoped3A_2081 = arith.constant 2 : i32
    "tpu.region"() ({
      %run_scoped3A_2084 = tpu.sem_alloc : memref<!tpu.dma_semaphore, #tpu.memory_space<semaphore_mem>>
      %dma_start3A_2085 = arith.constant 0 : i32
      %dma_start3A_2086 = tpu.memref_slice %arg5[%run_scoped3A_2080, %dma_start3A_2085] : memref<4x128xf32, #tpu.memory_space<vmem>> -> memref<1x128xf32, #tpu.memory_space<vmem>>
      %dma_start3A_2087 = tpu.memref_squeeze %dma_start3A_2086 : memref<1x128xf32, #tpu.memory_space<vmem>> -> memref<128xf32, #tpu.memory_space<vmem>>
      %dma_start3A_2088 = tpu.memref_slice %arg3[%select_n3A_30, %run_scoped3A_2081, %mul3A_32] : memref<2x4x2048xf32, #tpu.memory_space<hbm>> -> memref<1x1x128xf32, #tpu.memory_space<hbm>>
      %dma_start3A_2089 = tpu.memref_squeeze %dma_start3A_2088 : memref<1x1x128xf32, #tpu.memory_space<hbm>> -> memref<128xf32, #tpu.memory_space<hbm>>
      %dma_start3A_2090 = tpu.memref_slice %arg3[%select_n3A_30, %run_scoped3A_2081, %mul3A_32] : memref<2x4x2048xf32, #tpu.memory_space<hbm>> -> memref<1x1x128xf32, #tpu.memory_space<hbm>>
      %dma_start3A_2091 = tpu.memref_squeeze %dma_start3A_2090 : memref<1x1x128xf32, #tpu.memory_space<hbm>> -> memref<128xf32, #tpu.memory_space<hbm>>
      %dma_start3A_2092 = arith.constant 0 : i32
      %dma_start3A_2093 = tpu.memref_slice %arg5[%run_scoped3A_2080, %dma_start3A_2092] : memref<4x128xf32, #tpu.memory_space<vmem>> -> memref<1x128xf32, #tpu.memory_space<vmem>>
      %dma_start3A_2094 = tpu.memref_squeeze %dma_start3A_2093 : memref<1x128xf32, #tpu.memory_space<vmem>> -> memref<128xf32, #tpu.memory_space<vmem>>
      tpu.enqueue_dma source(%dma_start3A_2094 : memref<128xf32, #tpu.memory_space<vmem>>) target(%dma_start3A_2091 : memref<128xf32, #tpu.memory_space<hbm>>) target_semaphore(%run_scoped3A_2084 : memref<!tpu.dma_semaphore, #tpu.memory_space<semaphore_mem>>)
      %dma_wait3A_2095 = arith.constant 0 : i32
      %dma_wait3A_2096 = tpu.memref_slice %arg5[%run_scoped3A_2080, %dma_wait3A_2095] : memref<4x128xf32, #tpu.memory_space<vmem>> -> memref<1x128xf32, #tpu.memory_space<vmem>>
      %dma_wait3A_2097 = tpu.memref_squeeze %dma_wait3A_2096 : memref<1x128xf32, #tpu.memory_space<vmem>> -> memref<128xf32, #tpu.memory_space<vmem>>
      %dma_wait3A_2098 = tpu.memref_slice %arg3[%select_n3A_30, %run_scoped3A_2081, %mul3A_32] : memref<2x4x2048xf32, #tpu.memory_space<hbm>> -> memref<1x1x128xf32, #tpu.memory_space<hbm>>
      %dma_wait3A_2099 = tpu.memref_squeeze %dma_wait3A_2098 : memref<1x1x128xf32, #tpu.memory_space<hbm>> -> memref<128xf32, #tpu.memory_space<hbm>>
      %dma_wait3A_2100 = tpu.memref_slice %arg3[%select_n3A_30, %run_scoped3A_2081, %mul3A_32] : memref<2x4x2048xf32, #tpu.memory_space<hbm>> -> memref<1x1x128xf32, #tpu.memory_space<hbm>>
      %dma_wait3A_2101 = tpu.memref_squeeze %dma_wait3A_2100 : memref<1x1x128xf32, #tpu.memory_space<hbm>> -> memref<128xf32, #tpu.memory_space<hbm>>
      %dma_wait3A_2102 = arith.constant 0 : i32
      %dma_wait3A_2103 = tpu.memref_slice %arg5[%run_scoped3A_2080, %dma_wait3A_2102] : memref<4x128xf32, #tpu.memory_space<vmem>> -> memref<1x128xf32, #tpu.memory_space<vmem>>
      %dma_wait3A_2104 = tpu.memref_squeeze %dma_wait3A_2103 : memref<1x128xf32, #tpu.memory_space<vmem>> -> memref<128xf32, #tpu.memory_space<vmem>>
      tpu.wait_dma2 semaphore(%run_scoped3A_2084 : memref<!tpu.dma_semaphore, #tpu.memory_space<semaphore_mem>>) src(%dma_wait3A_2104 : memref<128xf32, #tpu.memory_space<vmem>>) dst(%dma_wait3A_2101 : memref<128xf32, #tpu.memory_space<hbm>>)
      tpu.yield
    }) : () -> ()
    %run_scoped3A_2082 = arith.constant 3 : i32
    %run_scoped3A_2083 = arith.constant 3 : i32
    "tpu.region"() ({
      %run_scoped3A_2084 = tpu.sem_alloc : memref<!tpu.dma_semaphore, #tpu.memory_space<semaphore_mem>>
      %dma_start3A_2085 = arith.constant 0 : i32
      %dma_start3A_2086 = tpu.memref_slice %arg5[%run_scoped3A_2082, %dma_start3A_2085] : memref<4x128xf32, #tpu.memory_space<vmem>> -> memref<1x128xf32, #tpu.memory_space<vmem>>
      %dma_start3A_2087 = tpu.memref_squeeze %dma_start3A_2086 : memref<1x128xf32, #tpu.memory_space<vmem>> -> memref<128xf32, #tpu.memory_space<vmem>>
      %dma_start3A_2088 = tpu.memref_slice %arg3[%select_n3A_30, %run_scoped3A_2083, %mul3A_32] : memref<2x4x2048xf32, #tpu.memory_space<hbm>> -> memref<1x1x128xf32, #tpu.memory_space<hbm>>
      %dma_start3A_2089 = tpu.memref_squeeze %dma_start3A_2088 : memref<1x1x128xf32, #tpu.memory_space<hbm>> -> memref<128xf32, #tpu.memory_space<hbm>>
      %dma_start3A_2090 = tpu.memref_slice %arg3[%select_n3A_30, %run_scoped3A_2083, %mul3A_32] : memref<2x4x2048xf32, #tpu.memory_space<hbm>> -> memref<1x1x128xf32, #tpu.memory_space<hbm>>
      %dma_start3A_2091 = tpu.memref_squeeze %dma_start3A_2090 : memref<1x1x128xf32, #tpu.memory_space<hbm>> -> memref<128xf32, #tpu.memory_space<hbm>>
      %dma_start3A_2092 = arith.constant 0 : i32
      %dma_start3A_2093 = tpu.memref_slice %arg5[%run_scoped3A_2082, %dma_start3A_2092] : memref<4x128xf32, #tpu.memory_space<vmem>> -> memref<1x128xf32, #tpu.memory_space<vmem>>
      %dma_start3A_2094 = tpu.memref_squeeze %dma_start3A_2093 : memref<1x128xf32, #tpu.memory_space<vmem>> -> memref<128xf32, #tpu.memory_space<vmem>>
      tpu.enqueue_dma source(%dma_start3A_2094 : memref<128xf32, #tpu.memory_space<vmem>>) target(%dma_start3A_2091 : memref<128xf32, #tpu.memory_space<hbm>>) target_semaphore(%run_scoped3A_2084 : memref<!tpu.dma_semaphore, #tpu.memory_space<semaphore_mem>>)
      %dma_wait3A_2095 = arith.constant 0 : i32
      %dma_wait3A_2096 = tpu.memref_slice %arg5[%run_scoped3A_2082, %dma_wait3A_2095] : memref<4x128xf32, #tpu.memory_space<vmem>> -> memref<1x128xf32, #tpu.memory_space<vmem>>
      %dma_wait3A_2097 = tpu.memref_squeeze %dma_wait3A_2096 : memref<1x128xf32, #tpu.memory_space<vmem>> -> memref<128xf32, #tpu.memory_space<vmem>>
      %dma_wait3A_2098 = tpu.memref_slice %arg3[%select_n3A_30, %run_scoped3A_2083, %mul3A_32] : memref<2x4x2048xf32, #tpu.memory_space<hbm>> -> memref<1x1x128xf32, #tpu.memory_space<hbm>>
      %dma_wait3A_2099 = tpu.memref_squeeze %dma_wait3A_2098 : memref<1x1x128xf32, #tpu.memory_space<hbm>> -> memref<128xf32, #tpu.memory_space<hbm>>
      %dma_wait3A_2100 = tpu.memref_slice %arg3[%select_n3A_30, %run_scoped3A_2083, %mul3A_32] : memref<2x4x2048xf32, #tpu.memory_space<hbm>> -> memref<1x1x128xf32, #tpu.memory_space<hbm>>
      %dma_wait3A_2101 = tpu.memref_squeeze %dma_wait3A_2100 : memref<1x1x128xf32, #tpu.memory_space<hbm>> -> memref<128xf32, #tpu.memory_space<hbm>>
      %dma_wait3A_2102 = arith.constant 0 : i32
      %dma_wait3A_2103 = tpu.memref_slice %arg5[%run_scoped3A_2082, %dma_wait3A_2102] : memref<4x128xf32, #tpu.memory_space<vmem>> -> memref<1x128xf32, #tpu.memory_space<vmem>>
      %dma_wait3A_2104 = tpu.memref_squeeze %dma_wait3A_2103 : memref<1x128xf32, #tpu.memory_space<vmem>> -> memref<128xf32, #tpu.memory_space<vmem>>
      tpu.wait_dma2 semaphore(%run_scoped3A_2084 : memref<!tpu.dma_semaphore, #tpu.memory_space<semaphore_mem>>) src(%dma_wait3A_2104 : memref<128xf32, #tpu.memory_space<vmem>>) dst(%dma_wait3A_2101 : memref<128xf32, #tpu.memory_space<hbm>>)
      tpu.yield
    }) : () -> ()
    return
  }
}

module attributes {stable_mosaic.version = 14 : i64} {
  func.func @_head_body(%arg0: memref<4x1x2048xf32, #tpu.memory_space<vmem>>, %arg1: memref<2x4x2048xf32, #tpu.memory_space<vmem>>, %arg2: memref<256x2048xf32, #tpu.memory_space<vmem>>, %arg3: memref<256x2048xf32, #tpu.memory_space<vmem>>, %arg4: memref<8192x512xf32, #tpu.memory_space<vmem>>, %arg5: memref<64x513xf32, #tpu.memory_space<vmem>>, %arg6: memref<64xf32, #tpu.memory_space<vmem>>, %arg7: memref<1x64xf32, #tpu.memory_space<vmem>>, %arg8: memref<1xf32, #tpu.memory_space<vmem>>, %arg9: memref<4xf32, #tpu.memory_space<vmem>>, %arg10: memref<4xi32, #tpu.memory_space<vmem>>) attributes {dimension_semantics = [], scalar_prefetch = 0 : i64, scratch_operands = 0 : i64, tpu.core_type = #tpu.core_type<tc>} {
    %get3A = arith.constant 0 : index
    %get3A_0 = arith.constant 0 : index
    %get3A_1 = arith.constant 0 : index
    %get3A_2 = vector.load %arg0[%get3A, %get3A_0, %get3A_1] : memref<4x1x2048xf32, #tpu.memory_space<vmem>>, vector<4x1x2048xf32>
    %reshape3A = vector.shape_cast %get3A_2 : vector<4x1x2048xf32> to vector<4x2048xf32>
    %mul3A = arith.constant 4.8828125E-4 : f32
    %mul3A_3 = vector.broadcast %mul3A : f32 to vector<4x2048xf32>
    %mul3A_4 = arith.mulf %reshape3A, %mul3A_3 : vector<4x2048xf32>
    %get3A_5 = arith.constant 0 : index
    %get3A_6 = arith.constant 0 : index
    %get3A_7 = arith.constant 0 : index
    %get3A_8 = vector.load %arg1[%get3A_5, %get3A_6, %get3A_7] : memref<2x4x2048xf32, #tpu.memory_space<vmem>>, vector<2x4x2048xf32>
    %reduce_sum3A = arith.constant dense<0.000000e+00> : vector<4x2048xf32>
    %reduce_sum3A_9 = vector.multi_reduction <add>, %get3A_8, %reduce_sum3A [0] : vector<2x4x2048xf32> to vector<4x2048xf32>
    %mul3A_10 = arith.constant 4.8828125E-4 : f32
    %mul3A_11 = vector.broadcast %mul3A_10 : f32 to vector<4x2048xf32>
    %mul3A_12 = arith.mulf %reduce_sum3A_9, %mul3A_11 : vector<4x2048xf32>
    %get3A_13 = arith.constant 0 : index
    %get3A_14 = arith.constant 0 : index
    %get3A_15 = vector.load %arg2[%get3A_13, %get3A_14] : memref<256x2048xf32, #tpu.memory_space<vmem>>, vector<256x2048xf32>
    %dot_general3A = arith.constant dense<0.000000e+00> : vector<4x256xf32>
    %dot_general3A_16 = tpu.matmul %mul3A_4, %get3A_15, %dot_general3A {dimension_numbers = #tpu.dot_dimension_numbers<[1], [1], [0], [0], [0, 0, 1, 0], [], []>, precision = #tpu.contract_precision<fp32>, transpose_lhs_hint = false} : vector<4x2048xf32>, vector<256x2048xf32>, vector<4x256xf32> -> vector<4x256xf32>
    %get3A_17 = arith.constant 0 : index
    %get3A_18 = arith.constant 0 : index
    %get3A_19 = vector.load %arg3[%get3A_17, %get3A_18] : memref<256x2048xf32, #tpu.memory_space<vmem>>, vector<256x2048xf32>
    %dot_general3A_20 = arith.constant dense<0.000000e+00> : vector<4x256xf32>
    %dot_general3A_21 = tpu.matmul %mul3A_12, %get3A_19, %dot_general3A_20 {dimension_numbers = #tpu.dot_dimension_numbers<[1], [1], [0], [0], [0, 0, 1, 0], [], []>, precision = #tpu.contract_precision<fp32>, transpose_lhs_hint = false} : vector<4x2048xf32>, vector<256x2048xf32>, vector<4x256xf32> -> vector<4x256xf32>
    %mul3A_22 = arith.mulf %dot_general3A_16, %dot_general3A_16 : vector<4x256xf32>
    %reduce_sum3A_23 = arith.constant dense<0.000000e+00> : vector<4xf32>
    %reduce_sum3A_24 = vector.multi_reduction <add>, %mul3A_22, %reduce_sum3A_23 [1] : vector<4x256xf32> to vector<4xf32>
    %mul3A_25 = arith.mulf %dot_general3A_21, %dot_general3A_21 : vector<4x256xf32>
    %reduce_sum3A_26 = arith.constant dense<0.000000e+00> : vector<4xf32>
    %reduce_sum3A_27 = vector.multi_reduction <add>, %mul3A_25, %reduce_sum3A_26 [1] : vector<4x256xf32> to vector<4xf32>
    %add3A = arith.addf %reduce_sum3A_24, %reduce_sum3A_27 : vector<4xf32>
    %sqrt3A = math.sqrt %add3A : vector<4xf32>
    %get3A_28 = arith.constant 0 : index
    %get3A_29 = arith.constant 0 : index
    %get3A_30 = vector.load %arg4[%get3A_28, %get3A_29] : memref<8192x512xf32, #tpu.memory_space<vmem>>, vector<8192x512xf32>
    %mul3A_31 = arith.mulf %get3A_30, %get3A_30 : vector<8192x512xf32>
    %reduce_sum3A_32 = arith.constant dense<0.000000e+00> : vector<8192xf32>
    %reduce_sum3A_33 = vector.multi_reduction <add>, %mul3A_31, %reduce_sum3A_32 [1] : vector<8192x512xf32> to vector<8192xf32>
    %sqrt3A_34 = math.sqrt %reduce_sum3A_33 : vector<8192xf32>
    %slice3A = vector.extract_strided_slice %get3A_30 {offsets = [0, 0], sizes = [8192, 256], strides = [1, 1]} : vector<8192x512xf32> to vector<8192x256xf32>
    %dot_general3A_35 = arith.constant dense<0.000000e+00> : vector<4x8192xf32>
    %dot_general3A_36 = tpu.matmul %dot_general3A_16, %slice3A, %dot_general3A_35 {dimension_numbers = #tpu.dot_dimension_numbers<[1], [1], [0], [0], [0, 0, 1, 0], [], []>, precision = #tpu.contract_precision<fp32>, transpose_lhs_hint = false} : vector<4x256xf32>, vector<8192x256xf32>, vector<4x8192xf32> -> vector<4x8192xf32>
    %slice3A_37 = vector.extract_strided_slice %get3A_30 {offsets = [0, 256], sizes = [8192, 256], strides = [1, 1]} : vector<8192x512xf32> to vector<8192x256xf32>
    %dot_general3A_38 = arith.constant dense<0.000000e+00> : vector<4x8192xf32>
    %dot_general3A_39 = tpu.matmul %dot_general3A_21, %slice3A_37, %dot_general3A_38 {dimension_numbers = #tpu.dot_dimension_numbers<[1], [1], [0], [0], [0, 0, 1, 0], [], []>, precision = #tpu.contract_precision<fp32>, transpose_lhs_hint = false} : vector<4x256xf32>, vector<8192x256xf32>, vector<4x8192xf32> -> vector<4x8192xf32>
    %add3A_40 = arith.addf %dot_general3A_36, %dot_general3A_39 : vector<4x8192xf32>
    %broadcast_in_dim3A = vector.shape_cast %sqrt3A : vector<4xf32> to vector<4x1xf32>
    %broadcast_in_dim3A_41 = vector.shape_cast %sqrt3A_34 : vector<8192xf32> to vector<1x8192xf32>
    %mul3A_42 = vector.broadcast %broadcast_in_dim3A : vector<4x1xf32> to vector<4x8192xf32>
    %mul3A_43 = vector.broadcast %broadcast_in_dim3A_41 : vector<1x8192xf32> to vector<4x8192xf32>
    %mul3A_44 = arith.mulf %mul3A_42, %mul3A_43 : vector<4x8192xf32>
    %max3A = arith.constant 9.99999993E-9 : f32
    %max3A_45 = vector.broadcast %max3A : f32 to vector<4x8192xf32>
    %max3A_46 = arith.maximumf %mul3A_44, %max3A_45 : vector<4x8192xf32>
    %div3A = arith.divf %add3A_40, %max3A_46 : vector<4x8192xf32>
    %reduce_max3A = arith.constant dense<0xFF800000> : vector<4xf32>
    %reduce_max3A_47 = vector.multi_reduction <maximumf>, %div3A, %reduce_max3A [1] : vector<4x8192xf32> to vector<4xf32>
    %iota3A = tpu.iota {dimensions = array<i32: 1>} : vector<4x8192xi32>
    %broadcast_in_dim3A_48 = vector.shape_cast %reduce_max3A_47 : vector<4xf32> to vector<4x1xf32>
    %eq3A = vector.broadcast %broadcast_in_dim3A_48 : vector<4x1xf32> to vector<4x8192xf32>
    %eq3A_49 = arith.cmpf oeq, %div3A, %eq3A : vector<4x8192xf32>
    %jit3A = arith.constant 8192 : i32
    %broadcast_in_dim3A_50 = vector.broadcast %jit3A : i32 to vector<4x8192xi32>
    %select_n3A = arith.select %eq3A_49, %iota3A, %broadcast_in_dim3A_50 : vector<4x8192xi1>, vector<4x8192xi32>
    %reduce_min3A = arith.constant dense<2147483647> : vector<4xi32>
    %reduce_min3A_51 = vector.multi_reduction <minsi>, %select_n3A, %reduce_min3A [1] : vector<4x8192xi32> to vector<4xi32>
    %get3A_52 = arith.constant 0 : index
    %get3A_53 = arith.constant 0 : index
    %get3A_54 = vector.load %arg5[%get3A_52, %get3A_53] : memref<64x513xf32, #tpu.memory_space<vmem>>, vector<64x513xf32>
    %slice3A_55 = vector.extract_strided_slice %get3A_54 {offsets = [0, 0], sizes = [64, 256], strides = [1, 1]} : vector<64x513xf32> to vector<64x256xf32>
    %dot_general3A_56 = arith.constant dense<0.000000e+00> : vector<4x64xf32>
    %dot_general3A_57 = tpu.matmul %dot_general3A_16, %slice3A_55, %dot_general3A_56 {dimension_numbers = #tpu.dot_dimension_numbers<[1], [1], [0], [0], [0, 0, 1, 0], [], []>, precision = #tpu.contract_precision<fp32>, transpose_lhs_hint = false} : vector<4x256xf32>, vector<64x256xf32>, vector<4x64xf32> -> vector<4x64xf32>
    %slice3A_58 = vector.extract_strided_slice %get3A_54 {offsets = [0, 256], sizes = [64, 256], strides = [1, 1]} : vector<64x513xf32> to vector<64x256xf32>
    %dot_general3A_59 = arith.constant dense<0.000000e+00> : vector<4x64xf32>
    %dot_general3A_60 = tpu.matmul %dot_general3A_21, %slice3A_58, %dot_general3A_59 {dimension_numbers = #tpu.dot_dimension_numbers<[1], [1], [0], [0], [0, 0, 1, 0], [], []>, precision = #tpu.contract_precision<fp32>, transpose_lhs_hint = false} : vector<4x256xf32>, vector<64x256xf32>, vector<4x64xf32> -> vector<4x64xf32>
    %add3A_61 = arith.addf %dot_general3A_57, %dot_general3A_60 : vector<4x64xf32>
    %broadcast_in_dim3A_62 = vector.shape_cast %reduce_max3A_47 : vector<4xf32> to vector<4x1xf32>
    %slice3A_63 = vector.extract_strided_slice %get3A_54 {offsets = [0, 512], sizes = [64, 1], strides = [1, 1]} : vector<64x513xf32> to vector<64x1xf32>
    %dot_general3A_64 = arith.constant dense<0.000000e+00> : vector<4x64xf32>
    %dot_general3A_65 = tpu.matmul %broadcast_in_dim3A_62, %slice3A_63, %dot_general3A_64 {dimension_numbers = #tpu.dot_dimension_numbers<[1], [1], [0], [0], [0, 0, 1, 0], [], []>, precision = #tpu.contract_precision<fp32>, transpose_lhs_hint = false} : vector<4x1xf32>, vector<64x1xf32>, vector<4x64xf32> -> vector<4x64xf32>
    %add3A_66 = arith.addf %add3A_61, %dot_general3A_65 : vector<4x64xf32>
    %get3A_67 = arith.constant 0 : index
    %get3A_68 = vector.load %arg6[%get3A_67] : memref<64xf32, #tpu.memory_space<vmem>>, vector<64xf32>
    %broadcast_in_dim3A_69 = vector.shape_cast %get3A_68 : vector<64xf32> to vector<1x64xf32>
    %add3A_70 = vector.broadcast %broadcast_in_dim3A_69 : vector<1x64xf32> to vector<4x64xf32>
    %add3A_71 = arith.addf %add3A_66, %add3A_70 : vector<4x64xf32>
    %mul3A_72 = arith.constant 5.000000e-01 : f32
    %mul3A_73 = vector.broadcast %mul3A_72 : f32 to vector<4x64xf32>
    %mul3A_74 = arith.mulf %mul3A_73, %add3A_71 : vector<4x64xf32>
    %mul3A_75 = arith.constant 0.707106769 : f32
    %mul3A_76 = vector.broadcast %mul3A_75 : f32 to vector<4x64xf32>
    %mul3A_77 = arith.mulf %add3A_71, %mul3A_76 : vector<4x64xf32>
    %erf3A = math.erf %mul3A_77 : vector<4x64xf32>
    %add3A_78 = arith.constant 1.000000e+00 : f32
    %add3A_79 = vector.broadcast %add3A_78 : f32 to vector<4x64xf32>
    %add3A_80 = arith.addf %add3A_79, %erf3A : vector<4x64xf32>
    %mul3A_81 = arith.mulf %mul3A_74, %add3A_80 : vector<4x64xf32>
    %get3A_82 = arith.constant 0 : index
    %get3A_83 = arith.constant 0 : index
    %get3A_84 = vector.load %arg7[%get3A_82, %get3A_83] : memref<1x64xf32, #tpu.memory_space<vmem>>, vector<1x64xf32>
    %mul3A_85 = vector.broadcast %get3A_84 : vector<1x64xf32> to vector<4x64xf32>
    %mul3A_86 = arith.mulf %mul3A_81, %mul3A_85 : vector<4x64xf32>
    %reduce_sum3A_87 = arith.constant dense<0.000000e+00> : vector<4xf32>
    %reduce_sum3A_88 = vector.multi_reduction <add>, %mul3A_86, %reduce_sum3A_87 [1] : vector<4x64xf32> to vector<4xf32>
    %get3A_89 = arith.constant 0 : index
    %get3A_90 = vector.load %arg8[%get3A_89] : memref<1xf32, #tpu.memory_space<vmem>>, vector<1xf32>
    %get3A_91 = vector.extract %get3A_90[0] : f32 from vector<1xf32>
    %add3A_92 = vector.broadcast %get3A_91 : f32 to vector<4xf32>
    %add3A_93 = arith.addf %reduce_sum3A_88, %add3A_92 : vector<4xf32>
    %logistic3A = arith.negf %add3A_93 : vector<4xf32>
    %logistic3A_94 = math.exp %logistic3A : vector<4xf32>
    %logistic3A_95 = arith.constant 1.000000e+00 : f32
    %logistic3A_96 = vector.broadcast %logistic3A_95 : f32 to vector<4xf32>
    %logistic3A_97 = arith.addf %logistic3A_96, %logistic3A_94 : vector<4xf32>
    %logistic3A_98 = arith.divf %logistic3A_96, %logistic3A_97 : vector<4xf32>
    %swap3A = arith.constant 0 : index
    %swap3A_99 = vector.load %arg9[%swap3A] : memref<4xf32, #tpu.memory_space<vmem>>, vector<4xf32>
    tpu.vector_store %arg9[%swap3A], %logistic3A_98 {strides = array<i32>} : memref<4xf32, #tpu.memory_space<vmem>>, vector<4xf32>,
    %swap3A_100 = arith.constant 0 : index
    %swap3A_101 = vector.load %arg10[%swap3A_100] : memref<4xi32, #tpu.memory_space<vmem>>, vector<4xi32>
    tpu.vector_store %arg10[%swap3A_100], %reduce_min3A_51 {strides = array<i32>} : memref<4xi32, #tpu.memory_space<vmem>>, vector<4xi32>,
    return
  }
}

module attributes {stable_mosaic.version = 14 : i64} {
  func.func @_tc_reduce_body(%arg0: i32, %arg1: memref<1x512x2048xf32, #tpu.memory_space<vmem>>, %arg2: memref<1x512x2048xf32, #tpu.memory_space<vmem>>, %arg3: memref<1x1x2048xf32, #tpu.memory_space<vmem>>) attributes {dimension_semantics = [#tpu.dimension_semantics<arbitrary>], iteration_bounds = array<i64: 8>, scalar_prefetch = 0 : i64, scratch_operands = 0 : i64, tpu.core_type = #tpu.core_type<tc>, window_params = [{transform_indices = @transform_0, window_bounds = array<i64: 1, 512, 2048>}, {transform_indices = @transform_1, window_bounds = array<i64: 1, 512, 2048>}, {transform_indices = @transform_2, window_bounds = array<i64: 1, 1, 2048>}]} {
    %jit3A = arith.constant 2 : i32
    %eq3A = arith.constant 0 : i32
    %eq3A_0 = arith.cmpi eq, %jit3A, %eq3A : i32
    %jit3A_1 = arith.constant 1 : i32
    %select_n3A = arith.select %eq3A_0, %jit3A_1, %jit3A : i32
    %rem3A = arith.remsi %arg0, %select_n3A : i32
    %ne3A = arith.constant 0 : i32
    %ne3A_2 = arith.cmpi ne, %rem3A, %ne3A : i32
    %lt3A = arith.constant 0 : i32
    %lt3A_3 = arith.cmpi slt, %rem3A, %lt3A : i32
    %lt3A_4 = arith.constant 0 : i32
    %lt3A_5 = arith.cmpi slt, %select_n3A, %lt3A_4 : i32
    %ne3A_6 = arith.xori %lt3A_3, %lt3A_5 : i1
    %and3A = arith.andi %ne3A_6, %ne3A_2 : i1
    %add3A = arith.addi %rem3A, %select_n3A : i32
    %select_n3A_7 = arith.select %and3A, %add3A, %rem3A : i32
    %eq3A_8 = arith.constant 0 : i32
    %eq3A_9 = arith.cmpi eq, %select_n3A_7, %eq3A_8 : i32
    %convert_element_type3A = arith.extui %eq3A_9 : i1 to i32
    %cond3A = arith.constant 0 : i32
    %cond3A_10 = arith.cmpi ne, %convert_element_type3A, %cond3A : i32
    scf.if %cond3A_10 {
      %broadcast_in_dim3A_31 = arith.constant 0.000000e+00 : f32
      %broadcast_in_dim3A_32 = vector.broadcast %broadcast_in_dim3A_31 : f32 to vector<1x1x2048xf32>
      %swap3A_33 = arith.constant 0 : index
      %swap3A_34 = arith.constant 0 : index
      %swap3A_35 = arith.constant 0 : index
      %swap3A_36 = vector.load %arg3[%swap3A_33, %swap3A_34, %swap3A_35] : memref<1x1x2048xf32, #tpu.memory_space<vmem>>, vector<1x1x2048xf32>
      tpu.vector_store %arg3[%swap3A_33, %swap3A_34, %swap3A_35], %broadcast_in_dim3A_32 {strides = array<i32>} : memref<1x1x2048xf32, #tpu.memory_space<vmem>>, vector<1x1x2048xf32>,
    } else {
    }
    %get3A = arith.constant 0 : index
    %get3A_11 = arith.constant 0 : index
    %get3A_12 = arith.constant 0 : index
    %get3A_13 = vector.load %arg3[%get3A, %get3A_11, %get3A_12] : memref<1x1x2048xf32, #tpu.memory_space<vmem>>, vector<1x1x2048xf32>
    %get3A_14 = arith.constant 0 : index
    %get3A_15 = arith.constant 0 : index
    %get3A_16 = arith.constant 0 : index
    %get3A_17 = vector.load %arg1[%get3A_14, %get3A_15, %get3A_16] : memref<1x512x2048xf32, #tpu.memory_space<vmem>>, vector<1x512x2048xf32>
    %reduce_sum3A = arith.constant dense<0.000000e+00> : vector<1x2048xf32>
    %reduce_sum3A_18 = vector.multi_reduction <add>, %get3A_17, %reduce_sum3A [1] : vector<1x512x2048xf32> to vector<1x2048xf32>
    %broadcast_in_dim3A = vector.shape_cast %reduce_sum3A_18 : vector<1x2048xf32> to vector<1x1x2048xf32>
    %get3A_19 = arith.constant 0 : index
    %get3A_20 = arith.constant 0 : index
    %get3A_21 = arith.constant 0 : index
    %get3A_22 = vector.load %arg2[%get3A_19, %get3A_20, %get3A_21] : memref<1x512x2048xf32, #tpu.memory_space<vmem>>, vector<1x512x2048xf32>
    %reduce_sum3A_23 = arith.constant dense<0.000000e+00> : vector<1x2048xf32>
    %reduce_sum3A_24 = vector.multi_reduction <add>, %get3A_22, %reduce_sum3A_23 [1] : vector<1x512x2048xf32> to vector<1x2048xf32>
    %broadcast_in_dim3A_25 = vector.shape_cast %reduce_sum3A_24 : vector<1x2048xf32> to vector<1x1x2048xf32>
    %add3A_26 = arith.addf %broadcast_in_dim3A, %broadcast_in_dim3A_25 : vector<1x1x2048xf32>
    %add3A_27 = arith.addf %get3A_13, %add3A_26 : vector<1x1x2048xf32>
    %swap3A = arith.constant 0 : index
    %swap3A_28 = arith.constant 0 : index
    %swap3A_29 = arith.constant 0 : index
    %swap3A_30 = vector.load %arg3[%swap3A, %swap3A_28, %swap3A_29] : memref<1x1x2048xf32, #tpu.memory_space<vmem>>, vector<1x1x2048xf32>
    tpu.vector_store %arg3[%swap3A, %swap3A_28, %swap3A_29], %add3A_27 {strides = array<i32>} : memref<1x1x2048xf32, #tpu.memory_space<vmem>>, vector<1x1x2048xf32>,
    return
  }
  func.func @transform_0(%arg0: i32) -> (i32, i32, i32) {
    %jit3A = arith.constant 2 : i32
    %div3A = arith.divsi %arg0, %jit3A : i32
    %sign3A = arith.constant 0 : i32
    %sign3A_0 = arith.cmpi sgt, %arg0, %sign3A : i32
    %sign3A_1 = arith.extui %sign3A_0 : i1 to i32
    %sign3A_2 = arith.constant 0 : i32
    %sign3A_3 = arith.cmpi slt, %arg0, %sign3A_2 : i32
    %sign3A_4 = arith.extui %sign3A_3 : i1 to i32
    %sign3A_5 = arith.subi %sign3A_1, %sign3A_4 : i32
    %sign3A_6 = arith.constant 0 : i32
    %sign3A_7 = arith.cmpi sgt, %jit3A, %sign3A_6 : i32
    %sign3A_8 = arith.extui %sign3A_7 : i1 to i32
    %sign3A_9 = arith.constant 0 : i32
    %sign3A_10 = arith.cmpi slt, %jit3A, %sign3A_9 : i32
    %sign3A_11 = arith.extui %sign3A_10 : i1 to i32
    %sign3A_12 = arith.subi %sign3A_8, %sign3A_11 : i32
    %ne3A = arith.cmpi ne, %sign3A_5, %sign3A_12 : i32
    %rem3A = arith.remsi %arg0, %jit3A : i32
    %ne3A_13 = arith.constant 0 : i32
    %ne3A_14 = arith.cmpi ne, %rem3A, %ne3A_13 : i32
    %and3A = arith.andi %ne3A, %ne3A_14 : i1
    %sub3A = arith.constant 1 : i32
    %sub3A_15 = arith.subi %div3A, %sub3A : i32
    %select_n3A = arith.select %and3A, %sub3A_15, %div3A : i32
    %jit3A_16 = arith.constant 2 : i32
    %eq3A = arith.constant 0 : i32
    %eq3A_17 = arith.cmpi eq, %jit3A_16, %eq3A : i32
    %jit3A_18 = arith.constant 1 : i32
    %select_n3A_19 = arith.select %eq3A_17, %jit3A_18, %jit3A_16 : i32
    %rem3A_20 = arith.remsi %arg0, %select_n3A_19 : i32
    %ne3A_21 = arith.constant 0 : i32
    %ne3A_22 = arith.cmpi ne, %rem3A_20, %ne3A_21 : i32
    %lt3A = arith.constant 0 : i32
    %lt3A_23 = arith.cmpi slt, %rem3A_20, %lt3A : i32
    %lt3A_24 = arith.constant 0 : i32
    %lt3A_25 = arith.cmpi slt, %select_n3A_19, %lt3A_24 : i32
    %ne3A_26 = arith.xori %lt3A_23, %lt3A_25 : i1
    %and3A_27 = arith.andi %ne3A_26, %ne3A_22 : i1
    %add3A = arith.addi %rem3A_20, %select_n3A_19 : i32
    %select_n3A_28 = arith.select %and3A_27, %add3A, %rem3A_20 : i32
    %c0_i32 = arith.constant 0 : i32
    %c0_i32_29 = arith.constant 0 : i32
    return %select_n3A, %select_n3A_28, %c0_i32 : i32, i32, i32
  }
  func.func @transform_1(%arg0: i32) -> (i32, i32, i32) {
    %jit3A = arith.constant 2 : i32
    %div3A = arith.divsi %arg0, %jit3A : i32
    %sign3A = arith.constant 0 : i32
    %sign3A_0 = arith.cmpi sgt, %arg0, %sign3A : i32
    %sign3A_1 = arith.extui %sign3A_0 : i1 to i32
    %sign3A_2 = arith.constant 0 : i32
    %sign3A_3 = arith.cmpi slt, %arg0, %sign3A_2 : i32
    %sign3A_4 = arith.extui %sign3A_3 : i1 to i32
    %sign3A_5 = arith.subi %sign3A_1, %sign3A_4 : i32
    %sign3A_6 = arith.constant 0 : i32
    %sign3A_7 = arith.cmpi sgt, %jit3A, %sign3A_6 : i32
    %sign3A_8 = arith.extui %sign3A_7 : i1 to i32
    %sign3A_9 = arith.constant 0 : i32
    %sign3A_10 = arith.cmpi slt, %jit3A, %sign3A_9 : i32
    %sign3A_11 = arith.extui %sign3A_10 : i1 to i32
    %sign3A_12 = arith.subi %sign3A_8, %sign3A_11 : i32
    %ne3A = arith.cmpi ne, %sign3A_5, %sign3A_12 : i32
    %rem3A = arith.remsi %arg0, %jit3A : i32
    %ne3A_13 = arith.constant 0 : i32
    %ne3A_14 = arith.cmpi ne, %rem3A, %ne3A_13 : i32
    %and3A = arith.andi %ne3A, %ne3A_14 : i1
    %sub3A = arith.constant 1 : i32
    %sub3A_15 = arith.subi %div3A, %sub3A : i32
    %select_n3A = arith.select %and3A, %sub3A_15, %div3A : i32
    %jit3A_16 = arith.constant 2 : i32
    %eq3A = arith.constant 0 : i32
    %eq3A_17 = arith.cmpi eq, %jit3A_16, %eq3A : i32
    %jit3A_18 = arith.constant 1 : i32
    %select_n3A_19 = arith.select %eq3A_17, %jit3A_18, %jit3A_16 : i32
    %rem3A_20 = arith.remsi %arg0, %select_n3A_19 : i32
    %ne3A_21 = arith.constant 0 : i32
    %ne3A_22 = arith.cmpi ne, %rem3A_20, %ne3A_21 : i32
    %lt3A = arith.constant 0 : i32
    %lt3A_23 = arith.cmpi slt, %rem3A_20, %lt3A : i32
    %lt3A_24 = arith.constant 0 : i32
    %lt3A_25 = arith.cmpi slt, %select_n3A_19, %lt3A_24 : i32
    %ne3A_26 = arith.xori %lt3A_23, %lt3A_25 : i1
    %and3A_27 = arith.andi %ne3A_26, %ne3A_22 : i1
    %add3A = arith.addi %rem3A_20, %select_n3A_19 : i32
    %select_n3A_28 = arith.select %and3A_27, %add3A, %rem3A_20 : i32
    %add3A_29 = arith.constant 2 : i32
    %add3A_30 = arith.addi %add3A_29, %select_n3A_28 : i32
    %c0_i32 = arith.constant 0 : i32
    %c0_i32_31 = arith.constant 0 : i32
    return %select_n3A, %add3A_30, %c0_i32 : i32, i32, i32
  }
  func.func @transform_2(%arg0: i32) -> (i32, i32, i32) {
    %jit3A = arith.constant 2 : i32
    %div3A = arith.divsi %arg0, %jit3A : i32
    %sign3A = arith.constant 0 : i32
    %sign3A_0 = arith.cmpi sgt, %arg0, %sign3A : i32
    %sign3A_1 = arith.extui %sign3A_0 : i1 to i32
    %sign3A_2 = arith.constant 0 : i32
    %sign3A_3 = arith.cmpi slt, %arg0, %sign3A_2 : i32
    %sign3A_4 = arith.extui %sign3A_3 : i1 to i32
    %sign3A_5 = arith.subi %sign3A_1, %sign3A_4 : i32
    %sign3A_6 = arith.constant 0 : i32
    %sign3A_7 = arith.cmpi sgt, %jit3A, %sign3A_6 : i32
    %sign3A_8 = arith.extui %sign3A_7 : i1 to i32
    %sign3A_9 = arith.constant 0 : i32
    %sign3A_10 = arith.cmpi slt, %jit3A, %sign3A_9 : i32
    %sign3A_11 = arith.extui %sign3A_10 : i1 to i32
    %sign3A_12 = arith.subi %sign3A_8, %sign3A_11 : i32
    %ne3A = arith.cmpi ne, %sign3A_5, %sign3A_12 : i32
    %rem3A = arith.remsi %arg0, %jit3A : i32
    %ne3A_13 = arith.constant 0 : i32
    %ne3A_14 = arith.cmpi ne, %rem3A, %ne3A_13 : i32
    %and3A = arith.andi %ne3A, %ne3A_14 : i1
    %sub3A = arith.constant 1 : i32
    %sub3A_15 = arith.subi %div3A, %sub3A : i32
    %select_n3A = arith.select %and3A, %sub3A_15, %div3A : i32
    %c0_i32 = arith.constant 0 : i32
    %c0_i32_16 = arith.constant 0 : i32
    %c0_i32_17 = arith.constant 0 : i32
    return %select_n3A, %c0_i32, %c0_i32_16 : i32, i32, i32
  }
}

module attributes {stable_mosaic.version = 14 : i64} {
  func.func @_bcast_body(%arg0: i32, %arg1: memref<4xi32, #tpu.memory_space<smem>>, %arg2: memref<8192x2048xf32, #tpu.memory_space<any>>, %arg3: memref<4x2048x2048xf32, #tpu.memory_space<any>>, %arg4: memref<4x1x2048xf32, #tpu.memory_space<vmem>>, %arg5: memref<4x256x2048xf32, #tpu.memory_space<vmem>>, %arg6: memref<4x!tpu.dma_semaphore, #tpu.memory_space<semaphore_mem>>, %arg7: memref<32x!tpu.dma_semaphore, #tpu.memory_space<semaphore_mem>>) attributes {dimension_semantics = [#tpu.dimension_semantics<arbitrary>], iteration_bounds = array<i64: 1>, scalar_prefetch = 1 : i64, scratch_operands = 4 : i64, tpu.core_type = #tpu.core_type<tc>, window_params = [{}, {}]} {
    %get3A = arith.constant 0 : index
    %get3A_0 = memref.load %arg1[%get3A] : memref<4xi32, #tpu.memory_space<smem>>
    %dma_start3A = arith.constant 0 : i32
    %dma_start3A_1 = arith.constant 0 : i32
    %dma_start3A_2 = tpu.memref_slice %arg6[%dma_start3A_1] : memref<4x!tpu.dma_semaphore, #tpu.memory_space<semaphore_mem>> -> memref<1x!tpu.dma_semaphore, #tpu.memory_space<semaphore_mem>>
    %dma_start3A_3 = tpu.memref_squeeze %dma_start3A_2 : memref<1x!tpu.dma_semaphore, #tpu.memory_space<semaphore_mem>> -> memref<!tpu.dma_semaphore, #tpu.memory_space<semaphore_mem>>
    %dma_start3A_4 = arith.constant 0 : i32
    %dma_start3A_5 = arith.constant 0 : i32
    %dma_start3A_6 = tpu.memref_slice %arg4[%dma_start3A, %dma_start3A_4, %dma_start3A_5] : memref<4x1x2048xf32, #tpu.memory_space<vmem>> -> memref<1x1x2048xf32, #tpu.memory_space<vmem>>
    %dma_start3A_7 = tpu.memref_squeeze %dma_start3A_6 : memref<1x1x2048xf32, #tpu.memory_space<vmem>> -> memref<1x2048xf32, #tpu.memory_space<vmem>>
    %dma_start3A_8 = arith.constant 0 : i32
    %dma_start3A_9 = tpu.memref_slice %arg2[%get3A_0, %dma_start3A_8] : memref<8192x2048xf32, #tpu.memory_space<any>> -> memref<1x2048xf32, #tpu.memory_space<any>>
    tpu.enqueue_dma source(%dma_start3A_9 : memref<1x2048xf32, #tpu.memory_space<any>>) target(%dma_start3A_7 : memref<1x2048xf32, #tpu.memory_space<vmem>>) target_semaphore(%dma_start3A_3 : memref<!tpu.dma_semaphore, #tpu.memory_space<semaphore_mem>>)
    %get3A_10 = arith.constant 1 : index
    %get3A_11 = memref.load %arg1[%get3A_10] : memref<4xi32, #tpu.memory_space<smem>>
    %dma_start3A_12 = arith.constant 1 : i32
    %dma_start3A_13 = arith.constant 1 : i32
    %dma_start3A_14 = tpu.memref_slice %arg6[%dma_start3A_13] : memref<4x!tpu.dma_semaphore, #tpu.memory_space<semaphore_mem>> -> memref<1x!tpu.dma_semaphore, #tpu.memory_space<semaphore_mem>>
    %dma_start3A_15 = tpu.memref_squeeze %dma_start3A_14 : memref<1x!tpu.dma_semaphore, #tpu.memory_space<semaphore_mem>> -> memref<!tpu.dma_semaphore, #tpu.memory_space<semaphore_mem>>
    %dma_start3A_16 = arith.constant 0 : i32
    %dma_start3A_17 = arith.constant 0 : i32
    %dma_start3A_18 = tpu.memref_slice %arg4[%dma_start3A_12, %dma_start3A_16, %dma_start3A_17] : memref<4x1x2048xf32, #tpu.memory_space<vmem>> -> memref<1x1x2048xf32, #tpu.memory_space<vmem>>
    %dma_start3A_19 = tpu.memref_squeeze %dma_start3A_18 : memref<1x1x2048xf32, #tpu.memory_space<vmem>> -> memref<1x2048xf32, #tpu.memory_space<vmem>>
    %dma_start3A_20 = arith.constant 0 : i32
    %dma_start3A_21 = tpu.memref_slice %arg2[%get3A_11, %dma_start3A_20] : memref<8192x2048xf32, #tpu.memory_space<any>> -> memref<1x2048xf32, #tpu.memory_space<any>>
    tpu.enqueue_dma source(%dma_start3A_21 : memref<1x2048xf32, #tpu.memory_space<any>>) target(%dma_start3A_19 : memref<1x2048xf32, #tpu.memory_space<vmem>>) target_semaphore(%dma_start3A_15 : memref<!tpu.dma_semaphore, #tpu.memory_space<semaphore_mem>>)
    %get3A_22 = arith.constant 2 : index
    %get3A_23 = memref.load %arg1[%get3A_22] : memref<4xi32, #tpu.memory_space<smem>>
    %dma_start3A_24 = arith.constant 2 : i32
    %dma_start3A_25 = arith.constant 2 : i32
    %dma_start3A_26 = tpu.memref_slice %arg6[%dma_start3A_25] : memref<4x!tpu.dma_semaphore, #tpu.memory_space<semaphore_mem>> -> memref<1x!tpu.dma_semaphore, #tpu.memory_space<semaphore_mem>>
    %dma_start3A_27 = tpu.memref_squeeze %dma_start3A_26 : memref<1x!tpu.dma_semaphore, #tpu.memory_space<semaphore_mem>> -> memref<!tpu.dma_semaphore, #tpu.memory_space<semaphore_mem>>
    %dma_start3A_28 = arith.constant 0 : i32
    %dma_start3A_29 = arith.constant 0 : i32
    %dma_start3A_30 = tpu.memref_slice %arg4[%dma_start3A_24, %dma_start3A_28, %dma_start3A_29] : memref<4x1x2048xf32, #tpu.memory_space<vmem>> -> memref<1x1x2048xf32, #tpu.memory_space<vmem>>
    %dma_start3A_31 = tpu.memref_squeeze %dma_start3A_30 : memref<1x1x2048xf32, #tpu.memory_space<vmem>> -> memref<1x2048xf32, #tpu.memory_space<vmem>>
    %dma_start3A_32 = arith.constant 0 : i32
    %dma_start3A_33 = tpu.memref_slice %arg2[%get3A_23, %dma_start3A_32] : memref<8192x2048xf32, #tpu.memory_space<any>> -> memref<1x2048xf32, #tpu.memory_space<any>>
    tpu.enqueue_dma source(%dma_start3A_33 : memref<1x2048xf32, #tpu.memory_space<any>>) target(%dma_start3A_31 : memref<1x2048xf32, #tpu.memory_space<vmem>>) target_semaphore(%dma_start3A_27 : memref<!tpu.dma_semaphore, #tpu.memory_space<semaphore_mem>>)
    %get3A_34 = arith.constant 3 : index
    %get3A_35 = memref.load %arg1[%get3A_34] : memref<4xi32, #tpu.memory_space<smem>>
    %dma_start3A_36 = arith.constant 3 : i32
    %dma_start3A_37 = arith.constant 3 : i32
    %dma_start3A_38 = tpu.memref_slice %arg6[%dma_start3A_37] : memref<4x!tpu.dma_semaphore, #tpu.memory_space<semaphore_mem>> -> memref<1x!tpu.dma_semaphore, #tpu.memory_space<semaphore_mem>>
    %dma_start3A_39 = tpu.memref_squeeze %dma_start3A_38 : memref<1x!tpu.dma_semaphore, #tpu.memory_space<semaphore_mem>> -> memref<!tpu.dma_semaphore, #tpu.memory_space<semaphore_mem>>
    %dma_start3A_40 = arith.constant 0 : i32
    %dma_start3A_41 = arith.constant 0 : i32
    %dma_start3A_42 = tpu.memref_slice %arg4[%dma_start3A_36, %dma_start3A_40, %dma_start3A_41] : memref<4x1x2048xf32, #tpu.memory_space<vmem>> -> memref<1x1x2048xf32, #tpu.memory_space<vmem>>
    %dma_start3A_43 = tpu.memref_squeeze %dma_start3A_42 : memref<1x1x2048xf32, #tpu.memory_space<vmem>> -> memref<1x2048xf32, #tpu.memory_space<vmem>>
    %dma_start3A_44 = arith.constant 0 : i32
    %dma_start3A_45 = tpu.memref_slice %arg2[%get3A_35, %dma_start3A_44] : memref<8192x2048xf32, #tpu.memory_space<any>> -> memref<1x2048xf32, #tpu.memory_space<any>>
    tpu.enqueue_dma source(%dma_start3A_45 : memref<1x2048xf32, #tpu.memory_space<any>>) target(%dma_start3A_43 : memref<1x2048xf32, #tpu.memory_space<vmem>>) target_semaphore(%dma_start3A_39 : memref<!tpu.dma_semaphore, #tpu.memory_space<semaphore_mem>>)
    %get3A_46 = arith.constant 0 : index
    %get3A_47 = memref.load %arg1[%get3A_46] : memref<4xi32, #tpu.memory_space<smem>>
    %dma_wait3A = arith.constant 0 : i32
    %dma_wait3A_48 = arith.constant 0 : i32
    %dma_wait3A_49 = tpu.memref_slice %arg6[%dma_wait3A_48] : memref<4x!tpu.dma_semaphore, #tpu.memory_space<semaphore_mem>> -> memref<1x!tpu.dma_semaphore, #tpu.memory_space<semaphore_mem>>
    %dma_wait3A_50 = tpu.memref_squeeze %dma_wait3A_49 : memref<1x!tpu.dma_semaphore, #tpu.memory_space<semaphore_mem>> -> memref<!tpu.dma_semaphore, #tpu.memory_space<semaphore_mem>>
    %dma_wait3A_51 = arith.constant 0 : i32
    %dma_wait3A_52 = arith.constant 0 : i32
    %dma_wait3A_53 = tpu.memref_slice %arg4[%dma_wait3A, %dma_wait3A_51, %dma_wait3A_52] : memref<4x1x2048xf32, #tpu.memory_space<vmem>> -> memref<1x1x2048xf32, #tpu.memory_space<vmem>>
    %dma_wait3A_54 = tpu.memref_squeeze %dma_wait3A_53 : memref<1x1x2048xf32, #tpu.memory_space<vmem>> -> memref<1x2048xf32, #tpu.memory_space<vmem>>
    %dma_wait3A_55 = arith.constant 0 : i32
    %dma_wait3A_56 = tpu.memref_slice %arg2[%get3A_47, %dma_wait3A_55] : memref<8192x2048xf32, #tpu.memory_space<any>> -> memref<1x2048xf32, #tpu.memory_space<any>>
    tpu.wait_dma2 semaphore(%dma_wait3A_50 : memref<!tpu.dma_semaphore, #tpu.memory_space<semaphore_mem>>) src(%dma_wait3A_56 : memref<1x2048xf32, #tpu.memory_space<any>>) dst(%dma_wait3A_54 : memref<1x2048xf32, #tpu.memory_space<vmem>>)
    %get3A_57 = arith.constant 1 : index
    %get3A_58 = memref.load %arg1[%get3A_57] : memref<4xi32, #tpu.memory_space<smem>>
    %dma_wait3A_59 = arith.constant 1 : i32
    %dma_wait3A_60 = arith.constant 1 : i32
    %dma_wait3A_61 = tpu.memref_slice %arg6[%dma_wait3A_60] : memref<4x!tpu.dma_semaphore, #tpu.memory_space<semaphore_mem>> -> memref<1x!tpu.dma_semaphore, #tpu.memory_space<semaphore_mem>>
    %dma_wait3A_62 = tpu.memref_squeeze %dma_wait3A_61 : memref<1x!tpu.dma_semaphore, #tpu.memory_space<semaphore_mem>> -> memref<!tpu.dma_semaphore, #tpu.memory_space<semaphore_mem>>
    %dma_wait3A_63 = arith.constant 0 : i32
    %dma_wait3A_64 = arith.constant 0 : i32
    %dma_wait3A_65 = tpu.memref_slice %arg4[%dma_wait3A_59, %dma_wait3A_63, %dma_wait3A_64] : memref<4x1x2048xf32, #tpu.memory_space<vmem>> -> memref<1x1x2048xf32, #tpu.memory_space<vmem>>
    %dma_wait3A_66 = tpu.memref_squeeze %dma_wait3A_65 : memref<1x1x2048xf32, #tpu.memory_space<vmem>> -> memref<1x2048xf32, #tpu.memory_space<vmem>>
    %dma_wait3A_67 = arith.constant 0 : i32
    %dma_wait3A_68 = tpu.memref_slice %arg2[%get3A_58, %dma_wait3A_67] : memref<8192x2048xf32, #tpu.memory_space<any>> -> memref<1x2048xf32, #tpu.memory_space<any>>
    tpu.wait_dma2 semaphore(%dma_wait3A_62 : memref<!tpu.dma_semaphore, #tpu.memory_space<semaphore_mem>>) src(%dma_wait3A_68 : memref<1x2048xf32, #tpu.memory_space<any>>) dst(%dma_wait3A_66 : memref<1x2048xf32, #tpu.memory_space<vmem>>)
    %get3A_69 = arith.constant 2 : index
    %get3A_70 = memref.load %arg1[%get3A_69] : memref<4xi32, #tpu.memory_space<smem>>
    %dma_wait3A_71 = arith.constant 2 : i32
    %dma_wait3A_72 = arith.constant 2 : i32
    %dma_wait3A_73 = tpu.memref_slice %arg6[%dma_wait3A_72] : memref<4x!tpu.dma_semaphore, #tpu.memory_space<semaphore_mem>> -> memref<1x!tpu.dma_semaphore, #tpu.memory_space<semaphore_mem>>
    %dma_wait3A_74 = tpu.memref_squeeze %dma_wait3A_73 : memref<1x!tpu.dma_semaphore, #tpu.memory_space<semaphore_mem>> -> memref<!tpu.dma_semaphore, #tpu.memory_space<semaphore_mem>>
    %dma_wait3A_75 = arith.constant 0 : i32
    %dma_wait3A_76 = arith.constant 0 : i32
    %dma_wait3A_77 = tpu.memref_slice %arg4[%dma_wait3A_71, %dma_wait3A_75, %dma_wait3A_76] : memref<4x1x2048xf32, #tpu.memory_space<vmem>> -> memref<1x1x2048xf32, #tpu.memory_space<vmem>>
    %dma_wait3A_78 = tpu.memref_squeeze %dma_wait3A_77 : memref<1x1x2048xf32, #tpu.memory_space<vmem>> -> memref<1x2048xf32, #tpu.memory_space<vmem>>
    %dma_wait3A_79 = arith.constant 0 : i32
    %dma_wait3A_80 = tpu.memref_slice %arg2[%get3A_70, %dma_wait3A_79] : memref<8192x2048xf32, #tpu.memory_space<any>> -> memref<1x2048xf32, #tpu.memory_space<any>>
    tpu.wait_dma2 semaphore(%dma_wait3A_74 : memref<!tpu.dma_semaphore, #tpu.memory_space<semaphore_mem>>) src(%dma_wait3A_80 : memref<1x2048xf32, #tpu.memory_space<any>>) dst(%dma_wait3A_78 : memref<1x2048xf32, #tpu.memory_space<vmem>>)
    %get3A_81 = arith.constant 3 : index
    %get3A_82 = memref.load %arg1[%get3A_81] : memref<4xi32, #tpu.memory_space<smem>>
    %dma_wait3A_83 = arith.constant 3 : i32
    %dma_wait3A_84 = arith.constant 3 : i32
    %dma_wait3A_85 = tpu.memref_slice %arg6[%dma_wait3A_84] : memref<4x!tpu.dma_semaphore, #tpu.memory_space<semaphore_mem>> -> memref<1x!tpu.dma_semaphore, #tpu.memory_space<semaphore_mem>>
    %dma_wait3A_86 = tpu.memref_squeeze %dma_wait3A_85 : memref<1x!tpu.dma_semaphore, #tpu.memory_space<semaphore_mem>> -> memref<!tpu.dma_semaphore, #tpu.memory_space<semaphore_mem>>
    %dma_wait3A_87 = arith.constant 0 : i32
    %dma_wait3A_88 = arith.constant 0 : i32
    %dma_wait3A_89 = tpu.memref_slice %arg4[%dma_wait3A_83, %dma_wait3A_87, %dma_wait3A_88] : memref<4x1x2048xf32, #tpu.memory_space<vmem>> -> memref<1x1x2048xf32, #tpu.memory_space<vmem>>
    %dma_wait3A_90 = tpu.memref_squeeze %dma_wait3A_89 : memref<1x1x2048xf32, #tpu.memory_space<vmem>> -> memref<1x2048xf32, #tpu.memory_space<vmem>>
    %dma_wait3A_91 = arith.constant 0 : i32
    %dma_wait3A_92 = tpu.memref_slice %arg2[%get3A_82, %dma_wait3A_91] : memref<8192x2048xf32, #tpu.memory_space<any>> -> memref<1x2048xf32, #tpu.memory_space<any>>
    tpu.wait_dma2 semaphore(%dma_wait3A_86 : memref<!tpu.dma_semaphore, #tpu.memory_space<semaphore_mem>>) src(%dma_wait3A_92 : memref<1x2048xf32, #tpu.memory_space<any>>) dst(%dma_wait3A_90 : memref<1x2048xf32, #tpu.memory_space<vmem>>)
    %get3A_93 = arith.constant 0 : index
    %get3A_94 = arith.constant 0 : index
    %get3A_95 = arith.constant 0 : index
    %get3A_96 = vector.load %arg4[%get3A_93, %get3A_94, %get3A_95] : memref<4x1x2048xf32, #tpu.memory_space<vmem>>, vector<1x1x2048xf32>
    %get3A_97 = vector.shape_cast %get3A_96 : vector<1x1x2048xf32> to vector<1x2048xf32>
    %broadcast_in_dim3A = vector.shape_cast %get3A_97 : vector<1x2048xf32> to vector<1x2048xf32>
    %broadcast_in_dim3A_98 = vector.broadcast %broadcast_in_dim3A : vector<1x2048xf32> to vector<256x2048xf32>
    %swap3A = arith.constant 0 : index
    %swap3A_99 = arith.constant 0 : index
    %swap3A_100 = arith.constant 0 : index
    %swap3A_101 = vector.load %arg5[%swap3A, %swap3A_99, %swap3A_100] : memref<4x256x2048xf32, #tpu.memory_space<vmem>>, vector<1x256x2048xf32>
    %swap3A_102 = vector.shape_cast %swap3A_101 : vector<1x256x2048xf32> to vector<256x2048xf32>
    %swap3A_103 = vector.shape_cast %broadcast_in_dim3A_98 : vector<256x2048xf32> to vector<1x256x2048xf32>
    tpu.vector_store %arg5[%swap3A, %swap3A_99, %swap3A_100], %swap3A_103 {strides = array<i32>} : memref<4x256x2048xf32, #tpu.memory_space<vmem>>, vector<1x256x2048xf32>,
    %get3A_104 = arith.constant 1 : index
    %get3A_105 = arith.constant 0 : index
    %get3A_106 = arith.constant 0 : index
    %get3A_107 = vector.load %arg4[%get3A_104, %get3A_105, %get3A_106] : memref<4x1x2048xf32, #tpu.memory_space<vmem>>, vector<1x1x2048xf32>
    %get3A_108 = vector.shape_cast %get3A_107 : vector<1x1x2048xf32> to vector<1x2048xf32>
    %broadcast_in_dim3A_109 = vector.shape_cast %get3A_108 : vector<1x2048xf32> to vector<1x2048xf32>
    %broadcast_in_dim3A_110 = vector.broadcast %broadcast_in_dim3A_109 : vector<1x2048xf32> to vector<256x2048xf32>
    %swap3A_111 = arith.constant 1 : index
    %swap3A_112 = arith.constant 0 : index
    %swap3A_113 = arith.constant 0 : index
    %swap3A_114 = vector.load %arg5[%swap3A_111, %swap3A_112, %swap3A_113] : memref<4x256x2048xf32, #tpu.memory_space<vmem>>, vector<1x256x2048xf32>
    %swap3A_115 = vector.shape_cast %swap3A_114 : vector<1x256x2048xf32> to vector<256x2048xf32>
    %swap3A_116 = vector.shape_cast %broadcast_in_dim3A_110 : vector<256x2048xf32> to vector<1x256x2048xf32>
    tpu.vector_store %arg5[%swap3A_111, %swap3A_112, %swap3A_113], %swap3A_116 {strides = array<i32>} : memref<4x256x2048xf32, #tpu.memory_space<vmem>>, vector<1x256x2048xf32>,
    %get3A_117 = arith.constant 2 : index
    %get3A_118 = arith.constant 0 : index
    %get3A_119 = arith.constant 0 : index
    %get3A_120 = vector.load %arg4[%get3A_117, %get3A_118, %get3A_119] : memref<4x1x2048xf32, #tpu.memory_space<vmem>>, vector<1x1x2048xf32>
    %get3A_121 = vector.shape_cast %get3A_120 : vector<1x1x2048xf32> to vector<1x2048xf32>
    %broadcast_in_dim3A_122 = vector.shape_cast %get3A_121 : vector<1x2048xf32> to vector<1x2048xf32>
    %broadcast_in_dim3A_123 = vector.broadcast %broadcast_in_dim3A_122 : vector<1x2048xf32> to vector<256x2048xf32>
    %swap3A_124 = arith.constant 2 : index
    %swap3A_125 = arith.constant 0 : index
    %swap3A_126 = arith.constant 0 : index
    %swap3A_127 = vector.load %arg5[%swap3A_124, %swap3A_125, %swap3A_126] : memref<4x256x2048xf32, #tpu.memory_space<vmem>>, vector<1x256x2048xf32>
    %swap3A_128 = vector.shape_cast %swap3A_127 : vector<1x256x2048xf32> to vector<256x2048xf32>
    %swap3A_129 = vector.shape_cast %broadcast_in_dim3A_123 : vector<256x2048xf32> to vector<1x256x2048xf32>
    tpu.vector_store %arg5[%swap3A_124, %swap3A_125, %swap3A_126], %swap3A_129 {strides = array<i32>} : memref<4x256x2048xf32, #tpu.memory_space<vmem>>, vector<1x256x2048xf32>,
    %get3A_130 = arith.constant 3 : index
    %get3A_131 = arith.constant 0 : index
    %get3A_132 = arith.constant 0 : index
    %get3A_133 = vector.load %arg4[%get3A_130, %get3A_131, %get3A_132] : memref<4x1x2048xf32, #tpu.memory_space<vmem>>, vector<1x1x2048xf32>
    %get3A_134 = vector.shape_cast %get3A_133 : vector<1x1x2048xf32> to vector<1x2048xf32>
    %broadcast_in_dim3A_135 = vector.shape_cast %get3A_134 : vector<1x2048xf32> to vector<1x2048xf32>
    %broadcast_in_dim3A_136 = vector.broadcast %broadcast_in_dim3A_135 : vector<1x2048xf32> to vector<256x2048xf32>
    %swap3A_137 = arith.constant 3 : index
    %swap3A_138 = arith.constant 0 : index
    %swap3A_139 = arith.constant 0 : index
    %swap3A_140 = vector.load %arg5[%swap3A_137, %swap3A_138, %swap3A_139] : memref<4x256x2048xf32, #tpu.memory_space<vmem>>, vector<1x256x2048xf32>
    %swap3A_141 = vector.shape_cast %swap3A_140 : vector<1x256x2048xf32> to vector<256x2048xf32>
    %swap3A_142 = vector.shape_cast %broadcast_in_dim3A_136 : vector<256x2048xf32> to vector<1x256x2048xf32>
    tpu.vector_store %arg5[%swap3A_137, %swap3A_138, %swap3A_139], %swap3A_142 {strides = array<i32>} : memref<4x256x2048xf32, #tpu.memory_space<vmem>>, vector<1x256x2048xf32>,
    %dma_start3A_143 = arith.constant 0 : i32
    %dma_start3A_144 = arith.constant 0 : i32
    %dma_start3A_145 = arith.constant 0 : i32
    %dma_start3A_146 = tpu.memref_slice %arg7[%dma_start3A_145] : memref<32x!tpu.dma_semaphore, #tpu.memory_space<semaphore_mem>> -> memref<1x!tpu.dma_semaphore, #tpu.memory_space<semaphore_mem>>
    %dma_start3A_147 = tpu.memref_squeeze %dma_start3A_146 : memref<1x!tpu.dma_semaphore, #tpu.memory_space<semaphore_mem>> -> memref<!tpu.dma_semaphore, #tpu.memory_space<semaphore_mem>>
    %dma_start3A_148 = arith.constant 0 : i32
    %dma_start3A_149 = arith.constant 0 : i32
    %dma_start3A_150 = tpu.memref_slice %arg3[%dma_start3A_144, %dma_start3A_148, %dma_start3A_149] : memref<4x2048x2048xf32, #tpu.memory_space<any>> -> memref<1x256x2048xf32, #tpu.memory_space<any>>
    %dma_start3A_151 = tpu.memref_squeeze %dma_start3A_150 : memref<1x256x2048xf32, #tpu.memory_space<any>> -> memref<256x2048xf32, #tpu.memory_space<any>>
    %dma_start3A_152 = arith.constant 0 : i32
    %dma_start3A_153 = arith.constant 0 : i32
    %dma_start3A_154 = tpu.memref_slice %arg5[%dma_start3A_143, %dma_start3A_152, %dma_start3A_153] : memref<4x256x2048xf32, #tpu.memory_space<vmem>> -> memref<1x256x2048xf32, #tpu.memory_space<vmem>>
    %dma_start3A_155 = tpu.memref_squeeze %dma_start3A_154 : memref<1x256x2048xf32, #tpu.memory_space<vmem>> -> memref<256x2048xf32, #tpu.memory_space<vmem>>
    tpu.enqueue_dma source(%dma_start3A_155 : memref<256x2048xf32, #tpu.memory_space<vmem>>) target(%dma_start3A_151 : memref<256x2048xf32, #tpu.memory_space<any>>) target_semaphore(%dma_start3A_147 : memref<!tpu.dma_semaphore, #tpu.memory_space<semaphore_mem>>)
    %dma_start3A_156 = arith.constant 0 : i32
    %dma_start3A_157 = arith.constant 0 : i32
    %dma_start3A_158 = arith.constant 1 : i32
    %dma_start3A_159 = tpu.memref_slice %arg7[%dma_start3A_158] : memref<32x!tpu.dma_semaphore, #tpu.memory_space<semaphore_mem>> -> memref<1x!tpu.dma_semaphore, #tpu.memory_space<semaphore_mem>>
    %dma_start3A_160 = tpu.memref_squeeze %dma_start3A_159 : memref<1x!tpu.dma_semaphore, #tpu.memory_space<semaphore_mem>> -> memref<!tpu.dma_semaphore, #tpu.memory_space<semaphore_mem>>
    %dma_start3A_161 = arith.constant 256 : i32
    %dma_start3A_162 = arith.constant 0 : i32
    %dma_start3A_163 = tpu.memref_slice %arg3[%dma_start3A_157, %dma_start3A_161, %dma_start3A_162] : memref<4x2048x2048xf32, #tpu.memory_space<any>> -> memref<1x256x2048xf32, #tpu.memory_space<any>>
    %dma_start3A_164 = tpu.memref_squeeze %dma_start3A_163 : memref<1x256x2048xf32, #tpu.memory_space<any>> -> memref<256x2048xf32, #tpu.memory_space<any>>
    %dma_start3A_165 = arith.constant 0 : i32
    %dma_start3A_166 = arith.constant 0 : i32
    %dma_start3A_167 = tpu.memref_slice %arg5[%dma_start3A_156, %dma_start3A_165, %dma_start3A_166] : memref<4x256x2048xf32, #tpu.memory_space<vmem>> -> memref<1x256x2048xf32, #tpu.memory_space<vmem>>
    %dma_start3A_168 = tpu.memref_squeeze %dma_start3A_167 : memref<1x256x2048xf32, #tpu.memory_space<vmem>> -> memref<256x2048xf32, #tpu.memory_space<vmem>>
    tpu.enqueue_dma source(%dma_start3A_168 : memref<256x2048xf32, #tpu.memory_space<vmem>>) target(%dma_start3A_164 : memref<256x2048xf32, #tpu.memory_space<any>>) target_semaphore(%dma_start3A_160 : memref<!tpu.dma_semaphore, #tpu.memory_space<semaphore_mem>>)
    %dma_start3A_169 = arith.constant 0 : i32
    %dma_start3A_170 = arith.constant 0 : i32
    %dma_start3A_171 = arith.constant 2 : i32
    %dma_start3A_172 = tpu.memref_slice %arg7[%dma_start3A_171] : memref<32x!tpu.dma_semaphore, #tpu.memory_space<semaphore_mem>> -> memref<1x!tpu.dma_semaphore, #tpu.memory_space<semaphore_mem>>
    %dma_start3A_173 = tpu.memref_squeeze %dma_start3A_172 : memref<1x!tpu.dma_semaphore, #tpu.memory_space<semaphore_mem>> -> memref<!tpu.dma_semaphore, #tpu.memory_space<semaphore_mem>>
    %dma_start3A_174 = arith.constant 512 : i32
    %dma_start3A_175 = arith.constant 0 : i32
    %dma_start3A_176 = tpu.memref_slice %arg3[%dma_start3A_170, %dma_start3A_174, %dma_start3A_175] : memref<4x2048x2048xf32, #tpu.memory_space<any>> -> memref<1x256x2048xf32, #tpu.memory_space<any>>
    %dma_start3A_177 = tpu.memref_squeeze %dma_start3A_176 : memref<1x256x2048xf32, #tpu.memory_space<any>> -> memref<256x2048xf32, #tpu.memory_space<any>>
    %dma_start3A_178 = arith.constant 0 : i32
    %dma_start3A_179 = arith.constant 0 : i32
    %dma_start3A_180 = tpu.memref_slice %arg5[%dma_start3A_169, %dma_start3A_178, %dma_start3A_179] : memref<4x256x2048xf32, #tpu.memory_space<vmem>> -> memref<1x256x2048xf32, #tpu.memory_space<vmem>>
    %dma_start3A_181 = tpu.memref_squeeze %dma_start3A_180 : memref<1x256x2048xf32, #tpu.memory_space<vmem>> -> memref<256x2048xf32, #tpu.memory_space<vmem>>
    tpu.enqueue_dma source(%dma_start3A_181 : memref<256x2048xf32, #tpu.memory_space<vmem>>) target(%dma_start3A_177 : memref<256x2048xf32, #tpu.memory_space<any>>) target_semaphore(%dma_start3A_173 : memref<!tpu.dma_semaphore, #tpu.memory_space<semaphore_mem>>)
    %dma_start3A_182 = arith.constant 0 : i32
    %dma_start3A_183 = arith.constant 0 : i32
    %dma_start3A_184 = arith.constant 3 : i32
    %dma_start3A_185 = tpu.memref_slice %arg7[%dma_start3A_184] : memref<32x!tpu.dma_semaphore, #tpu.memory_space<semaphore_mem>> -> memref<1x!tpu.dma_semaphore, #tpu.memory_space<semaphore_mem>>
    %dma_start3A_186 = tpu.memref_squeeze %dma_start3A_185 : memref<1x!tpu.dma_semaphore, #tpu.memory_space<semaphore_mem>> -> memref<!tpu.dma_semaphore, #tpu.memory_space<semaphore_mem>>
    %dma_start3A_187 = arith.constant 768 : i32
    %dma_start3A_188 = arith.constant 0 : i32
    %dma_start3A_189 = tpu.memref_slice %arg3[%dma_start3A_183, %dma_start3A_187, %dma_start3A_188] : memref<4x2048x2048xf32, #tpu.memory_space<any>> -> memref<1x256x2048xf32, #tpu.memory_space<any>>
    %dma_start3A_190 = tpu.memref_squeeze %dma_start3A_189 : memref<1x256x2048xf32, #tpu.memory_space<any>> -> memref<256x2048xf32, #tpu.memory_space<any>>
    %dma_start3A_191 = arith.constant 0 : i32
    %dma_start3A_192 = arith.constant 0 : i32
    %dma_start3A_193 = tpu.memref_slice %arg5[%dma_start3A_182, %dma_start3A_191, %dma_start3A_192] : memref<4x256x2048xf32, #tpu.memory_space<vmem>> -> memref<1x256x2048xf32, #tpu.memory_space<vmem>>
    %dma_start3A_194 = tpu.memref_squeeze %dma_start3A_193 : memref<1x256x2048xf32, #tpu.memory_space<vmem>> -> memref<256x2048xf32, #tpu.memory_space<vmem>>
    tpu.enqueue_dma source(%dma_start3A_194 : memref<256x2048xf32, #tpu.memory_space<vmem>>) target(%dma_start3A_190 : memref<256x2048xf32, #tpu.memory_space<any>>) target_semaphore(%dma_start3A_186 : memref<!tpu.dma_semaphore, #tpu.memory_space<semaphore_mem>>)
    %dma_start3A_195 = arith.constant 0 : i32
    %dma_start3A_196 = arith.constant 0 : i32
    %dma_start3A_197 = arith.constant 4 : i32
    %dma_start3A_198 = tpu.memref_slice %arg7[%dma_start3A_197] : memref<32x!tpu.dma_semaphore, #tpu.memory_space<semaphore_mem>> -> memref<1x!tpu.dma_semaphore, #tpu.memory_space<semaphore_mem>>
    %dma_start3A_199 = tpu.memref_squeeze %dma_start3A_198 : memref<1x!tpu.dma_semaphore, #tpu.memory_space<semaphore_mem>> -> memref<!tpu.dma_semaphore, #tpu.memory_space<semaphore_mem>>
    %dma_start3A_200 = arith.constant 1024 : i32
    %dma_start3A_201 = arith.constant 0 : i32
    %dma_start3A_202 = tpu.memref_slice %arg3[%dma_start3A_196, %dma_start3A_200, %dma_start3A_201] : memref<4x2048x2048xf32, #tpu.memory_space<any>> -> memref<1x256x2048xf32, #tpu.memory_space<any>>
    %dma_start3A_203 = tpu.memref_squeeze %dma_start3A_202 : memref<1x256x2048xf32, #tpu.memory_space<any>> -> memref<256x2048xf32, #tpu.memory_space<any>>
    %dma_start3A_204 = arith.constant 0 : i32
    %dma_start3A_205 = arith.constant 0 : i32
    %dma_start3A_206 = tpu.memref_slice %arg5[%dma_start3A_195, %dma_start3A_204, %dma_start3A_205] : memref<4x256x2048xf32, #tpu.memory_space<vmem>> -> memref<1x256x2048xf32, #tpu.memory_space<vmem>>
    %dma_start3A_207 = tpu.memref_squeeze %dma_start3A_206 : memref<1x256x2048xf32, #tpu.memory_space<vmem>> -> memref<256x2048xf32, #tpu.memory_space<vmem>>
    tpu.enqueue_dma source(%dma_start3A_207 : memref<256x2048xf32, #tpu.memory_space<vmem>>) target(%dma_start3A_203 : memref<256x2048xf32, #tpu.memory_space<any>>) target_semaphore(%dma_start3A_199 : memref<!tpu.dma_semaphore, #tpu.memory_space<semaphore_mem>>)
    %dma_start3A_208 = arith.constant 0 : i32
    %dma_start3A_209 = arith.constant 0 : i32
    %dma_start3A_210 = arith.constant 5 : i32
    %dma_start3A_211 = tpu.memref_slice %arg7[%dma_start3A_210] : memref<32x!tpu.dma_semaphore, #tpu.memory_space<semaphore_mem>> -> memref<1x!tpu.dma_semaphore, #tpu.memory_space<semaphore_mem>>
    %dma_start3A_212 = tpu.memref_squeeze %dma_start3A_211 : memref<1x!tpu.dma_semaphore, #tpu.memory_space<semaphore_mem>> -> memref<!tpu.dma_semaphore, #tpu.memory_space<semaphore_mem>>
    %dma_start3A_213 = arith.constant 1280 : i32
    %dma_start3A_214 = arith.constant 0 : i32
    %dma_start3A_215 = tpu.memref_slice %arg3[%dma_start3A_209, %dma_start3A_213, %dma_start3A_214] : memref<4x2048x2048xf32, #tpu.memory_space<any>> -> memref<1x256x2048xf32, #tpu.memory_space<any>>
    %dma_start3A_216 = tpu.memref_squeeze %dma_start3A_215 : memref<1x256x2048xf32, #tpu.memory_space<any>> -> memref<256x2048xf32, #tpu.memory_space<any>>
    %dma_start3A_217 = arith.constant 0 : i32
    %dma_start3A_218 = arith.constant 0 : i32
    %dma_start3A_219 = tpu.memref_slice %arg5[%dma_start3A_208, %dma_start3A_217, %dma_start3A_218] : memref<4x256x2048xf32, #tpu.memory_space<vmem>> -> memref<1x256x2048xf32, #tpu.memory_space<vmem>>
    %dma_start3A_220 = tpu.memref_squeeze %dma_start3A_219 : memref<1x256x2048xf32, #tpu.memory_space<vmem>> -> memref<256x2048xf32, #tpu.memory_space<vmem>>
    tpu.enqueue_dma source(%dma_start3A_220 : memref<256x2048xf32, #tpu.memory_space<vmem>>) target(%dma_start3A_216 : memref<256x2048xf32, #tpu.memory_space<any>>) target_semaphore(%dma_start3A_212 : memref<!tpu.dma_semaphore, #tpu.memory_space<semaphore_mem>>)
    %dma_start3A_221 = arith.constant 0 : i32
    %dma_start3A_222 = arith.constant 0 : i32
    %dma_start3A_223 = arith.constant 6 : i32
    %dma_start3A_224 = tpu.memref_slice %arg7[%dma_start3A_223] : memref<32x!tpu.dma_semaphore, #tpu.memory_space<semaphore_mem>> -> memref<1x!tpu.dma_semaphore, #tpu.memory_space<semaphore_mem>>
    %dma_start3A_225 = tpu.memref_squeeze %dma_start3A_224 : memref<1x!tpu.dma_semaphore, #tpu.memory_space<semaphore_mem>> -> memref<!tpu.dma_semaphore, #tpu.memory_space<semaphore_mem>>
    %dma_start3A_226 = arith.constant 1536 : i32
    %dma_start3A_227 = arith.constant 0 : i32
    %dma_start3A_228 = tpu.memref_slice %arg3[%dma_start3A_222, %dma_start3A_226, %dma_start3A_227] : memref<4x2048x2048xf32, #tpu.memory_space<any>> -> memref<1x256x2048xf32, #tpu.memory_space<any>>
    %dma_start3A_229 = tpu.memref_squeeze %dma_start3A_228 : memref<1x256x2048xf32, #tpu.memory_space<any>> -> memref<256x2048xf32, #tpu.memory_space<any>>
    %dma_start3A_230 = arith.constant 0 : i32
    %dma_start3A_231 = arith.constant 0 : i32
    %dma_start3A_232 = tpu.memref_slice %arg5[%dma_start3A_221, %dma_start3A_230, %dma_start3A_231] : memref<4x256x2048xf32, #tpu.memory_space<vmem>> -> memref<1x256x2048xf32, #tpu.memory_space<vmem>>
    %dma_start3A_233 = tpu.memref_squeeze %dma_start3A_232 : memref<1x256x2048xf32, #tpu.memory_space<vmem>> -> memref<256x2048xf32, #tpu.memory_space<vmem>>
    tpu.enqueue_dma source(%dma_start3A_233 : memref<256x2048xf32, #tpu.memory_space<vmem>>) target(%dma_start3A_229 : memref<256x2048xf32, #tpu.memory_space<any>>) target_semaphore(%dma_start3A_225 : memref<!tpu.dma_semaphore, #tpu.memory_space<semaphore_mem>>)
    %dma_start3A_234 = arith.constant 0 : i32
    %dma_start3A_235 = arith.constant 0 : i32
    %dma_start3A_236 = arith.constant 7 : i32
    %dma_start3A_237 = tpu.memref_slice %arg7[%dma_start3A_236] : memref<32x!tpu.dma_semaphore, #tpu.memory_space<semaphore_mem>> -> memref<1x!tpu.dma_semaphore, #tpu.memory_space<semaphore_mem>>
    %dma_start3A_238 = tpu.memref_squeeze %dma_start3A_237 : memref<1x!tpu.dma_semaphore, #tpu.memory_space<semaphore_mem>> -> memref<!tpu.dma_semaphore, #tpu.memory_space<semaphore_mem>>
    %dma_start3A_239 = arith.constant 1792 : i32
    %dma_start3A_240 = arith.constant 0 : i32
    %dma_start3A_241 = tpu.memref_slice %arg3[%dma_start3A_235, %dma_start3A_239, %dma_start3A_240] : memref<4x2048x2048xf32, #tpu.memory_space<any>> -> memref<1x256x2048xf32, #tpu.memory_space<any>>
    %dma_start3A_242 = tpu.memref_squeeze %dma_start3A_241 : memref<1x256x2048xf32, #tpu.memory_space<any>> -> memref<256x2048xf32, #tpu.memory_space<any>>
    %dma_start3A_243 = arith.constant 0 : i32
    %dma_start3A_244 = arith.constant 0 : i32
    %dma_start3A_245 = tpu.memref_slice %arg5[%dma_start3A_234, %dma_start3A_243, %dma_start3A_244] : memref<4x256x2048xf32, #tpu.memory_space<vmem>> -> memref<1x256x2048xf32, #tpu.memory_space<vmem>>
    %dma_start3A_246 = tpu.memref_squeeze %dma_start3A_245 : memref<1x256x2048xf32, #tpu.memory_space<vmem>> -> memref<256x2048xf32, #tpu.memory_space<vmem>>
    tpu.enqueue_dma source(%dma_start3A_246 : memref<256x2048xf32, #tpu.memory_space<vmem>>) target(%dma_start3A_242 : memref<256x2048xf32, #tpu.memory_space<any>>) target_semaphore(%dma_start3A_238 : memref<!tpu.dma_semaphore, #tpu.memory_space<semaphore_mem>>)
    %dma_start3A_247 = arith.constant 1 : i32
    %dma_start3A_248 = arith.constant 1 : i32
    %dma_start3A_249 = arith.constant 8 : i32
    %dma_start3A_250 = tpu.memref_slice %arg7[%dma_start3A_249] : memref<32x!tpu.dma_semaphore, #tpu.memory_space<semaphore_mem>> -> memref<1x!tpu.dma_semaphore, #tpu.memory_space<semaphore_mem>>
    %dma_start3A_251 = tpu.memref_squeeze %dma_start3A_250 : memref<1x!tpu.dma_semaphore, #tpu.memory_space<semaphore_mem>> -> memref<!tpu.dma_semaphore, #tpu.memory_space<semaphore_mem>>
    %dma_start3A_252 = arith.constant 0 : i32
    %dma_start3A_253 = arith.constant 0 : i32
    %dma_start3A_254 = tpu.memref_slice %arg3[%dma_start3A_248, %dma_start3A_252, %dma_start3A_253] : memref<4x2048x2048xf32, #tpu.memory_space<any>> -> memref<1x256x2048xf32, #tpu.memory_space<any>>
    %dma_start3A_255 = tpu.memref_squeeze %dma_start3A_254 : memref<1x256x2048xf32, #tpu.memory_space<any>> -> memref<256x2048xf32, #tpu.memory_space<any>>
    %dma_start3A_256 = arith.constant 0 : i32
    %dma_start3A_257 = arith.constant 0 : i32
    %dma_start3A_258 = tpu.memref_slice %arg5[%dma_start3A_247, %dma_start3A_256, %dma_start3A_257] : memref<4x256x2048xf32, #tpu.memory_space<vmem>> -> memref<1x256x2048xf32, #tpu.memory_space<vmem>>
    %dma_start3A_259 = tpu.memref_squeeze %dma_start3A_258 : memref<1x256x2048xf32, #tpu.memory_space<vmem>> -> memref<256x2048xf32, #tpu.memory_space<vmem>>
    tpu.enqueue_dma source(%dma_start3A_259 : memref<256x2048xf32, #tpu.memory_space<vmem>>) target(%dma_start3A_255 : memref<256x2048xf32, #tpu.memory_space<any>>) target_semaphore(%dma_start3A_251 : memref<!tpu.dma_semaphore, #tpu.memory_space<semaphore_mem>>)
    %dma_start3A_260 = arith.constant 1 : i32
    %dma_start3A_261 = arith.constant 1 : i32
    %dma_start3A_262 = arith.constant 9 : i32
    %dma_start3A_263 = tpu.memref_slice %arg7[%dma_start3A_262] : memref<32x!tpu.dma_semaphore, #tpu.memory_space<semaphore_mem>> -> memref<1x!tpu.dma_semaphore, #tpu.memory_space<semaphore_mem>>
    %dma_start3A_264 = tpu.memref_squeeze %dma_start3A_263 : memref<1x!tpu.dma_semaphore, #tpu.memory_space<semaphore_mem>> -> memref<!tpu.dma_semaphore, #tpu.memory_space<semaphore_mem>>
    %dma_start3A_265 = arith.constant 256 : i32
    %dma_start3A_266 = arith.constant 0 : i32
    %dma_start3A_267 = tpu.memref_slice %arg3[%dma_start3A_261, %dma_start3A_265, %dma_start3A_266] : memref<4x2048x2048xf32, #tpu.memory_space<any>> -> memref<1x256x2048xf32, #tpu.memory_space<any>>
    %dma_start3A_268 = tpu.memref_squeeze %dma_start3A_267 : memref<1x256x2048xf32, #tpu.memory_space<any>> -> memref<256x2048xf32, #tpu.memory_space<any>>
    %dma_start3A_269 = arith.constant 0 : i32
    %dma_start3A_270 = arith.constant 0 : i32
    %dma_start3A_271 = tpu.memref_slice %arg5[%dma_start3A_260, %dma_start3A_269, %dma_start3A_270] : memref<4x256x2048xf32, #tpu.memory_space<vmem>> -> memref<1x256x2048xf32, #tpu.memory_space<vmem>>
    %dma_start3A_272 = tpu.memref_squeeze %dma_start3A_271 : memref<1x256x2048xf32, #tpu.memory_space<vmem>> -> memref<256x2048xf32, #tpu.memory_space<vmem>>
    tpu.enqueue_dma source(%dma_start3A_272 : memref<256x2048xf32, #tpu.memory_space<vmem>>) target(%dma_start3A_268 : memref<256x2048xf32, #tpu.memory_space<any>>) target_semaphore(%dma_start3A_264 : memref<!tpu.dma_semaphore, #tpu.memory_space<semaphore_mem>>)
    %dma_start3A_273 = arith.constant 1 : i32
    %dma_start3A_274 = arith.constant 1 : i32
    %dma_start3A_275 = arith.constant 10 : i32
    %dma_start3A_276 = tpu.memref_slice %arg7[%dma_start3A_275] : memref<32x!tpu.dma_semaphore, #tpu.memory_space<semaphore_mem>> -> memref<1x!tpu.dma_semaphore, #tpu.memory_space<semaphore_mem>>
    %dma_start3A_277 = tpu.memref_squeeze %dma_start3A_276 : memref<1x!tpu.dma_semaphore, #tpu.memory_space<semaphore_mem>> -> memref<!tpu.dma_semaphore, #tpu.memory_space<semaphore_mem>>
    %dma_start3A_278 = arith.constant 512 : i32
    %dma_start3A_279 = arith.constant 0 : i32
    %dma_start3A_280 = tpu.memref_slice %arg3[%dma_start3A_274, %dma_start3A_278, %dma_start3A_279] : memref<4x2048x2048xf32, #tpu.memory_space<any>> -> memref<1x256x2048xf32, #tpu.memory_space<any>>
    %dma_start3A_281 = tpu.memref_squeeze %dma_start3A_280 : memref<1x256x2048xf32, #tpu.memory_space<any>> -> memref<256x2048xf32, #tpu.memory_space<any>>
    %dma_start3A_282 = arith.constant 0 : i32
    %dma_start3A_283 = arith.constant 0 : i32
    %dma_start3A_284 = tpu.memref_slice %arg5[%dma_start3A_273, %dma_start3A_282, %dma_start3A_283] : memref<4x256x2048xf32, #tpu.memory_space<vmem>> -> memref<1x256x2048xf32, #tpu.memory_space<vmem>>
    %dma_start3A_285 = tpu.memref_squeeze %dma_start3A_284 : memref<1x256x2048xf32, #tpu.memory_space<vmem>> -> memref<256x2048xf32, #tpu.memory_space<vmem>>
    tpu.enqueue_dma source(%dma_start3A_285 : memref<256x2048xf32, #tpu.memory_space<vmem>>) target(%dma_start3A_281 : memref<256x2048xf32, #tpu.memory_space<any>>) target_semaphore(%dma_start3A_277 : memref<!tpu.dma_semaphore, #tpu.memory_space<semaphore_mem>>)
    %dma_start3A_286 = arith.constant 1 : i32
    %dma_start3A_287 = arith.constant 1 : i32
    %dma_start3A_288 = arith.constant 11 : i32
    %dma_start3A_289 = tpu.memref_slice %arg7[%dma_start3A_288] : memref<32x!tpu.dma_semaphore, #tpu.memory_space<semaphore_mem>> -> memref<1x!tpu.dma_semaphore, #tpu.memory_space<semaphore_mem>>
    %dma_start3A_290 = tpu.memref_squeeze %dma_start3A_289 : memref<1x!tpu.dma_semaphore, #tpu.memory_space<semaphore_mem>> -> memref<!tpu.dma_semaphore, #tpu.memory_space<semaphore_mem>>
    %dma_start3A_291 = arith.constant 768 : i32
    %dma_start3A_292 = arith.constant 0 : i32
    %dma_start3A_293 = tpu.memref_slice %arg3[%dma_start3A_287, %dma_start3A_291, %dma_start3A_292] : memref<4x2048x2048xf32, #tpu.memory_space<any>> -> memref<1x256x2048xf32, #tpu.memory_space<any>>
    %dma_start3A_294 = tpu.memref_squeeze %dma_start3A_293 : memref<1x256x2048xf32, #tpu.memory_space<any>> -> memref<256x2048xf32, #tpu.memory_space<any>>
    %dma_start3A_295 = arith.constant 0 : i32
    %dma_start3A_296 = arith.constant 0 : i32
    %dma_start3A_297 = tpu.memref_slice %arg5[%dma_start3A_286, %dma_start3A_295, %dma_start3A_296] : memref<4x256x2048xf32, #tpu.memory_space<vmem>> -> memref<1x256x2048xf32, #tpu.memory_space<vmem>>
    %dma_start3A_298 = tpu.memref_squeeze %dma_start3A_297 : memref<1x256x2048xf32, #tpu.memory_space<vmem>> -> memref<256x2048xf32, #tpu.memory_space<vmem>>
    tpu.enqueue_dma source(%dma_start3A_298 : memref<256x2048xf32, #tpu.memory_space<vmem>>) target(%dma_start3A_294 : memref<256x2048xf32, #tpu.memory_space<any>>) target_semaphore(%dma_start3A_290 : memref<!tpu.dma_semaphore, #tpu.memory_space<semaphore_mem>>)
    %dma_start3A_299 = arith.constant 1 : i32
    %dma_start3A_300 = arith.constant 1 : i32
    %dma_start3A_301 = arith.constant 12 : i32
    %dma_start3A_302 = tpu.memref_slice %arg7[%dma_start3A_301] : memref<32x!tpu.dma_semaphore, #tpu.memory_space<semaphore_mem>> -> memref<1x!tpu.dma_semaphore, #tpu.memory_space<semaphore_mem>>
    %dma_start3A_303 = tpu.memref_squeeze %dma_start3A_302 : memref<1x!tpu.dma_semaphore, #tpu.memory_space<semaphore_mem>> -> memref<!tpu.dma_semaphore, #tpu.memory_space<semaphore_mem>>
    %dma_start3A_304 = arith.constant 1024 : i32
    %dma_start3A_305 = arith.constant 0 : i32
    %dma_start3A_306 = tpu.memref_slice %arg3[%dma_start3A_300, %dma_start3A_304, %dma_start3A_305] : memref<4x2048x2048xf32, #tpu.memory_space<any>> -> memref<1x256x2048xf32, #tpu.memory_space<any>>
    %dma_start3A_307 = tpu.memref_squeeze %dma_start3A_306 : memref<1x256x2048xf32, #tpu.memory_space<any>> -> memref<256x2048xf32, #tpu.memory_space<any>>
    %dma_start3A_308 = arith.constant 0 : i32
    %dma_start3A_309 = arith.constant 0 : i32
    %dma_start3A_310 = tpu.memref_slice %arg5[%dma_start3A_299, %dma_start3A_308, %dma_start3A_309] : memref<4x256x2048xf32, #tpu.memory_space<vmem>> -> memref<1x256x2048xf32, #tpu.memory_space<vmem>>
    %dma_start3A_311 = tpu.memref_squeeze %dma_start3A_310 : memref<1x256x2048xf32, #tpu.memory_space<vmem>> -> memref<256x2048xf32, #tpu.memory_space<vmem>>
    tpu.enqueue_dma source(%dma_start3A_311 : memref<256x2048xf32, #tpu.memory_space<vmem>>) target(%dma_start3A_307 : memref<256x2048xf32, #tpu.memory_space<any>>) target_semaphore(%dma_start3A_303 : memref<!tpu.dma_semaphore, #tpu.memory_space<semaphore_mem>>)
    %dma_start3A_312 = arith.constant 1 : i32
    %dma_start3A_313 = arith.constant 1 : i32
    %dma_start3A_314 = arith.constant 13 : i32
    %dma_start3A_315 = tpu.memref_slice %arg7[%dma_start3A_314] : memref<32x!tpu.dma_semaphore, #tpu.memory_space<semaphore_mem>> -> memref<1x!tpu.dma_semaphore, #tpu.memory_space<semaphore_mem>>
    %dma_start3A_316 = tpu.memref_squeeze %dma_start3A_315 : memref<1x!tpu.dma_semaphore, #tpu.memory_space<semaphore_mem>> -> memref<!tpu.dma_semaphore, #tpu.memory_space<semaphore_mem>>
    %dma_start3A_317 = arith.constant 1280 : i32
    %dma_start3A_318 = arith.constant 0 : i32
    %dma_start3A_319 = tpu.memref_slice %arg3[%dma_start3A_313, %dma_start3A_317, %dma_start3A_318] : memref<4x2048x2048xf32, #tpu.memory_space<any>> -> memref<1x256x2048xf32, #tpu.memory_space<any>>
    %dma_start3A_320 = tpu.memref_squeeze %dma_start3A_319 : memref<1x256x2048xf32, #tpu.memory_space<any>> -> memref<256x2048xf32, #tpu.memory_space<any>>
    %dma_start3A_321 = arith.constant 0 : i32
    %dma_start3A_322 = arith.constant 0 : i32
    %dma_start3A_323 = tpu.memref_slice %arg5[%dma_start3A_312, %dma_start3A_321, %dma_start3A_322] : memref<4x256x2048xf32, #tpu.memory_space<vmem>> -> memref<1x256x2048xf32, #tpu.memory_space<vmem>>
    %dma_start3A_324 = tpu.memref_squeeze %dma_start3A_323 : memref<1x256x2048xf32, #tpu.memory_space<vmem>> -> memref<256x2048xf32, #tpu.memory_space<vmem>>
    tpu.enqueue_dma source(%dma_start3A_324 : memref<256x2048xf32, #tpu.memory_space<vmem>>) target(%dma_start3A_320 : memref<256x2048xf32, #tpu.memory_space<any>>) target_semaphore(%dma_start3A_316 : memref<!tpu.dma_semaphore, #tpu.memory_space<semaphore_mem>>)
    %dma_start3A_325 = arith.constant 1 : i32
    %dma_start3A_326 = arith.constant 1 : i32
    %dma_start3A_327 = arith.constant 14 : i32
    %dma_start3A_328 = tpu.memref_slice %arg7[%dma_start3A_327] : memref<32x!tpu.dma_semaphore, #tpu.memory_space<semaphore_mem>> -> memref<1x!tpu.dma_semaphore, #tpu.memory_space<semaphore_mem>>
    %dma_start3A_329 = tpu.memref_squeeze %dma_start3A_328 : memref<1x!tpu.dma_semaphore, #tpu.memory_space<semaphore_mem>> -> memref<!tpu.dma_semaphore, #tpu.memory_space<semaphore_mem>>
    %dma_start3A_330 = arith.constant 1536 : i32
    %dma_start3A_331 = arith.constant 0 : i32
    %dma_start3A_332 = tpu.memref_slice %arg3[%dma_start3A_326, %dma_start3A_330, %dma_start3A_331] : memref<4x2048x2048xf32, #tpu.memory_space<any>> -> memref<1x256x2048xf32, #tpu.memory_space<any>>
    %dma_start3A_333 = tpu.memref_squeeze %dma_start3A_332 : memref<1x256x2048xf32, #tpu.memory_space<any>> -> memref<256x2048xf32, #tpu.memory_space<any>>
    %dma_start3A_334 = arith.constant 0 : i32
    %dma_start3A_335 = arith.constant 0 : i32
    %dma_start3A_336 = tpu.memref_slice %arg5[%dma_start3A_325, %dma_start3A_334, %dma_start3A_335] : memref<4x256x2048xf32, #tpu.memory_space<vmem>> -> memref<1x256x2048xf32, #tpu.memory_space<vmem>>
    %dma_start3A_337 = tpu.memref_squeeze %dma_start3A_336 : memref<1x256x2048xf32, #tpu.memory_space<vmem>> -> memref<256x2048xf32, #tpu.memory_space<vmem>>
    tpu.enqueue_dma source(%dma_start3A_337 : memref<256x2048xf32, #tpu.memory_space<vmem>>) target(%dma_start3A_333 : memref<256x2048xf32, #tpu.memory_space<any>>) target_semaphore(%dma_start3A_329 : memref<!tpu.dma_semaphore, #tpu.memory_space<semaphore_mem>>)
    %dma_start3A_338 = arith.constant 1 : i32
    %dma_start3A_339 = arith.constant 1 : i32
    %dma_start3A_340 = arith.constant 15 : i32
    %dma_start3A_341 = tpu.memref_slice %arg7[%dma_start3A_340] : memref<32x!tpu.dma_semaphore, #tpu.memory_space<semaphore_mem>> -> memref<1x!tpu.dma_semaphore, #tpu.memory_space<semaphore_mem>>
    %dma_start3A_342 = tpu.memref_squeeze %dma_start3A_341 : memref<1x!tpu.dma_semaphore, #tpu.memory_space<semaphore_mem>> -> memref<!tpu.dma_semaphore, #tpu.memory_space<semaphore_mem>>
    %dma_start3A_343 = arith.constant 1792 : i32
    %dma_start3A_344 = arith.constant 0 : i32
    %dma_start3A_345 = tpu.memref_slice %arg3[%dma_start3A_339, %dma_start3A_343, %dma_start3A_344] : memref<4x2048x2048xf32, #tpu.memory_space<any>> -> memref<1x256x2048xf32, #tpu.memory_space<any>>
    %dma_start3A_346 = tpu.memref_squeeze %dma_start3A_345 : memref<1x256x2048xf32, #tpu.memory_space<any>> -> memref<256x2048xf32, #tpu.memory_space<any>>
    %dma_start3A_347 = arith.constant 0 : i32
    %dma_start3A_348 = arith.constant 0 : i32
    %dma_start3A_349 = tpu.memref_slice %arg5[%dma_start3A_338, %dma_start3A_347, %dma_start3A_348] : memref<4x256x2048xf32, #tpu.memory_space<vmem>> -> memref<1x256x2048xf32, #tpu.memory_space<vmem>>
    %dma_start3A_350 = tpu.memref_squeeze %dma_start3A_349 : memref<1x256x2048xf32, #tpu.memory_space<vmem>> -> memref<256x2048xf32, #tpu.memory_space<vmem>>
    tpu.enqueue_dma source(%dma_start3A_350 : memref<256x2048xf32, #tpu.memory_space<vmem>>) target(%dma_start3A_346 : memref<256x2048xf32, #tpu.memory_space<any>>) target_semaphore(%dma_start3A_342 : memref<!tpu.dma_semaphore, #tpu.memory_space<semaphore_mem>>)
    %dma_start3A_351 = arith.constant 2 : i32
    %dma_start3A_352 = arith.constant 2 : i32
    %dma_start3A_353 = arith.constant 16 : i32
    %dma_start3A_354 = tpu.memref_slice %arg7[%dma_start3A_353] : memref<32x!tpu.dma_semaphore, #tpu.memory_space<semaphore_mem>> -> memref<1x!tpu.dma_semaphore, #tpu.memory_space<semaphore_mem>>
    %dma_start3A_355 = tpu.memref_squeeze %dma_start3A_354 : memref<1x!tpu.dma_semaphore, #tpu.memory_space<semaphore_mem>> -> memref<!tpu.dma_semaphore, #tpu.memory_space<semaphore_mem>>
    %dma_start3A_356 = arith.constant 0 : i32
    %dma_start3A_357 = arith.constant 0 : i32
    %dma_start3A_358 = tpu.memref_slice %arg3[%dma_start3A_352, %dma_start3A_356, %dma_start3A_357] : memref<4x2048x2048xf32, #tpu.memory_space<any>> -> memref<1x256x2048xf32, #tpu.memory_space<any>>
    %dma_start3A_359 = tpu.memref_squeeze %dma_start3A_358 : memref<1x256x2048xf32, #tpu.memory_space<any>> -> memref<256x2048xf32, #tpu.memory_space<any>>
    %dma_start3A_360 = arith.constant 0 : i32
    %dma_start3A_361 = arith.constant 0 : i32
    %dma_start3A_362 = tpu.memref_slice %arg5[%dma_start3A_351, %dma_start3A_360, %dma_start3A_361] : memref<4x256x2048xf32, #tpu.memory_space<vmem>> -> memref<1x256x2048xf32, #tpu.memory_space<vmem>>
    %dma_start3A_363 = tpu.memref_squeeze %dma_start3A_362 : memref<1x256x2048xf32, #tpu.memory_space<vmem>> -> memref<256x2048xf32, #tpu.memory_space<vmem>>
    tpu.enqueue_dma source(%dma_start3A_363 : memref<256x2048xf32, #tpu.memory_space<vmem>>) target(%dma_start3A_359 : memref<256x2048xf32, #tpu.memory_space<any>>) target_semaphore(%dma_start3A_355 : memref<!tpu.dma_semaphore, #tpu.memory_space<semaphore_mem>>)
    %dma_start3A_364 = arith.constant 2 : i32
    %dma_start3A_365 = arith.constant 2 : i32
    %dma_start3A_366 = arith.constant 17 : i32
    %dma_start3A_367 = tpu.memref_slice %arg7[%dma_start3A_366] : memref<32x!tpu.dma_semaphore, #tpu.memory_space<semaphore_mem>> -> memref<1x!tpu.dma_semaphore, #tpu.memory_space<semaphore_mem>>
    %dma_start3A_368 = tpu.memref_squeeze %dma_start3A_367 : memref<1x!tpu.dma_semaphore, #tpu.memory_space<semaphore_mem>> -> memref<!tpu.dma_semaphore, #tpu.memory_space<semaphore_mem>>
    %dma_start3A_369 = arith.constant 256 : i32
    %dma_start3A_370 = arith.constant 0 : i32
    %dma_start3A_371 = tpu.memref_slice %arg3[%dma_start3A_365, %dma_start3A_369, %dma_start3A_370] : memref<4x2048x2048xf32, #tpu.memory_space<any>> -> memref<1x256x2048xf32, #tpu.memory_space<any>>
    %dma_start3A_372 = tpu.memref_squeeze %dma_start3A_371 : memref<1x256x2048xf32, #tpu.memory_space<any>> -> memref<256x2048xf32, #tpu.memory_space<any>>
    %dma_start3A_373 = arith.constant 0 : i32
    %dma_start3A_374 = arith.constant 0 : i32
    %dma_start3A_375 = tpu.memref_slice %arg5[%dma_start3A_364, %dma_start3A_373, %dma_start3A_374] : memref<4x256x2048xf32, #tpu.memory_space<vmem>> -> memref<1x256x2048xf32, #tpu.memory_space<vmem>>
    %dma_start3A_376 = tpu.memref_squeeze %dma_start3A_375 : memref<1x256x2048xf32, #tpu.memory_space<vmem>> -> memref<256x2048xf32, #tpu.memory_space<vmem>>
    tpu.enqueue_dma source(%dma_start3A_376 : memref<256x2048xf32, #tpu.memory_space<vmem>>) target(%dma_start3A_372 : memref<256x2048xf32, #tpu.memory_space<any>>) target_semaphore(%dma_start3A_368 : memref<!tpu.dma_semaphore, #tpu.memory_space<semaphore_mem>>)
    %dma_start3A_377 = arith.constant 2 : i32
    %dma_start3A_378 = arith.constant 2 : i32
    %dma_start3A_379 = arith.constant 18 : i32
    %dma_start3A_380 = tpu.memref_slice %arg7[%dma_start3A_379] : memref<32x!tpu.dma_semaphore, #tpu.memory_space<semaphore_mem>> -> memref<1x!tpu.dma_semaphore, #tpu.memory_space<semaphore_mem>>
    %dma_start3A_381 = tpu.memref_squeeze %dma_start3A_380 : memref<1x!tpu.dma_semaphore, #tpu.memory_space<semaphore_mem>> -> memref<!tpu.dma_semaphore, #tpu.memory_space<semaphore_mem>>
    %dma_start3A_382 = arith.constant 512 : i32
    %dma_start3A_383 = arith.constant 0 : i32
    %dma_start3A_384 = tpu.memref_slice %arg3[%dma_start3A_378, %dma_start3A_382, %dma_start3A_383] : memref<4x2048x2048xf32, #tpu.memory_space<any>> -> memref<1x256x2048xf32, #tpu.memory_space<any>>
    %dma_start3A_385 = tpu.memref_squeeze %dma_start3A_384 : memref<1x256x2048xf32, #tpu.memory_space<any>> -> memref<256x2048xf32, #tpu.memory_space<any>>
    %dma_start3A_386 = arith.constant 0 : i32
    %dma_start3A_387 = arith.constant 0 : i32
    %dma_start3A_388 = tpu.memref_slice %arg5[%dma_start3A_377, %dma_start3A_386, %dma_start3A_387] : memref<4x256x2048xf32, #tpu.memory_space<vmem>> -> memref<1x256x2048xf32, #tpu.memory_space<vmem>>
    %dma_start3A_389 = tpu.memref_squeeze %dma_start3A_388 : memref<1x256x2048xf32, #tpu.memory_space<vmem>> -> memref<256x2048xf32, #tpu.memory_space<vmem>>
    tpu.enqueue_dma source(%dma_start3A_389 : memref<256x2048xf32, #tpu.memory_space<vmem>>) target(%dma_start3A_385 : memref<256x2048xf32, #tpu.memory_space<any>>) target_semaphore(%dma_start3A_381 : memref<!tpu.dma_semaphore, #tpu.memory_space<semaphore_mem>>)
    %dma_start3A_390 = arith.constant 2 : i32
    %dma_start3A_391 = arith.constant 2 : i32
    %dma_start3A_392 = arith.constant 19 : i32
    %dma_start3A_393 = tpu.memref_slice %arg7[%dma_start3A_392] : memref<32x!tpu.dma_semaphore, #tpu.memory_space<semaphore_mem>> -> memref<1x!tpu.dma_semaphore, #tpu.memory_space<semaphore_mem>>
    %dma_start3A_394 = tpu.memref_squeeze %dma_start3A_393 : memref<1x!tpu.dma_semaphore, #tpu.memory_space<semaphore_mem>> -> memref<!tpu.dma_semaphore, #tpu.memory_space<semaphore_mem>>
    %dma_start3A_395 = arith.constant 768 : i32
    %dma_start3A_396 = arith.constant 0 : i32
    %dma_start3A_397 = tpu.memref_slice %arg3[%dma_start3A_391, %dma_start3A_395, %dma_start3A_396] : memref<4x2048x2048xf32, #tpu.memory_space<any>> -> memref<1x256x2048xf32, #tpu.memory_space<any>>
    %dma_start3A_398 = tpu.memref_squeeze %dma_start3A_397 : memref<1x256x2048xf32, #tpu.memory_space<any>> -> memref<256x2048xf32, #tpu.memory_space<any>>
    %dma_start3A_399 = arith.constant 0 : i32
    %dma_start3A_400 = arith.constant 0 : i32
    %dma_start3A_401 = tpu.memref_slice %arg5[%dma_start3A_390, %dma_start3A_399, %dma_start3A_400] : memref<4x256x2048xf32, #tpu.memory_space<vmem>> -> memref<1x256x2048xf32, #tpu.memory_space<vmem>>
    %dma_start3A_402 = tpu.memref_squeeze %dma_start3A_401 : memref<1x256x2048xf32, #tpu.memory_space<vmem>> -> memref<256x2048xf32, #tpu.memory_space<vmem>>
    tpu.enqueue_dma source(%dma_start3A_402 : memref<256x2048xf32, #tpu.memory_space<vmem>>) target(%dma_start3A_398 : memref<256x2048xf32, #tpu.memory_space<any>>) target_semaphore(%dma_start3A_394 : memref<!tpu.dma_semaphore, #tpu.memory_space<semaphore_mem>>)
    %dma_start3A_403 = arith.constant 2 : i32
    %dma_start3A_404 = arith.constant 2 : i32
    %dma_start3A_405 = arith.constant 20 : i32
    %dma_start3A_406 = tpu.memref_slice %arg7[%dma_start3A_405] : memref<32x!tpu.dma_semaphore, #tpu.memory_space<semaphore_mem>> -> memref<1x!tpu.dma_semaphore, #tpu.memory_space<semaphore_mem>>
    %dma_start3A_407 = tpu.memref_squeeze %dma_start3A_406 : memref<1x!tpu.dma_semaphore, #tpu.memory_space<semaphore_mem>> -> memref<!tpu.dma_semaphore, #tpu.memory_space<semaphore_mem>>
    %dma_start3A_408 = arith.constant 1024 : i32
    %dma_start3A_409 = arith.constant 0 : i32
    %dma_start3A_410 = tpu.memref_slice %arg3[%dma_start3A_404, %dma_start3A_408, %dma_start3A_409] : memref<4x2048x2048xf32, #tpu.memory_space<any>> -> memref<1x256x2048xf32, #tpu.memory_space<any>>
    %dma_start3A_411 = tpu.memref_squeeze %dma_start3A_410 : memref<1x256x2048xf32, #tpu.memory_space<any>> -> memref<256x2048xf32, #tpu.memory_space<any>>
    %dma_start3A_412 = arith.constant 0 : i32
    %dma_start3A_413 = arith.constant 0 : i32
    %dma_start3A_414 = tpu.memref_slice %arg5[%dma_start3A_403, %dma_start3A_412, %dma_start3A_413] : memref<4x256x2048xf32, #tpu.memory_space<vmem>> -> memref<1x256x2048xf32, #tpu.memory_space<vmem>>
    %dma_start3A_415 = tpu.memref_squeeze %dma_start3A_414 : memref<1x256x2048xf32, #tpu.memory_space<vmem>> -> memref<256x2048xf32, #tpu.memory_space<vmem>>
    tpu.enqueue_dma source(%dma_start3A_415 : memref<256x2048xf32, #tpu.memory_space<vmem>>) target(%dma_start3A_411 : memref<256x2048xf32, #tpu.memory_space<any>>) target_semaphore(%dma_start3A_407 : memref<!tpu.dma_semaphore, #tpu.memory_space<semaphore_mem>>)
    %dma_start3A_416 = arith.constant 2 : i32
    %dma_start3A_417 = arith.constant 2 : i32
    %dma_start3A_418 = arith.constant 21 : i32
    %dma_start3A_419 = tpu.memref_slice %arg7[%dma_start3A_418] : memref<32x!tpu.dma_semaphore, #tpu.memory_space<semaphore_mem>> -> memref<1x!tpu.dma_semaphore, #tpu.memory_space<semaphore_mem>>
    %dma_start3A_420 = tpu.memref_squeeze %dma_start3A_419 : memref<1x!tpu.dma_semaphore, #tpu.memory_space<semaphore_mem>> -> memref<!tpu.dma_semaphore, #tpu.memory_space<semaphore_mem>>
    %dma_start3A_421 = arith.constant 1280 : i32
    %dma_start3A_422 = arith.constant 0 : i32
    %dma_start3A_423 = tpu.memref_slice %arg3[%dma_start3A_417, %dma_start3A_421, %dma_start3A_422] : memref<4x2048x2048xf32, #tpu.memory_space<any>> -> memref<1x256x2048xf32, #tpu.memory_space<any>>
    %dma_start3A_424 = tpu.memref_squeeze %dma_start3A_423 : memref<1x256x2048xf32, #tpu.memory_space<any>> -> memref<256x2048xf32, #tpu.memory_space<any>>
    %dma_start3A_425 = arith.constant 0 : i32
    %dma_start3A_426 = arith.constant 0 : i32
    %dma_start3A_427 = tpu.memref_slice %arg5[%dma_start3A_416, %dma_start3A_425, %dma_start3A_426] : memref<4x256x2048xf32, #tpu.memory_space<vmem>> -> memref<1x256x2048xf32, #tpu.memory_space<vmem>>
    %dma_start3A_428 = tpu.memref_squeeze %dma_start3A_427 : memref<1x256x2048xf32, #tpu.memory_space<vmem>> -> memref<256x2048xf32, #tpu.memory_space<vmem>>
    tpu.enqueue_dma source(%dma_start3A_428 : memref<256x2048xf32, #tpu.memory_space<vmem>>) target(%dma_start3A_424 : memref<256x2048xf32, #tpu.memory_space<any>>) target_semaphore(%dma_start3A_420 : memref<!tpu.dma_semaphore, #tpu.memory_space<semaphore_mem>>)
    %dma_start3A_429 = arith.constant 2 : i32
    %dma_start3A_430 = arith.constant 2 : i32
    %dma_start3A_431 = arith.constant 22 : i32
    %dma_start3A_432 = tpu.memref_slice %arg7[%dma_start3A_431] : memref<32x!tpu.dma_semaphore, #tpu.memory_space<semaphore_mem>> -> memref<1x!tpu.dma_semaphore, #tpu.memory_space<semaphore_mem>>
    %dma_start3A_433 = tpu.memref_squeeze %dma_start3A_432 : memref<1x!tpu.dma_semaphore, #tpu.memory_space<semaphore_mem>> -> memref<!tpu.dma_semaphore, #tpu.memory_space<semaphore_mem>>
    %dma_start3A_434 = arith.constant 1536 : i32
    %dma_start3A_435 = arith.constant 0 : i32
    %dma_start3A_436 = tpu.memref_slice %arg3[%dma_start3A_430, %dma_start3A_434, %dma_start3A_435] : memref<4x2048x2048xf32, #tpu.memory_space<any>> -> memref<1x256x2048xf32, #tpu.memory_space<any>>
    %dma_start3A_437 = tpu.memref_squeeze %dma_start3A_436 : memref<1x256x2048xf32, #tpu.memory_space<any>> -> memref<256x2048xf32, #tpu.memory_space<any>>
    %dma_start3A_438 = arith.constant 0 : i32
    %dma_start3A_439 = arith.constant 0 : i32
    %dma_start3A_440 = tpu.memref_slice %arg5[%dma_start3A_429, %dma_start3A_438, %dma_start3A_439] : memref<4x256x2048xf32, #tpu.memory_space<vmem>> -> memref<1x256x2048xf32, #tpu.memory_space<vmem>>
    %dma_start3A_441 = tpu.memref_squeeze %dma_start3A_440 : memref<1x256x2048xf32, #tpu.memory_space<vmem>> -> memref<256x2048xf32, #tpu.memory_space<vmem>>
    tpu.enqueue_dma source(%dma_start3A_441 : memref<256x2048xf32, #tpu.memory_space<vmem>>) target(%dma_start3A_437 : memref<256x2048xf32, #tpu.memory_space<any>>) target_semaphore(%dma_start3A_433 : memref<!tpu.dma_semaphore, #tpu.memory_space<semaphore_mem>>)
    %dma_start3A_442 = arith.constant 2 : i32
    %dma_start3A_443 = arith.constant 2 : i32
    %dma_start3A_444 = arith.constant 23 : i32
    %dma_start3A_445 = tpu.memref_slice %arg7[%dma_start3A_444] : memref<32x!tpu.dma_semaphore, #tpu.memory_space<semaphore_mem>> -> memref<1x!tpu.dma_semaphore, #tpu.memory_space<semaphore_mem>>
    %dma_start3A_446 = tpu.memref_squeeze %dma_start3A_445 : memref<1x!tpu.dma_semaphore, #tpu.memory_space<semaphore_mem>> -> memref<!tpu.dma_semaphore, #tpu.memory_space<semaphore_mem>>
    %dma_start3A_447 = arith.constant 1792 : i32
    %dma_start3A_448 = arith.constant 0 : i32
    %dma_start3A_449 = tpu.memref_slice %arg3[%dma_start3A_443, %dma_start3A_447, %dma_start3A_448] : memref<4x2048x2048xf32, #tpu.memory_space<any>> -> memref<1x256x2048xf32, #tpu.memory_space<any>>
    %dma_start3A_450 = tpu.memref_squeeze %dma_start3A_449 : memref<1x256x2048xf32, #tpu.memory_space<any>> -> memref<256x2048xf32, #tpu.memory_space<any>>
    %dma_start3A_451 = arith.constant 0 : i32
    %dma_start3A_452 = arith.constant 0 : i32
    %dma_start3A_453 = tpu.memref_slice %arg5[%dma_start3A_442, %dma_start3A_451, %dma_start3A_452] : memref<4x256x2048xf32, #tpu.memory_space<vmem>> -> memref<1x256x2048xf32, #tpu.memory_space<vmem>>
    %dma_start3A_454 = tpu.memref_squeeze %dma_start3A_453 : memref<1x256x2048xf32, #tpu.memory_space<vmem>> -> memref<256x2048xf32, #tpu.memory_space<vmem>>
    tpu.enqueue_dma source(%dma_start3A_454 : memref<256x2048xf32, #tpu.memory_space<vmem>>) target(%dma_start3A_450 : memref<256x2048xf32, #tpu.memory_space<any>>) target_semaphore(%dma_start3A_446 : memref<!tpu.dma_semaphore, #tpu.memory_space<semaphore_mem>>)
    %dma_start3A_455 = arith.constant 3 : i32
    %dma_start3A_456 = arith.constant 3 : i32
    %dma_start3A_457 = arith.constant 24 : i32
    %dma_start3A_458 = tpu.memref_slice %arg7[%dma_start3A_457] : memref<32x!tpu.dma_semaphore, #tpu.memory_space<semaphore_mem>> -> memref<1x!tpu.dma_semaphore, #tpu.memory_space<semaphore_mem>>
    %dma_start3A_459 = tpu.memref_squeeze %dma_start3A_458 : memref<1x!tpu.dma_semaphore, #tpu.memory_space<semaphore_mem>> -> memref<!tpu.dma_semaphore, #tpu.memory_space<semaphore_mem>>
    %dma_start3A_460 = arith.constant 0 : i32
    %dma_start3A_461 = arith.constant 0 : i32
    %dma_start3A_462 = tpu.memref_slice %arg3[%dma_start3A_456, %dma_start3A_460, %dma_start3A_461] : memref<4x2048x2048xf32, #tpu.memory_space<any>> -> memref<1x256x2048xf32, #tpu.memory_space<any>>
    %dma_start3A_463 = tpu.memref_squeeze %dma_start3A_462 : memref<1x256x2048xf32, #tpu.memory_space<any>> -> memref<256x2048xf32, #tpu.memory_space<any>>
    %dma_start3A_464 = arith.constant 0 : i32
    %dma_start3A_465 = arith.constant 0 : i32
    %dma_start3A_466 = tpu.memref_slice %arg5[%dma_start3A_455, %dma_start3A_464, %dma_start3A_465] : memref<4x256x2048xf32, #tpu.memory_space<vmem>> -> memref<1x256x2048xf32, #tpu.memory_space<vmem>>
    %dma_start3A_467 = tpu.memref_squeeze %dma_start3A_466 : memref<1x256x2048xf32, #tpu.memory_space<vmem>> -> memref<256x2048xf32, #tpu.memory_space<vmem>>
    tpu.enqueue_dma source(%dma_start3A_467 : memref<256x2048xf32, #tpu.memory_space<vmem>>) target(%dma_start3A_463 : memref<256x2048xf32, #tpu.memory_space<any>>) target_semaphore(%dma_start3A_459 : memref<!tpu.dma_semaphore, #tpu.memory_space<semaphore_mem>>)
    %dma_start3A_468 = arith.constant 3 : i32
    %dma_start3A_469 = arith.constant 3 : i32
    %dma_start3A_470 = arith.constant 25 : i32
    %dma_start3A_471 = tpu.memref_slice %arg7[%dma_start3A_470] : memref<32x!tpu.dma_semaphore, #tpu.memory_space<semaphore_mem>> -> memref<1x!tpu.dma_semaphore, #tpu.memory_space<semaphore_mem>>
    %dma_start3A_472 = tpu.memref_squeeze %dma_start3A_471 : memref<1x!tpu.dma_semaphore, #tpu.memory_space<semaphore_mem>> -> memref<!tpu.dma_semaphore, #tpu.memory_space<semaphore_mem>>
    %dma_start3A_473 = arith.constant 256 : i32
    %dma_start3A_474 = arith.constant 0 : i32
    %dma_start3A_475 = tpu.memref_slice %arg3[%dma_start3A_469, %dma_start3A_473, %dma_start3A_474] : memref<4x2048x2048xf32, #tpu.memory_space<any>> -> memref<1x256x2048xf32, #tpu.memory_space<any>>
    %dma_start3A_476 = tpu.memref_squeeze %dma_start3A_475 : memref<1x256x2048xf32, #tpu.memory_space<any>> -> memref<256x2048xf32, #tpu.memory_space<any>>
    %dma_start3A_477 = arith.constant 0 : i32
    %dma_start3A_478 = arith.constant 0 : i32
    %dma_start3A_479 = tpu.memref_slice %arg5[%dma_start3A_468, %dma_start3A_477, %dma_start3A_478] : memref<4x256x2048xf32, #tpu.memory_space<vmem>> -> memref<1x256x2048xf32, #tpu.memory_space<vmem>>
    %dma_start3A_480 = tpu.memref_squeeze %dma_start3A_479 : memref<1x256x2048xf32, #tpu.memory_space<vmem>> -> memref<256x2048xf32, #tpu.memory_space<vmem>>
    tpu.enqueue_dma source(%dma_start3A_480 : memref<256x2048xf32, #tpu.memory_space<vmem>>) target(%dma_start3A_476 : memref<256x2048xf32, #tpu.memory_space<any>>) target_semaphore(%dma_start3A_472 : memref<!tpu.dma_semaphore, #tpu.memory_space<semaphore_mem>>)
    %dma_start3A_481 = arith.constant 3 : i32
    %dma_start3A_482 = arith.constant 3 : i32
    %dma_start3A_483 = arith.constant 26 : i32
    %dma_start3A_484 = tpu.memref_slice %arg7[%dma_start3A_483] : memref<32x!tpu.dma_semaphore, #tpu.memory_space<semaphore_mem>> -> memref<1x!tpu.dma_semaphore, #tpu.memory_space<semaphore_mem>>
    %dma_start3A_485 = tpu.memref_squeeze %dma_start3A_484 : memref<1x!tpu.dma_semaphore, #tpu.memory_space<semaphore_mem>> -> memref<!tpu.dma_semaphore, #tpu.memory_space<semaphore_mem>>
    %dma_start3A_486 = arith.constant 512 : i32
    %dma_start3A_487 = arith.constant 0 : i32
    %dma_start3A_488 = tpu.memref_slice %arg3[%dma_start3A_482, %dma_start3A_486, %dma_start3A_487] : memref<4x2048x2048xf32, #tpu.memory_space<any>> -> memref<1x256x2048xf32, #tpu.memory_space<any>>
    %dma_start3A_489 = tpu.memref_squeeze %dma_start3A_488 : memref<1x256x2048xf32, #tpu.memory_space<any>> -> memref<256x2048xf32, #tpu.memory_space<any>>
    %dma_start3A_490 = arith.constant 0 : i32
    %dma_start3A_491 = arith.constant 0 : i32
    %dma_start3A_492 = tpu.memref_slice %arg5[%dma_start3A_481, %dma_start3A_490, %dma_start3A_491] : memref<4x256x2048xf32, #tpu.memory_space<vmem>> -> memref<1x256x2048xf32, #tpu.memory_space<vmem>>
    %dma_start3A_493 = tpu.memref_squeeze %dma_start3A_492 : memref<1x256x2048xf32, #tpu.memory_space<vmem>> -> memref<256x2048xf32, #tpu.memory_space<vmem>>
    tpu.enqueue_dma source(%dma_start3A_493 : memref<256x2048xf32, #tpu.memory_space<vmem>>) target(%dma_start3A_489 : memref<256x2048xf32, #tpu.memory_space<any>>) target_semaphore(%dma_start3A_485 : memref<!tpu.dma_semaphore, #tpu.memory_space<semaphore_mem>>)
    %dma_start3A_494 = arith.constant 3 : i32
    %dma_start3A_495 = arith.constant 3 : i32
    %dma_start3A_496 = arith.constant 27 : i32
    %dma_start3A_497 = tpu.memref_slice %arg7[%dma_start3A_496] : memref<32x!tpu.dma_semaphore, #tpu.memory_space<semaphore_mem>> -> memref<1x!tpu.dma_semaphore, #tpu.memory_space<semaphore_mem>>
    %dma_start3A_498 = tpu.memref_squeeze %dma_start3A_497 : memref<1x!tpu.dma_semaphore, #tpu.memory_space<semaphore_mem>> -> memref<!tpu.dma_semaphore, #tpu.memory_space<semaphore_mem>>
    %dma_start3A_499 = arith.constant 768 : i32
    %dma_start3A_500 = arith.constant 0 : i32
    %dma_start3A_501 = tpu.memref_slice %arg3[%dma_start3A_495, %dma_start3A_499, %dma_start3A_500] : memref<4x2048x2048xf32, #tpu.memory_space<any>> -> memref<1x256x2048xf32, #tpu.memory_space<any>>
    %dma_start3A_502 = tpu.memref_squeeze %dma_start3A_501 : memref<1x256x2048xf32, #tpu.memory_space<any>> -> memref<256x2048xf32, #tpu.memory_space<any>>
    %dma_start3A_503 = arith.constant 0 : i32
    %dma_start3A_504 = arith.constant 0 : i32
    %dma_start3A_505 = tpu.memref_slice %arg5[%dma_start3A_494, %dma_start3A_503, %dma_start3A_504] : memref<4x256x2048xf32, #tpu.memory_space<vmem>> -> memref<1x256x2048xf32, #tpu.memory_space<vmem>>
    %dma_start3A_506 = tpu.memref_squeeze %dma_start3A_505 : memref<1x256x2048xf32, #tpu.memory_space<vmem>> -> memref<256x2048xf32, #tpu.memory_space<vmem>>
    tpu.enqueue_dma source(%dma_start3A_506 : memref<256x2048xf32, #tpu.memory_space<vmem>>) target(%dma_start3A_502 : memref<256x2048xf32, #tpu.memory_space<any>>) target_semaphore(%dma_start3A_498 : memref<!tpu.dma_semaphore, #tpu.memory_space<semaphore_mem>>)
    %dma_start3A_507 = arith.constant 3 : i32
    %dma_start3A_508 = arith.constant 3 : i32
    %dma_start3A_509 = arith.constant 28 : i32
    %dma_start3A_510 = tpu.memref_slice %arg7[%dma_start3A_509] : memref<32x!tpu.dma_semaphore, #tpu.memory_space<semaphore_mem>> -> memref<1x!tpu.dma_semaphore, #tpu.memory_space<semaphore_mem>>
    %dma_start3A_511 = tpu.memref_squeeze %dma_start3A_510 : memref<1x!tpu.dma_semaphore, #tpu.memory_space<semaphore_mem>> -> memref<!tpu.dma_semaphore, #tpu.memory_space<semaphore_mem>>
    %dma_start3A_512 = arith.constant 1024 : i32
    %dma_start3A_513 = arith.constant 0 : i32
    %dma_start3A_514 = tpu.memref_slice %arg3[%dma_start3A_508, %dma_start3A_512, %dma_start3A_513] : memref<4x2048x2048xf32, #tpu.memory_space<any>> -> memref<1x256x2048xf32, #tpu.memory_space<any>>
    %dma_start3A_515 = tpu.memref_squeeze %dma_start3A_514 : memref<1x256x2048xf32, #tpu.memory_space<any>> -> memref<256x2048xf32, #tpu.memory_space<any>>
    %dma_start3A_516 = arith.constant 0 : i32
    %dma_start3A_517 = arith.constant 0 : i32
    %dma_start3A_518 = tpu.memref_slice %arg5[%dma_start3A_507, %dma_start3A_516, %dma_start3A_517] : memref<4x256x2048xf32, #tpu.memory_space<vmem>> -> memref<1x256x2048xf32, #tpu.memory_space<vmem>>
    %dma_start3A_519 = tpu.memref_squeeze %dma_start3A_518 : memref<1x256x2048xf32, #tpu.memory_space<vmem>> -> memref<256x2048xf32, #tpu.memory_space<vmem>>
    tpu.enqueue_dma source(%dma_start3A_519 : memref<256x2048xf32, #tpu.memory_space<vmem>>) target(%dma_start3A_515 : memref<256x2048xf32, #tpu.memory_space<any>>) target_semaphore(%dma_start3A_511 : memref<!tpu.dma_semaphore, #tpu.memory_space<semaphore_mem>>)
    %dma_start3A_520 = arith.constant 3 : i32
    %dma_start3A_521 = arith.constant 3 : i32
    %dma_start3A_522 = arith.constant 29 : i32
    %dma_start3A_523 = tpu.memref_slice %arg7[%dma_start3A_522] : memref<32x!tpu.dma_semaphore, #tpu.memory_space<semaphore_mem>> -> memref<1x!tpu.dma_semaphore, #tpu.memory_space<semaphore_mem>>
    %dma_start3A_524 = tpu.memref_squeeze %dma_start3A_523 : memref<1x!tpu.dma_semaphore, #tpu.memory_space<semaphore_mem>> -> memref<!tpu.dma_semaphore, #tpu.memory_space<semaphore_mem>>
    %dma_start3A_525 = arith.constant 1280 : i32
    %dma_start3A_526 = arith.constant 0 : i32
    %dma_start3A_527 = tpu.memref_slice %arg3[%dma_start3A_521, %dma_start3A_525, %dma_start3A_526] : memref<4x2048x2048xf32, #tpu.memory_space<any>> -> memref<1x256x2048xf32, #tpu.memory_space<any>>
    %dma_start3A_528 = tpu.memref_squeeze %dma_start3A_527 : memref<1x256x2048xf32, #tpu.memory_space<any>> -> memref<256x2048xf32, #tpu.memory_space<any>>
    %dma_start3A_529 = arith.constant 0 : i32
    %dma_start3A_530 = arith.constant 0 : i32
    %dma_start3A_531 = tpu.memref_slice %arg5[%dma_start3A_520, %dma_start3A_529, %dma_start3A_530] : memref<4x256x2048xf32, #tpu.memory_space<vmem>> -> memref<1x256x2048xf32, #tpu.memory_space<vmem>>
    %dma_start3A_532 = tpu.memref_squeeze %dma_start3A_531 : memref<1x256x2048xf32, #tpu.memory_space<vmem>> -> memref<256x2048xf32, #tpu.memory_space<vmem>>
    tpu.enqueue_dma source(%dma_start3A_532 : memref<256x2048xf32, #tpu.memory_space<vmem>>) target(%dma_start3A_528 : memref<256x2048xf32, #tpu.memory_space<any>>) target_semaphore(%dma_start3A_524 : memref<!tpu.dma_semaphore, #tpu.memory_space<semaphore_mem>>)
    %dma_start3A_533 = arith.constant 3 : i32
    %dma_start3A_534 = arith.constant 3 : i32
    %dma_start3A_535 = arith.constant 30 : i32
    %dma_start3A_536 = tpu.memref_slice %arg7[%dma_start3A_535] : memref<32x!tpu.dma_semaphore, #tpu.memory_space<semaphore_mem>> -> memref<1x!tpu.dma_semaphore, #tpu.memory_space<semaphore_mem>>
    %dma_start3A_537 = tpu.memref_squeeze %dma_start3A_536 : memref<1x!tpu.dma_semaphore, #tpu.memory_space<semaphore_mem>> -> memref<!tpu.dma_semaphore, #tpu.memory_space<semaphore_mem>>
    %dma_start3A_538 = arith.constant 1536 : i32
    %dma_start3A_539 = arith.constant 0 : i32
    %dma_start3A_540 = tpu.memref_slice %arg3[%dma_start3A_534, %dma_start3A_538, %dma_start3A_539] : memref<4x2048x2048xf32, #tpu.memory_space<any>> -> memref<1x256x2048xf32, #tpu.memory_space<any>>
    %dma_start3A_541 = tpu.memref_squeeze %dma_start3A_540 : memref<1x256x2048xf32, #tpu.memory_space<any>> -> memref<256x2048xf32, #tpu.memory_space<any>>
    %dma_start3A_542 = arith.constant 0 : i32
    %dma_start3A_543 = arith.constant 0 : i32
    %dma_start3A_544 = tpu.memref_slice %arg5[%dma_start3A_533, %dma_start3A_542, %dma_start3A_543] : memref<4x256x2048xf32, #tpu.memory_space<vmem>> -> memref<1x256x2048xf32, #tpu.memory_space<vmem>>
    %dma_start3A_545 = tpu.memref_squeeze %dma_start3A_544 : memref<1x256x2048xf32, #tpu.memory_space<vmem>> -> memref<256x2048xf32, #tpu.memory_space<vmem>>
    tpu.enqueue_dma source(%dma_start3A_545 : memref<256x2048xf32, #tpu.memory_space<vmem>>) target(%dma_start3A_541 : memref<256x2048xf32, #tpu.memory_space<any>>) target_semaphore(%dma_start3A_537 : memref<!tpu.dma_semaphore, #tpu.memory_space<semaphore_mem>>)
    %dma_start3A_546 = arith.constant 3 : i32
    %dma_start3A_547 = arith.constant 3 : i32
    %dma_start3A_548 = arith.constant 31 : i32
    %dma_start3A_549 = tpu.memref_slice %arg7[%dma_start3A_548] : memref<32x!tpu.dma_semaphore, #tpu.memory_space<semaphore_mem>> -> memref<1x!tpu.dma_semaphore, #tpu.memory_space<semaphore_mem>>
    %dma_start3A_550 = tpu.memref_squeeze %dma_start3A_549 : memref<1x!tpu.dma_semaphore, #tpu.memory_space<semaphore_mem>> -> memref<!tpu.dma_semaphore, #tpu.memory_space<semaphore_mem>>
    %dma_start3A_551 = arith.constant 1792 : i32
    %dma_start3A_552 = arith.constant 0 : i32
    %dma_start3A_553 = tpu.memref_slice %arg3[%dma_start3A_547, %dma_start3A_551, %dma_start3A_552] : memref<4x2048x2048xf32, #tpu.memory_space<any>> -> memref<1x256x2048xf32, #tpu.memory_space<any>>
    %dma_start3A_554 = tpu.memref_squeeze %dma_start3A_553 : memref<1x256x2048xf32, #tpu.memory_space<any>> -> memref<256x2048xf32, #tpu.memory_space<any>>
    %dma_start3A_555 = arith.constant 0 : i32
    %dma_start3A_556 = arith.constant 0 : i32
    %dma_start3A_557 = tpu.memref_slice %arg5[%dma_start3A_546, %dma_start3A_555, %dma_start3A_556] : memref<4x256x2048xf32, #tpu.memory_space<vmem>> -> memref<1x256x2048xf32, #tpu.memory_space<vmem>>
    %dma_start3A_558 = tpu.memref_squeeze %dma_start3A_557 : memref<1x256x2048xf32, #tpu.memory_space<vmem>> -> memref<256x2048xf32, #tpu.memory_space<vmem>>
    tpu.enqueue_dma source(%dma_start3A_558 : memref<256x2048xf32, #tpu.memory_space<vmem>>) target(%dma_start3A_554 : memref<256x2048xf32, #tpu.memory_space<any>>) target_semaphore(%dma_start3A_550 : memref<!tpu.dma_semaphore, #tpu.memory_space<semaphore_mem>>)
    %dma_wait3A_559 = arith.constant 0 : i32
    %dma_wait3A_560 = arith.constant 0 : i32
    %dma_wait3A_561 = arith.constant 0 : i32
    %dma_wait3A_562 = tpu.memref_slice %arg7[%dma_wait3A_561] : memref<32x!tpu.dma_semaphore, #tpu.memory_space<semaphore_mem>> -> memref<1x!tpu.dma_semaphore, #tpu.memory_space<semaphore_mem>>
    %dma_wait3A_563 = tpu.memref_squeeze %dma_wait3A_562 : memref<1x!tpu.dma_semaphore, #tpu.memory_space<semaphore_mem>> -> memref<!tpu.dma_semaphore, #tpu.memory_space<semaphore_mem>>
    %dma_wait3A_564 = arith.constant 0 : i32
    %dma_wait3A_565 = arith.constant 0 : i32
    %dma_wait3A_566 = tpu.memref_slice %arg3[%dma_wait3A_560, %dma_wait3A_564, %dma_wait3A_565] : memref<4x2048x2048xf32, #tpu.memory_space<any>> -> memref<1x256x2048xf32, #tpu.memory_space<any>>
    %dma_wait3A_567 = tpu.memref_squeeze %dma_wait3A_566 : memref<1x256x2048xf32, #tpu.memory_space<any>> -> memref<256x2048xf32, #tpu.memory_space<any>>
    %dma_wait3A_568 = arith.constant 0 : i32
    %dma_wait3A_569 = arith.constant 0 : i32
    %dma_wait3A_570 = tpu.memref_slice %arg5[%dma_wait3A_559, %dma_wait3A_568, %dma_wait3A_569] : memref<4x256x2048xf32, #tpu.memory_space<vmem>> -> memref<1x256x2048xf32, #tpu.memory_space<vmem>>
    %dma_wait3A_571 = tpu.memref_squeeze %dma_wait3A_570 : memref<1x256x2048xf32, #tpu.memory_space<vmem>> -> memref<256x2048xf32, #tpu.memory_space<vmem>>
    tpu.wait_dma2 semaphore(%dma_wait3A_563 : memref<!tpu.dma_semaphore, #tpu.memory_space<semaphore_mem>>) src(%dma_wait3A_571 : memref<256x2048xf32, #tpu.memory_space<vmem>>) dst(%dma_wait3A_567 : memref<256x2048xf32, #tpu.memory_space<any>>)
    %dma_wait3A_572 = arith.constant 0 : i32
    %dma_wait3A_573 = arith.constant 0 : i32
    %dma_wait3A_574 = arith.constant 1 : i32
    %dma_wait3A_575 = tpu.memref_slice %arg7[%dma_wait3A_574] : memref<32x!tpu.dma_semaphore, #tpu.memory_space<semaphore_mem>> -> memref<1x!tpu.dma_semaphore, #tpu.memory_space<semaphore_mem>>
    %dma_wait3A_576 = tpu.memref_squeeze %dma_wait3A_575 : memref<1x!tpu.dma_semaphore, #tpu.memory_space<semaphore_mem>> -> memref<!tpu.dma_semaphore, #tpu.memory_space<semaphore_mem>>
    %dma_wait3A_577 = arith.constant 256 : i32
    %dma_wait3A_578 = arith.constant 0 : i32
    %dma_wait3A_579 = tpu.memref_slice %arg3[%dma_wait3A_573, %dma_wait3A_577, %dma_wait3A_578] : memref<4x2048x2048xf32, #tpu.memory_space<any>> -> memref<1x256x2048xf32, #tpu.memory_space<any>>
    %dma_wait3A_580 = tpu.memref_squeeze %dma_wait3A_579 : memref<1x256x2048xf32, #tpu.memory_space<any>> -> memref<256x2048xf32, #tpu.memory_space<any>>
    %dma_wait3A_581 = arith.constant 0 : i32
    %dma_wait3A_582 = arith.constant 0 : i32
    %dma_wait3A_583 = tpu.memref_slice %arg5[%dma_wait3A_572, %dma_wait3A_581, %dma_wait3A_582] : memref<4x256x2048xf32, #tpu.memory_space<vmem>> -> memref<1x256x2048xf32, #tpu.memory_space<vmem>>
    %dma_wait3A_584 = tpu.memref_squeeze %dma_wait3A_583 : memref<1x256x2048xf32, #tpu.memory_space<vmem>> -> memref<256x2048xf32, #tpu.memory_space<vmem>>
    tpu.wait_dma2 semaphore(%dma_wait3A_576 : memref<!tpu.dma_semaphore, #tpu.memory_space<semaphore_mem>>) src(%dma_wait3A_584 : memref<256x2048xf32, #tpu.memory_space<vmem>>) dst(%dma_wait3A_580 : memref<256x2048xf32, #tpu.memory_space<any>>)
    %dma_wait3A_585 = arith.constant 0 : i32
    %dma_wait3A_586 = arith.constant 0 : i32
    %dma_wait3A_587 = arith.constant 2 : i32
    %dma_wait3A_588 = tpu.memref_slice %arg7[%dma_wait3A_587] : memref<32x!tpu.dma_semaphore, #tpu.memory_space<semaphore_mem>> -> memref<1x!tpu.dma_semaphore, #tpu.memory_space<semaphore_mem>>
    %dma_wait3A_589 = tpu.memref_squeeze %dma_wait3A_588 : memref<1x!tpu.dma_semaphore, #tpu.memory_space<semaphore_mem>> -> memref<!tpu.dma_semaphore, #tpu.memory_space<semaphore_mem>>
    %dma_wait3A_590 = arith.constant 512 : i32
    %dma_wait3A_591 = arith.constant 0 : i32
    %dma_wait3A_592 = tpu.memref_slice %arg3[%dma_wait3A_586, %dma_wait3A_590, %dma_wait3A_591] : memref<4x2048x2048xf32, #tpu.memory_space<any>> -> memref<1x256x2048xf32, #tpu.memory_space<any>>
    %dma_wait3A_593 = tpu.memref_squeeze %dma_wait3A_592 : memref<1x256x2048xf32, #tpu.memory_space<any>> -> memref<256x2048xf32, #tpu.memory_space<any>>
    %dma_wait3A_594 = arith.constant 0 : i32
    %dma_wait3A_595 = arith.constant 0 : i32
    %dma_wait3A_596 = tpu.memref_slice %arg5[%dma_wait3A_585, %dma_wait3A_594, %dma_wait3A_595] : memref<4x256x2048xf32, #tpu.memory_space<vmem>> -> memref<1x256x2048xf32, #tpu.memory_space<vmem>>
    %dma_wait3A_597 = tpu.memref_squeeze %dma_wait3A_596 : memref<1x256x2048xf32, #tpu.memory_space<vmem>> -> memref<256x2048xf32, #tpu.memory_space<vmem>>
    tpu.wait_dma2 semaphore(%dma_wait3A_589 : memref<!tpu.dma_semaphore, #tpu.memory_space<semaphore_mem>>) src(%dma_wait3A_597 : memref<256x2048xf32, #tpu.memory_space<vmem>>) dst(%dma_wait3A_593 : memref<256x2048xf32, #tpu.memory_space<any>>)
    %dma_wait3A_598 = arith.constant 0 : i32
    %dma_wait3A_599 = arith.constant 0 : i32
    %dma_wait3A_600 = arith.constant 3 : i32
    %dma_wait3A_601 = tpu.memref_slice %arg7[%dma_wait3A_600] : memref<32x!tpu.dma_semaphore, #tpu.memory_space<semaphore_mem>> -> memref<1x!tpu.dma_semaphore, #tpu.memory_space<semaphore_mem>>
    %dma_wait3A_602 = tpu.memref_squeeze %dma_wait3A_601 : memref<1x!tpu.dma_semaphore, #tpu.memory_space<semaphore_mem>> -> memref<!tpu.dma_semaphore, #tpu.memory_space<semaphore_mem>>
    %dma_wait3A_603 = arith.constant 768 : i32
    %dma_wait3A_604 = arith.constant 0 : i32
    %dma_wait3A_605 = tpu.memref_slice %arg3[%dma_wait3A_599, %dma_wait3A_603, %dma_wait3A_604] : memref<4x2048x2048xf32, #tpu.memory_space<any>> -> memref<1x256x2048xf32, #tpu.memory_space<any>>
    %dma_wait3A_606 = tpu.memref_squeeze %dma_wait3A_605 : memref<1x256x2048xf32, #tpu.memory_space<any>> -> memref<256x2048xf32, #tpu.memory_space<any>>
    %dma_wait3A_607 = arith.constant 0 : i32
    %dma_wait3A_608 = arith.constant 0 : i32
    %dma_wait3A_609 = tpu.memref_slice %arg5[%dma_wait3A_598, %dma_wait3A_607, %dma_wait3A_608] : memref<4x256x2048xf32, #tpu.memory_space<vmem>> -> memref<1x256x2048xf32, #tpu.memory_space<vmem>>
    %dma_wait3A_610 = tpu.memref_squeeze %dma_wait3A_609 : memref<1x256x2048xf32, #tpu.memory_space<vmem>> -> memref<256x2048xf32, #tpu.memory_space<vmem>>
    tpu.wait_dma2 semaphore(%dma_wait3A_602 : memref<!tpu.dma_semaphore, #tpu.memory_space<semaphore_mem>>) src(%dma_wait3A_610 : memref<256x2048xf32, #tpu.memory_space<vmem>>) dst(%dma_wait3A_606 : memref<256x2048xf32, #tpu.memory_space<any>>)
    %dma_wait3A_611 = arith.constant 0 : i32
    %dma_wait3A_612 = arith.constant 0 : i32
    %dma_wait3A_613 = arith.constant 4 : i32
    %dma_wait3A_614 = tpu.memref_slice %arg7[%dma_wait3A_613] : memref<32x!tpu.dma_semaphore, #tpu.memory_space<semaphore_mem>> -> memref<1x!tpu.dma_semaphore, #tpu.memory_space<semaphore_mem>>
    %dma_wait3A_615 = tpu.memref_squeeze %dma_wait3A_614 : memref<1x!tpu.dma_semaphore, #tpu.memory_space<semaphore_mem>> -> memref<!tpu.dma_semaphore, #tpu.memory_space<semaphore_mem>>
    %dma_wait3A_616 = arith.constant 1024 : i32
    %dma_wait3A_617 = arith.constant 0 : i32
    %dma_wait3A_618 = tpu.memref_slice %arg3[%dma_wait3A_612, %dma_wait3A_616, %dma_wait3A_617] : memref<4x2048x2048xf32, #tpu.memory_space<any>> -> memref<1x256x2048xf32, #tpu.memory_space<any>>
    %dma_wait3A_619 = tpu.memref_squeeze %dma_wait3A_618 : memref<1x256x2048xf32, #tpu.memory_space<any>> -> memref<256x2048xf32, #tpu.memory_space<any>>
    %dma_wait3A_620 = arith.constant 0 : i32
    %dma_wait3A_621 = arith.constant 0 : i32
    %dma_wait3A_622 = tpu.memref_slice %arg5[%dma_wait3A_611, %dma_wait3A_620, %dma_wait3A_621] : memref<4x256x2048xf32, #tpu.memory_space<vmem>> -> memref<1x256x2048xf32, #tpu.memory_space<vmem>>
    %dma_wait3A_623 = tpu.memref_squeeze %dma_wait3A_622 : memref<1x256x2048xf32, #tpu.memory_space<vmem>> -> memref<256x2048xf32, #tpu.memory_space<vmem>>
    tpu.wait_dma2 semaphore(%dma_wait3A_615 : memref<!tpu.dma_semaphore, #tpu.memory_space<semaphore_mem>>) src(%dma_wait3A_623 : memref<256x2048xf32, #tpu.memory_space<vmem>>) dst(%dma_wait3A_619 : memref<256x2048xf32, #tpu.memory_space<any>>)
    %dma_wait3A_624 = arith.constant 0 : i32
    %dma_wait3A_625 = arith.constant 0 : i32
    %dma_wait3A_626 = arith.constant 5 : i32
    %dma_wait3A_627 = tpu.memref_slice %arg7[%dma_wait3A_626] : memref<32x!tpu.dma_semaphore, #tpu.memory_space<semaphore_mem>> -> memref<1x!tpu.dma_semaphore, #tpu.memory_space<semaphore_mem>>
    %dma_wait3A_628 = tpu.memref_squeeze %dma_wait3A_627 : memref<1x!tpu.dma_semaphore, #tpu.memory_space<semaphore_mem>> -> memref<!tpu.dma_semaphore, #tpu.memory_space<semaphore_mem>>
    %dma_wait3A_629 = arith.constant 1280 : i32
    %dma_wait3A_630 = arith.constant 0 : i32
    %dma_wait3A_631 = tpu.memref_slice %arg3[%dma_wait3A_625, %dma_wait3A_629, %dma_wait3A_630] : memref<4x2048x2048xf32, #tpu.memory_space<any>> -> memref<1x256x2048xf32, #tpu.memory_space<any>>
    %dma_wait3A_632 = tpu.memref_squeeze %dma_wait3A_631 : memref<1x256x2048xf32, #tpu.memory_space<any>> -> memref<256x2048xf32, #tpu.memory_space<any>>
    %dma_wait3A_633 = arith.constant 0 : i32
    %dma_wait3A_634 = arith.constant 0 : i32
    %dma_wait3A_635 = tpu.memref_slice %arg5[%dma_wait3A_624, %dma_wait3A_633, %dma_wait3A_634] : memref<4x256x2048xf32, #tpu.memory_space<vmem>> -> memref<1x256x2048xf32, #tpu.memory_space<vmem>>
    %dma_wait3A_636 = tpu.memref_squeeze %dma_wait3A_635 : memref<1x256x2048xf32, #tpu.memory_space<vmem>> -> memref<256x2048xf32, #tpu.memory_space<vmem>>
    tpu.wait_dma2 semaphore(%dma_wait3A_628 : memref<!tpu.dma_semaphore, #tpu.memory_space<semaphore_mem>>) src(%dma_wait3A_636 : memref<256x2048xf32, #tpu.memory_space<vmem>>) dst(%dma_wait3A_632 : memref<256x2048xf32, #tpu.memory_space<any>>)
    %dma_wait3A_637 = arith.constant 0 : i32
    %dma_wait3A_638 = arith.constant 0 : i32
    %dma_wait3A_639 = arith.constant 6 : i32
    %dma_wait3A_640 = tpu.memref_slice %arg7[%dma_wait3A_639] : memref<32x!tpu.dma_semaphore, #tpu.memory_space<semaphore_mem>> -> memref<1x!tpu.dma_semaphore, #tpu.memory_space<semaphore_mem>>
    %dma_wait3A_641 = tpu.memref_squeeze %dma_wait3A_640 : memref<1x!tpu.dma_semaphore, #tpu.memory_space<semaphore_mem>> -> memref<!tpu.dma_semaphore, #tpu.memory_space<semaphore_mem>>
    %dma_wait3A_642 = arith.constant 1536 : i32
    %dma_wait3A_643 = arith.constant 0 : i32
    %dma_wait3A_644 = tpu.memref_slice %arg3[%dma_wait3A_638, %dma_wait3A_642, %dma_wait3A_643] : memref<4x2048x2048xf32, #tpu.memory_space<any>> -> memref<1x256x2048xf32, #tpu.memory_space<any>>
    %dma_wait3A_645 = tpu.memref_squeeze %dma_wait3A_644 : memref<1x256x2048xf32, #tpu.memory_space<any>> -> memref<256x2048xf32, #tpu.memory_space<any>>
    %dma_wait3A_646 = arith.constant 0 : i32
    %dma_wait3A_647 = arith.constant 0 : i32
    %dma_wait3A_648 = tpu.memref_slice %arg5[%dma_wait3A_637, %dma_wait3A_646, %dma_wait3A_647] : memref<4x256x2048xf32, #tpu.memory_space<vmem>> -> memref<1x256x2048xf32, #tpu.memory_space<vmem>>
    %dma_wait3A_649 = tpu.memref_squeeze %dma_wait3A_648 : memref<1x256x2048xf32, #tpu.memory_space<vmem>> -> memref<256x2048xf32, #tpu.memory_space<vmem>>
    tpu.wait_dma2 semaphore(%dma_wait3A_641 : memref<!tpu.dma_semaphore, #tpu.memory_space<semaphore_mem>>) src(%dma_wait3A_649 : memref<256x2048xf32, #tpu.memory_space<vmem>>) dst(%dma_wait3A_645 : memref<256x2048xf32, #tpu.memory_space<any>>)
    %dma_wait3A_650 = arith.constant 0 : i32
    %dma_wait3A_651 = arith.constant 0 : i32
    %dma_wait3A_652 = arith.constant 7 : i32
    %dma_wait3A_653 = tpu.memref_slice %arg7[%dma_wait3A_652] : memref<32x!tpu.dma_semaphore, #tpu.memory_space<semaphore_mem>> -> memref<1x!tpu.dma_semaphore, #tpu.memory_space<semaphore_mem>>
    %dma_wait3A_654 = tpu.memref_squeeze %dma_wait3A_653 : memref<1x!tpu.dma_semaphore, #tpu.memory_space<semaphore_mem>> -> memref<!tpu.dma_semaphore, #tpu.memory_space<semaphore_mem>>
    %dma_wait3A_655 = arith.constant 1792 : i32
    %dma_wait3A_656 = arith.constant 0 : i32
    %dma_wait3A_657 = tpu.memref_slice %arg3[%dma_wait3A_651, %dma_wait3A_655, %dma_wait3A_656] : memref<4x2048x2048xf32, #tpu.memory_space<any>> -> memref<1x256x2048xf32, #tpu.memory_space<any>>
    %dma_wait3A_658 = tpu.memref_squeeze %dma_wait3A_657 : memref<1x256x2048xf32, #tpu.memory_space<any>> -> memref<256x2048xf32, #tpu.memory_space<any>>
    %dma_wait3A_659 = arith.constant 0 : i32
    %dma_wait3A_660 = arith.constant 0 : i32
    %dma_wait3A_661 = tpu.memref_slice %arg5[%dma_wait3A_650, %dma_wait3A_659, %dma_wait3A_660] : memref<4x256x2048xf32, #tpu.memory_space<vmem>> -> memref<1x256x2048xf32, #tpu.memory_space<vmem>>
    %dma_wait3A_662 = tpu.memref_squeeze %dma_wait3A_661 : memref<1x256x2048xf32, #tpu.memory_space<vmem>> -> memref<256x2048xf32, #tpu.memory_space<vmem>>
    tpu.wait_dma2 semaphore(%dma_wait3A_654 : memref<!tpu.dma_semaphore, #tpu.memory_space<semaphore_mem>>) src(%dma_wait3A_662 : memref<256x2048xf32, #tpu.memory_space<vmem>>) dst(%dma_wait3A_658 : memref<256x2048xf32, #tpu.memory_space<any>>)
    %dma_wait3A_663 = arith.constant 1 : i32
    %dma_wait3A_664 = arith.constant 1 : i32
    %dma_wait3A_665 = arith.constant 8 : i32
    %dma_wait3A_666 = tpu.memref_slice %arg7[%dma_wait3A_665] : memref<32x!tpu.dma_semaphore, #tpu.memory_space<semaphore_mem>> -> memref<1x!tpu.dma_semaphore, #tpu.memory_space<semaphore_mem>>
    %dma_wait3A_667 = tpu.memref_squeeze %dma_wait3A_666 : memref<1x!tpu.dma_semaphore, #tpu.memory_space<semaphore_mem>> -> memref<!tpu.dma_semaphore, #tpu.memory_space<semaphore_mem>>
    %dma_wait3A_668 = arith.constant 0 : i32
    %dma_wait3A_669 = arith.constant 0 : i32
    %dma_wait3A_670 = tpu.memref_slice %arg3[%dma_wait3A_664, %dma_wait3A_668, %dma_wait3A_669] : memref<4x2048x2048xf32, #tpu.memory_space<any>> -> memref<1x256x2048xf32, #tpu.memory_space<any>>
    %dma_wait3A_671 = tpu.memref_squeeze %dma_wait3A_670 : memref<1x256x2048xf32, #tpu.memory_space<any>> -> memref<256x2048xf32, #tpu.memory_space<any>>
    %dma_wait3A_672 = arith.constant 0 : i32
    %dma_wait3A_673 = arith.constant 0 : i32
    %dma_wait3A_674 = tpu.memref_slice %arg5[%dma_wait3A_663, %dma_wait3A_672, %dma_wait3A_673] : memref<4x256x2048xf32, #tpu.memory_space<vmem>> -> memref<1x256x2048xf32, #tpu.memory_space<vmem>>
    %dma_wait3A_675 = tpu.memref_squeeze %dma_wait3A_674 : memref<1x256x2048xf32, #tpu.memory_space<vmem>> -> memref<256x2048xf32, #tpu.memory_space<vmem>>
    tpu.wait_dma2 semaphore(%dma_wait3A_667 : memref<!tpu.dma_semaphore, #tpu.memory_space<semaphore_mem>>) src(%dma_wait3A_675 : memref<256x2048xf32, #tpu.memory_space<vmem>>) dst(%dma_wait3A_671 : memref<256x2048xf32, #tpu.memory_space<any>>)
    %dma_wait3A_676 = arith.constant 1 : i32
    %dma_wait3A_677 = arith.constant 1 : i32
    %dma_wait3A_678 = arith.constant 9 : i32
    %dma_wait3A_679 = tpu.memref_slice %arg7[%dma_wait3A_678] : memref<32x!tpu.dma_semaphore, #tpu.memory_space<semaphore_mem>> -> memref<1x!tpu.dma_semaphore, #tpu.memory_space<semaphore_mem>>
    %dma_wait3A_680 = tpu.memref_squeeze %dma_wait3A_679 : memref<1x!tpu.dma_semaphore, #tpu.memory_space<semaphore_mem>> -> memref<!tpu.dma_semaphore, #tpu.memory_space<semaphore_mem>>
    %dma_wait3A_681 = arith.constant 256 : i32
    %dma_wait3A_682 = arith.constant 0 : i32
    %dma_wait3A_683 = tpu.memref_slice %arg3[%dma_wait3A_677, %dma_wait3A_681, %dma_wait3A_682] : memref<4x2048x2048xf32, #tpu.memory_space<any>> -> memref<1x256x2048xf32, #tpu.memory_space<any>>
    %dma_wait3A_684 = tpu.memref_squeeze %dma_wait3A_683 : memref<1x256x2048xf32, #tpu.memory_space<any>> -> memref<256x2048xf32, #tpu.memory_space<any>>
    %dma_wait3A_685 = arith.constant 0 : i32
    %dma_wait3A_686 = arith.constant 0 : i32
    %dma_wait3A_687 = tpu.memref_slice %arg5[%dma_wait3A_676, %dma_wait3A_685, %dma_wait3A_686] : memref<4x256x2048xf32, #tpu.memory_space<vmem>> -> memref<1x256x2048xf32, #tpu.memory_space<vmem>>
    %dma_wait3A_688 = tpu.memref_squeeze %dma_wait3A_687 : memref<1x256x2048xf32, #tpu.memory_space<vmem>> -> memref<256x2048xf32, #tpu.memory_space<vmem>>
    tpu.wait_dma2 semaphore(%dma_wait3A_680 : memref<!tpu.dma_semaphore, #tpu.memory_space<semaphore_mem>>) src(%dma_wait3A_688 : memref<256x2048xf32, #tpu.memory_space<vmem>>) dst(%dma_wait3A_684 : memref<256x2048xf32, #tpu.memory_space<any>>)
    %dma_wait3A_689 = arith.constant 1 : i32
    %dma_wait3A_690 = arith.constant 1 : i32
    %dma_wait3A_691 = arith.constant 10 : i32
    %dma_wait3A_692 = tpu.memref_slice %arg7[%dma_wait3A_691] : memref<32x!tpu.dma_semaphore, #tpu.memory_space<semaphore_mem>> -> memref<1x!tpu.dma_semaphore, #tpu.memory_space<semaphore_mem>>
    %dma_wait3A_693 = tpu.memref_squeeze %dma_wait3A_692 : memref<1x!tpu.dma_semaphore, #tpu.memory_space<semaphore_mem>> -> memref<!tpu.dma_semaphore, #tpu.memory_space<semaphore_mem>>
    %dma_wait3A_694 = arith.constant 512 : i32
    %dma_wait3A_695 = arith.constant 0 : i32
    %dma_wait3A_696 = tpu.memref_slice %arg3[%dma_wait3A_690, %dma_wait3A_694, %dma_wait3A_695] : memref<4x2048x2048xf32, #tpu.memory_space<any>> -> memref<1x256x2048xf32, #tpu.memory_space<any>>
    %dma_wait3A_697 = tpu.memref_squeeze %dma_wait3A_696 : memref<1x256x2048xf32, #tpu.memory_space<any>> -> memref<256x2048xf32, #tpu.memory_space<any>>
    %dma_wait3A_698 = arith.constant 0 : i32
    %dma_wait3A_699 = arith.constant 0 : i32
    %dma_wait3A_700 = tpu.memref_slice %arg5[%dma_wait3A_689, %dma_wait3A_698, %dma_wait3A_699] : memref<4x256x2048xf32, #tpu.memory_space<vmem>> -> memref<1x256x2048xf32, #tpu.memory_space<vmem>>
    %dma_wait3A_701 = tpu.memref_squeeze %dma_wait3A_700 : memref<1x256x2048xf32, #tpu.memory_space<vmem>> -> memref<256x2048xf32, #tpu.memory_space<vmem>>
    tpu.wait_dma2 semaphore(%dma_wait3A_693 : memref<!tpu.dma_semaphore, #tpu.memory_space<semaphore_mem>>) src(%dma_wait3A_701 : memref<256x2048xf32, #tpu.memory_space<vmem>>) dst(%dma_wait3A_697 : memref<256x2048xf32, #tpu.memory_space<any>>)
    %dma_wait3A_702 = arith.constant 1 : i32
    %dma_wait3A_703 = arith.constant 1 : i32
    %dma_wait3A_704 = arith.constant 11 : i32
    %dma_wait3A_705 = tpu.memref_slice %arg7[%dma_wait3A_704] : memref<32x!tpu.dma_semaphore, #tpu.memory_space<semaphore_mem>> -> memref<1x!tpu.dma_semaphore, #tpu.memory_space<semaphore_mem>>
    %dma_wait3A_706 = tpu.memref_squeeze %dma_wait3A_705 : memref<1x!tpu.dma_semaphore, #tpu.memory_space<semaphore_mem>> -> memref<!tpu.dma_semaphore, #tpu.memory_space<semaphore_mem>>
    %dma_wait3A_707 = arith.constant 768 : i32
    %dma_wait3A_708 = arith.constant 0 : i32
    %dma_wait3A_709 = tpu.memref_slice %arg3[%dma_wait3A_703, %dma_wait3A_707, %dma_wait3A_708] : memref<4x2048x2048xf32, #tpu.memory_space<any>> -> memref<1x256x2048xf32, #tpu.memory_space<any>>
    %dma_wait3A_710 = tpu.memref_squeeze %dma_wait3A_709 : memref<1x256x2048xf32, #tpu.memory_space<any>> -> memref<256x2048xf32, #tpu.memory_space<any>>
    %dma_wait3A_711 = arith.constant 0 : i32
    %dma_wait3A_712 = arith.constant 0 : i32
    %dma_wait3A_713 = tpu.memref_slice %arg5[%dma_wait3A_702, %dma_wait3A_711, %dma_wait3A_712] : memref<4x256x2048xf32, #tpu.memory_space<vmem>> -> memref<1x256x2048xf32, #tpu.memory_space<vmem>>
    %dma_wait3A_714 = tpu.memref_squeeze %dma_wait3A_713 : memref<1x256x2048xf32, #tpu.memory_space<vmem>> -> memref<256x2048xf32, #tpu.memory_space<vmem>>
    tpu.wait_dma2 semaphore(%dma_wait3A_706 : memref<!tpu.dma_semaphore, #tpu.memory_space<semaphore_mem>>) src(%dma_wait3A_714 : memref<256x2048xf32, #tpu.memory_space<vmem>>) dst(%dma_wait3A_710 : memref<256x2048xf32, #tpu.memory_space<any>>)
    %dma_wait3A_715 = arith.constant 1 : i32
    %dma_wait3A_716 = arith.constant 1 : i32
    %dma_wait3A_717 = arith.constant 12 : i32
    %dma_wait3A_718 = tpu.memref_slice %arg7[%dma_wait3A_717] : memref<32x!tpu.dma_semaphore, #tpu.memory_space<semaphore_mem>> -> memref<1x!tpu.dma_semaphore, #tpu.memory_space<semaphore_mem>>
    %dma_wait3A_719 = tpu.memref_squeeze %dma_wait3A_718 : memref<1x!tpu.dma_semaphore, #tpu.memory_space<semaphore_mem>> -> memref<!tpu.dma_semaphore, #tpu.memory_space<semaphore_mem>>
    %dma_wait3A_720 = arith.constant 1024 : i32
    %dma_wait3A_721 = arith.constant 0 : i32
    %dma_wait3A_722 = tpu.memref_slice %arg3[%dma_wait3A_716, %dma_wait3A_720, %dma_wait3A_721] : memref<4x2048x2048xf32, #tpu.memory_space<any>> -> memref<1x256x2048xf32, #tpu.memory_space<any>>
    %dma_wait3A_723 = tpu.memref_squeeze %dma_wait3A_722 : memref<1x256x2048xf32, #tpu.memory_space<any>> -> memref<256x2048xf32, #tpu.memory_space<any>>
    %dma_wait3A_724 = arith.constant 0 : i32
    %dma_wait3A_725 = arith.constant 0 : i32
    %dma_wait3A_726 = tpu.memref_slice %arg5[%dma_wait3A_715, %dma_wait3A_724, %dma_wait3A_725] : memref<4x256x2048xf32, #tpu.memory_space<vmem>> -> memref<1x256x2048xf32, #tpu.memory_space<vmem>>
    %dma_wait3A_727 = tpu.memref_squeeze %dma_wait3A_726 : memref<1x256x2048xf32, #tpu.memory_space<vmem>> -> memref<256x2048xf32, #tpu.memory_space<vmem>>
    tpu.wait_dma2 semaphore(%dma_wait3A_719 : memref<!tpu.dma_semaphore, #tpu.memory_space<semaphore_mem>>) src(%dma_wait3A_727 : memref<256x2048xf32, #tpu.memory_space<vmem>>) dst(%dma_wait3A_723 : memref<256x2048xf32, #tpu.memory_space<any>>)
    %dma_wait3A_728 = arith.constant 1 : i32
    %dma_wait3A_729 = arith.constant 1 : i32
    %dma_wait3A_730 = arith.constant 13 : i32
    %dma_wait3A_731 = tpu.memref_slice %arg7[%dma_wait3A_730] : memref<32x!tpu.dma_semaphore, #tpu.memory_space<semaphore_mem>> -> memref<1x!tpu.dma_semaphore, #tpu.memory_space<semaphore_mem>>
    %dma_wait3A_732 = tpu.memref_squeeze %dma_wait3A_731 : memref<1x!tpu.dma_semaphore, #tpu.memory_space<semaphore_mem>> -> memref<!tpu.dma_semaphore, #tpu.memory_space<semaphore_mem>>
    %dma_wait3A_733 = arith.constant 1280 : i32
    %dma_wait3A_734 = arith.constant 0 : i32
    %dma_wait3A_735 = tpu.memref_slice %arg3[%dma_wait3A_729, %dma_wait3A_733, %dma_wait3A_734] : memref<4x2048x2048xf32, #tpu.memory_space<any>> -> memref<1x256x2048xf32, #tpu.memory_space<any>>
    %dma_wait3A_736 = tpu.memref_squeeze %dma_wait3A_735 : memref<1x256x2048xf32, #tpu.memory_space<any>> -> memref<256x2048xf32, #tpu.memory_space<any>>
    %dma_wait3A_737 = arith.constant 0 : i32
    %dma_wait3A_738 = arith.constant 0 : i32
    %dma_wait3A_739 = tpu.memref_slice %arg5[%dma_wait3A_728, %dma_wait3A_737, %dma_wait3A_738] : memref<4x256x2048xf32, #tpu.memory_space<vmem>> -> memref<1x256x2048xf32, #tpu.memory_space<vmem>>
    %dma_wait3A_740 = tpu.memref_squeeze %dma_wait3A_739 : memref<1x256x2048xf32, #tpu.memory_space<vmem>> -> memref<256x2048xf32, #tpu.memory_space<vmem>>
    tpu.wait_dma2 semaphore(%dma_wait3A_732 : memref<!tpu.dma_semaphore, #tpu.memory_space<semaphore_mem>>) src(%dma_wait3A_740 : memref<256x2048xf32, #tpu.memory_space<vmem>>) dst(%dma_wait3A_736 : memref<256x2048xf32, #tpu.memory_space<any>>)
    %dma_wait3A_741 = arith.constant 1 : i32
    %dma_wait3A_742 = arith.constant 1 : i32
    %dma_wait3A_743 = arith.constant 14 : i32
    %dma_wait3A_744 = tpu.memref_slice %arg7[%dma_wait3A_743] : memref<32x!tpu.dma_semaphore, #tpu.memory_space<semaphore_mem>> -> memref<1x!tpu.dma_semaphore, #tpu.memory_space<semaphore_mem>>
    %dma_wait3A_745 = tpu.memref_squeeze %dma_wait3A_744 : memref<1x!tpu.dma_semaphore, #tpu.memory_space<semaphore_mem>> -> memref<!tpu.dma_semaphore, #tpu.memory_space<semaphore_mem>>
    %dma_wait3A_746 = arith.constant 1536 : i32
    %dma_wait3A_747 = arith.constant 0 : i32
    %dma_wait3A_748 = tpu.memref_slice %arg3[%dma_wait3A_742, %dma_wait3A_746, %dma_wait3A_747] : memref<4x2048x2048xf32, #tpu.memory_space<any>> -> memref<1x256x2048xf32, #tpu.memory_space<any>>
    %dma_wait3A_749 = tpu.memref_squeeze %dma_wait3A_748 : memref<1x256x2048xf32, #tpu.memory_space<any>> -> memref<256x2048xf32, #tpu.memory_space<any>>
    %dma_wait3A_750 = arith.constant 0 : i32
    %dma_wait3A_751 = arith.constant 0 : i32
    %dma_wait3A_752 = tpu.memref_slice %arg5[%dma_wait3A_741, %dma_wait3A_750, %dma_wait3A_751] : memref<4x256x2048xf32, #tpu.memory_space<vmem>> -> memref<1x256x2048xf32, #tpu.memory_space<vmem>>
    %dma_wait3A_753 = tpu.memref_squeeze %dma_wait3A_752 : memref<1x256x2048xf32, #tpu.memory_space<vmem>> -> memref<256x2048xf32, #tpu.memory_space<vmem>>
    tpu.wait_dma2 semaphore(%dma_wait3A_745 : memref<!tpu.dma_semaphore, #tpu.memory_space<semaphore_mem>>) src(%dma_wait3A_753 : memref<256x2048xf32, #tpu.memory_space<vmem>>) dst(%dma_wait3A_749 : memref<256x2048xf32, #tpu.memory_space<any>>)
    %dma_wait3A_754 = arith.constant 1 : i32
    %dma_wait3A_755 = arith.constant 1 : i32
    %dma_wait3A_756 = arith.constant 15 : i32
    %dma_wait3A_757 = tpu.memref_slice %arg7[%dma_wait3A_756] : memref<32x!tpu.dma_semaphore, #tpu.memory_space<semaphore_mem>> -> memref<1x!tpu.dma_semaphore, #tpu.memory_space<semaphore_mem>>
    %dma_wait3A_758 = tpu.memref_squeeze %dma_wait3A_757 : memref<1x!tpu.dma_semaphore, #tpu.memory_space<semaphore_mem>> -> memref<!tpu.dma_semaphore, #tpu.memory_space<semaphore_mem>>
    %dma_wait3A_759 = arith.constant 1792 : i32
    %dma_wait3A_760 = arith.constant 0 : i32
    %dma_wait3A_761 = tpu.memref_slice %arg3[%dma_wait3A_755, %dma_wait3A_759, %dma_wait3A_760] : memref<4x2048x2048xf32, #tpu.memory_space<any>> -> memref<1x256x2048xf32, #tpu.memory_space<any>>
    %dma_wait3A_762 = tpu.memref_squeeze %dma_wait3A_761 : memref<1x256x2048xf32, #tpu.memory_space<any>> -> memref<256x2048xf32, #tpu.memory_space<any>>
    %dma_wait3A_763 = arith.constant 0 : i32
    %dma_wait3A_764 = arith.constant 0 : i32
    %dma_wait3A_765 = tpu.memref_slice %arg5[%dma_wait3A_754, %dma_wait3A_763, %dma_wait3A_764] : memref<4x256x2048xf32, #tpu.memory_space<vmem>> -> memref<1x256x2048xf32, #tpu.memory_space<vmem>>
    %dma_wait3A_766 = tpu.memref_squeeze %dma_wait3A_765 : memref<1x256x2048xf32, #tpu.memory_space<vmem>> -> memref<256x2048xf32, #tpu.memory_space<vmem>>
    tpu.wait_dma2 semaphore(%dma_wait3A_758 : memref<!tpu.dma_semaphore, #tpu.memory_space<semaphore_mem>>) src(%dma_wait3A_766 : memref<256x2048xf32, #tpu.memory_space<vmem>>) dst(%dma_wait3A_762 : memref<256x2048xf32, #tpu.memory_space<any>>)
    %dma_wait3A_767 = arith.constant 2 : i32
    %dma_wait3A_768 = arith.constant 2 : i32
    %dma_wait3A_769 = arith.constant 16 : i32
    %dma_wait3A_770 = tpu.memref_slice %arg7[%dma_wait3A_769] : memref<32x!tpu.dma_semaphore, #tpu.memory_space<semaphore_mem>> -> memref<1x!tpu.dma_semaphore, #tpu.memory_space<semaphore_mem>>
    %dma_wait3A_771 = tpu.memref_squeeze %dma_wait3A_770 : memref<1x!tpu.dma_semaphore, #tpu.memory_space<semaphore_mem>> -> memref<!tpu.dma_semaphore, #tpu.memory_space<semaphore_mem>>
    %dma_wait3A_772 = arith.constant 0 : i32
    %dma_wait3A_773 = arith.constant 0 : i32
    %dma_wait3A_774 = tpu.memref_slice %arg3[%dma_wait3A_768, %dma_wait3A_772, %dma_wait3A_773] : memref<4x2048x2048xf32, #tpu.memory_space<any>> -> memref<1x256x2048xf32, #tpu.memory_space<any>>
    %dma_wait3A_775 = tpu.memref_squeeze %dma_wait3A_774 : memref<1x256x2048xf32, #tpu.memory_space<any>> -> memref<256x2048xf32, #tpu.memory_space<any>>
    %dma_wait3A_776 = arith.constant 0 : i32
    %dma_wait3A_777 = arith.constant 0 : i32
    %dma_wait3A_778 = tpu.memref_slice %arg5[%dma_wait3A_767, %dma_wait3A_776, %dma_wait3A_777] : memref<4x256x2048xf32, #tpu.memory_space<vmem>> -> memref<1x256x2048xf32, #tpu.memory_space<vmem>>
    %dma_wait3A_779 = tpu.memref_squeeze %dma_wait3A_778 : memref<1x256x2048xf32, #tpu.memory_space<vmem>> -> memref<256x2048xf32, #tpu.memory_space<vmem>>
    tpu.wait_dma2 semaphore(%dma_wait3A_771 : memref<!tpu.dma_semaphore, #tpu.memory_space<semaphore_mem>>) src(%dma_wait3A_779 : memref<256x2048xf32, #tpu.memory_space<vmem>>) dst(%dma_wait3A_775 : memref<256x2048xf32, #tpu.memory_space<any>>)
    %dma_wait3A_780 = arith.constant 2 : i32
    %dma_wait3A_781 = arith.constant 2 : i32
    %dma_wait3A_782 = arith.constant 17 : i32
    %dma_wait3A_783 = tpu.memref_slice %arg7[%dma_wait3A_782] : memref<32x!tpu.dma_semaphore, #tpu.memory_space<semaphore_mem>> -> memref<1x!tpu.dma_semaphore, #tpu.memory_space<semaphore_mem>>
    %dma_wait3A_784 = tpu.memref_squeeze %dma_wait3A_783 : memref<1x!tpu.dma_semaphore, #tpu.memory_space<semaphore_mem>> -> memref<!tpu.dma_semaphore, #tpu.memory_space<semaphore_mem>>
    %dma_wait3A_785 = arith.constant 256 : i32
    %dma_wait3A_786 = arith.constant 0 : i32
    %dma_wait3A_787 = tpu.memref_slice %arg3[%dma_wait3A_781, %dma_wait3A_785, %dma_wait3A_786] : memref<4x2048x2048xf32, #tpu.memory_space<any>> -> memref<1x256x2048xf32, #tpu.memory_space<any>>
    %dma_wait3A_788 = tpu.memref_squeeze %dma_wait3A_787 : memref<1x256x2048xf32, #tpu.memory_space<any>> -> memref<256x2048xf32, #tpu.memory_space<any>>
    %dma_wait3A_789 = arith.constant 0 : i32
    %dma_wait3A_790 = arith.constant 0 : i32
    %dma_wait3A_791 = tpu.memref_slice %arg5[%dma_wait3A_780, %dma_wait3A_789, %dma_wait3A_790] : memref<4x256x2048xf32, #tpu.memory_space<vmem>> -> memref<1x256x2048xf32, #tpu.memory_space<vmem>>
    %dma_wait3A_792 = tpu.memref_squeeze %dma_wait3A_791 : memref<1x256x2048xf32, #tpu.memory_space<vmem>> -> memref<256x2048xf32, #tpu.memory_space<vmem>>
    tpu.wait_dma2 semaphore(%dma_wait3A_784 : memref<!tpu.dma_semaphore, #tpu.memory_space<semaphore_mem>>) src(%dma_wait3A_792 : memref<256x2048xf32, #tpu.memory_space<vmem>>) dst(%dma_wait3A_788 : memref<256x2048xf32, #tpu.memory_space<any>>)
    %dma_wait3A_793 = arith.constant 2 : i32
    %dma_wait3A_794 = arith.constant 2 : i32
    %dma_wait3A_795 = arith.constant 18 : i32
    %dma_wait3A_796 = tpu.memref_slice %arg7[%dma_wait3A_795] : memref<32x!tpu.dma_semaphore, #tpu.memory_space<semaphore_mem>> -> memref<1x!tpu.dma_semaphore, #tpu.memory_space<semaphore_mem>>
    %dma_wait3A_797 = tpu.memref_squeeze %dma_wait3A_796 : memref<1x!tpu.dma_semaphore, #tpu.memory_space<semaphore_mem>> -> memref<!tpu.dma_semaphore, #tpu.memory_space<semaphore_mem>>
    %dma_wait3A_798 = arith.constant 512 : i32
    %dma_wait3A_799 = arith.constant 0 : i32
    %dma_wait3A_800 = tpu.memref_slice %arg3[%dma_wait3A_794, %dma_wait3A_798, %dma_wait3A_799] : memref<4x2048x2048xf32, #tpu.memory_space<any>> -> memref<1x256x2048xf32, #tpu.memory_space<any>>
    %dma_wait3A_801 = tpu.memref_squeeze %dma_wait3A_800 : memref<1x256x2048xf32, #tpu.memory_space<any>> -> memref<256x2048xf32, #tpu.memory_space<any>>
    %dma_wait3A_802 = arith.constant 0 : i32
    %dma_wait3A_803 = arith.constant 0 : i32
    %dma_wait3A_804 = tpu.memref_slice %arg5[%dma_wait3A_793, %dma_wait3A_802, %dma_wait3A_803] : memref<4x256x2048xf32, #tpu.memory_space<vmem>> -> memref<1x256x2048xf32, #tpu.memory_space<vmem>>
    %dma_wait3A_805 = tpu.memref_squeeze %dma_wait3A_804 : memref<1x256x2048xf32, #tpu.memory_space<vmem>> -> memref<256x2048xf32, #tpu.memory_space<vmem>>
    tpu.wait_dma2 semaphore(%dma_wait3A_797 : memref<!tpu.dma_semaphore, #tpu.memory_space<semaphore_mem>>) src(%dma_wait3A_805 : memref<256x2048xf32, #tpu.memory_space<vmem>>) dst(%dma_wait3A_801 : memref<256x2048xf32, #tpu.memory_space<any>>)
    %dma_wait3A_806 = arith.constant 2 : i32
    %dma_wait3A_807 = arith.constant 2 : i32
    %dma_wait3A_808 = arith.constant 19 : i32
    %dma_wait3A_809 = tpu.memref_slice %arg7[%dma_wait3A_808] : memref<32x!tpu.dma_semaphore, #tpu.memory_space<semaphore_mem>> -> memref<1x!tpu.dma_semaphore, #tpu.memory_space<semaphore_mem>>
    %dma_wait3A_810 = tpu.memref_squeeze %dma_wait3A_809 : memref<1x!tpu.dma_semaphore, #tpu.memory_space<semaphore_mem>> -> memref<!tpu.dma_semaphore, #tpu.memory_space<semaphore_mem>>
    %dma_wait3A_811 = arith.constant 768 : i32
    %dma_wait3A_812 = arith.constant 0 : i32
    %dma_wait3A_813 = tpu.memref_slice %arg3[%dma_wait3A_807, %dma_wait3A_811, %dma_wait3A_812] : memref<4x2048x2048xf32, #tpu.memory_space<any>> -> memref<1x256x2048xf32, #tpu.memory_space<any>>
    %dma_wait3A_814 = tpu.memref_squeeze %dma_wait3A_813 : memref<1x256x2048xf32, #tpu.memory_space<any>> -> memref<256x2048xf32, #tpu.memory_space<any>>
    %dma_wait3A_815 = arith.constant 0 : i32
    %dma_wait3A_816 = arith.constant 0 : i32
    %dma_wait3A_817 = tpu.memref_slice %arg5[%dma_wait3A_806, %dma_wait3A_815, %dma_wait3A_816] : memref<4x256x2048xf32, #tpu.memory_space<vmem>> -> memref<1x256x2048xf32, #tpu.memory_space<vmem>>
    %dma_wait3A_818 = tpu.memref_squeeze %dma_wait3A_817 : memref<1x256x2048xf32, #tpu.memory_space<vmem>> -> memref<256x2048xf32, #tpu.memory_space<vmem>>
    tpu.wait_dma2 semaphore(%dma_wait3A_810 : memref<!tpu.dma_semaphore, #tpu.memory_space<semaphore_mem>>) src(%dma_wait3A_818 : memref<256x2048xf32, #tpu.memory_space<vmem>>) dst(%dma_wait3A_814 : memref<256x2048xf32, #tpu.memory_space<any>>)
    %dma_wait3A_819 = arith.constant 2 : i32
    %dma_wait3A_820 = arith.constant 2 : i32
    %dma_wait3A_821 = arith.constant 20 : i32
    %dma_wait3A_822 = tpu.memref_slice %arg7[%dma_wait3A_821] : memref<32x!tpu.dma_semaphore, #tpu.memory_space<semaphore_mem>> -> memref<1x!tpu.dma_semaphore, #tpu.memory_space<semaphore_mem>>
    %dma_wait3A_823 = tpu.memref_squeeze %dma_wait3A_822 : memref<1x!tpu.dma_semaphore, #tpu.memory_space<semaphore_mem>> -> memref<!tpu.dma_semaphore, #tpu.memory_space<semaphore_mem>>
    %dma_wait3A_824 = arith.constant 1024 : i32
    %dma_wait3A_825 = arith.constant 0 : i32
    %dma_wait3A_826 = tpu.memref_slice %arg3[%dma_wait3A_820, %dma_wait3A_824, %dma_wait3A_825] : memref<4x2048x2048xf32, #tpu.memory_space<any>> -> memref<1x256x2048xf32, #tpu.memory_space<any>>
    %dma_wait3A_827 = tpu.memref_squeeze %dma_wait3A_826 : memref<1x256x2048xf32, #tpu.memory_space<any>> -> memref<256x2048xf32, #tpu.memory_space<any>>
    %dma_wait3A_828 = arith.constant 0 : i32
    %dma_wait3A_829 = arith.constant 0 : i32
    %dma_wait3A_830 = tpu.memref_slice %arg5[%dma_wait3A_819, %dma_wait3A_828, %dma_wait3A_829] : memref<4x256x2048xf32, #tpu.memory_space<vmem>> -> memref<1x256x2048xf32, #tpu.memory_space<vmem>>
    %dma_wait3A_831 = tpu.memref_squeeze %dma_wait3A_830 : memref<1x256x2048xf32, #tpu.memory_space<vmem>> -> memref<256x2048xf32, #tpu.memory_space<vmem>>
    tpu.wait_dma2 semaphore(%dma_wait3A_823 : memref<!tpu.dma_semaphore, #tpu.memory_space<semaphore_mem>>) src(%dma_wait3A_831 : memref<256x2048xf32, #tpu.memory_space<vmem>>) dst(%dma_wait3A_827 : memref<256x2048xf32, #tpu.memory_space<any>>)
    %dma_wait3A_832 = arith.constant 2 : i32
    %dma_wait3A_833 = arith.constant 2 : i32
    %dma_wait3A_834 = arith.constant 21 : i32
    %dma_wait3A_835 = tpu.memref_slice %arg7[%dma_wait3A_834] : memref<32x!tpu.dma_semaphore, #tpu.memory_space<semaphore_mem>> -> memref<1x!tpu.dma_semaphore, #tpu.memory_space<semaphore_mem>>
    %dma_wait3A_836 = tpu.memref_squeeze %dma_wait3A_835 : memref<1x!tpu.dma_semaphore, #tpu.memory_space<semaphore_mem>> -> memref<!tpu.dma_semaphore, #tpu.memory_space<semaphore_mem>>
    %dma_wait3A_837 = arith.constant 1280 : i32
    %dma_wait3A_838 = arith.constant 0 : i32
    %dma_wait3A_839 = tpu.memref_slice %arg3[%dma_wait3A_833, %dma_wait3A_837, %dma_wait3A_838] : memref<4x2048x2048xf32, #tpu.memory_space<any>> -> memref<1x256x2048xf32, #tpu.memory_space<any>>
    %dma_wait3A_840 = tpu.memref_squeeze %dma_wait3A_839 : memref<1x256x2048xf32, #tpu.memory_space<any>> -> memref<256x2048xf32, #tpu.memory_space<any>>
    %dma_wait3A_841 = arith.constant 0 : i32
    %dma_wait3A_842 = arith.constant 0 : i32
    %dma_wait3A_843 = tpu.memref_slice %arg5[%dma_wait3A_832, %dma_wait3A_841, %dma_wait3A_842] : memref<4x256x2048xf32, #tpu.memory_space<vmem>> -> memref<1x256x2048xf32, #tpu.memory_space<vmem>>
    %dma_wait3A_844 = tpu.memref_squeeze %dma_wait3A_843 : memref<1x256x2048xf32, #tpu.memory_space<vmem>> -> memref<256x2048xf32, #tpu.memory_space<vmem>>
    tpu.wait_dma2 semaphore(%dma_wait3A_836 : memref<!tpu.dma_semaphore, #tpu.memory_space<semaphore_mem>>) src(%dma_wait3A_844 : memref<256x2048xf32, #tpu.memory_space<vmem>>) dst(%dma_wait3A_840 : memref<256x2048xf32, #tpu.memory_space<any>>)
    %dma_wait3A_845 = arith.constant 2 : i32
    %dma_wait3A_846 = arith.constant 2 : i32
    %dma_wait3A_847 = arith.constant 22 : i32
    %dma_wait3A_848 = tpu.memref_slice %arg7[%dma_wait3A_847] : memref<32x!tpu.dma_semaphore, #tpu.memory_space<semaphore_mem>> -> memref<1x!tpu.dma_semaphore, #tpu.memory_space<semaphore_mem>>
    %dma_wait3A_849 = tpu.memref_squeeze %dma_wait3A_848 : memref<1x!tpu.dma_semaphore, #tpu.memory_space<semaphore_mem>> -> memref<!tpu.dma_semaphore, #tpu.memory_space<semaphore_mem>>
    %dma_wait3A_850 = arith.constant 1536 : i32
    %dma_wait3A_851 = arith.constant 0 : i32
    %dma_wait3A_852 = tpu.memref_slice %arg3[%dma_wait3A_846, %dma_wait3A_850, %dma_wait3A_851] : memref<4x2048x2048xf32, #tpu.memory_space<any>> -> memref<1x256x2048xf32, #tpu.memory_space<any>>
    %dma_wait3A_853 = tpu.memref_squeeze %dma_wait3A_852 : memref<1x256x2048xf32, #tpu.memory_space<any>> -> memref<256x2048xf32, #tpu.memory_space<any>>
    %dma_wait3A_854 = arith.constant 0 : i32
    %dma_wait3A_855 = arith.constant 0 : i32
    %dma_wait3A_856 = tpu.memref_slice %arg5[%dma_wait3A_845, %dma_wait3A_854, %dma_wait3A_855] : memref<4x256x2048xf32, #tpu.memory_space<vmem>> -> memref<1x256x2048xf32, #tpu.memory_space<vmem>>
    %dma_wait3A_857 = tpu.memref_squeeze %dma_wait3A_856 : memref<1x256x2048xf32, #tpu.memory_space<vmem>> -> memref<256x2048xf32, #tpu.memory_space<vmem>>
    tpu.wait_dma2 semaphore(%dma_wait3A_849 : memref<!tpu.dma_semaphore, #tpu.memory_space<semaphore_mem>>) src(%dma_wait3A_857 : memref<256x2048xf32, #tpu.memory_space<vmem>>) dst(%dma_wait3A_853 : memref<256x2048xf32, #tpu.memory_space<any>>)
    %dma_wait3A_858 = arith.constant 2 : i32
    %dma_wait3A_859 = arith.constant 2 : i32
    %dma_wait3A_860 = arith.constant 23 : i32
    %dma_wait3A_861 = tpu.memref_slice %arg7[%dma_wait3A_860] : memref<32x!tpu.dma_semaphore, #tpu.memory_space<semaphore_mem>> -> memref<1x!tpu.dma_semaphore, #tpu.memory_space<semaphore_mem>>
    %dma_wait3A_862 = tpu.memref_squeeze %dma_wait3A_861 : memref<1x!tpu.dma_semaphore, #tpu.memory_space<semaphore_mem>> -> memref<!tpu.dma_semaphore, #tpu.memory_space<semaphore_mem>>
    %dma_wait3A_863 = arith.constant 1792 : i32
    %dma_wait3A_864 = arith.constant 0 : i32
    %dma_wait3A_865 = tpu.memref_slice %arg3[%dma_wait3A_859, %dma_wait3A_863, %dma_wait3A_864] : memref<4x2048x2048xf32, #tpu.memory_space<any>> -> memref<1x256x2048xf32, #tpu.memory_space<any>>
    %dma_wait3A_866 = tpu.memref_squeeze %dma_wait3A_865 : memref<1x256x2048xf32, #tpu.memory_space<any>> -> memref<256x2048xf32, #tpu.memory_space<any>>
    %dma_wait3A_867 = arith.constant 0 : i32
    %dma_wait3A_868 = arith.constant 0 : i32
    %dma_wait3A_869 = tpu.memref_slice %arg5[%dma_wait3A_858, %dma_wait3A_867, %dma_wait3A_868] : memref<4x256x2048xf32, #tpu.memory_space<vmem>> -> memref<1x256x2048xf32, #tpu.memory_space<vmem>>
    %dma_wait3A_870 = tpu.memref_squeeze %dma_wait3A_869 : memref<1x256x2048xf32, #tpu.memory_space<vmem>> -> memref<256x2048xf32, #tpu.memory_space<vmem>>
    tpu.wait_dma2 semaphore(%dma_wait3A_862 : memref<!tpu.dma_semaphore, #tpu.memory_space<semaphore_mem>>) src(%dma_wait3A_870 : memref<256x2048xf32, #tpu.memory_space<vmem>>) dst(%dma_wait3A_866 : memref<256x2048xf32, #tpu.memory_space<any>>)
    %dma_wait3A_871 = arith.constant 3 : i32
    %dma_wait3A_872 = arith.constant 3 : i32
    %dma_wait3A_873 = arith.constant 24 : i32
    %dma_wait3A_874 = tpu.memref_slice %arg7[%dma_wait3A_873] : memref<32x!tpu.dma_semaphore, #tpu.memory_space<semaphore_mem>> -> memref<1x!tpu.dma_semaphore, #tpu.memory_space<semaphore_mem>>
    %dma_wait3A_875 = tpu.memref_squeeze %dma_wait3A_874 : memref<1x!tpu.dma_semaphore, #tpu.memory_space<semaphore_mem>> -> memref<!tpu.dma_semaphore, #tpu.memory_space<semaphore_mem>>
    %dma_wait3A_876 = arith.constant 0 : i32
    %dma_wait3A_877 = arith.constant 0 : i32
    %dma_wait3A_878 = tpu.memref_slice %arg3[%dma_wait3A_872, %dma_wait3A_876, %dma_wait3A_877] : memref<4x2048x2048xf32, #tpu.memory_space<any>> -> memref<1x256x2048xf32, #tpu.memory_space<any>>
    %dma_wait3A_879 = tpu.memref_squeeze %dma_wait3A_878 : memref<1x256x2048xf32, #tpu.memory_space<any>> -> memref<256x2048xf32, #tpu.memory_space<any>>
    %dma_wait3A_880 = arith.constant 0 : i32
    %dma_wait3A_881 = arith.constant 0 : i32
    %dma_wait3A_882 = tpu.memref_slice %arg5[%dma_wait3A_871, %dma_wait3A_880, %dma_wait3A_881] : memref<4x256x2048xf32, #tpu.memory_space<vmem>> -> memref<1x256x2048xf32, #tpu.memory_space<vmem>>
    %dma_wait3A_883 = tpu.memref_squeeze %dma_wait3A_882 : memref<1x256x2048xf32, #tpu.memory_space<vmem>> -> memref<256x2048xf32, #tpu.memory_space<vmem>>
    tpu.wait_dma2 semaphore(%dma_wait3A_875 : memref<!tpu.dma_semaphore, #tpu.memory_space<semaphore_mem>>) src(%dma_wait3A_883 : memref<256x2048xf32, #tpu.memory_space<vmem>>) dst(%dma_wait3A_879 : memref<256x2048xf32, #tpu.memory_space<any>>)
    %dma_wait3A_884 = arith.constant 3 : i32
    %dma_wait3A_885 = arith.constant 3 : i32
    %dma_wait3A_886 = arith.constant 25 : i32
    %dma_wait3A_887 = tpu.memref_slice %arg7[%dma_wait3A_886] : memref<32x!tpu.dma_semaphore, #tpu.memory_space<semaphore_mem>> -> memref<1x!tpu.dma_semaphore, #tpu.memory_space<semaphore_mem>>
    %dma_wait3A_888 = tpu.memref_squeeze %dma_wait3A_887 : memref<1x!tpu.dma_semaphore, #tpu.memory_space<semaphore_mem>> -> memref<!tpu.dma_semaphore, #tpu.memory_space<semaphore_mem>>
    %dma_wait3A_889 = arith.constant 256 : i32
    %dma_wait3A_890 = arith.constant 0 : i32
    %dma_wait3A_891 = tpu.memref_slice %arg3[%dma_wait3A_885, %dma_wait3A_889, %dma_wait3A_890] : memref<4x2048x2048xf32, #tpu.memory_space<any>> -> memref<1x256x2048xf32, #tpu.memory_space<any>>
    %dma_wait3A_892 = tpu.memref_squeeze %dma_wait3A_891 : memref<1x256x2048xf32, #tpu.memory_space<any>> -> memref<256x2048xf32, #tpu.memory_space<any>>
    %dma_wait3A_893 = arith.constant 0 : i32
    %dma_wait3A_894 = arith.constant 0 : i32
    %dma_wait3A_895 = tpu.memref_slice %arg5[%dma_wait3A_884, %dma_wait3A_893, %dma_wait3A_894] : memref<4x256x2048xf32, #tpu.memory_space<vmem>> -> memref<1x256x2048xf32, #tpu.memory_space<vmem>>
    %dma_wait3A_896 = tpu.memref_squeeze %dma_wait3A_895 : memref<1x256x2048xf32, #tpu.memory_space<vmem>> -> memref<256x2048xf32, #tpu.memory_space<vmem>>
    tpu.wait_dma2 semaphore(%dma_wait3A_888 : memref<!tpu.dma_semaphore, #tpu.memory_space<semaphore_mem>>) src(%dma_wait3A_896 : memref<256x2048xf32, #tpu.memory_space<vmem>>) dst(%dma_wait3A_892 : memref<256x2048xf32, #tpu.memory_space<any>>)
    %dma_wait3A_897 = arith.constant 3 : i32
    %dma_wait3A_898 = arith.constant 3 : i32
    %dma_wait3A_899 = arith.constant 26 : i32
    %dma_wait3A_900 = tpu.memref_slice %arg7[%dma_wait3A_899] : memref<32x!tpu.dma_semaphore, #tpu.memory_space<semaphore_mem>> -> memref<1x!tpu.dma_semaphore, #tpu.memory_space<semaphore_mem>>
    %dma_wait3A_901 = tpu.memref_squeeze %dma_wait3A_900 : memref<1x!tpu.dma_semaphore, #tpu.memory_space<semaphore_mem>> -> memref<!tpu.dma_semaphore, #tpu.memory_space<semaphore_mem>>
    %dma_wait3A_902 = arith.constant 512 : i32
    %dma_wait3A_903 = arith.constant 0 : i32
    %dma_wait3A_904 = tpu.memref_slice %arg3[%dma_wait3A_898, %dma_wait3A_902, %dma_wait3A_903] : memref<4x2048x2048xf32, #tpu.memory_space<any>> -> memref<1x256x2048xf32, #tpu.memory_space<any>>
    %dma_wait3A_905 = tpu.memref_squeeze %dma_wait3A_904 : memref<1x256x2048xf32, #tpu.memory_space<any>> -> memref<256x2048xf32, #tpu.memory_space<any>>
    %dma_wait3A_906 = arith.constant 0 : i32
    %dma_wait3A_907 = arith.constant 0 : i32
    %dma_wait3A_908 = tpu.memref_slice %arg5[%dma_wait3A_897, %dma_wait3A_906, %dma_wait3A_907] : memref<4x256x2048xf32, #tpu.memory_space<vmem>> -> memref<1x256x2048xf32, #tpu.memory_space<vmem>>
    %dma_wait3A_909 = tpu.memref_squeeze %dma_wait3A_908 : memref<1x256x2048xf32, #tpu.memory_space<vmem>> -> memref<256x2048xf32, #tpu.memory_space<vmem>>
    tpu.wait_dma2 semaphore(%dma_wait3A_901 : memref<!tpu.dma_semaphore, #tpu.memory_space<semaphore_mem>>) src(%dma_wait3A_909 : memref<256x2048xf32, #tpu.memory_space<vmem>>) dst(%dma_wait3A_905 : memref<256x2048xf32, #tpu.memory_space<any>>)
    %dma_wait3A_910 = arith.constant 3 : i32
    %dma_wait3A_911 = arith.constant 3 : i32
    %dma_wait3A_912 = arith.constant 27 : i32
    %dma_wait3A_913 = tpu.memref_slice %arg7[%dma_wait3A_912] : memref<32x!tpu.dma_semaphore, #tpu.memory_space<semaphore_mem>> -> memref<1x!tpu.dma_semaphore, #tpu.memory_space<semaphore_mem>>
    %dma_wait3A_914 = tpu.memref_squeeze %dma_wait3A_913 : memref<1x!tpu.dma_semaphore, #tpu.memory_space<semaphore_mem>> -> memref<!tpu.dma_semaphore, #tpu.memory_space<semaphore_mem>>
    %dma_wait3A_915 = arith.constant 768 : i32
    %dma_wait3A_916 = arith.constant 0 : i32
    %dma_wait3A_917 = tpu.memref_slice %arg3[%dma_wait3A_911, %dma_wait3A_915, %dma_wait3A_916] : memref<4x2048x2048xf32, #tpu.memory_space<any>> -> memref<1x256x2048xf32, #tpu.memory_space<any>>
    %dma_wait3A_918 = tpu.memref_squeeze %dma_wait3A_917 : memref<1x256x2048xf32, #tpu.memory_space<any>> -> memref<256x2048xf32, #tpu.memory_space<any>>
    %dma_wait3A_919 = arith.constant 0 : i32
    %dma_wait3A_920 = arith.constant 0 : i32
    %dma_wait3A_921 = tpu.memref_slice %arg5[%dma_wait3A_910, %dma_wait3A_919, %dma_wait3A_920] : memref<4x256x2048xf32, #tpu.memory_space<vmem>> -> memref<1x256x2048xf32, #tpu.memory_space<vmem>>
    %dma_wait3A_922 = tpu.memref_squeeze %dma_wait3A_921 : memref<1x256x2048xf32, #tpu.memory_space<vmem>> -> memref<256x2048xf32, #tpu.memory_space<vmem>>
    tpu.wait_dma2 semaphore(%dma_wait3A_914 : memref<!tpu.dma_semaphore, #tpu.memory_space<semaphore_mem>>) src(%dma_wait3A_922 : memref<256x2048xf32, #tpu.memory_space<vmem>>) dst(%dma_wait3A_918 : memref<256x2048xf32, #tpu.memory_space<any>>)
    %dma_wait3A_923 = arith.constant 3 : i32
    %dma_wait3A_924 = arith.constant 3 : i32
    %dma_wait3A_925 = arith.constant 28 : i32
    %dma_wait3A_926 = tpu.memref_slice %arg7[%dma_wait3A_925] : memref<32x!tpu.dma_semaphore, #tpu.memory_space<semaphore_mem>> -> memref<1x!tpu.dma_semaphore, #tpu.memory_space<semaphore_mem>>
    %dma_wait3A_927 = tpu.memref_squeeze %dma_wait3A_926 : memref<1x!tpu.dma_semaphore, #tpu.memory_space<semaphore_mem>> -> memref<!tpu.dma_semaphore, #tpu.memory_space<semaphore_mem>>
    %dma_wait3A_928 = arith.constant 1024 : i32
    %dma_wait3A_929 = arith.constant 0 : i32
    %dma_wait3A_930 = tpu.memref_slice %arg3[%dma_wait3A_924, %dma_wait3A_928, %dma_wait3A_929] : memref<4x2048x2048xf32, #tpu.memory_space<any>> -> memref<1x256x2048xf32, #tpu.memory_space<any>>
    %dma_wait3A_931 = tpu.memref_squeeze %dma_wait3A_930 : memref<1x256x2048xf32, #tpu.memory_space<any>> -> memref<256x2048xf32, #tpu.memory_space<any>>
    %dma_wait3A_932 = arith.constant 0 : i32
    %dma_wait3A_933 = arith.constant 0 : i32
    %dma_wait3A_934 = tpu.memref_slice %arg5[%dma_wait3A_923, %dma_wait3A_932, %dma_wait3A_933] : memref<4x256x2048xf32, #tpu.memory_space<vmem>> -> memref<1x256x2048xf32, #tpu.memory_space<vmem>>
    %dma_wait3A_935 = tpu.memref_squeeze %dma_wait3A_934 : memref<1x256x2048xf32, #tpu.memory_space<vmem>> -> memref<256x2048xf32, #tpu.memory_space<vmem>>
    tpu.wait_dma2 semaphore(%dma_wait3A_927 : memref<!tpu.dma_semaphore, #tpu.memory_space<semaphore_mem>>) src(%dma_wait3A_935 : memref<256x2048xf32, #tpu.memory_space<vmem>>) dst(%dma_wait3A_931 : memref<256x2048xf32, #tpu.memory_space<any>>)
    %dma_wait3A_936 = arith.constant 3 : i32
    %dma_wait3A_937 = arith.constant 3 : i32
    %dma_wait3A_938 = arith.constant 29 : i32
    %dma_wait3A_939 = tpu.memref_slice %arg7[%dma_wait3A_938] : memref<32x!tpu.dma_semaphore, #tpu.memory_space<semaphore_mem>> -> memref<1x!tpu.dma_semaphore, #tpu.memory_space<semaphore_mem>>
    %dma_wait3A_940 = tpu.memref_squeeze %dma_wait3A_939 : memref<1x!tpu.dma_semaphore, #tpu.memory_space<semaphore_mem>> -> memref<!tpu.dma_semaphore, #tpu.memory_space<semaphore_mem>>
    %dma_wait3A_941 = arith.constant 1280 : i32
    %dma_wait3A_942 = arith.constant 0 : i32
    %dma_wait3A_943 = tpu.memref_slice %arg3[%dma_wait3A_937, %dma_wait3A_941, %dma_wait3A_942] : memref<4x2048x2048xf32, #tpu.memory_space<any>> -> memref<1x256x2048xf32, #tpu.memory_space<any>>
    %dma_wait3A_944 = tpu.memref_squeeze %dma_wait3A_943 : memref<1x256x2048xf32, #tpu.memory_space<any>> -> memref<256x2048xf32, #tpu.memory_space<any>>
    %dma_wait3A_945 = arith.constant 0 : i32
    %dma_wait3A_946 = arith.constant 0 : i32
    %dma_wait3A_947 = tpu.memref_slice %arg5[%dma_wait3A_936, %dma_wait3A_945, %dma_wait3A_946] : memref<4x256x2048xf32, #tpu.memory_space<vmem>> -> memref<1x256x2048xf32, #tpu.memory_space<vmem>>
    %dma_wait3A_948 = tpu.memref_squeeze %dma_wait3A_947 : memref<1x256x2048xf32, #tpu.memory_space<vmem>> -> memref<256x2048xf32, #tpu.memory_space<vmem>>
    tpu.wait_dma2 semaphore(%dma_wait3A_940 : memref<!tpu.dma_semaphore, #tpu.memory_space<semaphore_mem>>) src(%dma_wait3A_948 : memref<256x2048xf32, #tpu.memory_space<vmem>>) dst(%dma_wait3A_944 : memref<256x2048xf32, #tpu.memory_space<any>>)
    %dma_wait3A_949 = arith.constant 3 : i32
    %dma_wait3A_950 = arith.constant 3 : i32
    %dma_wait3A_951 = arith.constant 30 : i32
    %dma_wait3A_952 = tpu.memref_slice %arg7[%dma_wait3A_951] : memref<32x!tpu.dma_semaphore, #tpu.memory_space<semaphore_mem>> -> memref<1x!tpu.dma_semaphore, #tpu.memory_space<semaphore_mem>>
    %dma_wait3A_953 = tpu.memref_squeeze %dma_wait3A_952 : memref<1x!tpu.dma_semaphore, #tpu.memory_space<semaphore_mem>> -> memref<!tpu.dma_semaphore, #tpu.memory_space<semaphore_mem>>
    %dma_wait3A_954 = arith.constant 1536 : i32
    %dma_wait3A_955 = arith.constant 0 : i32
    %dma_wait3A_956 = tpu.memref_slice %arg3[%dma_wait3A_950, %dma_wait3A_954, %dma_wait3A_955] : memref<4x2048x2048xf32, #tpu.memory_space<any>> -> memref<1x256x2048xf32, #tpu.memory_space<any>>
    %dma_wait3A_957 = tpu.memref_squeeze %dma_wait3A_956 : memref<1x256x2048xf32, #tpu.memory_space<any>> -> memref<256x2048xf32, #tpu.memory_space<any>>
    %dma_wait3A_958 = arith.constant 0 : i32
    %dma_wait3A_959 = arith.constant 0 : i32
    %dma_wait3A_960 = tpu.memref_slice %arg5[%dma_wait3A_949, %dma_wait3A_958, %dma_wait3A_959] : memref<4x256x2048xf32, #tpu.memory_space<vmem>> -> memref<1x256x2048xf32, #tpu.memory_space<vmem>>
    %dma_wait3A_961 = tpu.memref_squeeze %dma_wait3A_960 : memref<1x256x2048xf32, #tpu.memory_space<vmem>> -> memref<256x2048xf32, #tpu.memory_space<vmem>>
    tpu.wait_dma2 semaphore(%dma_wait3A_953 : memref<!tpu.dma_semaphore, #tpu.memory_space<semaphore_mem>>) src(%dma_wait3A_961 : memref<256x2048xf32, #tpu.memory_space<vmem>>) dst(%dma_wait3A_957 : memref<256x2048xf32, #tpu.memory_space<any>>)
    %dma_wait3A_962 = arith.constant 3 : i32
    %dma_wait3A_963 = arith.constant 3 : i32
    %dma_wait3A_964 = arith.constant 31 : i32
    %dma_wait3A_965 = tpu.memref_slice %arg7[%dma_wait3A_964] : memref<32x!tpu.dma_semaphore, #tpu.memory_space<semaphore_mem>> -> memref<1x!tpu.dma_semaphore, #tpu.memory_space<semaphore_mem>>
    %dma_wait3A_966 = tpu.memref_squeeze %dma_wait3A_965 : memref<1x!tpu.dma_semaphore, #tpu.memory_space<semaphore_mem>> -> memref<!tpu.dma_semaphore, #tpu.memory_space<semaphore_mem>>
    %dma_wait3A_967 = arith.constant 1792 : i32
    %dma_wait3A_968 = arith.constant 0 : i32
    %dma_wait3A_969 = tpu.memref_slice %arg3[%dma_wait3A_963, %dma_wait3A_967, %dma_wait3A_968] : memref<4x2048x2048xf32, #tpu.memory_space<any>> -> memref<1x256x2048xf32, #tpu.memory_space<any>>
    %dma_wait3A_970 = tpu.memref_squeeze %dma_wait3A_969 : memref<1x256x2048xf32, #tpu.memory_space<any>> -> memref<256x2048xf32, #tpu.memory_space<any>>
    %dma_wait3A_971 = arith.constant 0 : i32
    %dma_wait3A_972 = arith.constant 0 : i32
    %dma_wait3A_973 = tpu.memref_slice %arg5[%dma_wait3A_962, %dma_wait3A_971, %dma_wait3A_972] : memref<4x256x2048xf32, #tpu.memory_space<vmem>> -> memref<1x256x2048xf32, #tpu.memory_space<vmem>>
    %dma_wait3A_974 = tpu.memref_squeeze %dma_wait3A_973 : memref<1x256x2048xf32, #tpu.memory_space<vmem>> -> memref<256x2048xf32, #tpu.memory_space<vmem>>
    tpu.wait_dma2 semaphore(%dma_wait3A_966 : memref<!tpu.dma_semaphore, #tpu.memory_space<semaphore_mem>>) src(%dma_wait3A_974 : memref<256x2048xf32, #tpu.memory_space<vmem>>) dst(%dma_wait3A_970 : memref<256x2048xf32, #tpu.memory_space<any>>)
    return
  }
}

</mosaic_0001>

<sc_bundles>
// kernel: kernel.6.cloned.1.call-start
scs
__scs_entry_jumppad:
0x0: {  	(pc) =	sbr.rel $0x88, $3  }
0x1: {  	(tag) =	ssettag $0x0;
	lr =	simm.s32 $0x1  }
0x2: {  	[smem:$0x3F97] =	sst lr;
	_ =	strace $0xD0000000  }
0x3: {  	_ = 	snop  }
0x4: {  	_ = 	snop  }
0x5: {  	_ = 	snop  }
0x6: {  	_ = 	snop  }
0x7: {  	_ = 	snop  }
__scs_overlays_trampoline_lowered:
0x8: {  	[smem:$0x3FA6] =	sst s0  }
0x9: {  	[smem:$0x3FA7] =	sst s1  }
0xa: {  	[smem:$0x3FA8] =	sst s2  }
0xb: {  	[smem:$0x3FA9] =	sst s3  }
0xc: {  	[smem:$0x3FAA] =	sst s4  }
0xd: {  	[smem:$0x3FAB] =	sst s5  }
0xe: {  	[smem:$0x3FAC] =	sst s6  }
0xf: {  	[smem:$0x3FAD] =	sst s7  }
0x10: {  	[smem:$0x3FAE] =	sst s8  }
0x11: {  	[smem:$0x3FAF] =	sst s9;
	s0 =	simm.s32 @!p0 $0x0  }
0x12: {  	s1 =	sld [smem:$0x3F95];
	s0 =	simm.s32 @p0 $0x1  }
0x13: {  	[smem:$0x3FB0] =	sst s0;
	s0 =	simm.s32 @!p1 $0x0  }
0x14: {  	s2 =	sld [smem:$0x3F94];
	s0 =	simm.s32 @p1 $0x1  }
0x15: {  	[smem:$0x3FB1] =	sst s0;
	s0 =	simm.s32 @!p2 $0x0  }
0x16: {  	s3 =	sld [smem:$0x3FDB];
	s0 =	simm.s32 @p2 $0x1  }
0x17: {  	s4 =	simm.s32 $0x1BF5;
	[smem:$0x3FB3] =	sst s0  }
0x18: {  	s0 =	sld [smem:$0x3F96];
	_ =	swait.ge [sflag:s4], $0x0  }
0x19: {  	s7 =	sld [smem:$0x3F97]  }
0x1a: {  	s8 =	sadd.s32 $0xFFFFE003, lr  }
0x1b: {  	s9 =	sadd.s32 $0xFFFFFEF7, lr;
	s5 =	simm.s32 $0xFFFFFFFF;
	p2 =	slt.u32 s8, $0xFFFFF086  }
0x1c: {  	p1 =	slt.u32 s9, $0xF7A;
	s5 =	simm.s32 @!p2 $0x0  }
0x1d: {  	s5 =	simm.s32 @p1 $0x1;
	p0 =	seq.s32 s7, s2  }
0x1e: {  	s7 =	smul.u32 @!p0 $0xF7A, s2;
	p2 =	seq.s32 @!p0 s5, $0x0  }
0x1f: {  	s9 =	smul.u32 $0xF7A, s1;
	s8 =	simm.s32 @!p0 $0x1BF5;
	p2 =	por !p2, p0  }
0x20: {  	[sflag:s8] =	ssyncset.s32 @!p0 $0xFFFFF086;
	s6 =	sadd.s32 @!p0 s3, s7;
	s7 =	simm.s32 @!p0 $0x108  }
0x21: {  	s3 =	sadd.s32 s3, s9;
	s6 =	sadd.s32 @!p0 $0x88, s6;
	s7 =	simm.s32 @p2 $0x1082  }
0x22: {  	[simem:s7], [sflag:s8] =	dma.local @!p0 [hbm:s6], $0xF7A  }
0x23: {  	s9 =	sor.u32 $0xD0000000, s2;
	s6 =	simm.s32 $0x108;
	_ =	swait.ge @!p0 [sflag:s8], $0x0  }
0x24: {  	s3 =	sadd.s32 $0x88, s3;
	s6 =	simm.s32 @!p1 $0x1082;
	[sflag:s4] =	ssyncset.s32 $0xFFFFF086  }
0x25: {  	[simem:s6], [sflag:s4] =	dma.local [hbm:s3], $0xF7A  }
0x26: {  	[smem:$0x3F97] =	sst s1;
	(tag) =	ssettag s2;
	_ =	strace s9  }
0x27: {  	s1 =	sld [smem:$0x3FA7]  }
0x28: {  	s2 =	sld [smem:$0x3FA8]  }
0x29: {  	s4 =	sld [smem:$0x3FAA]  }
0x2a: {  	p0 =	seq.s32 s5, $0x0;
	s5 =	sld [smem:$0x3FAB]  }
0x2b: {  	s6 =	sld [smem:$0x3FAC]  }
0x2c: {  	s7 =	sld [smem:$0x3FAD]  }
0x2d: {  	s3 =	simm.s32 $0x108;
	s8 =	sld [smem:$0x3FAE]  }
0x2e: {  	s3 =	simm.s32 @!p0 $0x1082;
	s9 =	sld [smem:$0x3FAF]  }
0x2f: {  	lr =	sadd.s32 s0, s3;
	s0 =	sld [smem:$0x3FA6]  }
0x30: {  	s3 =	sld [smem:$0x3FA9]  }
0x31: {  	[smem:$0x3FB2] =	sst s10  }
0x32: {  	s10 =	sld [smem:$0x3FB0];
	_ =	sdelay $0x3  }
0x33: {  	p0 =	seq.s32 s10, $0x1;
	s10 =	sld [smem:$0x3FB2];
	_ =	sdelay $0x3  }
0x34: {  	[smem:$0x3FB2] =	sst s10  }
0x35: {  	s10 =	sld [smem:$0x3FB1];
	_ =	sdelay $0x3  }
0x36: {  	p1 =	seq.s32 s10, $0x1;
	s10 =	sld [smem:$0x3FB2];
	_ =	sdelay $0x3  }
0x37: {  	[smem:$0x3FB2] =	sst s10  }
0x38: {  	s10 =	sld [smem:$0x3FB3]  }
0x39: {  	_ = 	snop;
	(pc) =	sbr.ind lr, $3  }
0x3a: {  	_ = 	snop  }
0x3b: {  	_ = 	snop  }
0x3c: {  	p2 =	seq.s32 s10, $0x1;
	s10 =	sld [smem:$0x3FB2]  }
0x3d: {  	_ =	shalt  }
0x3e: {  	_ =	shalt  }
0x3f: {  	_ =	shalt  }
0x40: {  	_ =	shalt  }
0x41: {  	_ =	shalt  }
0x42: {  	_ =	shalt  }
0x43: {  	_ =	shalt  }
0x44: {  	_ =	shalt  }
0x45: {  	_ =	shalt  }
0x46: {  	_ =	shalt  }
0x47: {  	_ =	shalt  }
0x48: {  	_ =	shalt  }
0x49: {  	_ =	shalt  }
0x4a: {  	_ =	shalt  }
0x4b: {  	_ =	shalt  }
0x4c: {  	_ =	shalt  }
0x4d: {  	_ =	shalt  }
0x4e: {  	_ =	shalt  }
0x4f: {  	_ =	shalt  }
0x50: {  	_ =	shalt  }
0x51: {  	_ =	shalt  }
0x52: {  	_ =	shalt  }
0x53: {  	_ =	shalt  }
0x54: {  	_ =	shalt  }
0x55: {  	_ =	shalt  }
0x56: {  	_ =	shalt  }
0x57: {  	_ =	shalt  }
0x58: {  	_ =	shalt  }
0x59: {  	_ =	shalt  }
0x5a: {  	_ =	shalt  }
0x5b: {  	_ =	shalt  }
0x5c: {  	_ =	shalt  }
0x5d: {  	_ =	shalt  }
0x5e: {  	_ =	shalt  }
0x5f: {  	_ =	shalt  }
0x60: {  	_ =	shalt  }
0x61: {  	_ =	shalt  }
0x62: {  	_ =	shalt  }
0x63: {  	_ =	shalt  }
0x64: {  	_ =	shalt  }
0x65: {  	_ =	shalt  }
0x66: {  	_ =	shalt  }
0x67: {  	_ =	shalt  }
0x68: {  	_ =	shalt  }
0x69: {  	_ =	shalt  }
0x6a: {  	_ =	shalt  }
0x6b: {  	_ =	shalt  }
0x6c: {  	_ =	shalt  }
0x6d: {  	_ =	shalt  }
0x6e: {  	_ =	shalt  }
0x6f: {  	_ =	shalt  }
0x70: {  	_ =	shalt  }
0x71: {  	_ =	shalt  }
0x72: {  	_ =	shalt  }
0x73: {  	_ =	shalt  }
0x74: {  	_ =	shalt  }
0x75: {  	_ =	shalt  }
0x76: {  	_ =	shalt  }
0x77: {  	_ =	shalt  }
0x78: {  	_ =	shalt  }
0x79: {  	_ =	shalt  }
0x7a: {  	_ =	shalt  }
0x7b: {  	_ =	shalt  }
0x7c: {  	_ =	shalt  }
0x7d: {  	_ =	shalt  }
0x7e: {  	_ =	shalt  }
0x7f: {  	_ =	shalt  }
0x80: {  	_ =	shalt  }
0x81: {  	_ =	shalt  }
0x82: {  	_ =	shalt  }
0x83: {  	_ =	shalt  }
0x84: {  	_ =	shalt  }
0x85: {  	_ =	shalt  }
0x86: {  	_ =	shalt  }
0x87: {  	_ =	shalt  }
.Lfunc_end0:
.L_simem_size_0:
called_computation_lowered:
.L_overlay_start_0:
0x88: {  	s2 =	sld [smem:$0x3FD9]  }
0x89: {  	s3 =	sld [smem:$0x3FFE];
	_ =	sdelay $0x1  }
0x8a: {  	s1 =	srdreg.scid  }
0x8b: {  	s0 =	sand.u32 $0x1, s1  }
0x8c: {  	s15 =	sshll.u32 s0, $0xA;
	s2 =	sadd.s32 s3, s2  }
0x8d: {  	s2 =	sadd.s32 s2, s15  }
0x8e: {  	[smem:$0x3FBE] =	sst s2  }
0x8f: {  	_ = 	snop  }
0x90: {  	s2 =	sld [smem:$0x3FD0];
	_ =	sdelay $0x2  }
0x91: {  	s4 =	simm.s32 $0xA;
	s5 =	simm.s32 $0x10;
	s16 =	sld [smem:$0x3FC8]  }
0x92: {  	[smem:s5], [sflag:s4] =	dma.local [hbm:s2], $0x1  }
0x93: {  	_ =	swait.eq [sflag:s4], $0x1  }
0x94: {  	[sflag:s4] =	ssyncset.done $0x0  }
0x95: {  	[sflag:s4] =	ssyncadd.s32 $0xFFFFFFFF  }
0x96: {  	s17 =	sld [smem:$0x11];
	(tm) =	ssettm $0x1  }
0x97: {  	s18 =	sld [smem:$0x3FFB];
	_ =	sdelay $0x3  }
0x98: {  	_ =	strace s18  }
0x99: {  	s4 =	sld [smem:$0x3FFC];
	_ =	sdelay $0x3  }
0x9a: {  	_ =	strace s4  }
0x9b: {  	s4 =	sld [smem:$0x3FFD];
	_ =	sdelay $0x3  }
0x9c: {  	_ =	strace s4  }
0x9d: {  	_ =	strace $0x8FFFFFFF  }
0x9e: {  	s19 =	sld [smem:$0x3FDB];
	_ =	sdelay $0x1  }
0x9f: {  	s20 =	simm.s32 $_scs_section_size  }
0xa0: {  	s6 =	simm.s32 $_size__tile_overlayer_lowered;
	s7 =	simm.s32 $_tile_overlayer_lowered  }
0xa1: {  	s23 =	simm.s32 $0x1BFF;
	s22 =	sshll.u32 s7, $0x1;
	s4 =	sadd.s32 s20, s19  }
0xa2: {  	s8 =	simm.s32 $0x0;
	s21 =	sshll.u32 s6, $0x1;
	s6 =	sadd.s32 s22, s4  }
0xa3: {  	[timem:s8], [sflag:s23] =	dma.local [hbm:s6], s21  }
0xa4: {  	_ =	swait.ge [sflag:s23], s21  }
0xa5: {  	s5 =	ssub.s32 $0x0, s21;
	[sflag:s23] =	ssyncset.done $0x0  }
0xa6: {  	[sflag:s23] =	ssyncadd.s32 s5;
	_ =	sdelay $0x1  }
0xa7: {  	s24 =	simm.s32 $0x1B8B  }
0xa8: {  	_ =	swait.ge [sflag:s24], $0x1  }
0xa9: {  	[sflag:s24] =	ssyncset.done $0x0  }
0xaa: {  	s25 =	simm.s32 $0x1B8E;
	[sflag:s24] =	ssyncadd.s32 $0xFFFFFFFF  }
0xab: {  	s26 =	simm.s32 $execute0_lowered;
	[smem:$0x3FD2] =	sst s25  }
0xac: {  	s5 =	sshll.u32 s26, $0x1;
	_ =	strace $0x80000046;
	[dreg:$0x1] =	wrdreg $0xFFFFFFFF  }
0xad: {  	s28 =	simm.s32 $_size_execute0_lowered;
	s4 =	sadd.s32 s4, s5;
	[dreg:$0x0] =	wrdreg $0x0  }
0xae: {  	s5 =	sshll.u32 s28, $0x1;
	[dreg:$0x2] =	wrdreg s4  }
0xaf: {  	[dreg:$0x3] =	wrdreg s5  }
0xb0: {  	[dreg:$0x4] =	wrdreg $0xC0  }
0xb1: {  	_ =	task [dreg:s8], $0x5FFFF  }
0xb2: {  	[dreg:$0x1] =	wrdreg $0xFFFFFFFF  }
0xb3: {  	[dreg:$0x0] =	wrdreg $0x60  }
0xb4: {  	[dreg:$0x2] =	wrdreg s16  }
0xb5: {  	[dreg:$0x3] =	wrdreg s17  }
0xb6: {  	[dreg:$0x4] =	wrdreg $0x9  }
0xb7: {  	_ =	task.clear_ibuf [dreg:s8], $0x5FFFF;
	_ =	strace $0x90000046  }
0xb8: {  	s29 =	simm.s32 $0x9;
	_ =	strace $0x80000048  }
0xb9: {  	_ =	swait.ge [sflag:s29], $0x1  }
0xba: {  	[sflag:s29] =	ssyncadd.s32 $0xFFFFFFFF  }
0xbb: {  	_ =	strace $0x90000048  }
0xbc: {  	_ =	sfence  }
0xbd: {  	s30 =	sld [smem:$0x0];
	_ =	sdelay $0x2  }
0xbe: {  	s31 =	sshll.u32 s1, $0xD;
	s1 =	sshrl.u32 s1, $0x2  }
0xbf: {  	s3 =	sand.u32 $0x4000, s31;
	s1 =	sadd.s32 s1, s30  }
0xc0: {  	s0 =	sor.u32 s3, s0;
	s1 =	sshll.u32 s1, $0x11  }
0xc1: {  	s0 =	sor.u32 s1, s0  }
0xc2: {  	s0 =	sadd.s32 $0x8F2B, s0  }
0xc3: {  	[sflag:s0] =	ssyncadd.remote.s32 $0x1  }
0xc4: {  	_ =	sfence.sel $0xFFFF  }
0xc5: {  	[dreg:$0x0] =	wrdreg $0xFFFFFFFF;
	(pc) =	sbr.abs _section_cstart, $3  }
0xc6: {  	[dreg:$0x1] =	wrdreg $0xFFFFFFFF  }
0xc7: {  	_ =	task.clear_ibuf [dreg:s8], $0x2FFFF;
	_ =	strace $0x9FFFFFFF  }
0xc8: {  	(tm) =	ssettm $0x7FFFFFFF  }
0xc9: {  	_ =	shalt  }
tec
execute0_lowered:
.L_overlay_start_1:
0x0: {  	(tag) =	ssettag $0x1  }
0x1: {  	s0 =	srdreg.scid;
	s4 =	stileid.u32  }
0x2: {  	s22 =	rddreg [dreg:$0x0];
	s3 =	simm.s32 $0x1;
	s0 =	sand.u32 $0x1, s0  }
0x3: {  	s19 =	rddreg [dreg:$0x1];
	s2 =	simm.s32 $0x0;
	s1 =	sor.u32 s0, s4  }
0x4: {  	s28 =	simm.s32 $0x8000;
	p1 =	seq.s32 s0, $0x1;
	p0 =	seq.s32 s1, $0x0  }
0x5: {  	s29 =	simm.s32 $0x2;
	s31 =	simm.s32 $0x3;
	p0 =	por !p0, !p1  }
0x6: {  	[smem:$0x7FF] =	sst s2;
	s23 =	ssub.s32 $0x2, s0;
	p0 =	por !p0, !p0  }
0x7: {  	s24 =	sshll.u32 s0, $0x15;
	_ =	strace $0x80000047;
	s3 =	simm.s32 @!p0 $0x0  }
0x8: {  	s0 =	sshll.u32 s0, $0xD;
	s6 =	sshrl.u32 s23, $0x1;
	s14 =	ssub.s32 s4, s3  }
0x9: {  	s1 =	simm.s32 $0x0;
	s3 =	simm.s32 $0x1;
	s5 =	sshll.u32 s14, $0xA  }
0xa: {  	s16 =	sshll.u32 s14, $0x9;
	s15 =	sadd.s32 s24, s5;
	s24 =	ssub.s32 s23, s6  }
0xb: {  	s0 =	sadd.s32 s0, s16;
	s4 =	sadd.s32 $0x80000, s15;
	s5 =	sshrl.u32 s15, $0x3  }
0xc: {  	s30 =	sadd.s32 $0x100000, s15;
	s7 =	sadd.s32 $0x180000, s15;
	s8 =	sadd.s32 $0x400000, s15  }
0xd: {  	s11 =	sadd.s32 $0x800000, s15;
	s15 =	sadd.s32 $0xC00000, s15;
	s0 =	sshrl.u32 s0, $0x3  }
0xe: {  	s24 =	smax.u32 s24, $0x1;
	s25 =	sshrl.u32 s4, $0x3;
	s26 =	sadd.s32 s22, s5  }
0xf: {  	s6 =	sshrl.u32 s30, $0x3;
	s7 =	sshrl.u32 s7, $0x3;
	s8 =	sshrl.u32 s8, $0x3  }
0x10: {  	s12 =	sshrl.u32 s11, $0x3;
	s17 =	sshrl.u32 s15, $0x3;
	s19 =	sadd.s32 s19, s0  }
0x11: {  	[dreg:$0x3] =	wrdreg s26;
	s5 =	sadd.s32 s22, s25;
	s6 =	sadd.s32 s22, s6  }
0x12: {  	s7 =	sadd.s32 s22, s7;
	s8 =	sadd.s32 s22, s8;
	s12 =	sadd.s32 s22, s12  }
0x13: {  	s16 =	sadd.s32 s22, s17;
	s21 =	sadd.s32 $0x10, s19;
	s22 =	sadd.s32 $0x20, s19  }
0x14: {  	s23 =	sadd.s32 $0x30, s19;
	s25 =	simm.s32 $0x400;
	s26 =	simm.s32 $0x4000  }
0x15: {  	s9 =	sadd.s32 $0x80000, s5;
	s10 =	sadd.s32 $0x80000, s6;
	s11 =	sadd.s32 $0x80000, s7  }
0x16: {  	s13 =	sadd.s32 $0x100000, s5;
	s14 =	sadd.s32 $0x100000, s6;
	s15 =	sadd.s32 $0x100000, s7  }
0x17: {  	s17 =	sadd.s32 $0x180000, s5;
	s18 =	sadd.s32 $0x180000, s6;
	s20 =	sadd.s32 $0x180000, s7  }
.LBB2_1:
0x18: {  	s0 =	rddreg [dreg:$0x3]  }
0x19: {  	[tilespmem:s2], [sflag:$0x1] =	stream.strided.gather [hbm4b:s0+s25], $0x8000, s26, s25, $0x38;
	[tilespmem:$0x10200] =	vst v63  }
0x1a: {  	_ = 	snop  }
0x1b: {  	[tilespmem:s28], [sflag:$0x2] =	stream.strided.gather [hbm4b:s5+s25], $0x8000, s26, s25, $0x38;
	[tilespmem:$0x10200] =	vst v63  }
0x1c: {  	_ =	swait.ge [sflag:s3], $0x8000  }
0x1d: {  	[sflag:s3] =	ssyncset.done $0x0  }
0x1e: {  	s4 =	simm.s32 $0x0;
	[sflag:s3] =	ssyncadd.s32 $0xFFFF8000  }
0x1f: {  	v0 =	vld [tilespmem:s4+$0x70]  }
0x20: {  	v2 =	vld [tilespmem:s4+$0x0]  }
0x21: {  	v3 =	vld [tilespmem:s4+$0x10]  }
0x22: {  	v11 =	vld [tilespmem:s4+$0x20]  }
0x23: {  	v10 =	vld [tilespmem:s4+$0x30]  }
0x24: {  	v1 =	vimm.f32 $0.0e+00;
	v6 =	vimm.f32 $0.0e+00;
	v7 =	vld [tilespmem:s4+$0x40]  }
0x25: {  	v8 =	vimm.f32 $0.0e+00;
	v4 =	vimm.f32 $0.0e+00;
	v9 =	vld [tilespmem:s4+$0x50];
	v0 =	vadd.f32 v0, v1  }
0x26: {  	s30 =	simm.s32 $0x400;
	s0 =	simm.s32 $0x80;
	v12 =	vld [tilespmem:s4+$0x60];
	v5 =	vadd.f32 v2, v1;
	v3 =	vadd.f32 v3, v1;
	v2 =	vimm.f32 $0.0e+00  }
.LBB2_2:
0x27: {  	p0 =	sne.s32 s30, $0x1FE00;
	v13 =	vld [tilespmem:s0+$0x70];
	v1 =	vadd.f32 v11, v1  }
0x28: {  	v14 =	vld [tilespmem:s0+$0x0];
	v6 =	vadd.f32 v10, v6  }
0x29: {  	v15 =	vld [tilespmem:s0+$0x10];
	v8 =	vadd.f32 v7, v8  }
.Ltmp0:
0x2a: {  	v11 =	vld [tilespmem:s0+$0x20];
	v4 =	vadd.f32 v9, v4;
	(pc) =	sbr.rel @p0 .LBB2_2-.Ltmp0, $4  }
0x2b: {  	v10 =	vld [tilespmem:s0+$0x30];
	v2 =	vadd.f32 v12, v2  }
0x2c: {  	v7 =	vld [tilespmem:s0+$0x40];
	v0 =	vadd.f32 v13, v0  }
0x2d: {  	v5 =	vadd.f32 v14, v5;
	v9 =	vld [tilespmem:s0+$0x50]  }
0x2e: {  	v3 =	vadd.f32 v15, v3;
	v12 =	vld [tilespmem:s0+$0x60];
	s0 =	sshra.s32 s30, $0x2;
	s30 =	sadd.s32 $0x200, s30  }
0x2f: {  	v14 =	vld [tilespmem:s0+$0x0]  }
0x30: {  	v15 =	vld [tilespmem:s0+$0x10]  }
0x31: {  	v16 =	vld [tilespmem:s0+$0x20]  }
0x32: {  	v13 =	vld [tilespmem:s0+$0x70]  }
0x33: {  	v6 =	vadd.f32 v10, v6;
	v10 =	vld [tilespmem:s0+$0x60]  }
0x34: {  	v17 =	vld [tilespmem:s0+$0x30];
	v1 =	vadd.f32 v11, v1;
	v5 =	vadd.f32 v14, v5  }
0x35: {  	v18 =	vld [tilespmem:s0+$0x40];
	v3 =	vadd.f32 v15, v3  }
0x36: {  	v11 =	vld [tilespmem:s0+$0x50];
	v2 =	vadd.f32 v12, v2;
	v1 =	vadd.f32 v16, v1;
	[tilespmem:$0x10000] =	vst v5  }
0x37: {  	v0 =	vadd.f32 v13, v0;
	[tilespmem:$0x10010] =	vst v3  }
0x38: {  	v7 =	vadd.f32 v7, v8;
	v2 =	vadd.f32 v10, v2;
	[tilespmem:$0x10020] =	vst v1  }
0x39: {  	v4 =	vadd.f32 v9, v4;
	v5 =	vadd.f32 v17, v6;
	[tilespmem:$0x10070] =	vst v0  }
0x3a: {  	v3 =	vadd.f32 v18, v7;
	[tilespmem:$0x10060] =	vst v2  }
0x3b: {  	v1 =	vadd.f32 v11, v4;
	[tilespmem:$0x10030] =	vst v5  }
0x3c: {  	[tilespmem:$0x10040] =	vst v3  }
0x3d: {  	s4 =	simm.s32 $0x0;
	[tilespmem:$0x10050] =	vst v1  }
0x3e: {  	[tilespmem:s4], [sflag:$0x1] =	stream.strided.gather [hbm4b:s6+s25], $0x8000, s26, s25, $0x38;
	[tilespmem:$0x10200] =	vst v63  }
0x3f: {  	_ =	swait.ge [sflag:s29], $0x8000  }
0x40: {  	[sflag:s29] =	ssyncset.done $0x0  }
0x41: {  	s4 =	simm.s32 $0x0;
	[sflag:s29] =	ssyncadd.s32 $0xFFFF8000  }
0x42: {  	v0 =	vld [tilespmem:s4+$0x8070]  }
0x43: {  	v1 =	vld [tilespmem:s4+$0x8000]  }
0x44: {  	v4 =	vld [tilespmem:s4+$0x8010]  }
0x45: {  	v6 =	vld [tilespmem:s4+$0x8020]  }
0x46: {  	v7 =	vld [tilespmem:s4+$0x8030]  }
0x47: {  	v9 =	vimm.f32 $0.0e+00;
	v3 =	vimm.f32 $0.0e+00;
	v8 =	vld [tilespmem:s4+$0x8040]  }
0x48: {  	v10 =	vimm.f32 $0.0e+00;
	v5 =	vimm.f32 $0.0e+00;
	v11 =	vld [tilespmem:s4+$0x8050];
	v0 =	vadd.f32 v0, v3  }
0x49: {  	s30 =	simm.s32 $0x400;
	s0 =	simm.s32 $0x80;
	v12 =	vld [tilespmem:s4+$0x8060];
	v2 =	vadd.f32 v1, v3;
	v1 =	vadd.f32 v4, v3;
	v4 =	vimm.f32 $0.0e+00  }
.LBB2_4:
0x4a: {  	p0 =	sne.s32 s30, $0x1FE00;
	v13 =	vld [tilespmem:s0+$0x8070];
	v3 =	vadd.f32 v6, v3  }
0x4b: {  	v14 =	vld [tilespmem:s0+$0x8000];
	v4 =	vadd.f32 v7, v4  }
0x4c: {  	v15 =	vld [tilespmem:s0+$0x8010];
	v10 =	vadd.f32 v8, v10  }
.Ltmp1:
0x4d: {  	v6 =	vld [tilespmem:s0+$0x8020];
	v9 =	vadd.f32 v11, v9;
	(pc) =	sbr.rel @p0 .LBB2_4-.Ltmp1, $4  }
0x4e: {  	v7 =	vld [tilespmem:s0+$0x8030];
	v5 =	vadd.f32 v12, v5  }
0x4f: {  	v8 =	vld [tilespmem:s0+$0x8040];
	v0 =	vadd.f32 v13, v0  }
0x50: {  	v2 =	vadd.f32 v14, v2;
	v11 =	vld [tilespmem:s0+$0x8050]  }
0x51: {  	v1 =	vadd.f32 v15, v1;
	v12 =	vld [tilespmem:s0+$0x8060];
	s0 =	sshra.s32 s30, $0x2;
	s30 =	sadd.s32 $0x200, s30  }
0x52: {  	v13 =	vld [tilespmem:s0+$0x8070]  }
0x53: {  	v14 =	vld [tilespmem:s0+$0x8000]  }
0x54: {  	v15 =	vld [tilespmem:s0+$0x8010]  }
0x55: {  	v16 =	vld [tilespmem:s0+$0x8020]  }
0x56: {  	v17 =	vld [tilespmem:s0+$0x8030]  }
0x57: {  	v18 =	vld [tilespmem:s0+$0x8040]  }
0x58: {  	v19 =	vld [tilespmem:s0+$0x8050]  }
0x59: {  	v20 =	vld [tilespmem:s0+$0x8060]  }
0x5a: {  	v21 =	vld [tilespmem:$0x10000]  }
0x5b: {  	v3 =	vadd.f32 v6, v3;
	v6 =	vld [tilespmem:$0x10010]  }
0x5c: {  	v4 =	vadd.f32 v7, v4;
	v7 =	vadd.f32 v8, v10;
	v8 =	vld [tilespmem:$0x10020]  }
0x5d: {  	v10 =	vld [tilespmem:$0x10030];
	v9 =	vadd.f32 v11, v9;
	v2 =	vadd.f32 v14, v2  }
0x5e: {  	v11 =	vld [tilespmem:$0x10040];
	v5 =	vadd.f32 v12, v5;
	v1 =	vadd.f32 v15, v1  }
0x5f: {  	v12 =	vld [tilespmem:$0x10050];
	v3 =	vadd.f32 v16, v3;
	v2 =	vadd.f32 v21, v2  }
0x60: {  	v4 =	vadd.f32 v17, v4;
	v1 =	vadd.f32 v6, v1;
	v6 =	vld [tilespmem:$0x10060]  }
0x61: {  	v7 =	vadd.f32 v18, v7;
	[tilespmem:$0x10000] =	vst v2;
	v2 =	vadd.f32 v8, v3;
	v3 =	vld [tilespmem:$0x10070]  }
0x62: {  	v8 =	vadd.f32 v19, v9;
	[tilespmem:$0x10010] =	vst v1;
	v1 =	vadd.f32 v10, v4  }
0x63: {  	v4 =	vadd.f32 v20, v5;
	[tilespmem:$0x10020] =	vst v2;
	v2 =	vadd.f32 v11, v7  }
0x64: {  	v0 =	vadd.f32 v13, v0;
	[tilespmem:$0x10030] =	vst v1;
	v1 =	vadd.f32 v12, v8  }
0x65: {  	[tilespmem:$0x10040] =	vst v2;
	v2 =	vadd.f32 v6, v4  }
0x66: {  	[tilespmem:$0x10050] =	vst v1;
	v0 =	vadd.f32 v3, v0  }
0x67: {  	[tilespmem:$0x10060] =	vst v2  }
0x68: {  	[tilespmem:$0x10070] =	vst v0  }
0x69: {  	[tilespmem:s28], [sflag:$0x2] =	stream.strided.gather [hbm4b:s7+s25], $0x8000, s26, s25, $0x38;
	[tilespmem:$0x10200] =	vst v63  }
0x6a: {  	_ =	swait.ge [sflag:s3], $0x8000  }
0x6b: {  	[sflag:s3] =	ssyncset.done $0x0  }
0x6c: {  	s4 =	simm.s32 $0x0;
	[sflag:s3] =	ssyncadd.s32 $0xFFFF8000  }
0x6d: {  	v0 =	vld [tilespmem:s4+$0x70]  }
0x6e: {  	v1 =	vld [tilespmem:s4+$0x0]  }
0x6f: {  	v4 =	vld [tilespmem:s4+$0x10]  }
0x70: {  	v6 =	vld [tilespmem:s4+$0x20]  }
0x71: {  	v7 =	vld [tilespmem:s4+$0x30]  }
0x72: {  	v10 =	vimm.f32 $0.0e+00;
	v3 =	vimm.f32 $0.0e+00;
	v8 =	vld [tilespmem:s4+$0x40]  }
0x73: {  	v9 =	vimm.f32 $0.0e+00;
	v5 =	vimm.f32 $0.0e+00;
	v11 =	vld [tilespmem:s4+$0x50];
	v0 =	vadd.f32 v0, v3  }
0x74: {  	s0 =	simm.s32 $0x80;
	s30 =	simm.s32 $0x400;
	v12 =	vld [tilespmem:s4+$0x60];
	v2 =	vadd.f32 v1, v3;
	v1 =	vadd.f32 v4, v3;
	v4 =	vimm.f32 $0.0e+00  }
.LBB2_6:
0x75: {  	p0 =	sne.s32 s30, $0x1FE00;
	v13 =	vld [tilespmem:s0+$0x70];
	v3 =	vadd.f32 v6, v3  }
0x76: {  	v14 =	vld [tilespmem:s0+$0x0];
	v4 =	vadd.f32 v7, v4  }
0x77: {  	v15 =	vld [tilespmem:s0+$0x10];
	v10 =	vadd.f32 v8, v10  }
.Ltmp2:
0x78: {  	v6 =	vld [tilespmem:s0+$0x20];
	v9 =	vadd.f32 v11, v9;
	(pc) =	sbr.rel @p0 .LBB2_6-.Ltmp2, $4  }
0x79: {  	v7 =	vld [tilespmem:s0+$0x30];
	v5 =	vadd.f32 v12, v5  }
0x7a: {  	v8 =	vld [tilespmem:s0+$0x40];
	v0 =	vadd.f32 v13, v0  }
0x7b: {  	v2 =	vadd.f32 v14, v2;
	v11 =	vld [tilespmem:s0+$0x50]  }
0x7c: {  	v1 =	vadd.f32 v15, v1;
	v12 =	vld [tilespmem:s0+$0x60];
	s0 =	sshra.s32 s30, $0x2;
	s30 =	sadd.s32 $0x200, s30  }
0x7d: {  	v13 =	vld [tilespmem:s0+$0x70]  }
0x7e: {  	v14 =	vld [tilespmem:s0+$0x0]  }
0x7f: {  	v15 =	vld [tilespmem:s0+$0x10]  }
0x80: {  	v16 =	vld [tilespmem:s0+$0x20]  }
0x81: {  	v17 =	vld [tilespmem:s0+$0x30]  }
0x82: {  	v18 =	vld [tilespmem:s0+$0x40]  }
0x83: {  	v19 =	vld [tilespmem:s0+$0x50]  }
0x84: {  	v20 =	vld [tilespmem:s0+$0x60]  }
0x85: {  	v21 =	vld [tilespmem:$0x10000]  }
0x86: {  	v3 =	vadd.f32 v6, v3;
	v6 =	vld [tilespmem:$0x10010]  }
0x87: {  	v4 =	vadd.f32 v7, v4;
	v7 =	vadd.f32 v8, v10;
	v8 =	vld [tilespmem:$0x10020]  }
0x88: {  	v10 =	vld [tilespmem:$0x10030];
	v9 =	vadd.f32 v11, v9;
	v2 =	vadd.f32 v14, v2  }
0x89: {  	v11 =	vld [tilespmem:$0x10040];
	v5 =	vadd.f32 v12, v5;
	v1 =	vadd.f32 v15, v1  }
0x8a: {  	v12 =	vld [tilespmem:$0x10050];
	v3 =	vadd.f32 v16, v3;
	v2 =	vadd.f32 v21, v2  }
0x8b: {  	v4 =	vadd.f32 v17, v4;
	v1 =	vadd.f32 v6, v1;
	v6 =	vld [tilespmem:$0x10060]  }
0x8c: {  	v7 =	vadd.f32 v18, v7;
	[tilespmem:$0x10000] =	vst v2;
	v2 =	vadd.f32 v8, v3;
	v3 =	vld [tilespmem:$0x10070]  }
0x8d: {  	v8 =	vadd.f32 v19, v9;
	[tilespmem:$0x10010] =	vst v1;
	v1 =	vadd.f32 v10, v4  }
0x8e: {  	v4 =	vadd.f32 v20, v5;
	[tilespmem:$0x10020] =	vst v2;
	v2 =	vadd.f32 v11, v7  }
0x8f: {  	v0 =	vadd.f32 v13, v0;
	[tilespmem:$0x10030] =	vst v1;
	v1 =	vadd.f32 v12, v8  }
0x90: {  	[tilespmem:$0x10040] =	vst v2;
	v2 =	vadd.f32 v6, v4  }
0x91: {  	[tilespmem:$0x10050] =	vst v1;
	v0 =	vadd.f32 v3, v0  }
0x92: {  	[tilespmem:$0x10060] =	vst v2  }
0x93: {  	s4 =	simm.s32 $0x0;
	[tilespmem:$0x10070] =	vst v0  }
0x94: {  	[tilespmem:s4], [sflag:$0x1] =	stream.strided.gather [hbm4b:s8+s25], $0x8000, s26, s25, $0x38;
	[tilespmem:$0x10200] =	vst v63  }
0x95: {  	_ =	swait.ge [sflag:s29], $0x8000  }
0x96: {  	[sflag:s29] =	ssyncset.done $0x0  }
0x97: {  	s4 =	simm.s32 $0x0;
	[sflag:s29] =	ssyncadd.s32 $0xFFFF8000  }
0x98: {  	v0 =	vld [tilespmem:s4+$0x8070]  }
0x99: {  	v1 =	vld [tilespmem:s4+$0x8000]  }
0x9a: {  	v4 =	vld [tilespmem:s4+$0x8010]  }
0x9b: {  	v6 =	vld [tilespmem:s4+$0x8020]  }
0x9c: {  	v7 =	vld [tilespmem:s4+$0x8030]  }
0x9d: {  	v10 =	vimm.f32 $0.0e+00;
	v3 =	vimm.f32 $0.0e+00;
	v8 =	vld [tilespmem:s4+$0x8040]  }
0x9e: {  	v9 =	vimm.f32 $0.0e+00;
	v5 =	vimm.f32 $0.0e+00;
	v11 =	vld [tilespmem:s4+$0x8050];
	v0 =	vadd.f32 v0, v3  }
0x9f: {  	s0 =	simm.s32 $0x80;
	s30 =	simm.s32 $0x400;
	v12 =	vld [tilespmem:s4+$0x8060];
	v2 =	vadd.f32 v1, v3;
	v1 =	vadd.f32 v4, v3;
	v4 =	vimm.f32 $0.0e+00  }
.LBB2_8:
0xa0: {  	p0 =	sne.s32 s30, $0x1FE00;
	v13 =	vld [tilespmem:s0+$0x8070];
	v3 =	vadd.f32 v6, v3  }
0xa1: {  	v14 =	vld [tilespmem:s0+$0x8000];
	v4 =	vadd.f32 v7, v4  }
0xa2: {  	v15 =	vld [tilespmem:s0+$0x8010];
	v10 =	vadd.f32 v8, v10  }
.Ltmp3:
0xa3: {  	v6 =	vld [tilespmem:s0+$0x8020];
	v9 =	vadd.f32 v11, v9;
	(pc) =	sbr.rel @p0 .LBB2_8-.Ltmp3, $4  }
0xa4: {  	v7 =	vld [tilespmem:s0+$0x8030];
	v5 =	vadd.f32 v12, v5  }
0xa5: {  	v8 =	vld [tilespmem:s0+$0x8040];
	v0 =	vadd.f32 v13, v0  }
0xa6: {  	v2 =	vadd.f32 v14, v2;
	v11 =	vld [tilespmem:s0+$0x8050]  }
0xa7: {  	v1 =	vadd.f32 v15, v1;
	v12 =	vld [tilespmem:s0+$0x8060];
	s0 =	sshra.s32 s30, $0x2;
	s30 =	sadd.s32 $0x200, s30  }
0xa8: {  	v13 =	vld [tilespmem:s0+$0x8070]  }
0xa9: {  	v14 =	vld [tilespmem:s0+$0x8000]  }
0xaa: {  	v15 =	vld [tilespmem:s0+$0x8010]  }
0xab: {  	v16 =	vld [tilespmem:s0+$0x8020]  }
0xac: {  	v17 =	vld [tilespmem:s0+$0x8030]  }
0xad: {  	v18 =	vld [tilespmem:s0+$0x8040]  }
0xae: {  	v19 =	vld [tilespmem:s0+$0x8050]  }
0xaf: {  	v20 =	vld [tilespmem:s0+$0x8060]  }
0xb0: {  	v21 =	vld [tilespmem:$0x10000]  }
0xb1: {  	v3 =	vadd.f32 v6, v3;
	v6 =	vld [tilespmem:$0x10010]  }
0xb2: {  	v4 =	vadd.f32 v7, v4;
	v7 =	vadd.f32 v8, v10;
	v8 =	vld [tilespmem:$0x10020]  }
0xb3: {  	v10 =	vld [tilespmem:$0x10030];
	v9 =	vadd.f32 v11, v9;
	v2 =	vadd.f32 v14, v2  }
0xb4: {  	v11 =	vld [tilespmem:$0x10040];
	v5 =	vadd.f32 v12, v5;
	v1 =	vadd.f32 v15, v1  }
0xb5: {  	v12 =	vld [tilespmem:$0x10050];
	v3 =	vadd.f32 v16, v3;
	v2 =	vadd.f32 v21, v2  }
0xb6: {  	v4 =	vadd.f32 v17, v4;
	v1 =	vadd.f32 v6, v1;
	v6 =	vld [tilespmem:$0x10060]  }
0xb7: {  	v7 =	vadd.f32 v18, v7;
	[tilespmem:$0x10000] =	vst v2;
	v2 =	vadd.f32 v8, v3;
	v3 =	vld [tilespmem:$0x10070]  }
0xb8: {  	v8 =	vadd.f32 v19, v9;
	[tilespmem:$0x10010] =	vst v1;
	v1 =	vadd.f32 v10, v4  }
0xb9: {  	v4 =	vadd.f32 v20, v5;
	[tilespmem:$0x10020] =	vst v2;
	v2 =	vadd.f32 v11, v7  }
0xba: {  	v0 =	vadd.f32 v13, v0;
	[tilespmem:$0x10030] =	vst v1;
	v1 =	vadd.f32 v12, v8  }
0xbb: {  	[tilespmem:$0x10040] =	vst v2;
	v2 =	vadd.f32 v6, v4  }
0xbc: {  	[tilespmem:$0x10050] =	vst v1;
	v0 =	vadd.f32 v3, v0  }
0xbd: {  	[tilespmem:$0x10060] =	vst v2  }
0xbe: {  	[tilespmem:$0x10070] =	vst v0  }
0xbf: {  	[tilespmem:s28], [sflag:$0x2] =	stream.strided.gather [hbm4b:s9+s25], $0x8000, s26, s25, $0x38;
	[tilespmem:$0x10200] =	vst v63  }
0xc0: {  	_ =	swait.ge [sflag:s3], $0x8000  }
0xc1: {  	[sflag:s3] =	ssyncset.done $0x0  }
0xc2: {  	s4 =	simm.s32 $0x0;
	[sflag:s3] =	ssyncadd.s32 $0xFFFF8000  }
0xc3: {  	v0 =	vld [tilespmem:s4+$0x70]  }
0xc4: {  	v2 =	vld [tilespmem:s4+$0x0]  }
0xc5: {  	v3 =	vld [tilespmem:s4+$0x10]  }
0xc6: {  	v11 =	vld [tilespmem:s4+$0x20]  }
0xc7: {  	v10 =	vld [tilespmem:s4+$0x30]  }
0xc8: {  	v8 =	vimm.f32 $0.0e+00;
	v1 =	vimm.f32 $0.0e+00;
	v7 =	vld [tilespmem:s4+$0x40]  }
0xc9: {  	v6 =	vimm.f32 $0.0e+00;
	v4 =	vimm.f32 $0.0e+00;
	v9 =	vld [tilespmem:s4+$0x50];
	v0 =	vadd.f32 v0, v1  }
0xca: {  	s0 =	simm.s32 $0x80;
	s30 =	simm.s32 $0x400;
	v12 =	vld [tilespmem:s4+$0x60];
	v5 =	vadd.f32 v2, v1;
	v3 =	vadd.f32 v3, v1;
	v2 =	vimm.f32 $0.0e+00  }
.LBB2_10:
0xcb: {  	p0 =	sne.s32 s30, $0x1FE00;
	v13 =	vld [tilespmem:s0+$0x70];
	v1 =	vadd.f32 v11, v1  }
0xcc: {  	v14 =	vld [tilespmem:s0+$0x0];
	v6 =	vadd.f32 v10, v6  }
0xcd: {  	v15 =	vld [tilespmem:s0+$0x10];
	v8 =	vadd.f32 v7, v8  }
.Ltmp4:
0xce: {  	v11 =	vld [tilespmem:s0+$0x20];
	v4 =	vadd.f32 v9, v4;
	(pc) =	sbr.rel @p0 .LBB2_10-.Ltmp4, $4  }
0xcf: {  	v10 =	vld [tilespmem:s0+$0x30];
	v2 =	vadd.f32 v12, v2  }
0xd0: {  	v7 =	vld [tilespmem:s0+$0x40];
	v0 =	vadd.f32 v13, v0  }
0xd1: {  	v5 =	vadd.f32 v14, v5;
	v9 =	vld [tilespmem:s0+$0x50]  }
0xd2: {  	v3 =	vadd.f32 v15, v3;
	v12 =	vld [tilespmem:s0+$0x60];
	s0 =	sshra.s32 s30, $0x2;
	s30 =	sadd.s32 $0x200, s30  }
0xd3: {  	v14 =	vld [tilespmem:s0+$0x0]  }
0xd4: {  	v15 =	vld [tilespmem:s0+$0x10]  }
0xd5: {  	v16 =	vld [tilespmem:s0+$0x20]  }
0xd6: {  	v13 =	vld [tilespmem:s0+$0x70]  }
0xd7: {  	v6 =	vadd.f32 v10, v6;
	v10 =	vld [tilespmem:s0+$0x60]  }
0xd8: {  	v17 =	vld [tilespmem:s0+$0x30];
	v1 =	vadd.f32 v11, v1;
	v5 =	vadd.f32 v14, v5  }
0xd9: {  	v18 =	vld [tilespmem:s0+$0x40];
	v3 =	vadd.f32 v15, v3  }
0xda: {  	v11 =	vld [tilespmem:s0+$0x50];
	v2 =	vadd.f32 v12, v2;
	v1 =	vadd.f32 v16, v1;
	[tilespmem:$0x10080] =	vst v5  }
0xdb: {  	v0 =	vadd.f32 v13, v0;
	[tilespmem:$0x10090] =	vst v3  }
0xdc: {  	v7 =	vadd.f32 v7, v8;
	v2 =	vadd.f32 v10, v2;
	[tilespmem:$0x100A0] =	vst v1  }
0xdd: {  	v4 =	vadd.f32 v9, v4;
	v5 =	vadd.f32 v17, v6;
	[tilespmem:$0x100F0] =	vst v0  }
0xde: {  	v3 =	vadd.f32 v18, v7;
	[tilespmem:$0x100E0] =	vst v2  }
0xdf: {  	v1 =	vadd.f32 v11, v4;
	[tilespmem:$0x100B0] =	vst v5  }
0xe0: {  	[tilespmem:$0x100C0] =	vst v3  }
0xe1: {  	s4 =	simm.s32 $0x0;
	[tilespmem:$0x100D0] =	vst v1  }
0xe2: {  	[tilespmem:s4], [sflag:$0x1] =	stream.strided.gather [hbm4b:s10+s25], $0x8000, s26, s25, $0x38;
	[tilespmem:$0x10200] =	vst v63  }
0xe3: {  	_ =	swait.ge [sflag:s29], $0x8000  }
0xe4: {  	[sflag:s29] =	ssyncset.done $0x0  }
0xe5: {  	s4 =	simm.s32 $0x0;
	[sflag:s29] =	ssyncadd.s32 $0xFFFF8000  }
0xe6: {  	v0 =	vld [tilespmem:s4+$0x8070]  }
0xe7: {  	v1 =	vld [tilespmem:s4+$0x8000]  }
0xe8: {  	v4 =	vld [tilespmem:s4+$0x8010]  }
0xe9: {  	v6 =	vld [tilespmem:s4+$0x8020]  }
0xea: {  	v7 =	vld [tilespmem:s4+$0x8030]  }
0xeb: {  	v9 =	vimm.f32 $0.0e+00;
	v3 =	vimm.f32 $0.0e+00;
	v8 =	vld [tilespmem:s4+$0x8040]  }
0xec: {  	v10 =	vimm.f32 $0.0e+00;
	v5 =	vimm.f32 $0.0e+00;
	v11 =	vld [tilespmem:s4+$0x8050];
	v0 =	vadd.f32 v0, v3  }
0xed: {  	s30 =	simm.s32 $0x400;
	s0 =	simm.s32 $0x80;
	v12 =	vld [tilespmem:s4+$0x8060];
	v2 =	vadd.f32 v1, v3;
	v1 =	vadd.f32 v4, v3;
	v4 =	vimm.f32 $0.0e+00  }
.LBB2_12:
0xee: {  	p0 =	sne.s32 s30, $0x1FE00;
	v13 =	vld [tilespmem:s0+$0x8070];
	v3 =	vadd.f32 v6, v3  }
0xef: {  	v14 =	vld [tilespmem:s0+$0x8000];
	v4 =	vadd.f32 v7, v4  }
0xf0: {  	v15 =	vld [tilespmem:s0+$0x8010];
	v10 =	vadd.f32 v8, v10  }
.Ltmp5:
0xf1: {  	v6 =	vld [tilespmem:s0+$0x8020];
	v9 =	vadd.f32 v11, v9;
	(pc) =	sbr.rel @p0 .LBB2_12-.Ltmp5, $4  }
0xf2: {  	v7 =	vld [tilespmem:s0+$0x8030];
	v5 =	vadd.f32 v12, v5  }
0xf3: {  	v8 =	vld [tilespmem:s0+$0x8040];
	v0 =	vadd.f32 v13, v0  }
0xf4: {  	v2 =	vadd.f32 v14, v2;
	v11 =	vld [tilespmem:s0+$0x8050]  }
0xf5: {  	v1 =	vadd.f32 v15, v1;
	v12 =	vld [tilespmem:s0+$0x8060];
	s0 =	sshra.s32 s30, $0x2;
	s30 =	sadd.s32 $0x200, s30  }
0xf6: {  	v13 =	vld [tilespmem:s0+$0x8070]  }
0xf7: {  	v14 =	vld [tilespmem:s0+$0x8000]  }
0xf8: {  	v15 =	vld [tilespmem:s0+$0x8010]  }
0xf9: {  	v16 =	vld [tilespmem:s0+$0x8020]  }
0xfa: {  	v17 =	vld [tilespmem:s0+$0x8030]  }
0xfb: {  	v18 =	vld [tilespmem:s0+$0x8040]  }
0xfc: {  	v19 =	vld [tilespmem:s0+$0x8050]  }
0xfd: {  	v20 =	vld [tilespmem:s0+$0x8060]  }
0xfe: {  	v21 =	vld [tilespmem:$0x10080]  }
0xff: {  	v3 =	vadd.f32 v6, v3;
	v6 =	vld [tilespmem:$0x10090]  }
0x100: {  	v4 =	vadd.f32 v7, v4;
	v7 =	vadd.f32 v8, v10;
	v8 =	vld [tilespmem:$0x100A0]  }
0x101: {  	v10 =	vld [tilespmem:$0x100B0];
	v9 =	vadd.f32 v11, v9;
	v2 =	vadd.f32 v14, v2  }
0x102: {  	v11 =	vld [tilespmem:$0x100C0];
	v5 =	vadd.f32 v12, v5;
	v1 =	vadd.f32 v15, v1  }
0x103: {  	v12 =	vld [tilespmem:$0x100D0];
	v3 =	vadd.f32 v16, v3;
	v2 =	vadd.f32 v21, v2  }
0x104: {  	v4 =	vadd.f32 v17, v4;
	v1 =	vadd.f32 v6, v1;
	v6 =	vld [tilespmem:$0x100E0]  }
0x105: {  	v7 =	vadd.f32 v18, v7;
	[tilespmem:$0x10080] =	vst v2;
	v2 =	vadd.f32 v8, v3;
	v3 =	vld [tilespmem:$0x100F0]  }
0x106: {  	v8 =	vadd.f32 v19, v9;
	[tilespmem:$0x10090] =	vst v1;
	v1 =	vadd.f32 v10, v4  }
0x107: {  	v4 =	vadd.f32 v20, v5;
	[tilespmem:$0x100A0] =	vst v2;
	v2 =	vadd.f32 v11, v7  }
0x108: {  	v0 =	vadd.f32 v13, v0;
	[tilespmem:$0x100B0] =	vst v1;
	v1 =	vadd.f32 v12, v8  }
0x109: {  	[tilespmem:$0x100C0] =	vst v2;
	v2 =	vadd.f32 v6, v4  }
0x10a: {  	[tilespmem:$0x100D0] =	vst v1;
	v0 =	vadd.f32 v3, v0  }
0x10b: {  	[tilespmem:$0x100E0] =	vst v2  }
0x10c: {  	[tilespmem:$0x100F0] =	vst v0  }
0x10d: {  	[tilespmem:s28], [sflag:$0x2] =	stream.strided.gather [hbm4b:s11+s25], $0x8000, s26, s25, $0x38;
	[tilespmem:$0x10200] =	vst v63  }
0x10e: {  	_ =	swait.ge [sflag:s3], $0x8000  }
0x10f: {  	[sflag:s3] =	ssyncset.done $0x0  }
0x110: {  	s4 =	simm.s32 $0x0;
	[sflag:s3] =	ssyncadd.s32 $0xFFFF8000  }
0x111: {  	v0 =	vld [tilespmem:s4+$0x70]  }
0x112: {  	v1 =	vld [tilespmem:s4+$0x0]  }
0x113: {  	v4 =	vld [tilespmem:s4+$0x10]  }
0x114: {  	v6 =	vld [tilespmem:s4+$0x20]  }
0x115: {  	v7 =	vld [tilespmem:s4+$0x30]  }
0x116: {  	v10 =	vimm.f32 $0.0e+00;
	v3 =	vimm.f32 $0.0e+00;
	v8 =	vld [tilespmem:s4+$0x40]  }
0x117: {  	v9 =	vimm.f32 $0.0e+00;
	v5 =	vimm.f32 $0.0e+00;
	v11 =	vld [tilespmem:s4+$0x50];
	v0 =	vadd.f32 v0, v3  }
0x118: {  	s0 =	simm.s32 $0x80;
	s30 =	simm.s32 $0x400;
	v12 =	vld [tilespmem:s4+$0x60];
	v2 =	vadd.f32 v1, v3;
	v1 =	vadd.f32 v4, v3;
	v4 =	vimm.f32 $0.0e+00  }
.LBB2_14:
0x119: {  	p0 =	sne.s32 s30, $0x1FE00;
	v13 =	vld [tilespmem:s0+$0x70];
	v3 =	vadd.f32 v6, v3  }
0x11a: {  	v14 =	vld [tilespmem:s0+$0x0];
	v4 =	vadd.f32 v7, v4  }
0x11b: {  	v15 =	vld [tilespmem:s0+$0x10];
	v10 =	vadd.f32 v8, v10  }
.Ltmp6:
0x11c: {  	v6 =	vld [tilespmem:s0+$0x20];
	v9 =	vadd.f32 v11, v9;
	(pc) =	sbr.rel @p0 .LBB2_14-.Ltmp6, $4  }
0x11d: {  	v7 =	vld [tilespmem:s0+$0x30];
	v5 =	vadd.f32 v12, v5  }
0x11e: {  	v8 =	vld [tilespmem:s0+$0x40];
	v0 =	vadd.f32 v13, v0  }
0x11f: {  	v2 =	vadd.f32 v14, v2;
	v11 =	vld [tilespmem:s0+$0x50]  }
0x120: {  	v1 =	vadd.f32 v15, v1;
	v12 =	vld [tilespmem:s0+$0x60];
	s0 =	sshra.s32 s30, $0x2;
	s30 =	sadd.s32 $0x200, s30  }
0x121: {  	v13 =	vld [tilespmem:s0+$0x70]  }
0x122: {  	v14 =	vld [tilespmem:s0+$0x0]  }
0x123: {  	v15 =	vld [tilespmem:s0+$0x10]  }
0x124: {  	v16 =	vld [tilespmem:s0+$0x20]  }
0x125: {  	v17 =	vld [tilespmem:s0+$0x30]  }
0x126: {  	v18 =	vld [tilespmem:s0+$0x40]  }
0x127: {  	v19 =	vld [tilespmem:s0+$0x50]  }
0x128: {  	v20 =	vld [tilespmem:s0+$0x60]  }
0x129: {  	v21 =	vld [tilespmem:$0x10080]  }
0x12a: {  	v3 =	vadd.f32 v6, v3;
	v6 =	vld [tilespmem:$0x10090]  }
0x12b: {  	v4 =	vadd.f32 v7, v4;
	v7 =	vadd.f32 v8, v10;
	v8 =	vld [tilespmem:$0x100A0]  }
0x12c: {  	v10 =	vld [tilespmem:$0x100B0];
	v9 =	vadd.f32 v11, v9;
	v2 =	vadd.f32 v14, v2  }
0x12d: {  	v11 =	vld [tilespmem:$0x100C0];
	v5 =	vadd.f32 v12, v5;
	v1 =	vadd.f32 v15, v1  }
0x12e: {  	v12 =	vld [tilespmem:$0x100D0];
	v3 =	vadd.f32 v16, v3;
	v2 =	vadd.f32 v21, v2  }
0x12f: {  	v4 =	vadd.f32 v17, v4;
	v1 =	vadd.f32 v6, v1;
	v6 =	vld [tilespmem:$0x100E0]  }
0x130: {  	v7 =	vadd.f32 v18, v7;
	[tilespmem:$0x10080] =	vst v2;
	v2 =	vadd.f32 v8, v3;
	v3 =	vld [tilespmem:$0x100F0]  }
0x131: {  	v8 =	vadd.f32 v19, v9;
	[tilespmem:$0x10090] =	vst v1;
	v1 =	vadd.f32 v10, v4  }
0x132: {  	v4 =	vadd.f32 v20, v5;
	[tilespmem:$0x100A0] =	vst v2;
	v2 =	vadd.f32 v11, v7  }
0x133: {  	v0 =	vadd.f32 v13, v0;
	[tilespmem:$0x100B0] =	vst v1;
	v1 =	vadd.f32 v12, v8  }
0x134: {  	[tilespmem:$0x100C0] =	vst v2;
	v2 =	vadd.f32 v6, v4  }
0x135: {  	[tilespmem:$0x100D0] =	vst v1;
	v0 =	vadd.f32 v3, v0  }
0x136: {  	[tilespmem:$0x100E0] =	vst v2  }
0x137: {  	s4 =	simm.s32 $0x0;
	[tilespmem:$0x100F0] =	vst v0  }
0x138: {  	[tilespmem:s4], [sflag:$0x1] =	stream.strided.gather [hbm4b:s12+s25], $0x8000, s26, s25, $0x38;
	[tilespmem:$0x10200] =	vst v63  }
0x139: {  	_ =	swait.ge [sflag:s29], $0x8000  }
0x13a: {  	[sflag:s29] =	ssyncset.done $0x0  }
0x13b: {  	s4 =	simm.s32 $0x0;
	[sflag:s29] =	ssyncadd.s32 $0xFFFF8000  }
0x13c: {  	v0 =	vld [tilespmem:s4+$0x8070]  }
0x13d: {  	v1 =	vld [tilespmem:s4+$0x8000]  }
0x13e: {  	v4 =	vld [tilespmem:s4+$0x8010]  }
0x13f: {  	v6 =	vld [tilespmem:s4+$0x8020]  }
0x140: {  	v7 =	vld [tilespmem:s4+$0x8030]  }
0x141: {  	v10 =	vimm.f32 $0.0e+00;
	v3 =	vimm.f32 $0.0e+00;
	v8 =	vld [tilespmem:s4+$0x8040]  }
0x142: {  	v9 =	vimm.f32 $0.0e+00;
	v5 =	vimm.f32 $0.0e+00;
	v11 =	vld [tilespmem:s4+$0x8050];
	v0 =	vadd.f32 v0, v3  }
0x143: {  	s0 =	simm.s32 $0x80;
	s30 =	simm.s32 $0x400;
	v12 =	vld [tilespmem:s4+$0x8060];
	v2 =	vadd.f32 v1, v3;
	v1 =	vadd.f32 v4, v3;
	v4 =	vimm.f32 $0.0e+00  }
.LBB2_16:
0x144: {  	p0 =	sne.s32 s30, $0x1FE00;
	v13 =	vld [tilespmem:s0+$0x8070];
	v3 =	vadd.f32 v6, v3  }
0x145: {  	v14 =	vld [tilespmem:s0+$0x8000];
	v4 =	vadd.f32 v7, v4  }
0x146: {  	v15 =	vld [tilespmem:s0+$0x8010];
	v10 =	vadd.f32 v8, v10  }
.Ltmp7:
0x147: {  	v6 =	vld [tilespmem:s0+$0x8020];
	v9 =	vadd.f32 v11, v9;
	(pc) =	sbr.rel @p0 .LBB2_16-.Ltmp7, $4  }
0x148: {  	v7 =	vld [tilespmem:s0+$0x8030];
	v5 =	vadd.f32 v12, v5  }
0x149: {  	v8 =	vld [tilespmem:s0+$0x8040];
	v0 =	vadd.f32 v13, v0  }
0x14a: {  	v2 =	vadd.f32 v14, v2;
	v11 =	vld [tilespmem:s0+$0x8050]  }
0x14b: {  	v1 =	vadd.f32 v15, v1;
	v12 =	vld [tilespmem:s0+$0x8060];
	s0 =	sshra.s32 s30, $0x2;
	s30 =	sadd.s32 $0x200, s30  }
0x14c: {  	v13 =	vld [tilespmem:s0+$0x8070]  }
0x14d: {  	v14 =	vld [tilespmem:s0+$0x8000]  }
0x14e: {  	v15 =	vld [tilespmem:s0+$0x8010]  }
0x14f: {  	v16 =	vld [tilespmem:s0+$0x8020]  }
0x150: {  	v17 =	vld [tilespmem:s0+$0x8030]  }
0x151: {  	v18 =	vld [tilespmem:s0+$0x8040]  }
0x152: {  	v19 =	vld [tilespmem:s0+$0x8050]  }
0x153: {  	v20 =	vld [tilespmem:s0+$0x8060]  }
0x154: {  	v21 =	vld [tilespmem:$0x10080]  }
0x155: {  	v3 =	vadd.f32 v6, v3;
	v6 =	vld [tilespmem:$0x10090]  }
0x156: {  	v4 =	vadd.f32 v7, v4;
	v7 =	vadd.f32 v8, v10;
	v8 =	vld [tilespmem:$0x100A0]  }
0x157: {  	v10 =	vld [tilespmem:$0x100B0];
	v9 =	vadd.f32 v11, v9;
	v2 =	vadd.f32 v14, v2  }
0x158: {  	v11 =	vld [tilespmem:$0x100C0];
	v5 =	vadd.f32 v12, v5;
	v1 =	vadd.f32 v15, v1  }
0x159: {  	v12 =	vld [tilespmem:$0x100D0];
	v3 =	vadd.f32 v16, v3;
	v2 =	vadd.f32 v21, v2  }
0x15a: {  	v4 =	vadd.f32 v17, v4;
	v1 =	vadd.f32 v6, v1;
	v6 =	vld [tilespmem:$0x100E0]  }
0x15b: {  	v7 =	vadd.f32 v18, v7;
	[tilespmem:$0x10080] =	vst v2;
	v2 =	vadd.f32 v8, v3;
	v3 =	vld [tilespmem:$0x100F0]  }
0x15c: {  	v8 =	vadd.f32 v19, v9;
	[tilespmem:$0x10090] =	vst v1;
	v1 =	vadd.f32 v10, v4  }
0x15d: {  	v4 =	vadd.f32 v20, v5;
	[tilespmem:$0x100A0] =	vst v2;
	v2 =	vadd.f32 v11, v7  }
0x15e: {  	v0 =	vadd.f32 v13, v0;
	[tilespmem:$0x100B0] =	vst v1;
	v1 =	vadd.f32 v12, v8  }
0x15f: {  	[tilespmem:$0x100C0] =	vst v2;
	v2 =	vadd.f32 v6, v4  }
0x160: {  	[tilespmem:$0x100D0] =	vst v1;
	v0 =	vadd.f32 v3, v0  }
0x161: {  	[tilespmem:$0x100E0] =	vst v2  }
0x162: {  	[tilespmem:$0x100F0] =	vst v0  }
0x163: {  	[tilespmem:s28], [sflag:$0x2] =	stream.strided.gather [hbm4b:s13+s25], $0x8000, s26, s25, $0x38;
	[tilespmem:$0x10200] =	vst v63  }
0x164: {  	_ =	swait.ge [sflag:s3], $0x8000  }
0x165: {  	[sflag:s3] =	ssyncset.done $0x0  }
0x166: {  	s4 =	simm.s32 $0x0;
	[sflag:s3] =	ssyncadd.s32 $0xFFFF8000  }
0x167: {  	v0 =	vld [tilespmem:s4+$0x70]  }
0x168: {  	v2 =	vld [tilespmem:s4+$0x0]  }
0x169: {  	v3 =	vld [tilespmem:s4+$0x10]  }
0x16a: {  	v11 =	vld [tilespmem:s4+$0x20]  }
0x16b: {  	v10 =	vld [tilespmem:s4+$0x30]  }
0x16c: {  	v8 =	vimm.f32 $0.0e+00;
	v1 =	vimm.f32 $0.0e+00;
	v7 =	vld [tilespmem:s4+$0x40]  }
0x16d: {  	v6 =	vimm.f32 $0.0e+00;
	v4 =	vimm.f32 $0.0e+00;
	v9 =	vld [tilespmem:s4+$0x50];
	v0 =	vadd.f32 v0, v1  }
0x16e: {  	s0 =	simm.s32 $0x80;
	s30 =	simm.s32 $0x400;
	v12 =	vld [tilespmem:s4+$0x60];
	v5 =	vadd.f32 v2, v1;
	v3 =	vadd.f32 v3, v1;
	v2 =	vimm.f32 $0.0e+00  }
.LBB2_18:
0x16f: {  	p0 =	sne.s32 s30, $0x1FE00;
	v13 =	vld [tilespmem:s0+$0x70];
	v1 =	vadd.f32 v11, v1  }
0x170: {  	v14 =	vld [tilespmem:s0+$0x0];
	v6 =	vadd.f32 v10, v6  }
0x171: {  	v15 =	vld [tilespmem:s0+$0x10];
	v8 =	vadd.f32 v7, v8  }
.Ltmp8:
0x172: {  	v11 =	vld [tilespmem:s0+$0x20];
	v4 =	vadd.f32 v9, v4;
	(pc) =	sbr.rel @p0 .LBB2_18-.Ltmp8, $4  }
0x173: {  	v10 =	vld [tilespmem:s0+$0x30];
	v2 =	vadd.f32 v12, v2  }
0x174: {  	v7 =	vld [tilespmem:s0+$0x40];
	v0 =	vadd.f32 v13, v0  }
0x175: {  	v5 =	vadd.f32 v14, v5;
	v9 =	vld [tilespmem:s0+$0x50]  }
0x176: {  	v3 =	vadd.f32 v15, v3;
	v12 =	vld [tilespmem:s0+$0x60];
	s0 =	sshra.s32 s30, $0x2;
	s30 =	sadd.s32 $0x200, s30  }
0x177: {  	v14 =	vld [tilespmem:s0+$0x0]  }
0x178: {  	v15 =	vld [tilespmem:s0+$0x10]  }
0x179: {  	v16 =	vld [tilespmem:s0+$0x20]  }
0x17a: {  	v13 =	vld [tilespmem:s0+$0x70]  }
0x17b: {  	v6 =	vadd.f32 v10, v6;
	v10 =	vld [tilespmem:s0+$0x60]  }
0x17c: {  	v17 =	vld [tilespmem:s0+$0x30];
	v1 =	vadd.f32 v11, v1;
	v5 =	vadd.f32 v14, v5  }
0x17d: {  	v18 =	vld [tilespmem:s0+$0x40];
	v3 =	vadd.f32 v15, v3  }
0x17e: {  	v11 =	vld [tilespmem:s0+$0x50];
	v2 =	vadd.f32 v12, v2;
	v1 =	vadd.f32 v16, v1;
	[tilespmem:$0x10100] =	vst v5  }
0x17f: {  	v0 =	vadd.f32 v13, v0;
	[tilespmem:$0x10110] =	vst v3  }
0x180: {  	v7 =	vadd.f32 v7, v8;
	v2 =	vadd.f32 v10, v2;
	[tilespmem:$0x10120] =	vst v1  }
0x181: {  	v4 =	vadd.f32 v9, v4;
	v5 =	vadd.f32 v17, v6;
	[tilespmem:$0x10170] =	vst v0  }
0x182: {  	v3 =	vadd.f32 v18, v7;
	[tilespmem:$0x10160] =	vst v2  }
0x183: {  	v1 =	vadd.f32 v11, v4;
	[tilespmem:$0x10130] =	vst v5  }
0x184: {  	[tilespmem:$0x10140] =	vst v3  }
0x185: {  	s4 =	simm.s32 $0x0;
	[tilespmem:$0x10150] =	vst v1  }
0x186: {  	[tilespmem:s4], [sflag:$0x1] =	stream.strided.gather [hbm4b:s14+s25], $0x8000, s26, s25, $0x38;
	[tilespmem:$0x10200] =	vst v63  }
0x187: {  	_ =	swait.ge [sflag:s29], $0x8000  }
0x188: {  	[sflag:s29] =	ssyncset.done $0x0  }
0x189: {  	s4 =	simm.s32 $0x0;
	[sflag:s29] =	ssyncadd.s32 $0xFFFF8000  }
0x18a: {  	v0 =	vld [tilespmem:s4+$0x8070]  }
0x18b: {  	v1 =	vld [tilespmem:s4+$0x8000]  }
0x18c: {  	v4 =	vld [tilespmem:s4+$0x8010]  }
0x18d: {  	v6 =	vld [tilespmem:s4+$0x8020]  }
0x18e: {  	v7 =	vld [tilespmem:s4+$0x8030]  }
0x18f: {  	v9 =	vimm.f32 $0.0e+00;
	v3 =	vimm.f32 $0.0e+00;
	v8 =	vld [tilespmem:s4+$0x8040]  }
0x190: {  	v10 =	vimm.f32 $0.0e+00;
	v5 =	vimm.f32 $0.0e+00;
	v11 =	vld [tilespmem:s4+$0x8050];
	v0 =	vadd.f32 v0, v3  }
0x191: {  	s30 =	simm.s32 $0x400;
	s0 =	simm.s32 $0x80;
	v12 =	vld [tilespmem:s4+$0x8060];
	v2 =	vadd.f32 v1, v3;
	v1 =	vadd.f32 v4, v3;
	v4 =	vimm.f32 $0.0e+00  }
.LBB2_20:
0x192: {  	p0 =	sne.s32 s30, $0x1FE00;
	v13 =	vld [tilespmem:s0+$0x8070];
	v3 =	vadd.f32 v6, v3  }
0x193: {  	v14 =	vld [tilespmem:s0+$0x8000];
	v4 =	vadd.f32 v7, v4  }
0x194: {  	v15 =	vld [tilespmem:s0+$0x8010];
	v10 =	vadd.f32 v8, v10  }
.Ltmp9:
0x195: {  	v6 =	vld [tilespmem:s0+$0x8020];
	v9 =	vadd.f32 v11, v9;
	(pc) =	sbr.rel @p0 .LBB2_20-.Ltmp9, $4  }
0x196: {  	v7 =	vld [tilespmem:s0+$0x8030];
	v5 =	vadd.f32 v12, v5  }
0x197: {  	v8 =	vld [tilespmem:s0+$0x8040];
	v0 =	vadd.f32 v13, v0  }
0x198: {  	v2 =	vadd.f32 v14, v2;
	v11 =	vld [tilespmem:s0+$0x8050]  }
0x199: {  	v1 =	vadd.f32 v15, v1;
	v12 =	vld [tilespmem:s0+$0x8060];
	s0 =	sshra.s32 s30, $0x2;
	s30 =	sadd.s32 $0x200, s30  }
0x19a: {  	v13 =	vld [tilespmem:s0+$0x8070]  }
0x19b: {  	v14 =	vld [tilespmem:s0+$0x8000]  }
0x19c: {  	v15 =	vld [tilespmem:s0+$0x8010]  }
0x19d: {  	v16 =	vld [tilespmem:s0+$0x8020]  }
0x19e: {  	v17 =	vld [tilespmem:s0+$0x8030]  }
0x19f: {  	v18 =	vld [tilespmem:s0+$0x8040]  }
0x1a0: {  	v19 =	vld [tilespmem:s0+$0x8050]  }
0x1a1: {  	v20 =	vld [tilespmem:s0+$0x8060]  }
0x1a2: {  	v21 =	vld [tilespmem:$0x10100]  }
0x1a3: {  	v3 =	vadd.f32 v6, v3;
	v6 =	vld [tilespmem:$0x10110]  }
0x1a4: {  	v4 =	vadd.f32 v7, v4;
	v7 =	vadd.f32 v8, v10;
	v8 =	vld [tilespmem:$0x10120]  }
0x1a5: {  	v10 =	vld [tilespmem:$0x10130];
	v9 =	vadd.f32 v11, v9;
	v2 =	vadd.f32 v14, v2  }
0x1a6: {  	v11 =	vld [tilespmem:$0x10140];
	v5 =	vadd.f32 v12, v5;
	v1 =	vadd.f32 v15, v1  }
0x1a7: {  	v12 =	vld [tilespmem:$0x10150];
	v3 =	vadd.f32 v16, v3;
	v2 =	vadd.f32 v21, v2  }
0x1a8: {  	v4 =	vadd.f32 v17, v4;
	v1 =	vadd.f32 v6, v1;
	v6 =	vld [tilespmem:$0x10160]  }
0x1a9: {  	v7 =	vadd.f32 v18, v7;
	[tilespmem:$0x10100] =	vst v2;
	v2 =	vadd.f32 v8, v3;
	v3 =	vld [tilespmem:$0x10170]  }
0x1aa: {  	v8 =	vadd.f32 v19, v9;
	[tilespmem:$0x10110] =	vst v1;
	v1 =	vadd.f32 v10, v4  }
0x1ab: {  	v4 =	vadd.f32 v20, v5;
	[tilespmem:$0x10120] =	vst v2;
	v2 =	vadd.f32 v11, v7  }
0x1ac: {  	v0 =	vadd.f32 v13, v0;
	[tilespmem:$0x10130] =	vst v1;
	v1 =	vadd.f32 v12, v8  }
0x1ad: {  	[tilespmem:$0x10140] =	vst v2;
	v2 =	vadd.f32 v6, v4  }
0x1ae: {  	[tilespmem:$0x10150] =	vst v1;
	v0 =	vadd.f32 v3, v0  }
0x1af: {  	[tilespmem:$0x10160] =	vst v2  }
0x1b0: {  	[tilespmem:$0x10170] =	vst v0  }
0x1b1: {  	[tilespmem:s28], [sflag:$0x2] =	stream.strided.gather [hbm4b:s15+s25], $0x8000, s26, s25, $0x38;
	[tilespmem:$0x10200] =	vst v63  }
0x1b2: {  	_ =	swait.ge [sflag:s3], $0x8000  }
0x1b3: {  	[sflag:s3] =	ssyncset.done $0x0  }
0x1b4: {  	s4 =	simm.s32 $0x0;
	[sflag:s3] =	ssyncadd.s32 $0xFFFF8000  }
0x1b5: {  	v0 =	vld [tilespmem:s4+$0x70]  }
0x1b6: {  	v1 =	vld [tilespmem:s4+$0x0]  }
0x1b7: {  	v4 =	vld [tilespmem:s4+$0x10]  }
0x1b8: {  	v6 =	vld [tilespmem:s4+$0x20]  }
0x1b9: {  	v7 =	vld [tilespmem:s4+$0x30]  }
0x1ba: {  	v10 =	vimm.f32 $0.0e+00;
	v3 =	vimm.f32 $0.0e+00;
	v8 =	vld [tilespmem:s4+$0x40]  }
0x1bb: {  	v9 =	vimm.f32 $0.0e+00;
	v5 =	vimm.f32 $0.0e+00;
	v11 =	vld [tilespmem:s4+$0x50];
	v0 =	vadd.f32 v0, v3  }
0x1bc: {  	s0 =	simm.s32 $0x80;
	s30 =	simm.s32 $0x400;
	v12 =	vld [tilespmem:s4+$0x60];
	v2 =	vadd.f32 v1, v3;
	v1 =	vadd.f32 v4, v3;
	v4 =	vimm.f32 $0.0e+00  }
.LBB2_22:
0x1bd: {  	p0 =	sne.s32 s30, $0x1FE00;
	v13 =	vld [tilespmem:s0+$0x70];
	v3 =	vadd.f32 v6, v3  }
0x1be: {  	v14 =	vld [tilespmem:s0+$0x0];
	v4 =	vadd.f32 v7, v4  }
0x1bf: {  	v15 =	vld [tilespmem:s0+$0x10];
	v10 =	vadd.f32 v8, v10  }
.Ltmp10:
0x1c0: {  	v6 =	vld [tilespmem:s0+$0x20];
	v9 =	vadd.f32 v11, v9;
	(pc) =	sbr.rel @p0 .LBB2_22-.Ltmp10, $4  }
0x1c1: {  	v7 =	vld [tilespmem:s0+$0x30];
	v5 =	vadd.f32 v12, v5  }
0x1c2: {  	v8 =	vld [tilespmem:s0+$0x40];
	v0 =	vadd.f32 v13, v0  }
0x1c3: {  	v2 =	vadd.f32 v14, v2;
	v11 =	vld [tilespmem:s0+$0x50]  }
0x1c4: {  	v1 =	vadd.f32 v15, v1;
	v12 =	vld [tilespmem:s0+$0x60];
	s0 =	sshra.s32 s30, $0x2;
	s30 =	sadd.s32 $0x200, s30  }
0x1c5: {  	v13 =	vld [tilespmem:s0+$0x70]  }
0x1c6: {  	v14 =	vld [tilespmem:s0+$0x0]  }
0x1c7: {  	v15 =	vld [tilespmem:s0+$0x10]  }
0x1c8: {  	v16 =	vld [tilespmem:s0+$0x20]  }
0x1c9: {  	v17 =	vld [tilespmem:s0+$0x30]  }
0x1ca: {  	v18 =	vld [tilespmem:s0+$0x40]  }
0x1cb: {  	v19 =	vld [tilespmem:s0+$0x50]  }
0x1cc: {  	v20 =	vld [tilespmem:s0+$0x60]  }
0x1cd: {  	v21 =	vld [tilespmem:$0x10100]  }
0x1ce: {  	v3 =	vadd.f32 v6, v3;
	v6 =	vld [tilespmem:$0x10110]  }
0x1cf: {  	v4 =	vadd.f32 v7, v4;
	v7 =	vadd.f32 v8, v10;
	v8 =	vld [tilespmem:$0x10120]  }
0x1d0: {  	v10 =	vld [tilespmem:$0x10130];
	v9 =	vadd.f32 v11, v9;
	v2 =	vadd.f32 v14, v2  }
0x1d1: {  	v11 =	vld [tilespmem:$0x10140];
	v5 =	vadd.f32 v12, v5;
	v1 =	vadd.f32 v15, v1  }
0x1d2: {  	v12 =	vld [tilespmem:$0x10150];
	v3 =	vadd.f32 v16, v3;
	v2 =	vadd.f32 v21, v2  }
0x1d3: {  	v4 =	vadd.f32 v17, v4;
	v1 =	vadd.f32 v6, v1;
	v6 =	vld [tilespmem:$0x10160]  }
0x1d4: {  	v7 =	vadd.f32 v18, v7;
	[tilespmem:$0x10100] =	vst v2;
	v2 =	vadd.f32 v8, v3;
	v3 =	vld [tilespmem:$0x10170]  }
0x1d5: {  	v8 =	vadd.f32 v19, v9;
	[tilespmem:$0x10110] =	vst v1;
	v1 =	vadd.f32 v10, v4  }
0x1d6: {  	v4 =	vadd.f32 v20, v5;
	[tilespmem:$0x10120] =	vst v2;
	v2 =	vadd.f32 v11, v7  }
0x1d7: {  	v0 =	vadd.f32 v13, v0;
	[tilespmem:$0x10130] =	vst v1;
	v1 =	vadd.f32 v12, v8  }
0x1d8: {  	[tilespmem:$0x10140] =	vst v2;
	v2 =	vadd.f32 v6, v4  }
0x1d9: {  	[tilespmem:$0x10150] =	vst v1;
	v0 =	vadd.f32 v3, v0  }
0x1da: {  	[tilespmem:$0x10160] =	vst v2  }
0x1db: {  	s4 =	simm.s32 $0x0;
	[tilespmem:$0x10170] =	vst v0  }
0x1dc: {  	[tilespmem:s4], [sflag:$0x1] =	stream.strided.gather [hbm4b:s16+s25], $0x8000, s26, s25, $0x38;
	[tilespmem:$0x10200] =	vst v63  }
0x1dd: {  	_ =	swait.ge [sflag:s29], $0x8000  }
0x1de: {  	[sflag:s29] =	ssyncset.done $0x0  }
0x1df: {  	s4 =	simm.s32 $0x0;
	[sflag:s29] =	ssyncadd.s32 $0xFFFF8000  }
0x1e0: {  	v0 =	vld [tilespmem:s4+$0x8070]  }
0x1e1: {  	v1 =	vld [tilespmem:s4+$0x8000]  }
0x1e2: {  	v4 =	vld [tilespmem:s4+$0x8010]  }
0x1e3: {  	v6 =	vld [tilespmem:s4+$0x8020]  }
0x1e4: {  	v7 =	vld [tilespmem:s4+$0x8030]  }
0x1e5: {  	v10 =	vimm.f32 $0.0e+00;
	v3 =	vimm.f32 $0.0e+00;
	v8 =	vld [tilespmem:s4+$0x8040]  }
0x1e6: {  	v9 =	vimm.f32 $0.0e+00;
	v5 =	vimm.f32 $0.0e+00;
	v11 =	vld [tilespmem:s4+$0x8050];
	v0 =	vadd.f32 v0, v3  }
0x1e7: {  	s0 =	simm.s32 $0x80;
	s30 =	simm.s32 $0x400;
	v12 =	vld [tilespmem:s4+$0x8060];
	v2 =	vadd.f32 v1, v3;
	v1 =	vadd.f32 v4, v3;
	v4 =	vimm.f32 $0.0e+00  }
.LBB2_24:
0x1e8: {  	p0 =	sne.s32 s30, $0x1FE00;
	v13 =	vld [tilespmem:s0+$0x8070];
	v3 =	vadd.f32 v6, v3  }
0x1e9: {  	v14 =	vld [tilespmem:s0+$0x8000];
	v4 =	vadd.f32 v7, v4  }
0x1ea: {  	v15 =	vld [tilespmem:s0+$0x8010];
	v10 =	vadd.f32 v8, v10  }
.Ltmp11:
0x1eb: {  	v6 =	vld [tilespmem:s0+$0x8020];
	v9 =	vadd.f32 v11, v9;
	(pc) =	sbr.rel @p0 .LBB2_24-.Ltmp11, $4  }
0x1ec: {  	v7 =	vld [tilespmem:s0+$0x8030];
	v5 =	vadd.f32 v12, v5  }
0x1ed: {  	v8 =	vld [tilespmem:s0+$0x8040];
	v0 =	vadd.f32 v13, v0  }
0x1ee: {  	v2 =	vadd.f32 v14, v2;
	v11 =	vld [tilespmem:s0+$0x8050]  }
0x1ef: {  	v1 =	vadd.f32 v15, v1;
	v12 =	vld [tilespmem:s0+$0x8060];
	s0 =	sshra.s32 s30, $0x2;
	s30 =	sadd.s32 $0x200, s30  }
0x1f0: {  	v13 =	vld [tilespmem:s0+$0x8070]  }
0x1f1: {  	v14 =	vld [tilespmem:s0+$0x8000]  }
0x1f2: {  	v15 =	vld [tilespmem:s0+$0x8010]  }
0x1f3: {  	v16 =	vld [tilespmem:s0+$0x8020]  }
0x1f4: {  	v17 =	vld [tilespmem:s0+$0x8030]  }
0x1f5: {  	v18 =	vld [tilespmem:s0+$0x8040]  }
0x1f6: {  	v19 =	vld [tilespmem:s0+$0x8050]  }
0x1f7: {  	v20 =	vld [tilespmem:s0+$0x8060]  }
0x1f8: {  	v21 =	vld [tilespmem:$0x10100]  }
0x1f9: {  	v3 =	vadd.f32 v6, v3;
	v6 =	vld [tilespmem:$0x10110]  }
0x1fa: {  	v4 =	vadd.f32 v7, v4;
	v7 =	vadd.f32 v8, v10;
	v8 =	vld [tilespmem:$0x10120]  }
0x1fb: {  	v10 =	vld [tilespmem:$0x10130];
	v9 =	vadd.f32 v11, v9;
	v2 =	vadd.f32 v14, v2  }
0x1fc: {  	v11 =	vld [tilespmem:$0x10140];
	v5 =	vadd.f32 v12, v5;
	v1 =	vadd.f32 v15, v1  }
0x1fd: {  	v12 =	vld [tilespmem:$0x10150];
	v3 =	vadd.f32 v16, v3;
	v2 =	vadd.f32 v21, v2  }
0x1fe: {  	v4 =	vadd.f32 v17, v4;
	v1 =	vadd.f32 v6, v1;
	v6 =	vld [tilespmem:$0x10160]  }
0x1ff: {  	v7 =	vadd.f32 v18, v7;
	[tilespmem:$0x10100] =	vst v2;
	v2 =	vadd.f32 v8, v3;
	v3 =	vld [tilespmem:$0x10170]  }
0x200: {  	v8 =	vadd.f32 v19, v9;
	[tilespmem:$0x10110] =	vst v1;
	v1 =	vadd.f32 v10, v4  }
0x201: {  	v4 =	vadd.f32 v20, v5;
	[tilespmem:$0x10120] =	vst v2;
	v2 =	vadd.f32 v11, v7  }
0x202: {  	v0 =	vadd.f32 v13, v0;
	[tilespmem:$0x10130] =	vst v1;
	v1 =	vadd.f32 v12, v8  }
0x203: {  	[tilespmem:$0x10140] =	vst v2;
	v2 =	vadd.f32 v6, v4  }
0x204: {  	[tilespmem:$0x10150] =	vst v1;
	v0 =	vadd.f32 v3, v0  }
0x205: {  	[tilespmem:$0x10160] =	vst v2  }
0x206: {  	[tilespmem:$0x10170] =	vst v0  }
0x207: {  	[tilespmem:s28], [sflag:$0x2] =	stream.strided.gather [hbm4b:s17+s25], $0x8000, s26, s25, $0x38;
	[tilespmem:$0x10200] =	vst v63  }
0x208: {  	_ =	swait.ge [sflag:s3], $0x8000  }
0x209: {  	[sflag:s3] =	ssyncset.done $0x0  }
0x20a: {  	s4 =	simm.s32 $0x0;
	[sflag:s3] =	ssyncadd.s32 $0xFFFF8000  }
0x20b: {  	v0 =	vld [tilespmem:s4+$0x70]  }
0x20c: {  	v2 =	vld [tilespmem:s4+$0x0]  }
0x20d: {  	v3 =	vld [tilespmem:s4+$0x10]  }
0x20e: {  	v11 =	vld [tilespmem:s4+$0x20]  }
0x20f: {  	v10 =	vld [tilespmem:s4+$0x30]  }
0x210: {  	v8 =	vimm.f32 $0.0e+00;
	v1 =	vimm.f32 $0.0e+00;
	v7 =	vld [tilespmem:s4+$0x40]  }
0x211: {  	v6 =	vimm.f32 $0.0e+00;
	v4 =	vimm.f32 $0.0e+00;
	v9 =	vld [tilespmem:s4+$0x50];
	v0 =	vadd.f32 v0, v1  }
0x212: {  	s0 =	simm.s32 $0x80;
	s30 =	simm.s32 $0x400;
	v12 =	vld [tilespmem:s4+$0x60];
	v5 =	vadd.f32 v2, v1;
	v3 =	vadd.f32 v3, v1;
	v2 =	vimm.f32 $0.0e+00  }
.LBB2_26:
0x213: {  	p0 =	sne.s32 s30, $0x1FE00;
	v13 =	vld [tilespmem:s0+$0x70];
	v1 =	vadd.f32 v11, v1  }
0x214: {  	v14 =	vld [tilespmem:s0+$0x0];
	v6 =	vadd.f32 v10, v6  }
0x215: {  	v15 =	vld [tilespmem:s0+$0x10];
	v8 =	vadd.f32 v7, v8  }
.Ltmp12:
0x216: {  	v11 =	vld [tilespmem:s0+$0x20];
	v4 =	vadd.f32 v9, v4;
	(pc) =	sbr.rel @p0 .LBB2_26-.Ltmp12, $4  }
0x217: {  	v10 =	vld [tilespmem:s0+$0x30];
	v2 =	vadd.f32 v12, v2  }
0x218: {  	v7 =	vld [tilespmem:s0+$0x40];
	v0 =	vadd.f32 v13, v0  }
0x219: {  	v5 =	vadd.f32 v14, v5;
	v9 =	vld [tilespmem:s0+$0x50]  }
0x21a: {  	v3 =	vadd.f32 v15, v3;
	v12 =	vld [tilespmem:s0+$0x60];
	s0 =	sshra.s32 s30, $0x2;
	s30 =	sadd.s32 $0x200, s30  }
0x21b: {  	v14 =	vld [tilespmem:s0+$0x0]  }
0x21c: {  	v15 =	vld [tilespmem:s0+$0x10]  }
0x21d: {  	v16 =	vld [tilespmem:s0+$0x20]  }
0x21e: {  	v13 =	vld [tilespmem:s0+$0x70]  }
0x21f: {  	v6 =	vadd.f32 v10, v6;
	v10 =	vld [tilespmem:s0+$0x60]  }
0x220: {  	v17 =	vld [tilespmem:s0+$0x30];
	v1 =	vadd.f32 v11, v1;
	v5 =	vadd.f32 v14, v5  }
0x221: {  	v18 =	vld [tilespmem:s0+$0x40];
	v3 =	vadd.f32 v15, v3  }
0x222: {  	v11 =	vld [tilespmem:s0+$0x50];
	v2 =	vadd.f32 v12, v2;
	v1 =	vadd.f32 v16, v1;
	[tilespmem:$0x10180] =	vst v5  }
0x223: {  	v0 =	vadd.f32 v13, v0;
	[tilespmem:$0x10190] =	vst v3  }
0x224: {  	v7 =	vadd.f32 v7, v8;
	v2 =	vadd.f32 v10, v2;
	[tilespmem:$0x101A0] =	vst v1  }
0x225: {  	v4 =	vadd.f32 v9, v4;
	v5 =	vadd.f32 v17, v6;
	[tilespmem:$0x101F0] =	vst v0  }
0x226: {  	v3 =	vadd.f32 v18, v7;
	[tilespmem:$0x101E0] =	vst v2  }
0x227: {  	v1 =	vadd.f32 v11, v4;
	[tilespmem:$0x101B0] =	vst v5  }
0x228: {  	[tilespmem:$0x101C0] =	vst v3  }
0x229: {  	s4 =	simm.s32 $0x0;
	[tilespmem:$0x101D0] =	vst v1  }
0x22a: {  	[tilespmem:s4], [sflag:$0x1] =	stream.strided.gather [hbm4b:s18+s25], $0x8000, s26, s25, $0x38;
	[tilespmem:$0x10200] =	vst v63  }
0x22b: {  	_ =	swait.ge [sflag:s29], $0x8000  }
0x22c: {  	[sflag:s29] =	ssyncset.done $0x0  }
0x22d: {  	s4 =	simm.s32 $0x0;
	[sflag:s29] =	ssyncadd.s32 $0xFFFF8000  }
0x22e: {  	v0 =	vld [tilespmem:s4+$0x8070]  }
0x22f: {  	v1 =	vld [tilespmem:s4+$0x8000]  }
0x230: {  	v4 =	vld [tilespmem:s4+$0x8010]  }
0x231: {  	v6 =	vld [tilespmem:s4+$0x8020]  }
0x232: {  	v7 =	vld [tilespmem:s4+$0x8030]  }
0x233: {  	v9 =	vimm.f32 $0.0e+00;
	v3 =	vimm.f32 $0.0e+00;
	v8 =	vld [tilespmem:s4+$0x8040]  }
0x234: {  	v10 =	vimm.f32 $0.0e+00;
	v5 =	vimm.f32 $0.0e+00;
	v11 =	vld [tilespmem:s4+$0x8050];
	v0 =	vadd.f32 v0, v3  }
0x235: {  	s30 =	simm.s32 $0x400;
	s0 =	simm.s32 $0x80;
	v12 =	vld [tilespmem:s4+$0x8060];
	v2 =	vadd.f32 v1, v3;
	v1 =	vadd.f32 v4, v3;
	v4 =	vimm.f32 $0.0e+00  }
.LBB2_28:
0x236: {  	p0 =	sne.s32 s30, $0x1FE00;
	v13 =	vld [tilespmem:s0+$0x8070];
	v3 =	vadd.f32 v6, v3  }
0x237: {  	v14 =	vld [tilespmem:s0+$0x8000];
	v4 =	vadd.f32 v7, v4  }
0x238: {  	v15 =	vld [tilespmem:s0+$0x8010];
	v10 =	vadd.f32 v8, v10  }
.Ltmp13:
0x239: {  	v6 =	vld [tilespmem:s0+$0x8020];
	v9 =	vadd.f32 v11, v9;
	(pc) =	sbr.rel @p0 .LBB2_28-.Ltmp13, $4  }
0x23a: {  	v7 =	vld [tilespmem:s0+$0x8030];
	v5 =	vadd.f32 v12, v5  }
0x23b: {  	v8 =	vld [tilespmem:s0+$0x8040];
	v0 =	vadd.f32 v13, v0  }
0x23c: {  	v2 =	vadd.f32 v14, v2;
	v11 =	vld [tilespmem:s0+$0x8050]  }
0x23d: {  	v1 =	vadd.f32 v15, v1;
	v12 =	vld [tilespmem:s0+$0x8060];
	s0 =	sshra.s32 s30, $0x2;
	s30 =	sadd.s32 $0x200, s30  }
0x23e: {  	v13 =	vld [tilespmem:s0+$0x8070]  }
0x23f: {  	v14 =	vld [tilespmem:s0+$0x8000]  }
0x240: {  	v15 =	vld [tilespmem:s0+$0x8010]  }
0x241: {  	v16 =	vld [tilespmem:s0+$0x8020]  }
0x242: {  	v17 =	vld [tilespmem:s0+$0x8030]  }
0x243: {  	v18 =	vld [tilespmem:s0+$0x8040]  }
0x244: {  	v19 =	vld [tilespmem:s0+$0x8050]  }
0x245: {  	v20 =	vld [tilespmem:s0+$0x8060]  }
0x246: {  	v21 =	vld [tilespmem:$0x10180]  }
0x247: {  	v3 =	vadd.f32 v6, v3;
	v6 =	vld [tilespmem:$0x10190]  }
0x248: {  	v4 =	vadd.f32 v7, v4;
	v7 =	vadd.f32 v8, v10;
	v8 =	vld [tilespmem:$0x101A0]  }
0x249: {  	v10 =	vld [tilespmem:$0x101B0];
	v9 =	vadd.f32 v11, v9;
	v2 =	vadd.f32 v14, v2  }
0x24a: {  	v11 =	vld [tilespmem:$0x101C0];
	v5 =	vadd.f32 v12, v5;
	v1 =	vadd.f32 v15, v1  }
0x24b: {  	v12 =	vld [tilespmem:$0x101D0];
	v3 =	vadd.f32 v16, v3;
	v2 =	vadd.f32 v21, v2  }
0x24c: {  	v4 =	vadd.f32 v17, v4;
	v1 =	vadd.f32 v6, v1;
	v6 =	vld [tilespmem:$0x101E0]  }
0x24d: {  	v7 =	vadd.f32 v18, v7;
	[tilespmem:$0x10180] =	vst v2;
	v2 =	vadd.f32 v8, v3;
	v3 =	vld [tilespmem:$0x101F0]  }
0x24e: {  	v8 =	vadd.f32 v19, v9;
	[tilespmem:$0x10190] =	vst v1;
	v1 =	vadd.f32 v10, v4  }
0x24f: {  	v4 =	vadd.f32 v20, v5;
	[tilespmem:$0x101A0] =	vst v2;
	v2 =	vadd.f32 v11, v7  }
0x250: {  	v0 =	vadd.f32 v13, v0;
	[tilespmem:$0x101B0] =	vst v1;
	v1 =	vadd.f32 v12, v8  }
0x251: {  	[tilespmem:$0x101C0] =	vst v2;
	v2 =	vadd.f32 v6, v4  }
0x252: {  	[tilespmem:$0x101D0] =	vst v1;
	v0 =	vadd.f32 v3, v0  }
0x253: {  	[tilespmem:$0x101E0] =	vst v2  }
0x254: {  	[tilespmem:$0x101F0] =	vst v0  }
0x255: {  	[tilespmem:s28], [sflag:$0x2] =	stream.strided.gather [hbm4b:s20+s25], $0x8000, s26, s25, $0x38;
	[tilespmem:$0x10200] =	vst v63  }
0x256: {  	_ =	swait.ge [sflag:s3], $0x8000  }
0x257: {  	[sflag:s3] =	ssyncset.done $0x0  }
0x258: {  	s4 =	simm.s32 $0x0;
	[sflag:s3] =	ssyncadd.s32 $0xFFFF8000  }
0x259: {  	v0 =	vld [tilespmem:s4+$0x70]  }
0x25a: {  	v1 =	vld [tilespmem:s4+$0x0]  }
0x25b: {  	v3 =	vld [tilespmem:s4+$0x10]  }
0x25c: {  	v6 =	vld [tilespmem:s4+$0x20]  }
0x25d: {  	v7 =	vld [tilespmem:s4+$0x30]  }
0x25e: {  	v10 =	vimm.f32 $0.0e+00;
	v2 =	vimm.f32 $0.0e+00;
	v8 =	vld [tilespmem:s4+$0x40]  }
0x25f: {  	v9 =	vimm.f32 $0.0e+00;
	v4 =	vimm.f32 $0.0e+00;
	v11 =	vld [tilespmem:s4+$0x50];
	v5 =	vadd.f32 v0, v2  }
0x260: {  	s0 =	simm.s32 $0x80;
	s30 =	simm.s32 $0x400;
	v12 =	vld [tilespmem:s4+$0x60];
	v1 =	vadd.f32 v1, v2;
	v0 =	vadd.f32 v3, v2;
	v3 =	vimm.f32 $0.0e+00  }
.LBB2_30:
0x261: {  	p0 =	sne.s32 s30, $0x1FE00;
	v13 =	vld [tilespmem:s0+$0x70];
	v2 =	vadd.f32 v6, v2  }
0x262: {  	v14 =	vld [tilespmem:s0+$0x0];
	v3 =	vadd.f32 v7, v3  }
0x263: {  	v15 =	vld [tilespmem:s0+$0x10];
	v10 =	vadd.f32 v8, v10  }
.Ltmp14:
0x264: {  	v6 =	vld [tilespmem:s0+$0x20];
	v9 =	vadd.f32 v11, v9;
	(pc) =	sbr.rel @p0 .LBB2_30-.Ltmp14, $4  }
0x265: {  	v7 =	vld [tilespmem:s0+$0x30];
	v4 =	vadd.f32 v12, v4  }
0x266: {  	v8 =	vld [tilespmem:s0+$0x40];
	v5 =	vadd.f32 v13, v5  }
0x267: {  	v1 =	vadd.f32 v14, v1;
	v11 =	vld [tilespmem:s0+$0x50]  }
0x268: {  	v0 =	vadd.f32 v15, v0;
	v12 =	vld [tilespmem:s0+$0x60];
	s0 =	sshra.s32 s30, $0x2;
	s30 =	sadd.s32 $0x200, s30  }
0x269: {  	v13 =	vld [tilespmem:s0+$0x70]  }
0x26a: {  	v14 =	vld [tilespmem:s0+$0x0]  }
0x26b: {  	v15 =	vld [tilespmem:s0+$0x10]  }
0x26c: {  	v16 =	vld [tilespmem:s0+$0x20]  }
0x26d: {  	v17 =	vld [tilespmem:s0+$0x30]  }
0x26e: {  	v18 =	vld [tilespmem:s0+$0x40]  }
0x26f: {  	v19 =	vld [tilespmem:s0+$0x50]  }
0x270: {  	v20 =	vld [tilespmem:s0+$0x60]  }
0x271: {  	v21 =	vld [tilespmem:$0x10180]  }
0x272: {  	v2 =	vadd.f32 v6, v2;
	v6 =	vld [tilespmem:$0x10190]  }
0x273: {  	v3 =	vadd.f32 v7, v3;
	v7 =	vadd.f32 v8, v10;
	v8 =	vld [tilespmem:$0x101A0]  }
0x274: {  	v10 =	vld [tilespmem:$0x101B0];
	v9 =	vadd.f32 v11, v9;
	v1 =	vadd.f32 v14, v1  }
0x275: {  	v4 =	vadd.f32 v12, v4;
	v12 =	vld [tilespmem:$0x101C0];
	v11 =	vadd.f32 v15, v0  }
0x276: {  	v2 =	vadd.f32 v16, v2;
	v14 =	vld [tilespmem:$0x101D0];
	v0 =	vadd.f32 v21, v1  }
0x277: {  	v3 =	vadd.f32 v17, v3;
	v1 =	vadd.f32 v6, v11;
	v6 =	vld [tilespmem:$0x101E0]  }
0x278: {  	v7 =	vadd.f32 v18, v7;
	v2 =	vadd.f32 v8, v2;
	v8 =	vld [tilespmem:$0x101F0];
	[tilespmem:$0x10180] =	vst v0  }
0x279: {  	v9 =	vadd.f32 v19, v9;
	v3 =	vadd.f32 v10, v3;
	[tilespmem:$0x10190] =	vst v1  }
0x27a: {  	v10 =	vadd.f32 v20, v4;
	[tilespmem:$0x101A0] =	vst v2;
	v4 =	vadd.f32 v12, v7  }
0x27b: {  	v7 =	vadd.f32 v13, v5;
	[tilespmem:$0x101B0] =	vst v3;
	v5 =	vadd.f32 v14, v9  }
0x27c: {  	[tilespmem:$0x101C0] =	vst v4;
	v6 =	vadd.f32 v6, v10  }
0x27d: {  	[tilespmem:$0x101D0] =	vst v5;
	v7 =	vadd.f32 v8, v7  }
0x27e: {  	[tilespmem:$0x101E0] =	vst v6  }
0x27f: {  	[tilespmem:$0x101F0] =	vst v7  }
0x280: {  	_ =	swait.ge [sflag:s29], $0x8000  }
0x281: {  	[sflag:s29] =	ssyncset.done $0x0  }
0x282: {  	s4 =	simm.s32 $0x0;
	[sflag:s29] =	ssyncadd.s32 $0xFFFF8000  }
0x283: {  	v8 =	vld [tilespmem:s4+$0x8070]  }
0x284: {  	v9 =	vld [tilespmem:s4+$0x8000]  }
0x285: {  	v12 =	vld [tilespmem:s4+$0x8010]  }
0x286: {  	v14 =	vld [tilespmem:s4+$0x8020]  }
0x287: {  	v15 =	vld [tilespmem:s4+$0x8030]  }
0x288: {  	v18 =	vimm.f32 $0.0e+00;
	v11 =	vimm.f32 $0.0e+00;
	v16 =	vld [tilespmem:s4+$0x8040]  }
0x289: {  	v17 =	vimm.f32 $0.0e+00;
	v13 =	vimm.f32 $0.0e+00;
	v19 =	vld [tilespmem:s4+$0x8050];
	v8 =	vadd.f32 v8, v11  }
0x28a: {  	s0 =	simm.s32 $0x80;
	s30 =	simm.s32 $0x400;
	v20 =	vld [tilespmem:s4+$0x8060];
	v10 =	vadd.f32 v9, v11;
	v9 =	vadd.f32 v12, v11;
	v12 =	vimm.f32 $0.0e+00  }
.LBB2_32:
0x28b: {  	p0 =	sne.s32 s30, $0x1FE00;
	v21 =	vld [tilespmem:s0+$0x8070];
	v11 =	vadd.f32 v14, v11  }
0x28c: {  	v22 =	vld [tilespmem:s0+$0x8000];
	v12 =	vadd.f32 v15, v12  }
0x28d: {  	v23 =	vld [tilespmem:s0+$0x8010];
	v18 =	vadd.f32 v16, v18  }
.Ltmp15:
0x28e: {  	v14 =	vld [tilespmem:s0+$0x8020];
	v17 =	vadd.f32 v19, v17;
	(pc) =	sbr.rel @p0 .LBB2_32-.Ltmp15, $4  }
0x28f: {  	v15 =	vld [tilespmem:s0+$0x8030];
	v13 =	vadd.f32 v20, v13  }
0x290: {  	v16 =	vld [tilespmem:s0+$0x8040];
	v8 =	vadd.f32 v21, v8  }
0x291: {  	v10 =	vadd.f32 v22, v10;
	v19 =	vld [tilespmem:s0+$0x8050]  }
0x292: {  	v9 =	vadd.f32 v23, v9;
	v20 =	vld [tilespmem:s0+$0x8060];
	s0 =	sshra.s32 s30, $0x2;
	s30 =	sadd.s32 $0x200, s30  }
0x293: {  	v21 =	vld [tilespmem:s0+$0x8000]  }
0x294: {  	v22 =	vld [tilespmem:s0+$0x8010]  }
0x295: {  	v23 =	vld [tilespmem:s0+$0x8020]  }
0x296: {  	v11 =	vadd.f32 v14, v11;
	v47 =	vld [tilespmem:s0+$0x8030]  }
0x297: {  	v49 =	vld [tilespmem:s0+$0x8040];
	v12 =	vadd.f32 v15, v12;
	v48 =	vadd.f32 v16, v18  }
0x298: {  	v50 =	vld [tilespmem:s0+$0x8050];
	v17 =	vadd.f32 v19, v17;
	v10 =	vadd.f32 v21, v10  }
0x299: {  	v52 =	vld [tilespmem:s0+$0x8070];
	v13 =	vadd.f32 v20, v13;
	v9 =	vadd.f32 v22, v9  }
0x29a: {  	v51 =	vld [tilespmem:s0+$0x8060];
	v11 =	vadd.f32 v23, v11;
	v0 =	vadd.f32 v10, v0  }
0x29b: {  	v53 =	vadd.f32 v47, v12;
	v1 =	vadd.f32 v9, v1  }
0x29c: {  	v54 =	vadd.f32 v49, v48;
	v55 =	vadd.f32 v11, v2;
	[tilespmem:$0x10180] =	vst v0  }
0x29d: {  	v56 =	vadd.f32 v50, v17;
	v57 =	vadd.f32 v53, v3;
	[tilespmem:$0x10190] =	vst v1  }
0x29e: {  	v60 =	vadd.f32 v52, v8;
	v59 =	vadd.f32 v54, v4;
	[tilespmem:$0x101A0] =	vst v55  }
0x29f: {  	v58 =	vadd.f32 v51, v13;
	v61 =	vadd.f32 v56, v5;
	[tilespmem:$0x101B0] =	vst v57  }
0x2a0: {  	v63 =	vadd.f32 v60, v7;
	[tilespmem:$0x101C0] =	vst v59  }
0x2a1: {  	v62 =	vadd.f32 v58, v6;
	[tilespmem:$0x101D0] =	vst v61  }
0x2a2: {  	[tilespmem:$0x101F0] =	vst v63  }
0x2a3: {  	s4 =	simm.s32 $0x10000;
	[tilespmem:$0x101E0] =	vst v62  }
0x2a4: {  	[hbm4b:s19+s2] =	stream.linear.scatter [tilespmem:s4], [sflag:$0x3], $0x80, $0x38;
	[tilespmem:$0x10200] =	vst v63  }
0x2a5: {  	_ =	swait.ge [sflag:s31], $0x80  }
0x2a6: {  	[sflag:s31] =	ssyncset.done $0x0  }
0x2a7: {  	s30 =	simm.s32 $0x10080;
	[sflag:s31] =	ssyncadd.s32 $0xFFFFFF80  }
0x2a8: {  	[hbm4b:s21+s2] =	stream.linear.scatter [tilespmem:s30], [sflag:$0x3], $0x80, $0x38;
	[tilespmem:$0x10200] =	vst v63  }
0x2a9: {  	_ =	swait.ge [sflag:s31], $0x80  }
0x2aa: {  	[sflag:s31] =	ssyncset.done $0x0  }
0x2ab: {  	s4 =	simm.s32 $0x10100;
	[sflag:s31] =	ssyncadd.s32 $0xFFFFFF80  }
0x2ac: {  	[hbm4b:s22+s2] =	stream.linear.scatter [tilespmem:s4], [sflag:$0x3], $0x80, $0x38;
	[tilespmem:$0x10200] =	vst v63  }
0x2ad: {  	s1 =	sadd.s32 $0x1, s1;
	_ =	swait.ge [sflag:s31], $0x80  }
0x2ae: {  	p0 =	sne.s32 s1, s24;
	[sflag:s31] =	ssyncset.done $0x0  }
.Ltmp16:
0x2af: {  	s30 =	simm.s32 $0x10180;
	[sflag:s31] =	ssyncadd.s32 $0xFFFFFF80;
	(pc) =	sbr.rel @p0 .LBB2_1-.Ltmp16, $4  }
0x2b0: {  	[hbm4b:s23+s2] =	stream.linear.scatter [tilespmem:s30], [sflag:$0x3], $0x80, $0x38;
	[tilespmem:$0x10200] =	vst v63  }
0x2b1: {  	_ =	swait.ge [sflag:s31], $0x80  }
0x2b2: {  	[sflag:s31] =	ssyncset.done $0x0  }
0x2b3: {  	[sflag:s31] =	ssyncadd.s32 $0xFFFFFF80  }
0x2b4: {  	_ =	sfence.sel $0x180000  }
0x2b5: {  	[bflag:$0x0] =	sbarrier.arrive $0xFFFF  }
0x2b6: {  	_ =	strace $0x90000047  }
0x2b7: {  	s0 =	stileid.u32;
	[bflag:$0x2] =	sbarrier.arrive $0xFFFF  }
0x2b8: {  	p0 =	sne.s32 s0, $0x0;
	s0 =	rddreg [dreg:$0x2]  }
0x2b9: {  	s0 =	sadd.s32 @!p0 $0x100000, s0  }
0x2ba: {  	[sflag:s0] =	ssyncadd.tile.s32 @!p0 $0x1;
	_ =	shalt  }
.Lfunc_end2:
_tile_overlayer_lowered:
.L_overlay_start_2:
0x2bb: {  	(tag) =	ssettag $0x2  }
0x2bc: {  	s0 =	rddreg [dreg:$0x0];
	s2 =	stileid.u32  }
0x2bd: {  	s1 =	rddreg [dreg:$0x1];
	p0 =	sne.s32 s2, $0x0  }
0x2be: {  	s3 =	rddreg [dreg:$0x2];
	[bflag:$0x3] =	sbarrier.arrive $0xFFFF;
	s2 =	simm.s32 @!p0 $0x1C03  }
0x2bf: {  	[timem:s3], [sflag:s2] =	dma.local @!p0 [hbm:s0], s1  }
0x2c0: {  	s0 =	simm.s32 @!p0 $0x3  }
0x2c1: {  	_ =	swait.ge @!p0 [sflag:s0], s1  }
0x2c2: {  	s1 =	ssub.s32 @!p0 $0x0, s1;
	[sflag:s0] =	ssyncset.done @!p0 $0x0  }
0x2c3: {  	[sflag:s0] =	ssyncadd.s32 @!p0 s1  }
0x2c4: {  	[bflag:$0x3] =	sbarrier.arrive $0xFFFF  }
0x2c5: {  	_ =	shalt  }

</sc_bundles>
